<compile_context>
chip_gen: v7x
topology: tpu7x:2x2x1
jax: 0.10.2.dev20260603
libtpu: 0.0.44.dev20260713+nightly
codegen_flags: <defaults>
</compile_context>

<pallas_src>
import functools

import jax
import jax.numpy as jnp
from jax import lax
from jax.experimental import pallas as pl
from jax.experimental.pallas import tpu as pltpu
from jax.experimental.pallas import tpu_sc as plsc

N = 10000
E = 320000
D = 128
HD = 64

NC = 2
NS = 16
NW = NC * NS

CH = 128
NB = 4
NCH = 80
NPASS = NCH // NB
E_PAD = NW * NCH * CH

N_ACC = 10240
RPT = N_ACC // NS
RCH = 128
NRC = RPT // RCH

_mesh = plsc.VectorSubcoreMesh(core_axis_name="c", subcore_axis_name="s",
                               num_cores=NC, num_subcores=NS)
_sc_params = pltpu.CompilerParams(use_tc_tiling_on_sc=False)


@functools.partial(
    pl.kernel,
    out_type=jax.ShapeDtypeStruct((NC, N_ACC, 16), jnp.float32),
    mesh=_mesh,
    scratch_types=[
        pltpu.VMEM((NCH, CH), jnp.int32),
        pltpu.VMEM((CH, 16), jnp.float32),
        pltpu.VMEM_SHARED((N_ACC, 16), jnp.float32),
        pltpu.SemaphoreType.DMA,
    ],
    compiler_params=_sc_params,
)
def _sc_count(zeros_hbm, ones_hbm, dst_hbm, out_hbm,
              dst_v, ones_v, acc_sh, sem):
    cid = lax.axis_index("c")
    sid = lax.axis_index("s")
    wid = cid * NS + sid
    r0 = sid * RPT
    pltpu.sync_copy(zeros_hbm.at[pl.ds(r0, RPT)], acc_sh.at[pl.ds(r0, RPT)])
    pltpu.sync_copy(ones_hbm, ones_v)
    pltpu.sync_copy(dst_hbm.at[wid], dst_v)
    plsc.subcore_barrier()
    def body(j, carry):
        pltpu.sync_copy(ones_v, acc_sh.at[dst_v.at[j]], add=True)
        return carry
    lax.fori_loop(0, NCH, body, 0)
    plsc.subcore_barrier()
    pltpu.sync_copy(acc_sh.at[pl.ds(r0, RPT)],
                    out_hbm.at[cid, pl.ds(r0, RPT)])


@functools.partial(
    pl.kernel,
    out_type=[jax.ShapeDtypeStruct((NC, N_ACC, HD), jnp.float32),
              jax.ShapeDtypeStruct((NC, N_ACC, HD), jnp.float32)],
    mesh=_mesh,
    scratch_types=[
        pltpu.VMEM((NCH, CH), jnp.int32),
        pltpu.VMEM((NCH, CH), jnp.int32),
        pltpu.VMEM((NB * CH, HD), jnp.float32),
        pltpu.VMEM_SHARED((N_ACC, HD), jnp.float32),
        pltpu.SemaphoreType.DMA((NB,)),
    ],
    compiler_params=_sc_params,
)
def _sc_segsum(ga_hbm, gb_hbm, src_hbm, dst_hbm, outa_hbm, outb_hbm,
               src_v, dst_v, ring, acc_sh, sem_g):
    cid = lax.axis_index("c")
    sid = lax.axis_index("s")
    wid = cid * NS + sid
    pltpu.sync_copy(src_hbm.at[wid], src_v)
    pltpu.sync_copy(dst_hbm.at[wid], dst_v)
    for g_hbm, out_hbm in ((ga_hbm, outa_hbm), (gb_hbm, outb_hbm)):
        r0 = sid * RPT
        pltpu.sync_copy(g_hbm.at[pl.ds(r0, RPT)], acc_sh.at[pl.ds(r0, RPT)])
        plsc.subcore_barrier()
        for b in range(NB):
            pltpu.async_copy(g_hbm.at[src_v.at[b]],
                             ring.at[pl.ds(b * CH, CH)], sem_g.at[b])

        def body(jj, carry):
            j0 = jj * NB
            for b in range(NB):
                pltpu.make_async_copy(g_hbm.at[src_v.at[0]],
                                      ring.at[pl.ds(b * CH, CH)],
                                      sem_g.at[b]).wait()
                pltpu.sync_copy(ring.at[pl.ds(b * CH, CH)],
                                acc_sh.at[dst_v.at[j0 + b]], add=True)
                jn = jnp.minimum(j0 + NB + b, NCH - 1)
                pltpu.async_copy(g_hbm.at[src_v.at[jn]],
                                 ring.at[pl.ds(b * CH, CH)], sem_g.at[b])
            return carry

        lax.fori_loop(0, NPASS, body, 0)
        for b in range(NB):
            pltpu.make_async_copy(g_hbm.at[src_v.at[0]],
                                  ring.at[pl.ds(b * CH, CH)],
                                  sem_g.at[b]).wait()
        plsc.subcore_barrier()
        r0 = sid * RPT
        pltpu.sync_copy(acc_sh.at[pl.ds(r0, RPT)],
                        out_hbm.at[cid, pl.ds(r0, RPT)])


RB = 1280
_GRID = N_ACC // RB


def _tc_mm_body(x_ref, w0_ref, wr_ref, br_ref, hw_ref, res_ref):
    x = x_ref[...]
    hw_ref[...] = jnp.dot(x, w0_ref[...], preferred_element_type=jnp.float32,
                          precision=lax.Precision.HIGHEST)
    res_ref[...] = jnp.dot(x, wr_ref[...], preferred_element_type=jnp.float32,
                           precision=lax.Precision.HIGHEST) + br_ref[...]


def _tc_mm(x_pad, W0, Wr, br2):
    return pl.pallas_call(
        _tc_mm_body,
        grid=(_GRID,),
        in_specs=[
            pl.BlockSpec((RB, D), lambda i: (i, 0)),
            pl.BlockSpec((D, D), lambda i: (0, 0)),
            pl.BlockSpec((D, D), lambda i: (0, 0)),
            pl.BlockSpec((1, D), lambda i: (0, 0)),
        ],
        out_specs=[
            pl.BlockSpec((RB, D), lambda i: (i, 0)),
            pl.BlockSpec((RB, D), lambda i: (i, 0)),
        ],
        out_shape=[
            jax.ShapeDtypeStruct((N_ACC, D), jnp.float32),
            jax.ShapeDtypeStruct((N_ACC, D), jnp.float32),
        ],
    )(x_pad, W0, Wr, br2)


def _tc_scale_body(hw_ref, cnt_ref, ga_ref, gb_ref, dinv_ref):
    deg = cnt_ref[0, :, 0:1] + cnt_ref[1, :, 0:1] + 1.0
    dinv = lax.rsqrt(deg)
    g = hw_ref[...] * dinv
    ga_ref[...] = g[:, :HD]
    gb_ref[...] = g[:, HD:]
    dinv_ref[...] = jnp.broadcast_to(dinv, (RB, 16))


def _tc_scale(hw, cntp):
    return pl.pallas_call(
        _tc_scale_body,
        grid=(_GRID,),
        in_specs=[
            pl.BlockSpec((RB, D), lambda i: (i, 0)),
            pl.BlockSpec((NC, RB, 16), lambda i: (0, i, 0)),
        ],
        out_specs=[
            pl.BlockSpec((RB, HD), lambda i: (i, 0)),
            pl.BlockSpec((RB, HD), lambda i: (i, 0)),
            pl.BlockSpec((RB, 16), lambda i: (i, 0)),
        ],
        out_shape=[
            jax.ShapeDtypeStruct((N_ACC, HD), jnp.float32),
            jax.ShapeDtypeStruct((N_ACC, HD), jnp.float32),
            jax.ShapeDtypeStruct((N_ACC, 16), jnp.float32),
        ],
    )(hw, cntp)


def _tc_mid_body(pa_ref, pb_ref, ga_ref, gb_ref, dinv_ref, res_ref, b_ref,
                 w_ref, gna_ref, gnb_ref, *, use_res):
    dinv = dinv_ref[:, 0:1]
    sa = pa_ref[0] + pa_ref[1] - ga_ref[...]
    sb = pb_ref[0] + pb_ref[1] - gb_ref[...]
    s = jnp.concatenate([sa, sb], axis=1)
    h = jnp.maximum(dinv * s + b_ref[...], 0.0)
    if use_res:
        h = h + res_ref[...]
    hw = jnp.dot(h, w_ref[...], preferred_element_type=jnp.float32,
                 precision=lax.Precision.HIGHEST)
    g = hw * dinv
    gna_ref[...] = g[:, :HD]
    gnb_ref[...] = g[:, HD:]


def _tc_mid(pa, pb, ga, gb, dinv16, res, b2, Wn, use_res):
    return pl.pallas_call(
        functools.partial(_tc_mid_body, use_res=use_res),
        grid=(_GRID,),
        in_specs=[
            pl.BlockSpec((NC, RB, HD), lambda i: (0, i, 0)),
            pl.BlockSpec((NC, RB, HD), lambda i: (0, i, 0)),
            pl.BlockSpec((RB, HD), lambda i: (i, 0)),
            pl.BlockSpec((RB, HD), lambda i: (i, 0)),
            pl.BlockSpec((RB, 16), lambda i: (i, 0)),
            pl.BlockSpec((RB, D), lambda i: (i, 0)),
            pl.BlockSpec((1, D), lambda i: (0, 0)),
            pl.BlockSpec((D, D), lambda i: (0, 0)),
        ],
        out_specs=[
            pl.BlockSpec((RB, HD), lambda i: (i, 0)),
            pl.BlockSpec((RB, HD), lambda i: (i, 0)),
        ],
        out_shape=[
            jax.ShapeDtypeStruct((N_ACC, HD), jnp.float32),
            jax.ShapeDtypeStruct((N_ACC, HD), jnp.float32),
        ],
    )(pa, pb, ga, gb, dinv16, res, b2, Wn)


def _tc_final_body(pa_ref, pb_ref, ga_ref, gb_ref, dinv_ref, b_ref, h_ref):
    dinv = dinv_ref[:, 0:1]
    sa = pa_ref[0] + pa_ref[1] - ga_ref[...]
    sb = pb_ref[0] + pb_ref[1] - gb_ref[...]
    s = jnp.concatenate([sa, sb], axis=1)
    h_ref[...] = jnp.maximum(dinv * s + b_ref[...], 0.0)


def _tc_final(pa, pb, ga, gb, dinv16, b2):
    return pl.pallas_call(
        _tc_final_body,
        grid=(_GRID,),
        in_specs=[
            pl.BlockSpec((NC, RB, HD), lambda i: (0, i, 0)),
            pl.BlockSpec((NC, RB, HD), lambda i: (0, i, 0)),
            pl.BlockSpec((RB, HD), lambda i: (i, 0)),
            pl.BlockSpec((RB, HD), lambda i: (i, 0)),
            pl.BlockSpec((RB, 16), lambda i: (i, 0)),
            pl.BlockSpec((1, D), lambda i: (0, 0)),
        ],
        out_specs=pl.BlockSpec((RB, D), lambda i: (i, 0)),
        out_shape=jax.ShapeDtypeStruct((N_ACC, D), jnp.float32),
    )(pa, pb, ga, gb, dinv16, b2)


def kernel(x, edge_index, W0, b0, W1, b1, W2, b2, Wr, br):
    src = edge_index[0].astype(jnp.int32)
    dst = edge_index[1].astype(jnp.int32)
    npad = E_PAD - E
    pad_i = jnp.arange(npad, dtype=jnp.int32)
    src_p = jnp.concatenate([src, pad_i % N])
    dst_p = jnp.concatenate([dst, N + pad_i % (N_ACC - N)])
    src_r = src_p.reshape(NW, NCH, CH)
    dst_r = dst_p.reshape(NW, NCH, CH)

    x_pad = jnp.pad(x, ((0, N_ACC - N), (0, 0)))
    zeros16 = jnp.zeros((N_ACC, 16), jnp.float32)
    ones16 = jnp.ones((CH, 16), jnp.float32)
    b0_2 = b0.reshape(1, D)
    b1_2 = b1.reshape(1, D)
    b2_2 = b2.reshape(1, D)
    br_2 = br.reshape(1, D)

    cntp = _sc_count(zeros16, ones16, dst_r)
    hw0, res = _tc_mm(x_pad, W0, Wr, br_2)
    ga, gb, dinv16 = _tc_scale(hw0, cntp)
    pa, pb = _sc_segsum(ga, gb, src_r, dst_r)
    ga, gb = _tc_mid(pa, pb, ga, gb, dinv16, res, b0_2, W1, use_res=True)
    pa, pb = _sc_segsum(ga, gb, src_r, dst_r)
    ga, gb = _tc_mid(pa, pb, ga, gb, dinv16, res, b1_2, W2, use_res=False)
    pa, pb = _sc_segsum(ga, gb, src_r, dst_r)
    h = _tc_final(pa, pb, ga, gb, dinv16, b2_2)
    return h[:N]

# --- scband reference (transcript-rebuilt; emitter-appended) ---
"""Pipeline reference for scband-improved-spatial-encoder-5068061409445 (READ-ONLY COPY).

The authoritative reference and input builder live on the scoring server;
editing this copy changes nothing except your own understanding.
"""

import jax, jax.numpy as jnp
import numpy as np

N = 10000
E = 320000
D = 128
H = 128


def setup_inputs(seed: int = 0) -> dict:
    key = jax.random.key(seed)
    ks = jax.random.split(key, 12)
    x = jax.random.normal(ks[0], (N, D), dtype=jnp.float32)
    edge_index = jax.random.randint(ks[1], (2, E), 0, N, dtype=jnp.int64)
    s = 1.0 / np.sqrt(D)
    sh = 1.0 / np.sqrt(H)
    W0 = jax.random.normal(ks[2], (D, H), dtype=jnp.float32) * s
    b0 = jnp.zeros((H,), dtype=jnp.float32)
    W1 = jax.random.normal(ks[3], (H, H), dtype=jnp.float32) * sh
    b1 = jnp.zeros((H,), dtype=jnp.float32)
    W2 = jax.random.normal(ks[4], (H, H), dtype=jnp.float32) * sh
    b2 = jnp.zeros((H,), dtype=jnp.float32)
    Wr = jax.random.normal(ks[5], (D, H), dtype=jnp.float32) * s
    br = jnp.zeros((H,), dtype=jnp.float32)
    return {"x": x, "edge_index": edge_index, "W0": W0, "b0": b0, "W1": W1, "b1": b1, "W2": W2, "b2": b2, "Wr": Wr, "br": br}


def _gcn_conv(h, src, dst, norm, W, b):
    n = h.shape[0]
    hw = h @ W
    msg = hw[src] * norm[:, None]
    out = jnp.zeros((n, W.shape[1]), dtype=h.dtype).at[dst].add(msg)
    return out + b


def reference(x, edge_index, W0, b0, W1, b1, W2, b2, Wr, br):
    n = x.shape[0]
    loop = jnp.arange(n, dtype=edge_index.dtype)
    src = jnp.concatenate([edge_index[0], loop])
    dst = jnp.concatenate([edge_index[1], loop])
    # GCN symmetric normalization with self-loops (PyG GCNConv default)
    deg = jnp.zeros((n,), dtype=x.dtype).at[dst].add(jnp.ones(src.shape[0], dtype=x.dtype))
    dinv = jnp.where(deg > 0, deg ** -0.5, 0.0)
    norm = dinv[src] * dinv[dst]
    residual = x @ Wr + br
    h = x
    layers = [(W0, b0), (W1, b1), (W2, b2)]
    for i, (W, b) in enumerate(layers):
        h = _gcn_conv(h, src, dst, norm, W, b)
        h = jax.nn.relu(h)
        # dropout is identity in eval mode
        if i == 0:
            h = h + residual
    return h

if __name__ == "__main__":
    import jax
    _d = setup_inputs()
    print(jax.jit(kernel)(*tuple(_d.values())))

</pallas_src>

<mosaic_0001>
#map = affine_map<(d0, d1) -> (0, 0)>
#map1 = affine_map<(d0, d1) -> (0, 0, 0)>
module attributes {stable_mosaic.version = 14 : i64} {
  func.func @_sc_segsum(%arg0: i32, %arg1: i32, %arg2: memref<10240x64xf32, #tpu.memory_space<hbm>>, %arg3: memref<10240x64xf32, #tpu.memory_space<hbm>>, %arg4: memref<32x80x128xi32, #tpu.memory_space<hbm>>, %arg5: memref<32x80x128xi32, #tpu.memory_space<hbm>>, %arg6: memref<2x10240x64xf32, #tpu.memory_space<hbm>>, %arg7: memref<2x10240x64xf32, #tpu.memory_space<hbm>>, %arg8: memref<80x128xi32, #tpu.memory_space<vmem>>, %arg9: memref<80x128xi32, #tpu.memory_space<vmem>>, %arg10: memref<512x64xf32, #tpu.memory_space<vmem>>, %arg11: memref<10240x64xf32, #tpu.memory_space<vmem_shared>>, %arg12: memref<4x!tpu.dma_semaphore, #tpu.memory_space<semaphore_mem>>) attributes {dimension_semantics = [#tpu.dimension_semantics<core_parallel>, #tpu.dimension_semantics<subcore_parallel>], iteration_bounds = array<i64: 2, 16>, scalar_prefetch = 0 : i64, scratch_operands = 5 : i64, tpu.core_type = #tpu.core_type<sc_vector_subcore>, window_params = [{transform_indices = #map}, {transform_indices = #map}, {transform_indices = #map1}, {transform_indices = #map1}, {transform_indices = #map1}, {transform_indices = #map1}]} {
    %mul3A = arith.constant 16 : i32
    %mul3A_0 = arith.muli %arg0, %mul3A : i32
    %add3A = arith.addi %mul3A_0, %arg1 : i32
    "tpu.region"() ({
      %run_scoped3A = tpu.sem_alloc : memref<!tpu.dma_semaphore, #tpu.memory_space<semaphore_mem>>
      %dma_start3A_229 = arith.constant 0 : i32
      %dma_start3A_230 = arith.constant 0 : i32
      %dma_start3A_231 = tpu.memref_slice %arg4[%add3A, %dma_start3A_229, %dma_start3A_230] : memref<32x80x128xi32, #tpu.memory_space<hbm>> -> memref<1x80x128xi32, #tpu.memory_space<hbm>>
      %dma_start3A_232 = tpu.memref_squeeze %dma_start3A_231 : memref<1x80x128xi32, #tpu.memory_space<hbm>> -> memref<80x128xi32, #tpu.memory_space<hbm>>
      %dma_start3A_233 = arith.constant 0 : i32
      %dma_start3A_234 = arith.constant 0 : i32
      %dma_start3A_235 = tpu.memref_slice %arg4[%add3A, %dma_start3A_233, %dma_start3A_234] : memref<32x80x128xi32, #tpu.memory_space<hbm>> -> memref<1x80x128xi32, #tpu.memory_space<hbm>>
      %dma_start3A_236 = tpu.memref_squeeze %dma_start3A_235 : memref<1x80x128xi32, #tpu.memory_space<hbm>> -> memref<80x128xi32, #tpu.memory_space<hbm>>
      tpu.enqueue_dma source(%dma_start3A_236 : memref<80x128xi32, #tpu.memory_space<hbm>>) target(%arg8 : memref<80x128xi32, #tpu.memory_space<vmem>>) target_semaphore(%run_scoped3A : memref<!tpu.dma_semaphore, #tpu.memory_space<semaphore_mem>>)
      %dma_wait3A_237 = arith.constant 0 : i32
      %dma_wait3A_238 = arith.constant 0 : i32
      %dma_wait3A_239 = tpu.memref_slice %arg4[%add3A, %dma_wait3A_237, %dma_wait3A_238] : memref<32x80x128xi32, #tpu.memory_space<hbm>> -> memref<1x80x128xi32, #tpu.memory_space<hbm>>
      %dma_wait3A_240 = tpu.memref_squeeze %dma_wait3A_239 : memref<1x80x128xi32, #tpu.memory_space<hbm>> -> memref<80x128xi32, #tpu.memory_space<hbm>>
      %dma_wait3A_241 = arith.constant 0 : i32
      %dma_wait3A_242 = arith.constant 0 : i32
      %dma_wait3A_243 = tpu.memref_slice %arg4[%add3A, %dma_wait3A_241, %dma_wait3A_242] : memref<32x80x128xi32, #tpu.memory_space<hbm>> -> memref<1x80x128xi32, #tpu.memory_space<hbm>>
      %dma_wait3A_244 = tpu.memref_squeeze %dma_wait3A_243 : memref<1x80x128xi32, #tpu.memory_space<hbm>> -> memref<80x128xi32, #tpu.memory_space<hbm>>
      tpu.wait_dma2 semaphore(%run_scoped3A : memref<!tpu.dma_semaphore, #tpu.memory_space<semaphore_mem>>) src(%dma_wait3A_244 : memref<80x128xi32, #tpu.memory_space<hbm>>) dst(%arg8 : memref<80x128xi32, #tpu.memory_space<vmem>>)
      tpu.yield
    }) : () -> ()
    "tpu.region"() ({
      %run_scoped3A = tpu.sem_alloc : memref<!tpu.dma_semaphore, #tpu.memory_space<semaphore_mem>>
      %dma_start3A_229 = arith.constant 0 : i32
      %dma_start3A_230 = arith.constant 0 : i32
      %dma_start3A_231 = tpu.memref_slice %arg5[%add3A, %dma_start3A_229, %dma_start3A_230] : memref<32x80x128xi32, #tpu.memory_space<hbm>> -> memref<1x80x128xi32, #tpu.memory_space<hbm>>
      %dma_start3A_232 = tpu.memref_squeeze %dma_start3A_231 : memref<1x80x128xi32, #tpu.memory_space<hbm>> -> memref<80x128xi32, #tpu.memory_space<hbm>>
      %dma_start3A_233 = arith.constant 0 : i32
      %dma_start3A_234 = arith.constant 0 : i32
      %dma_start3A_235 = tpu.memref_slice %arg5[%add3A, %dma_start3A_233, %dma_start3A_234] : memref<32x80x128xi32, #tpu.memory_space<hbm>> -> memref<1x80x128xi32, #tpu.memory_space<hbm>>
      %dma_start3A_236 = tpu.memref_squeeze %dma_start3A_235 : memref<1x80x128xi32, #tpu.memory_space<hbm>> -> memref<80x128xi32, #tpu.memory_space<hbm>>
      tpu.enqueue_dma source(%dma_start3A_236 : memref<80x128xi32, #tpu.memory_space<hbm>>) target(%arg9 : memref<80x128xi32, #tpu.memory_space<vmem>>) target_semaphore(%run_scoped3A : memref<!tpu.dma_semaphore, #tpu.memory_space<semaphore_mem>>)
      %dma_wait3A_237 = arith.constant 0 : i32
      %dma_wait3A_238 = arith.constant 0 : i32
      %dma_wait3A_239 = tpu.memref_slice %arg5[%add3A, %dma_wait3A_237, %dma_wait3A_238] : memref<32x80x128xi32, #tpu.memory_space<hbm>> -> memref<1x80x128xi32, #tpu.memory_space<hbm>>
      %dma_wait3A_240 = tpu.memref_squeeze %dma_wait3A_239 : memref<1x80x128xi32, #tpu.memory_space<hbm>> -> memref<80x128xi32, #tpu.memory_space<hbm>>
      %dma_wait3A_241 = arith.constant 0 : i32
      %dma_wait3A_242 = arith.constant 0 : i32
      %dma_wait3A_243 = tpu.memref_slice %arg5[%add3A, %dma_wait3A_241, %dma_wait3A_242] : memref<32x80x128xi32, #tpu.memory_space<hbm>> -> memref<1x80x128xi32, #tpu.memory_space<hbm>>
      %dma_wait3A_244 = tpu.memref_squeeze %dma_wait3A_243 : memref<1x80x128xi32, #tpu.memory_space<hbm>> -> memref<80x128xi32, #tpu.memory_space<hbm>>
      tpu.wait_dma2 semaphore(%run_scoped3A : memref<!tpu.dma_semaphore, #tpu.memory_space<semaphore_mem>>) src(%dma_wait3A_244 : memref<80x128xi32, #tpu.memory_space<hbm>>) dst(%arg9 : memref<80x128xi32, #tpu.memory_space<vmem>>)
      tpu.yield
    }) : () -> ()
    %mul3A_1 = arith.constant 640 : i32
    %mul3A_2 = arith.muli %arg1, %mul3A_1 : i32
    "tpu.region"() ({
      %run_scoped3A = tpu.sem_alloc : memref<!tpu.dma_semaphore, #tpu.memory_space<semaphore_mem>>
      %dma_start3A_229 = arith.constant 0 : i32
      %dma_start3A_230 = tpu.memref_slice %arg11[%mul3A_2, %dma_start3A_229] : memref<10240x64xf32, #tpu.memory_space<vmem_shared>> -> memref<640x64xf32, #tpu.memory_space<vmem_shared>>
      %dma_start3A_231 = arith.constant 0 : i32
      %dma_start3A_232 = tpu.memref_slice %arg2[%mul3A_2, %dma_start3A_231] : memref<10240x64xf32, #tpu.memory_space<hbm>> -> memref<640x64xf32, #tpu.memory_space<hbm>>
      tpu.enqueue_dma source(%dma_start3A_232 : memref<640x64xf32, #tpu.memory_space<hbm>>) target(%dma_start3A_230 : memref<640x64xf32, #tpu.memory_space<vmem_shared>>) target_semaphore(%run_scoped3A : memref<!tpu.dma_semaphore, #tpu.memory_space<semaphore_mem>>)
      %dma_wait3A_233 = arith.constant 0 : i32
      %dma_wait3A_234 = tpu.memref_slice %arg11[%mul3A_2, %dma_wait3A_233] : memref<10240x64xf32, #tpu.memory_space<vmem_shared>> -> memref<640x64xf32, #tpu.memory_space<vmem_shared>>
      %dma_wait3A_235 = arith.constant 0 : i32
      %dma_wait3A_236 = tpu.memref_slice %arg2[%mul3A_2, %dma_wait3A_235] : memref<10240x64xf32, #tpu.memory_space<hbm>> -> memref<640x64xf32, #tpu.memory_space<hbm>>
      tpu.wait_dma2 semaphore(%run_scoped3A : memref<!tpu.dma_semaphore, #tpu.memory_space<semaphore_mem>>) src(%dma_wait3A_236 : memref<640x64xf32, #tpu.memory_space<hbm>>) dst(%dma_wait3A_234 : memref<640x64xf32, #tpu.memory_space<vmem_shared>>)
      tpu.yield
    }) : () -> ()
    %barrier3A = arith.constant 0 : index
    tpu.barrier barrier_id(%barrier3A)
    %dma_start3A = arith.constant 0 : i32
    %dma_start3A_3 = arith.constant 0 : i32
    %dma_start3A_4 = arith.constant 0 : i32
    %dma_start3A_5 = arith.constant 0 : i32
    %dma_start3A_6 = tpu.memref_slice %arg10[%dma_start3A_4, %dma_start3A_5] : memref<512x64xf32, #tpu.memory_space<vmem>> -> memref<128x64xf32, #tpu.memory_space<vmem>>
    %dma_start3A_7 = arith.constant 0 : i32
    %dma_start3A_8 = tpu.memref_slice %arg8[%dma_start3A, %dma_start3A_7] : memref<80x128xi32, #tpu.memory_space<vmem>> -> memref<1x128xi32, #tpu.memory_space<vmem>>
    %dma_start3A_9 = tpu.memref_squeeze %dma_start3A_8 : memref<1x128xi32, #tpu.memory_space<vmem>> -> memref<128xi32, #tpu.memory_space<vmem>>
    %dma_start3A_10 = arith.constant 0 : i32
    %dma_start3A_11 = arith.constant 0 : i32
    %dma_start3A_12 = tpu.memref_slice %arg2[%dma_start3A_10, %dma_start3A_11] : memref<10240x64xf32, #tpu.memory_space<hbm>> -> memref<10240x64xf32, #tpu.memory_space<hbm>>
    %dma_start3A_13 = tpu.memref_slice %arg12[%dma_start3A_3] : memref<4x!tpu.dma_semaphore, #tpu.memory_space<semaphore_mem>> -> memref<1x!tpu.dma_semaphore, #tpu.memory_space<semaphore_mem>>
    %dma_start3A_14 = tpu.memref_squeeze %dma_start3A_13 : memref<1x!tpu.dma_semaphore, #tpu.memory_space<semaphore_mem>> -> memref<!tpu.dma_semaphore, #tpu.memory_space<semaphore_mem>>
    tpu.enqueue_indirect_dma source(%dma_start3A_12 : memref<10240x64xf32, #tpu.memory_space<hbm>>) target(%dma_start3A_6 : memref<128x64xf32, #tpu.memory_space<vmem>>) offsets(%dma_start3A_9 : memref<128xi32, #tpu.memory_space<vmem>>) semaphore(%dma_start3A_14 : memref<!tpu.dma_semaphore, #tpu.memory_space<semaphore_mem>>)
    %dma_start3A_15 = arith.constant 1 : i32
    %dma_start3A_16 = arith.constant 1 : i32
    %dma_start3A_17 = arith.constant 128 : i32
    %dma_start3A_18 = arith.constant 0 : i32
    %dma_start3A_19 = tpu.memref_slice %arg10[%dma_start3A_17, %dma_start3A_18] : memref<512x64xf32, #tpu.memory_space<vmem>> -> memref<128x64xf32, #tpu.memory_space<vmem>>
    %dma_start3A_20 = arith.constant 0 : i32
    %dma_start3A_21 = tpu.memref_slice %arg8[%dma_start3A_15, %dma_start3A_20] : memref<80x128xi32, #tpu.memory_space<vmem>> -> memref<1x128xi32, #tpu.memory_space<vmem>>
    %dma_start3A_22 = tpu.memref_squeeze %dma_start3A_21 : memref<1x128xi32, #tpu.memory_space<vmem>> -> memref<128xi32, #tpu.memory_space<vmem>>
    %dma_start3A_23 = arith.constant 0 : i32
    %dma_start3A_24 = arith.constant 0 : i32
    %dma_start3A_25 = tpu.memref_slice %arg2[%dma_start3A_23, %dma_start3A_24] : memref<10240x64xf32, #tpu.memory_space<hbm>> -> memref<10240x64xf32, #tpu.memory_space<hbm>>
    %dma_start3A_26 = tpu.memref_slice %arg12[%dma_start3A_16] : memref<4x!tpu.dma_semaphore, #tpu.memory_space<semaphore_mem>> -> memref<1x!tpu.dma_semaphore, #tpu.memory_space<semaphore_mem>>
    %dma_start3A_27 = tpu.memref_squeeze %dma_start3A_26 : memref<1x!tpu.dma_semaphore, #tpu.memory_space<semaphore_mem>> -> memref<!tpu.dma_semaphore, #tpu.memory_space<semaphore_mem>>
    tpu.enqueue_indirect_dma source(%dma_start3A_25 : memref<10240x64xf32, #tpu.memory_space<hbm>>) target(%dma_start3A_19 : memref<128x64xf32, #tpu.memory_space<vmem>>) offsets(%dma_start3A_22 : memref<128xi32, #tpu.memory_space<vmem>>) semaphore(%dma_start3A_27 : memref<!tpu.dma_semaphore, #tpu.memory_space<semaphore_mem>>)
    %dma_start3A_28 = arith.constant 2 : i32
    %dma_start3A_29 = arith.constant 2 : i32
    %dma_start3A_30 = arith.constant 256 : i32
    %dma_start3A_31 = arith.constant 0 : i32
    %dma_start3A_32 = tpu.memref_slice %arg10[%dma_start3A_30, %dma_start3A_31] : memref<512x64xf32, #tpu.memory_space<vmem>> -> memref<128x64xf32, #tpu.memory_space<vmem>>
    %dma_start3A_33 = arith.constant 0 : i32
    %dma_start3A_34 = tpu.memref_slice %arg8[%dma_start3A_28, %dma_start3A_33] : memref<80x128xi32, #tpu.memory_space<vmem>> -> memref<1x128xi32, #tpu.memory_space<vmem>>
    %dma_start3A_35 = tpu.memref_squeeze %dma_start3A_34 : memref<1x128xi32, #tpu.memory_space<vmem>> -> memref<128xi32, #tpu.memory_space<vmem>>
    %dma_start3A_36 = arith.constant 0 : i32
    %dma_start3A_37 = arith.constant 0 : i32
    %dma_start3A_38 = tpu.memref_slice %arg2[%dma_start3A_36, %dma_start3A_37] : memref<10240x64xf32, #tpu.memory_space<hbm>> -> memref<10240x64xf32, #tpu.memory_space<hbm>>
    %dma_start3A_39 = tpu.memref_slice %arg12[%dma_start3A_29] : memref<4x!tpu.dma_semaphore, #tpu.memory_space<semaphore_mem>> -> memref<1x!tpu.dma_semaphore, #tpu.memory_space<semaphore_mem>>
    %dma_start3A_40 = tpu.memref_squeeze %dma_start3A_39 : memref<1x!tpu.dma_semaphore, #tpu.memory_space<semaphore_mem>> -> memref<!tpu.dma_semaphore, #tpu.memory_space<semaphore_mem>>
    tpu.enqueue_indirect_dma source(%dma_start3A_38 : memref<10240x64xf32, #tpu.memory_space<hbm>>) target(%dma_start3A_32 : memref<128x64xf32, #tpu.memory_space<vmem>>) offsets(%dma_start3A_35 : memref<128xi32, #tpu.memory_space<vmem>>) semaphore(%dma_start3A_40 : memref<!tpu.dma_semaphore, #tpu.memory_space<semaphore_mem>>)
    %dma_start3A_41 = arith.constant 3 : i32
    %dma_start3A_42 = arith.constant 3 : i32
    %dma_start3A_43 = arith.constant 384 : i32
    %dma_start3A_44 = arith.constant 0 : i32
    %dma_start3A_45 = tpu.memref_slice %arg10[%dma_start3A_43, %dma_start3A_44] : memref<512x64xf32, #tpu.memory_space<vmem>> -> memref<128x64xf32, #tpu.memory_space<vmem>>
    %dma_start3A_46 = arith.constant 0 : i32
    %dma_start3A_47 = tpu.memref_slice %arg8[%dma_start3A_41, %dma_start3A_46] : memref<80x128xi32, #tpu.memory_space<vmem>> -> memref<1x128xi32, #tpu.memory_space<vmem>>
    %dma_start3A_48 = tpu.memref_squeeze %dma_start3A_47 : memref<1x128xi32, #tpu.memory_space<vmem>> -> memref<128xi32, #tpu.memory_space<vmem>>
    %dma_start3A_49 = arith.constant 0 : i32
    %dma_start3A_50 = arith.constant 0 : i32
    %dma_start3A_51 = tpu.memref_slice %arg2[%dma_start3A_49, %dma_start3A_50] : memref<10240x64xf32, #tpu.memory_space<hbm>> -> memref<10240x64xf32, #tpu.memory_space<hbm>>
    %dma_start3A_52 = tpu.memref_slice %arg12[%dma_start3A_42] : memref<4x!tpu.dma_semaphore, #tpu.memory_space<semaphore_mem>> -> memref<1x!tpu.dma_semaphore, #tpu.memory_space<semaphore_mem>>
    %dma_start3A_53 = tpu.memref_squeeze %dma_start3A_52 : memref<1x!tpu.dma_semaphore, #tpu.memory_space<semaphore_mem>> -> memref<!tpu.dma_semaphore, #tpu.memory_space<semaphore_mem>>
    tpu.enqueue_indirect_dma source(%dma_start3A_51 : memref<10240x64xf32, #tpu.memory_space<hbm>>) target(%dma_start3A_45 : memref<128x64xf32, #tpu.memory_space<vmem>>) offsets(%dma_start3A_48 : memref<128xi32, #tpu.memory_space<vmem>>) semaphore(%dma_start3A_53 : memref<!tpu.dma_semaphore, #tpu.memory_space<semaphore_mem>>)
    %scan3A = arith.constant 0 : i32
    %scan3A_54 = arith.constant 0 : i32
    %scan3A_55 = arith.constant 20 : i32
    %scan3A_56 = arith.addi %scan3A_54, %scan3A_55 : i32
    %scan3A_57 = arith.constant 1 : i32
    scf.for %scan3A_229 = %scan3A_54 to %scan3A_56 step %scan3A_57  : i32 {
      %mul3A_230 = arith.constant 4 : i32
      %mul3A_231 = arith.muli %scan3A_229, %mul3A_230 : i32
      %dma_wait3A_232 = arith.constant 0 : i32
      %dma_wait3A_233 = arith.constant 0 : i32
      %dma_wait3A_234 = arith.constant 0 : i32
      %dma_wait3A_235 = arith.constant 0 : i32
      %dma_wait3A_236 = tpu.memref_slice %arg10[%dma_wait3A_234, %dma_wait3A_235] : memref<512x64xf32, #tpu.memory_space<vmem>> -> memref<128x64xf32, #tpu.memory_space<vmem>>
      %dma_wait3A_237 = arith.constant 0 : i32
      %dma_wait3A_238 = tpu.memref_slice %arg8[%dma_wait3A_232, %dma_wait3A_237] : memref<80x128xi32, #tpu.memory_space<vmem>> -> memref<1x128xi32, #tpu.memory_space<vmem>>
      %dma_wait3A_239 = tpu.memref_squeeze %dma_wait3A_238 : memref<1x128xi32, #tpu.memory_space<vmem>> -> memref<128xi32, #tpu.memory_space<vmem>>
      %dma_wait3A_240 = arith.constant 0 : i32
      %dma_wait3A_241 = arith.constant 0 : i32
      %dma_wait3A_242 = tpu.memref_slice %arg2[%dma_wait3A_240, %dma_wait3A_241] : memref<10240x64xf32, #tpu.memory_space<hbm>> -> memref<10240x64xf32, #tpu.memory_space<hbm>>
      %dma_wait3A_243 = tpu.memref_slice %arg12[%dma_wait3A_233] : memref<4x!tpu.dma_semaphore, #tpu.memory_space<semaphore_mem>> -> memref<1x!tpu.dma_semaphore, #tpu.memory_space<semaphore_mem>>
      %dma_wait3A_244 = tpu.memref_squeeze %dma_wait3A_243 : memref<1x!tpu.dma_semaphore, #tpu.memory_space<semaphore_mem>> -> memref<!tpu.dma_semaphore, #tpu.memory_space<semaphore_mem>>
      tpu.wait_indirect_dma semaphore(%dma_wait3A_244 : memref<!tpu.dma_semaphore, #tpu.memory_space<semaphore_mem>>) src(%dma_wait3A_242 : memref<10240x64xf32, #tpu.memory_space<hbm>>) dst(%dma_wait3A_236 : memref<128x64xf32, #tpu.memory_space<vmem>>)
      %add3A_245 = arith.constant 0 : i32
      %add3A_246 = arith.addi %mul3A_231, %add3A_245 : i32
      "tpu.region"() ({
        %run_scoped3A = tpu.sem_alloc : memref<!tpu.dma_semaphore, #tpu.memory_space<semaphore_mem>>
        %dma_start3A_363 = arith.constant 0 : i32
        %dma_start3A_364 = arith.constant 0 : i32
        %dma_start3A_365 = tpu.memref_slice %arg10[%dma_start3A_363, %dma_start3A_364] : memref<512x64xf32, #tpu.memory_space<vmem>> -> memref<128x64xf32, #tpu.memory_space<vmem>>
        %dma_start3A_366 = arith.constant 0 : i32
        %dma_start3A_367 = tpu.memref_slice %arg9[%add3A_246, %dma_start3A_366] : memref<80x128xi32, #tpu.memory_space<vmem>> -> memref<1x128xi32, #tpu.memory_space<vmem>>
        %dma_start3A_368 = tpu.memref_squeeze %dma_start3A_367 : memref<1x128xi32, #tpu.memory_space<vmem>> -> memref<128xi32, #tpu.memory_space<vmem>>
        %dma_start3A_369 = arith.constant 0 : i32
        %dma_start3A_370 = arith.constant 0 : i32
        %dma_start3A_371 = tpu.memref_slice %arg11[%dma_start3A_369, %dma_start3A_370] : memref<10240x64xf32, #tpu.memory_space<vmem_shared>> -> memref<10240x64xf32, #tpu.memory_space<vmem_shared>>
        tpu.enqueue_indirect_dma source(%dma_start3A_365 : memref<128x64xf32, #tpu.memory_space<vmem>>) target(%dma_start3A_371 : memref<10240x64xf32, #tpu.memory_space<vmem_shared>>) offsets(%dma_start3A_368 : memref<128xi32, #tpu.memory_space<vmem>>) semaphore(%run_scoped3A : memref<!tpu.dma_semaphore, #tpu.memory_space<semaphore_mem>>) {add = true}
        %dma_wait3A_372 = arith.constant 0 : i32
        %dma_wait3A_373 = arith.constant 0 : i32
        %dma_wait3A_374 = tpu.memref_slice %arg10[%dma_wait3A_372, %dma_wait3A_373] : memref<512x64xf32, #tpu.memory_space<vmem>> -> memref<128x64xf32, #tpu.memory_space<vmem>>
        %dma_wait3A_375 = arith.constant 0 : i32
        %dma_wait3A_376 = tpu.memref_slice %arg9[%add3A_246, %dma_wait3A_375] : memref<80x128xi32, #tpu.memory_space<vmem>> -> memref<1x128xi32, #tpu.memory_space<vmem>>
        %dma_wait3A_377 = tpu.memref_squeeze %dma_wait3A_376 : memref<1x128xi32, #tpu.memory_space<vmem>> -> memref<128xi32, #tpu.memory_space<vmem>>
        %dma_wait3A_378 = arith.constant 0 : i32
        %dma_wait3A_379 = arith.constant 0 : i32
        %dma_wait3A_380 = tpu.memref_slice %arg11[%dma_wait3A_378, %dma_wait3A_379] : memref<10240x64xf32, #tpu.memory_space<vmem_shared>> -> memref<10240x64xf32, #tpu.memory_space<vmem_shared>>
        tpu.wait_indirect_dma semaphore(%run_scoped3A : memref<!tpu.dma_semaphore, #tpu.memory_space<semaphore_mem>>) src(%dma_wait3A_374 : memref<128x64xf32, #tpu.memory_space<vmem>>) dst(%dma_wait3A_380 : memref<10240x64xf32, #tpu.memory_space<vmem_shared>>)
        tpu.yield
      }) : () -> ()
      %add3A_247 = arith.constant 4 : i32
      %add3A_248 = arith.addi %mul3A_231, %add3A_247 : i32
      %add3A_249 = arith.constant 0 : i32
      %add3A_250 = arith.addi %add3A_248, %add3A_249 : i32
      %min3A = arith.constant 79 : i32
      %min3A_251 = arith.minsi %add3A_250, %min3A : i32
      %dma_start3A_252 = arith.constant 0 : i32
      %dma_start3A_253 = arith.constant 0 : i32
      %dma_start3A_254 = arith.constant 0 : i32
      %dma_start3A_255 = tpu.memref_slice %arg10[%dma_start3A_253, %dma_start3A_254] : memref<512x64xf32, #tpu.memory_space<vmem>> -> memref<128x64xf32, #tpu.memory_space<vmem>>
      %dma_start3A_256 = arith.constant 0 : i32
      %dma_start3A_257 = tpu.memref_slice %arg8[%min3A_251, %dma_start3A_256] : memref<80x128xi32, #tpu.memory_space<vmem>> -> memref<1x128xi32, #tpu.memory_space<vmem>>
      %dma_start3A_258 = tpu.memref_squeeze %dma_start3A_257 : memref<1x128xi32, #tpu.memory_space<vmem>> -> memref<128xi32, #tpu.memory_space<vmem>>
      %dma_start3A_259 = arith.constant 0 : i32
      %dma_start3A_260 = arith.constant 0 : i32
      %dma_start3A_261 = tpu.memref_slice %arg2[%dma_start3A_259, %dma_start3A_260] : memref<10240x64xf32, #tpu.memory_space<hbm>> -> memref<10240x64xf32, #tpu.memory_space<hbm>>
      %dma_start3A_262 = tpu.memref_slice %arg12[%dma_start3A_252] : memref<4x!tpu.dma_semaphore, #tpu.memory_space<semaphore_mem>> -> memref<1x!tpu.dma_semaphore, #tpu.memory_space<semaphore_mem>>
      %dma_start3A_263 = tpu.memref_squeeze %dma_start3A_262 : memref<1x!tpu.dma_semaphore, #tpu.memory_space<semaphore_mem>> -> memref<!tpu.dma_semaphore, #tpu.memory_space<semaphore_mem>>
      tpu.enqueue_indirect_dma source(%dma_start3A_261 : memref<10240x64xf32, #tpu.memory_space<hbm>>) target(%dma_start3A_255 : memref<128x64xf32, #tpu.memory_space<vmem>>) offsets(%dma_start3A_258 : memref<128xi32, #tpu.memory_space<vmem>>) semaphore(%dma_start3A_263 : memref<!tpu.dma_semaphore, #tpu.memory_space<semaphore_mem>>)
      %dma_wait3A_264 = arith.constant 0 : i32
      %dma_wait3A_265 = arith.constant 1 : i32
      %dma_wait3A_266 = arith.constant 128 : i32
      %dma_wait3A_267 = arith.constant 0 : i32
      %dma_wait3A_268 = tpu.memref_slice %arg10[%dma_wait3A_266, %dma_wait3A_267] : memref<512x64xf32, #tpu.memory_space<vmem>> -> memref<128x64xf32, #tpu.memory_space<vmem>>
      %dma_wait3A_269 = arith.constant 0 : i32
      %dma_wait3A_270 = tpu.memref_slice %arg8[%dma_wait3A_264, %dma_wait3A_269] : memref<80x128xi32, #tpu.memory_space<vmem>> -> memref<1x128xi32, #tpu.memory_space<vmem>>
      %dma_wait3A_271 = tpu.memref_squeeze %dma_wait3A_270 : memref<1x128xi32, #tpu.memory_space<vmem>> -> memref<128xi32, #tpu.memory_space<vmem>>
      %dma_wait3A_272 = arith.constant 0 : i32
      %dma_wait3A_273 = arith.constant 0 : i32
      %dma_wait3A_274 = tpu.memref_slice %arg2[%dma_wait3A_272, %dma_wait3A_273] : memref<10240x64xf32, #tpu.memory_space<hbm>> -> memref<10240x64xf32, #tpu.memory_space<hbm>>
      %dma_wait3A_275 = tpu.memref_slice %arg12[%dma_wait3A_265] : memref<4x!tpu.dma_semaphore, #tpu.memory_space<semaphore_mem>> -> memref<1x!tpu.dma_semaphore, #tpu.memory_space<semaphore_mem>>
      %dma_wait3A_276 = tpu.memref_squeeze %dma_wait3A_275 : memref<1x!tpu.dma_semaphore, #tpu.memory_space<semaphore_mem>> -> memref<!tpu.dma_semaphore, #tpu.memory_space<semaphore_mem>>
      tpu.wait_indirect_dma semaphore(%dma_wait3A_276 : memref<!tpu.dma_semaphore, #tpu.memory_space<semaphore_mem>>) src(%dma_wait3A_274 : memref<10240x64xf32, #tpu.memory_space<hbm>>) dst(%dma_wait3A_268 : memref<128x64xf32, #tpu.memory_space<vmem>>)
      %add3A_277 = arith.constant 1 : i32
      %add3A_278 = arith.addi %mul3A_231, %add3A_277 : i32
      "tpu.region"() ({
        %run_scoped3A = tpu.sem_alloc : memref<!tpu.dma_semaphore, #tpu.memory_space<semaphore_mem>>
        %dma_start3A_363 = arith.constant 128 : i32
        %dma_start3A_364 = arith.constant 0 : i32
        %dma_start3A_365 = tpu.memref_slice %arg10[%dma_start3A_363, %dma_start3A_364] : memref<512x64xf32, #tpu.memory_space<vmem>> -> memref<128x64xf32, #tpu.memory_space<vmem>>
        %dma_start3A_366 = arith.constant 0 : i32
        %dma_start3A_367 = tpu.memref_slice %arg9[%add3A_278, %dma_start3A_366] : memref<80x128xi32, #tpu.memory_space<vmem>> -> memref<1x128xi32, #tpu.memory_space<vmem>>
        %dma_start3A_368 = tpu.memref_squeeze %dma_start3A_367 : memref<1x128xi32, #tpu.memory_space<vmem>> -> memref<128xi32, #tpu.memory_space<vmem>>
        %dma_start3A_369 = arith.constant 0 : i32
        %dma_start3A_370 = arith.constant 0 : i32
        %dma_start3A_371 = tpu.memref_slice %arg11[%dma_start3A_369, %dma_start3A_370] : memref<10240x64xf32, #tpu.memory_space<vmem_shared>> -> memref<10240x64xf32, #tpu.memory_space<vmem_shared>>
        tpu.enqueue_indirect_dma source(%dma_start3A_365 : memref<128x64xf32, #tpu.memory_space<vmem>>) target(%dma_start3A_371 : memref<10240x64xf32, #tpu.memory_space<vmem_shared>>) offsets(%dma_start3A_368 : memref<128xi32, #tpu.memory_space<vmem>>) semaphore(%run_scoped3A : memref<!tpu.dma_semaphore, #tpu.memory_space<semaphore_mem>>) {add = true}
        %dma_wait3A_372 = arith.constant 128 : i32
        %dma_wait3A_373 = arith.constant 0 : i32
        %dma_wait3A_374 = tpu.memref_slice %arg10[%dma_wait3A_372, %dma_wait3A_373] : memref<512x64xf32, #tpu.memory_space<vmem>> -> memref<128x64xf32, #tpu.memory_space<vmem>>
        %dma_wait3A_375 = arith.constant 0 : i32
        %dma_wait3A_376 = tpu.memref_slice %arg9[%add3A_278, %dma_wait3A_375] : memref<80x128xi32, #tpu.memory_space<vmem>> -> memref<1x128xi32, #tpu.memory_space<vmem>>
        %dma_wait3A_377 = tpu.memref_squeeze %dma_wait3A_376 : memref<1x128xi32, #tpu.memory_space<vmem>> -> memref<128xi32, #tpu.memory_space<vmem>>
        %dma_wait3A_378 = arith.constant 0 : i32
        %dma_wait3A_379 = arith.constant 0 : i32
        %dma_wait3A_380 = tpu.memref_slice %arg11[%dma_wait3A_378, %dma_wait3A_379] : memref<10240x64xf32, #tpu.memory_space<vmem_shared>> -> memref<10240x64xf32, #tpu.memory_space<vmem_shared>>
        tpu.wait_indirect_dma semaphore(%run_scoped3A : memref<!tpu.dma_semaphore, #tpu.memory_space<semaphore_mem>>) src(%dma_wait3A_374 : memref<128x64xf32, #tpu.memory_space<vmem>>) dst(%dma_wait3A_380 : memref<10240x64xf32, #tpu.memory_space<vmem_shared>>)
        tpu.yield
      }) : () -> ()
      %add3A_279 = arith.constant 4 : i32
      %add3A_280 = arith.addi %mul3A_231, %add3A_279 : i32
      %add3A_281 = arith.constant 1 : i32
      %add3A_282 = arith.addi %add3A_280, %add3A_281 : i32
      %min3A_283 = arith.constant 79 : i32
      %min3A_284 = arith.minsi %add3A_282, %min3A_283 : i32
      %dma_start3A_285 = arith.constant 1 : i32
      %dma_start3A_286 = arith.constant 128 : i32
      %dma_start3A_287 = arith.constant 0 : i32
      %dma_start3A_288 = tpu.memref_slice %arg10[%dma_start3A_286, %dma_start3A_287] : memref<512x64xf32, #tpu.memory_space<vmem>> -> memref<128x64xf32, #tpu.memory_space<vmem>>
      %dma_start3A_289 = arith.constant 0 : i32
      %dma_start3A_290 = tpu.memref_slice %arg8[%min3A_284, %dma_start3A_289] : memref<80x128xi32, #tpu.memory_space<vmem>> -> memref<1x128xi32, #tpu.memory_space<vmem>>
      %dma_start3A_291 = tpu.memref_squeeze %dma_start3A_290 : memref<1x128xi32, #tpu.memory_space<vmem>> -> memref<128xi32, #tpu.memory_space<vmem>>
      %dma_start3A_292 = arith.constant 0 : i32
      %dma_start3A_293 = arith.constant 0 : i32
      %dma_start3A_294 = tpu.memref_slice %arg2[%dma_start3A_292, %dma_start3A_293] : memref<10240x64xf32, #tpu.memory_space<hbm>> -> memref<10240x64xf32, #tpu.memory_space<hbm>>
      %dma_start3A_295 = tpu.memref_slice %arg12[%dma_start3A_285] : memref<4x!tpu.dma_semaphore, #tpu.memory_space<semaphore_mem>> -> memref<1x!tpu.dma_semaphore, #tpu.memory_space<semaphore_mem>>
      %dma_start3A_296 = tpu.memref_squeeze %dma_start3A_295 : memref<1x!tpu.dma_semaphore, #tpu.memory_space<semaphore_mem>> -> memref<!tpu.dma_semaphore, #tpu.memory_space<semaphore_mem>>
      tpu.enqueue_indirect_dma source(%dma_start3A_294 : memref<10240x64xf32, #tpu.memory_space<hbm>>) target(%dma_start3A_288 : memref<128x64xf32, #tpu.memory_space<vmem>>) offsets(%dma_start3A_291 : memref<128xi32, #tpu.memory_space<vmem>>) semaphore(%dma_start3A_296 : memref<!tpu.dma_semaphore, #tpu.memory_space<semaphore_mem>>)
      %dma_wait3A_297 = arith.constant 0 : i32
      %dma_wait3A_298 = arith.constant 2 : i32
      %dma_wait3A_299 = arith.constant 256 : i32
      %dma_wait3A_300 = arith.constant 0 : i32
      %dma_wait3A_301 = tpu.memref_slice %arg10[%dma_wait3A_299, %dma_wait3A_300] : memref<512x64xf32, #tpu.memory_space<vmem>> -> memref<128x64xf32, #tpu.memory_space<vmem>>
      %dma_wait3A_302 = arith.constant 0 : i32
      %dma_wait3A_303 = tpu.memref_slice %arg8[%dma_wait3A_297, %dma_wait3A_302] : memref<80x128xi32, #tpu.memory_space<vmem>> -> memref<1x128xi32, #tpu.memory_space<vmem>>
      %dma_wait3A_304 = tpu.memref_squeeze %dma_wait3A_303 : memref<1x128xi32, #tpu.memory_space<vmem>> -> memref<128xi32, #tpu.memory_space<vmem>>
      %dma_wait3A_305 = arith.constant 0 : i32
      %dma_wait3A_306 = arith.constant 0 : i32
      %dma_wait3A_307 = tpu.memref_slice %arg2[%dma_wait3A_305, %dma_wait3A_306] : memref<10240x64xf32, #tpu.memory_space<hbm>> -> memref<10240x64xf32, #tpu.memory_space<hbm>>
      %dma_wait3A_308 = tpu.memref_slice %arg12[%dma_wait3A_298] : memref<4x!tpu.dma_semaphore, #tpu.memory_space<semaphore_mem>> -> memref<1x!tpu.dma_semaphore, #tpu.memory_space<semaphore_mem>>
      %dma_wait3A_309 = tpu.memref_squeeze %dma_wait3A_308 : memref<1x!tpu.dma_semaphore, #tpu.memory_space<semaphore_mem>> -> memref<!tpu.dma_semaphore, #tpu.memory_space<semaphore_mem>>
      tpu.wait_indirect_dma semaphore(%dma_wait3A_309 : memref<!tpu.dma_semaphore, #tpu.memory_space<semaphore_mem>>) src(%dma_wait3A_307 : memref<10240x64xf32, #tpu.memory_space<hbm>>) dst(%dma_wait3A_301 : memref<128x64xf32, #tpu.memory_space<vmem>>)
      %add3A_310 = arith.constant 2 : i32
      %add3A_311 = arith.addi %mul3A_231, %add3A_310 : i32
      "tpu.region"() ({
        %run_scoped3A = tpu.sem_alloc : memref<!tpu.dma_semaphore, #tpu.memory_space<semaphore_mem>>
        %dma_start3A_363 = arith.constant 256 : i32
        %dma_start3A_364 = arith.constant 0 : i32
        %dma_start3A_365 = tpu.memref_slice %arg10[%dma_start3A_363, %dma_start3A_364] : memref<512x64xf32, #tpu.memory_space<vmem>> -> memref<128x64xf32, #tpu.memory_space<vmem>>
        %dma_start3A_366 = arith.constant 0 : i32
        %dma_start3A_367 = tpu.memref_slice %arg9[%add3A_311, %dma_start3A_366] : memref<80x128xi32, #tpu.memory_space<vmem>> -> memref<1x128xi32, #tpu.memory_space<vmem>>
        %dma_start3A_368 = tpu.memref_squeeze %dma_start3A_367 : memref<1x128xi32, #tpu.memory_space<vmem>> -> memref<128xi32, #tpu.memory_space<vmem>>
        %dma_start3A_369 = arith.constant 0 : i32
        %dma_start3A_370 = arith.constant 0 : i32
        %dma_start3A_371 = tpu.memref_slice %arg11[%dma_start3A_369, %dma_start3A_370] : memref<10240x64xf32, #tpu.memory_space<vmem_shared>> -> memref<10240x64xf32, #tpu.memory_space<vmem_shared>>
        tpu.enqueue_indirect_dma source(%dma_start3A_365 : memref<128x64xf32, #tpu.memory_space<vmem>>) target(%dma_start3A_371 : memref<10240x64xf32, #tpu.memory_space<vmem_shared>>) offsets(%dma_start3A_368 : memref<128xi32, #tpu.memory_space<vmem>>) semaphore(%run_scoped3A : memref<!tpu.dma_semaphore, #tpu.memory_space<semaphore_mem>>) {add = true}
        %dma_wait3A_372 = arith.constant 256 : i32
        %dma_wait3A_373 = arith.constant 0 : i32
        %dma_wait3A_374 = tpu.memref_slice %arg10[%dma_wait3A_372, %dma_wait3A_373] : memref<512x64xf32, #tpu.memory_space<vmem>> -> memref<128x64xf32, #tpu.memory_space<vmem>>
        %dma_wait3A_375 = arith.constant 0 : i32
        %dma_wait3A_376 = tpu.memref_slice %arg9[%add3A_311, %dma_wait3A_375] : memref<80x128xi32, #tpu.memory_space<vmem>> -> memref<1x128xi32, #tpu.memory_space<vmem>>
        %dma_wait3A_377 = tpu.memref_squeeze %dma_wait3A_376 : memref<1x128xi32, #tpu.memory_space<vmem>> -> memref<128xi32, #tpu.memory_space<vmem>>
        %dma_wait3A_378 = arith.constant 0 : i32
        %dma_wait3A_379 = arith.constant 0 : i32
        %dma_wait3A_380 = tpu.memref_slice %arg11[%dma_wait3A_378, %dma_wait3A_379] : memref<10240x64xf32, #tpu.memory_space<vmem_shared>> -> memref<10240x64xf32, #tpu.memory_space<vmem_shared>>
        tpu.wait_indirect_dma semaphore(%run_scoped3A : memref<!tpu.dma_semaphore, #tpu.memory_space<semaphore_mem>>) src(%dma_wait3A_374 : memref<128x64xf32, #tpu.memory_space<vmem>>) dst(%dma_wait3A_380 : memref<10240x64xf32, #tpu.memory_space<vmem_shared>>)
        tpu.yield
      }) : () -> ()
      %add3A_312 = arith.constant 4 : i32
      %add3A_313 = arith.addi %mul3A_231, %add3A_312 : i32
      %add3A_314 = arith.constant 2 : i32
      %add3A_315 = arith.addi %add3A_313, %add3A_314 : i32
      %min3A_316 = arith.constant 79 : i32
      %min3A_317 = arith.minsi %add3A_315, %min3A_316 : i32
      %dma_start3A_318 = arith.constant 2 : i32
      %dma_start3A_319 = arith.constant 256 : i32
      %dma_start3A_320 = arith.constant 0 : i32
      %dma_start3A_321 = tpu.memref_slice %arg10[%dma_start3A_319, %dma_start3A_320] : memref<512x64xf32, #tpu.memory_space<vmem>> -> memref<128x64xf32, #tpu.memory_space<vmem>>
      %dma_start3A_322 = arith.constant 0 : i32
      %dma_start3A_323 = tpu.memref_slice %arg8[%min3A_317, %dma_start3A_322] : memref<80x128xi32, #tpu.memory_space<vmem>> -> memref<1x128xi32, #tpu.memory_space<vmem>>
      %dma_start3A_324 = tpu.memref_squeeze %dma_start3A_323 : memref<1x128xi32, #tpu.memory_space<vmem>> -> memref<128xi32, #tpu.memory_space<vmem>>
      %dma_start3A_325 = arith.constant 0 : i32
      %dma_start3A_326 = arith.constant 0 : i32
      %dma_start3A_327 = tpu.memref_slice %arg2[%dma_start3A_325, %dma_start3A_326] : memref<10240x64xf32, #tpu.memory_space<hbm>> -> memref<10240x64xf32, #tpu.memory_space<hbm>>
      %dma_start3A_328 = tpu.memref_slice %arg12[%dma_start3A_318] : memref<4x!tpu.dma_semaphore, #tpu.memory_space<semaphore_mem>> -> memref<1x!tpu.dma_semaphore, #tpu.memory_space<semaphore_mem>>
      %dma_start3A_329 = tpu.memref_squeeze %dma_start3A_328 : memref<1x!tpu.dma_semaphore, #tpu.memory_space<semaphore_mem>> -> memref<!tpu.dma_semaphore, #tpu.memory_space<semaphore_mem>>
      tpu.enqueue_indirect_dma source(%dma_start3A_327 : memref<10240x64xf32, #tpu.memory_space<hbm>>) target(%dma_start3A_321 : memref<128x64xf32, #tpu.memory_space<vmem>>) offsets(%dma_start3A_324 : memref<128xi32, #tpu.memory_space<vmem>>) semaphore(%dma_start3A_329 : memref<!tpu.dma_semaphore, #tpu.memory_space<semaphore_mem>>)
      %dma_wait3A_330 = arith.constant 0 : i32
      %dma_wait3A_331 = arith.constant 3 : i32
      %dma_wait3A_332 = arith.constant 384 : i32
      %dma_wait3A_333 = arith.constant 0 : i32
      %dma_wait3A_334 = tpu.memref_slice %arg10[%dma_wait3A_332, %dma_wait3A_333] : memref<512x64xf32, #tpu.memory_space<vmem>> -> memref<128x64xf32, #tpu.memory_space<vmem>>
      %dma_wait3A_335 = arith.constant 0 : i32
      %dma_wait3A_336 = tpu.memref_slice %arg8[%dma_wait3A_330, %dma_wait3A_335] : memref<80x128xi32, #tpu.memory_space<vmem>> -> memref<1x128xi32, #tpu.memory_space<vmem>>
      %dma_wait3A_337 = tpu.memref_squeeze %dma_wait3A_336 : memref<1x128xi32, #tpu.memory_space<vmem>> -> memref<128xi32, #tpu.memory_space<vmem>>
      %dma_wait3A_338 = arith.constant 0 : i32
      %dma_wait3A_339 = arith.constant 0 : i32
      %dma_wait3A_340 = tpu.memref_slice %arg2[%dma_wait3A_338, %dma_wait3A_339] : memref<10240x64xf32, #tpu.memory_space<hbm>> -> memref<10240x64xf32, #tpu.memory_space<hbm>>
      %dma_wait3A_341 = tpu.memref_slice %arg12[%dma_wait3A_331] : memref<4x!tpu.dma_semaphore, #tpu.memory_space<semaphore_mem>> -> memref<1x!tpu.dma_semaphore, #tpu.memory_space<semaphore_mem>>
      %dma_wait3A_342 = tpu.memref_squeeze %dma_wait3A_341 : memref<1x!tpu.dma_semaphore, #tpu.memory_space<semaphore_mem>> -> memref<!tpu.dma_semaphore, #tpu.memory_space<semaphore_mem>>
      tpu.wait_indirect_dma semaphore(%dma_wait3A_342 : memref<!tpu.dma_semaphore, #tpu.memory_space<semaphore_mem>>) src(%dma_wait3A_340 : memref<10240x64xf32, #tpu.memory_space<hbm>>) dst(%dma_wait3A_334 : memref<128x64xf32, #tpu.memory_space<vmem>>)
      %add3A_343 = arith.constant 3 : i32
      %add3A_344 = arith.addi %mul3A_231, %add3A_343 : i32
      "tpu.region"() ({
        %run_scoped3A = tpu.sem_alloc : memref<!tpu.dma_semaphore, #tpu.memory_space<semaphore_mem>>
        %dma_start3A_363 = arith.constant 384 : i32
        %dma_start3A_364 = arith.constant 0 : i32
        %dma_start3A_365 = tpu.memref_slice %arg10[%dma_start3A_363, %dma_start3A_364] : memref<512x64xf32, #tpu.memory_space<vmem>> -> memref<128x64xf32, #tpu.memory_space<vmem>>
        %dma_start3A_366 = arith.constant 0 : i32
        %dma_start3A_367 = tpu.memref_slice %arg9[%add3A_344, %dma_start3A_366] : memref<80x128xi32, #tpu.memory_space<vmem>> -> memref<1x128xi32, #tpu.memory_space<vmem>>
        %dma_start3A_368 = tpu.memref_squeeze %dma_start3A_367 : memref<1x128xi32, #tpu.memory_space<vmem>> -> memref<128xi32, #tpu.memory_space<vmem>>
        %dma_start3A_369 = arith.constant 0 : i32
        %dma_start3A_370 = arith.constant 0 : i32
        %dma_start3A_371 = tpu.memref_slice %arg11[%dma_start3A_369, %dma_start3A_370] : memref<10240x64xf32, #tpu.memory_space<vmem_shared>> -> memref<10240x64xf32, #tpu.memory_space<vmem_shared>>
        tpu.enqueue_indirect_dma source(%dma_start3A_365 : memref<128x64xf32, #tpu.memory_space<vmem>>) target(%dma_start3A_371 : memref<10240x64xf32, #tpu.memory_space<vmem_shared>>) offsets(%dma_start3A_368 : memref<128xi32, #tpu.memory_space<vmem>>) semaphore(%run_scoped3A : memref<!tpu.dma_semaphore, #tpu.memory_space<semaphore_mem>>) {add = true}
        %dma_wait3A_372 = arith.constant 384 : i32
        %dma_wait3A_373 = arith.constant 0 : i32
        %dma_wait3A_374 = tpu.memref_slice %arg10[%dma_wait3A_372, %dma_wait3A_373] : memref<512x64xf32, #tpu.memory_space<vmem>> -> memref<128x64xf32, #tpu.memory_space<vmem>>
        %dma_wait3A_375 = arith.constant 0 : i32
        %dma_wait3A_376 = tpu.memref_slice %arg9[%add3A_344, %dma_wait3A_375] : memref<80x128xi32, #tpu.memory_space<vmem>> -> memref<1x128xi32, #tpu.memory_space<vmem>>
        %dma_wait3A_377 = tpu.memref_squeeze %dma_wait3A_376 : memref<1x128xi32, #tpu.memory_space<vmem>> -> memref<128xi32, #tpu.memory_space<vmem>>
        %dma_wait3A_378 = arith.constant 0 : i32
        %dma_wait3A_379 = arith.constant 0 : i32
        %dma_wait3A_380 = tpu.memref_slice %arg11[%dma_wait3A_378, %dma_wait3A_379] : memref<10240x64xf32, #tpu.memory_space<vmem_shared>> -> memref<10240x64xf32, #tpu.memory_space<vmem_shared>>
        tpu.wait_indirect_dma semaphore(%run_scoped3A : memref<!tpu.dma_semaphore, #tpu.memory_space<semaphore_mem>>) src(%dma_wait3A_374 : memref<128x64xf32, #tpu.memory_space<vmem>>) dst(%dma_wait3A_380 : memref<10240x64xf32, #tpu.memory_space<vmem_shared>>)
        tpu.yield
      }) : () -> ()
      %add3A_345 = arith.constant 4 : i32
      %add3A_346 = arith.addi %mul3A_231, %add3A_345 : i32
      %add3A_347 = arith.constant 3 : i32
      %add3A_348 = arith.addi %add3A_346, %add3A_347 : i32
      %min3A_349 = arith.constant 79 : i32
      %min3A_350 = arith.minsi %add3A_348, %min3A_349 : i32
      %dma_start3A_351 = arith.constant 3 : i32
      %dma_start3A_352 = arith.constant 384 : i32
      %dma_start3A_353 = arith.constant 0 : i32
      %dma_start3A_354 = tpu.memref_slice %arg10[%dma_start3A_352, %dma_start3A_353] : memref<512x64xf32, #tpu.memory_space<vmem>> -> memref<128x64xf32, #tpu.memory_space<vmem>>
      %dma_start3A_355 = arith.constant 0 : i32
      %dma_start3A_356 = tpu.memref_slice %arg8[%min3A_350, %dma_start3A_355] : memref<80x128xi32, #tpu.memory_space<vmem>> -> memref<1x128xi32, #tpu.memory_space<vmem>>
      %dma_start3A_357 = tpu.memref_squeeze %dma_start3A_356 : memref<1x128xi32, #tpu.memory_space<vmem>> -> memref<128xi32, #tpu.memory_space<vmem>>
      %dma_start3A_358 = arith.constant 0 : i32
      %dma_start3A_359 = arith.constant 0 : i32
      %dma_start3A_360 = tpu.memref_slice %arg2[%dma_start3A_358, %dma_start3A_359] : memref<10240x64xf32, #tpu.memory_space<hbm>> -> memref<10240x64xf32, #tpu.memory_space<hbm>>
      %dma_start3A_361 = tpu.memref_slice %arg12[%dma_start3A_351] : memref<4x!tpu.dma_semaphore, #tpu.memory_space<semaphore_mem>> -> memref<1x!tpu.dma_semaphore, #tpu.memory_space<semaphore_mem>>
      %dma_start3A_362 = tpu.memref_squeeze %dma_start3A_361 : memref<1x!tpu.dma_semaphore, #tpu.memory_space<semaphore_mem>> -> memref<!tpu.dma_semaphore, #tpu.memory_space<semaphore_mem>>
      tpu.enqueue_indirect_dma source(%dma_start3A_360 : memref<10240x64xf32, #tpu.memory_space<hbm>>) target(%dma_start3A_354 : memref<128x64xf32, #tpu.memory_space<vmem>>) offsets(%dma_start3A_357 : memref<128xi32, #tpu.memory_space<vmem>>) semaphore(%dma_start3A_362 : memref<!tpu.dma_semaphore, #tpu.memory_space<semaphore_mem>>)
    }
    %scan3A_58 = arith.constant 20 : i32
    %dma_wait3A = arith.constant 0 : i32
    %dma_wait3A_59 = arith.constant 0 : i32
    %dma_wait3A_60 = arith.constant 0 : i32
    %dma_wait3A_61 = arith.constant 0 : i32
    %dma_wait3A_62 = tpu.memref_slice %arg10[%dma_wait3A_60, %dma_wait3A_61] : memref<512x64xf32, #tpu.memory_space<vmem>> -> memref<128x64xf32, #tpu.memory_space<vmem>>
    %dma_wait3A_63 = arith.constant 0 : i32
    %dma_wait3A_64 = tpu.memref_slice %arg8[%dma_wait3A, %dma_wait3A_63] : memref<80x128xi32, #tpu.memory_space<vmem>> -> memref<1x128xi32, #tpu.memory_space<vmem>>
    %dma_wait3A_65 = tpu.memref_squeeze %dma_wait3A_64 : memref<1x128xi32, #tpu.memory_space<vmem>> -> memref<128xi32, #tpu.memory_space<vmem>>
    %dma_wait3A_66 = arith.constant 0 : i32
    %dma_wait3A_67 = arith.constant 0 : i32
    %dma_wait3A_68 = tpu.memref_slice %arg2[%dma_wait3A_66, %dma_wait3A_67] : memref<10240x64xf32, #tpu.memory_space<hbm>> -> memref<10240x64xf32, #tpu.memory_space<hbm>>
    %dma_wait3A_69 = tpu.memref_slice %arg12[%dma_wait3A_59] : memref<4x!tpu.dma_semaphore, #tpu.memory_space<semaphore_mem>> -> memref<1x!tpu.dma_semaphore, #tpu.memory_space<semaphore_mem>>
    %dma_wait3A_70 = tpu.memref_squeeze %dma_wait3A_69 : memref<1x!tpu.dma_semaphore, #tpu.memory_space<semaphore_mem>> -> memref<!tpu.dma_semaphore, #tpu.memory_space<semaphore_mem>>
    tpu.wait_indirect_dma semaphore(%dma_wait3A_70 : memref<!tpu.dma_semaphore, #tpu.memory_space<semaphore_mem>>) src(%dma_wait3A_68 : memref<10240x64xf32, #tpu.memory_space<hbm>>) dst(%dma_wait3A_62 : memref<128x64xf32, #tpu.memory_space<vmem>>)
    %dma_wait3A_71 = arith.constant 0 : i32
    %dma_wait3A_72 = arith.constant 1 : i32
    %dma_wait3A_73 = arith.constant 128 : i32
    %dma_wait3A_74 = arith.constant 0 : i32
    %dma_wait3A_75 = tpu.memref_slice %arg10[%dma_wait3A_73, %dma_wait3A_74] : memref<512x64xf32, #tpu.memory_space<vmem>> -> memref<128x64xf32, #tpu.memory_space<vmem>>
    %dma_wait3A_76 = arith.constant 0 : i32
    %dma_wait3A_77 = tpu.memref_slice %arg8[%dma_wait3A_71, %dma_wait3A_76] : memref<80x128xi32, #tpu.memory_space<vmem>> -> memref<1x128xi32, #tpu.memory_space<vmem>>
    %dma_wait3A_78 = tpu.memref_squeeze %dma_wait3A_77 : memref<1x128xi32, #tpu.memory_space<vmem>> -> memref<128xi32, #tpu.memory_space<vmem>>
    %dma_wait3A_79 = arith.constant 0 : i32
    %dma_wait3A_80 = arith.constant 0 : i32
    %dma_wait3A_81 = tpu.memref_slice %arg2[%dma_wait3A_79, %dma_wait3A_80] : memref<10240x64xf32, #tpu.memory_space<hbm>> -> memref<10240x64xf32, #tpu.memory_space<hbm>>
    %dma_wait3A_82 = tpu.memref_slice %arg12[%dma_wait3A_72] : memref<4x!tpu.dma_semaphore, #tpu.memory_space<semaphore_mem>> -> memref<1x!tpu.dma_semaphore, #tpu.memory_space<semaphore_mem>>
    %dma_wait3A_83 = tpu.memref_squeeze %dma_wait3A_82 : memref<1x!tpu.dma_semaphore, #tpu.memory_space<semaphore_mem>> -> memref<!tpu.dma_semaphore, #tpu.memory_space<semaphore_mem>>
    tpu.wait_indirect_dma semaphore(%dma_wait3A_83 : memref<!tpu.dma_semaphore, #tpu.memory_space<semaphore_mem>>) src(%dma_wait3A_81 : memref<10240x64xf32, #tpu.memory_space<hbm>>) dst(%dma_wait3A_75 : memref<128x64xf32, #tpu.memory_space<vmem>>)
    %dma_wait3A_84 = arith.constant 0 : i32
    %dma_wait3A_85 = arith.constant 2 : i32
    %dma_wait3A_86 = arith.constant 256 : i32
    %dma_wait3A_87 = arith.constant 0 : i32
    %dma_wait3A_88 = tpu.memref_slice %arg10[%dma_wait3A_86, %dma_wait3A_87] : memref<512x64xf32, #tpu.memory_space<vmem>> -> memref<128x64xf32, #tpu.memory_space<vmem>>
    %dma_wait3A_89 = arith.constant 0 : i32
    %dma_wait3A_90 = tpu.memref_slice %arg8[%dma_wait3A_84, %dma_wait3A_89] : memref<80x128xi32, #tpu.memory_space<vmem>> -> memref<1x128xi32, #tpu.memory_space<vmem>>
    %dma_wait3A_91 = tpu.memref_squeeze %dma_wait3A_90 : memref<1x128xi32, #tpu.memory_space<vmem>> -> memref<128xi32, #tpu.memory_space<vmem>>
    %dma_wait3A_92 = arith.constant 0 : i32
    %dma_wait3A_93 = arith.constant 0 : i32
    %dma_wait3A_94 = tpu.memref_slice %arg2[%dma_wait3A_92, %dma_wait3A_93] : memref<10240x64xf32, #tpu.memory_space<hbm>> -> memref<10240x64xf32, #tpu.memory_space<hbm>>
    %dma_wait3A_95 = tpu.memref_slice %arg12[%dma_wait3A_85] : memref<4x!tpu.dma_semaphore, #tpu.memory_space<semaphore_mem>> -> memref<1x!tpu.dma_semaphore, #tpu.memory_space<semaphore_mem>>
    %dma_wait3A_96 = tpu.memref_squeeze %dma_wait3A_95 : memref<1x!tpu.dma_semaphore, #tpu.memory_space<semaphore_mem>> -> memref<!tpu.dma_semaphore, #tpu.memory_space<semaphore_mem>>
    tpu.wait_indirect_dma semaphore(%dma_wait3A_96 : memref<!tpu.dma_semaphore, #tpu.memory_space<semaphore_mem>>) src(%dma_wait3A_94 : memref<10240x64xf32, #tpu.memory_space<hbm>>) dst(%dma_wait3A_88 : memref<128x64xf32, #tpu.memory_space<vmem>>)
    %dma_wait3A_97 = arith.constant 0 : i32
    %dma_wait3A_98 = arith.constant 3 : i32
    %dma_wait3A_99 = arith.constant 384 : i32
    %dma_wait3A_100 = arith.constant 0 : i32
    %dma_wait3A_101 = tpu.memref_slice %arg10[%dma_wait3A_99, %dma_wait3A_100] : memref<512x64xf32, #tpu.memory_space<vmem>> -> memref<128x64xf32, #tpu.memory_space<vmem>>
    %dma_wait3A_102 = arith.constant 0 : i32
    %dma_wait3A_103 = tpu.memref_slice %arg8[%dma_wait3A_97, %dma_wait3A_102] : memref<80x128xi32, #tpu.memory_space<vmem>> -> memref<1x128xi32, #tpu.memory_space<vmem>>
    %dma_wait3A_104 = tpu.memref_squeeze %dma_wait3A_103 : memref<1x128xi32, #tpu.memory_space<vmem>> -> memref<128xi32, #tpu.memory_space<vmem>>
    %dma_wait3A_105 = arith.constant 0 : i32
    %dma_wait3A_106 = arith.constant 0 : i32
    %dma_wait3A_107 = tpu.memref_slice %arg2[%dma_wait3A_105, %dma_wait3A_106] : memref<10240x64xf32, #tpu.memory_space<hbm>> -> memref<10240x64xf32, #tpu.memory_space<hbm>>
    %dma_wait3A_108 = tpu.memref_slice %arg12[%dma_wait3A_98] : memref<4x!tpu.dma_semaphore, #tpu.memory_space<semaphore_mem>> -> memref<1x!tpu.dma_semaphore, #tpu.memory_space<semaphore_mem>>
    %dma_wait3A_109 = tpu.memref_squeeze %dma_wait3A_108 : memref<1x!tpu.dma_semaphore, #tpu.memory_space<semaphore_mem>> -> memref<!tpu.dma_semaphore, #tpu.memory_space<semaphore_mem>>
    tpu.wait_indirect_dma semaphore(%dma_wait3A_109 : memref<!tpu.dma_semaphore, #tpu.memory_space<semaphore_mem>>) src(%dma_wait3A_107 : memref<10240x64xf32, #tpu.memory_space<hbm>>) dst(%dma_wait3A_101 : memref<128x64xf32, #tpu.memory_space<vmem>>)
    %barrier3A_110 = arith.constant 0 : index
    tpu.barrier barrier_id(%barrier3A_110)
    %mul3A_111 = arith.constant 640 : i32
    %mul3A_112 = arith.muli %arg1, %mul3A_111 : i32
    "tpu.region"() ({
      %run_scoped3A = tpu.sem_alloc : memref<!tpu.dma_semaphore, #tpu.memory_space<semaphore_mem>>
      %dma_start3A_229 = arith.constant 0 : i32
      %dma_start3A_230 = tpu.memref_slice %arg6[%arg0, %mul3A_112, %dma_start3A_229] : memref<2x10240x64xf32, #tpu.memory_space<hbm>> -> memref<1x640x64xf32, #tpu.memory_space<hbm>>
      %dma_start3A_231 = tpu.memref_squeeze %dma_start3A_230 : memref<1x640x64xf32, #tpu.memory_space<hbm>> -> memref<640x64xf32, #tpu.memory_space<hbm>>
      %dma_start3A_232 = arith.constant 0 : i32
      %dma_start3A_233 = tpu.memref_slice %arg11[%mul3A_112, %dma_start3A_232] : memref<10240x64xf32, #tpu.memory_space<vmem_shared>> -> memref<640x64xf32, #tpu.memory_space<vmem_shared>>
      tpu.enqueue_dma source(%dma_start3A_233 : memref<640x64xf32, #tpu.memory_space<vmem_shared>>) target(%dma_start3A_231 : memref<640x64xf32, #tpu.memory_space<hbm>>) target_semaphore(%run_scoped3A : memref<!tpu.dma_semaphore, #tpu.memory_space<semaphore_mem>>)
      %dma_wait3A_234 = arith.constant 0 : i32
      %dma_wait3A_235 = tpu.memref_slice %arg6[%arg0, %mul3A_112, %dma_wait3A_234] : memref<2x10240x64xf32, #tpu.memory_space<hbm>> -> memref<1x640x64xf32, #tpu.memory_space<hbm>>
      %dma_wait3A_236 = tpu.memref_squeeze %dma_wait3A_235 : memref<1x640x64xf32, #tpu.memory_space<hbm>> -> memref<640x64xf32, #tpu.memory_space<hbm>>
      %dma_wait3A_237 = arith.constant 0 : i32
      %dma_wait3A_238 = tpu.memref_slice %arg11[%mul3A_112, %dma_wait3A_237] : memref<10240x64xf32, #tpu.memory_space<vmem_shared>> -> memref<640x64xf32, #tpu.memory_space<vmem_shared>>
      tpu.wait_dma2 semaphore(%run_scoped3A : memref<!tpu.dma_semaphore, #tpu.memory_space<semaphore_mem>>) src(%dma_wait3A_238 : memref<640x64xf32, #tpu.memory_space<vmem_shared>>) dst(%dma_wait3A_236 : memref<640x64xf32, #tpu.memory_space<hbm>>)
      tpu.yield
    }) : () -> ()
    %mul3A_113 = arith.constant 640 : i32
    %mul3A_114 = arith.muli %arg1, %mul3A_113 : i32
    "tpu.region"() ({
      %run_scoped3A = tpu.sem_alloc : memref<!tpu.dma_semaphore, #tpu.memory_space<semaphore_mem>>
      %dma_start3A_229 = arith.constant 0 : i32
      %dma_start3A_230 = tpu.memref_slice %arg11[%mul3A_114, %dma_start3A_229] : memref<10240x64xf32, #tpu.memory_space<vmem_shared>> -> memref<640x64xf32, #tpu.memory_space<vmem_shared>>
      %dma_start3A_231 = arith.constant 0 : i32
      %dma_start3A_232 = tpu.memref_slice %arg3[%mul3A_114, %dma_start3A_231] : memref<10240x64xf32, #tpu.memory_space<hbm>> -> memref<640x64xf32, #tpu.memory_space<hbm>>
      tpu.enqueue_dma source(%dma_start3A_232 : memref<640x64xf32, #tpu.memory_space<hbm>>) target(%dma_start3A_230 : memref<640x64xf32, #tpu.memory_space<vmem_shared>>) target_semaphore(%run_scoped3A : memref<!tpu.dma_semaphore, #tpu.memory_space<semaphore_mem>>)
      %dma_wait3A_233 = arith.constant 0 : i32
      %dma_wait3A_234 = tpu.memref_slice %arg11[%mul3A_114, %dma_wait3A_233] : memref<10240x64xf32, #tpu.memory_space<vmem_shared>> -> memref<640x64xf32, #tpu.memory_space<vmem_shared>>
      %dma_wait3A_235 = arith.constant 0 : i32
      %dma_wait3A_236 = tpu.memref_slice %arg3[%mul3A_114, %dma_wait3A_235] : memref<10240x64xf32, #tpu.memory_space<hbm>> -> memref<640x64xf32, #tpu.memory_space<hbm>>
      tpu.wait_dma2 semaphore(%run_scoped3A : memref<!tpu.dma_semaphore, #tpu.memory_space<semaphore_mem>>) src(%dma_wait3A_236 : memref<640x64xf32, #tpu.memory_space<hbm>>) dst(%dma_wait3A_234 : memref<640x64xf32, #tpu.memory_space<vmem_shared>>)
      tpu.yield
    }) : () -> ()
    %barrier3A_115 = arith.constant 0 : index
    tpu.barrier barrier_id(%barrier3A_115)
    %dma_start3A_116 = arith.constant 0 : i32
    %dma_start3A_117 = arith.constant 0 : i32
    %dma_start3A_118 = arith.constant 0 : i32
    %dma_start3A_119 = arith.constant 0 : i32
    %dma_start3A_120 = tpu.memref_slice %arg10[%dma_start3A_118, %dma_start3A_119] : memref<512x64xf32, #tpu.memory_space<vmem>> -> memref<128x64xf32, #tpu.memory_space<vmem>>
    %dma_start3A_121 = arith.constant 0 : i32
    %dma_start3A_122 = tpu.memref_slice %arg8[%dma_start3A_116, %dma_start3A_121] : memref<80x128xi32, #tpu.memory_space<vmem>> -> memref<1x128xi32, #tpu.memory_space<vmem>>
    %dma_start3A_123 = tpu.memref_squeeze %dma_start3A_122 : memref<1x128xi32, #tpu.memory_space<vmem>> -> memref<128xi32, #tpu.memory_space<vmem>>
    %dma_start3A_124 = arith.constant 0 : i32
    %dma_start3A_125 = arith.constant 0 : i32
    %dma_start3A_126 = tpu.memref_slice %arg3[%dma_start3A_124, %dma_start3A_125] : memref<10240x64xf32, #tpu.memory_space<hbm>> -> memref<10240x64xf32, #tpu.memory_space<hbm>>
    %dma_start3A_127 = tpu.memref_slice %arg12[%dma_start3A_117] : memref<4x!tpu.dma_semaphore, #tpu.memory_space<semaphore_mem>> -> memref<1x!tpu.dma_semaphore, #tpu.memory_space<semaphore_mem>>
    %dma_start3A_128 = tpu.memref_squeeze %dma_start3A_127 : memref<1x!tpu.dma_semaphore, #tpu.memory_space<semaphore_mem>> -> memref<!tpu.dma_semaphore, #tpu.memory_space<semaphore_mem>>
    tpu.enqueue_indirect_dma source(%dma_start3A_126 : memref<10240x64xf32, #tpu.memory_space<hbm>>) target(%dma_start3A_120 : memref<128x64xf32, #tpu.memory_space<vmem>>) offsets(%dma_start3A_123 : memref<128xi32, #tpu.memory_space<vmem>>) semaphore(%dma_start3A_128 : memref<!tpu.dma_semaphore, #tpu.memory_space<semaphore_mem>>)
    %dma_start3A_129 = arith.constant 1 : i32
    %dma_start3A_130 = arith.constant 1 : i32
    %dma_start3A_131 = arith.constant 128 : i32
    %dma_start3A_132 = arith.constant 0 : i32
    %dma_start3A_133 = tpu.memref_slice %arg10[%dma_start3A_131, %dma_start3A_132] : memref<512x64xf32, #tpu.memory_space<vmem>> -> memref<128x64xf32, #tpu.memory_space<vmem>>
    %dma_start3A_134 = arith.constant 0 : i32
    %dma_start3A_135 = tpu.memref_slice %arg8[%dma_start3A_129, %dma_start3A_134] : memref<80x128xi32, #tpu.memory_space<vmem>> -> memref<1x128xi32, #tpu.memory_space<vmem>>
    %dma_start3A_136 = tpu.memref_squeeze %dma_start3A_135 : memref<1x128xi32, #tpu.memory_space<vmem>> -> memref<128xi32, #tpu.memory_space<vmem>>
    %dma_start3A_137 = arith.constant 0 : i32
    %dma_start3A_138 = arith.constant 0 : i32
    %dma_start3A_139 = tpu.memref_slice %arg3[%dma_start3A_137, %dma_start3A_138] : memref<10240x64xf32, #tpu.memory_space<hbm>> -> memref<10240x64xf32, #tpu.memory_space<hbm>>
    %dma_start3A_140 = tpu.memref_slice %arg12[%dma_start3A_130] : memref<4x!tpu.dma_semaphore, #tpu.memory_space<semaphore_mem>> -> memref<1x!tpu.dma_semaphore, #tpu.memory_space<semaphore_mem>>
    %dma_start3A_141 = tpu.memref_squeeze %dma_start3A_140 : memref<1x!tpu.dma_semaphore, #tpu.memory_space<semaphore_mem>> -> memref<!tpu.dma_semaphore, #tpu.memory_space<semaphore_mem>>
    tpu.enqueue_indirect_dma source(%dma_start3A_139 : memref<10240x64xf32, #tpu.memory_space<hbm>>) target(%dma_start3A_133 : memref<128x64xf32, #tpu.memory_space<vmem>>) offsets(%dma_start3A_136 : memref<128xi32, #tpu.memory_space<vmem>>) semaphore(%dma_start3A_141 : memref<!tpu.dma_semaphore, #tpu.memory_space<semaphore_mem>>)
    %dma_start3A_142 = arith.constant 2 : i32
    %dma_start3A_143 = arith.constant 2 : i32
    %dma_start3A_144 = arith.constant 256 : i32
    %dma_start3A_145 = arith.constant 0 : i32
    %dma_start3A_146 = tpu.memref_slice %arg10[%dma_start3A_144, %dma_start3A_145] : memref<512x64xf32, #tpu.memory_space<vmem>> -> memref<128x64xf32, #tpu.memory_space<vmem>>
    %dma_start3A_147 = arith.constant 0 : i32
    %dma_start3A_148 = tpu.memref_slice %arg8[%dma_start3A_142, %dma_start3A_147] : memref<80x128xi32, #tpu.memory_space<vmem>> -> memref<1x128xi32, #tpu.memory_space<vmem>>
    %dma_start3A_149 = tpu.memref_squeeze %dma_start3A_148 : memref<1x128xi32, #tpu.memory_space<vmem>> -> memref<128xi32, #tpu.memory_space<vmem>>
    %dma_start3A_150 = arith.constant 0 : i32
    %dma_start3A_151 = arith.constant 0 : i32
    %dma_start3A_152 = tpu.memref_slice %arg3[%dma_start3A_150, %dma_start3A_151] : memref<10240x64xf32, #tpu.memory_space<hbm>> -> memref<10240x64xf32, #tpu.memory_space<hbm>>
    %dma_start3A_153 = tpu.memref_slice %arg12[%dma_start3A_143] : memref<4x!tpu.dma_semaphore, #tpu.memory_space<semaphore_mem>> -> memref<1x!tpu.dma_semaphore, #tpu.memory_space<semaphore_mem>>
    %dma_start3A_154 = tpu.memref_squeeze %dma_start3A_153 : memref<1x!tpu.dma_semaphore, #tpu.memory_space<semaphore_mem>> -> memref<!tpu.dma_semaphore, #tpu.memory_space<semaphore_mem>>
    tpu.enqueue_indirect_dma source(%dma_start3A_152 : memref<10240x64xf32, #tpu.memory_space<hbm>>) target(%dma_start3A_146 : memref<128x64xf32, #tpu.memory_space<vmem>>) offsets(%dma_start3A_149 : memref<128xi32, #tpu.memory_space<vmem>>) semaphore(%dma_start3A_154 : memref<!tpu.dma_semaphore, #tpu.memory_space<semaphore_mem>>)
    %dma_start3A_155 = arith.constant 3 : i32
    %dma_start3A_156 = arith.constant 3 : i32
    %dma_start3A_157 = arith.constant 384 : i32
    %dma_start3A_158 = arith.constant 0 : i32
    %dma_start3A_159 = tpu.memref_slice %arg10[%dma_start3A_157, %dma_start3A_158] : memref<512x64xf32, #tpu.memory_space<vmem>> -> memref<128x64xf32, #tpu.memory_space<vmem>>
    %dma_start3A_160 = arith.constant 0 : i32
    %dma_start3A_161 = tpu.memref_slice %arg8[%dma_start3A_155, %dma_start3A_160] : memref<80x128xi32, #tpu.memory_space<vmem>> -> memref<1x128xi32, #tpu.memory_space<vmem>>
    %dma_start3A_162 = tpu.memref_squeeze %dma_start3A_161 : memref<1x128xi32, #tpu.memory_space<vmem>> -> memref<128xi32, #tpu.memory_space<vmem>>
    %dma_start3A_163 = arith.constant 0 : i32
    %dma_start3A_164 = arith.constant 0 : i32
    %dma_start3A_165 = tpu.memref_slice %arg3[%dma_start3A_163, %dma_start3A_164] : memref<10240x64xf32, #tpu.memory_space<hbm>> -> memref<10240x64xf32, #tpu.memory_space<hbm>>
    %dma_start3A_166 = tpu.memref_slice %arg12[%dma_start3A_156] : memref<4x!tpu.dma_semaphore, #tpu.memory_space<semaphore_mem>> -> memref<1x!tpu.dma_semaphore, #tpu.memory_space<semaphore_mem>>
    %dma_start3A_167 = tpu.memref_squeeze %dma_start3A_166 : memref<1x!tpu.dma_semaphore, #tpu.memory_space<semaphore_mem>> -> memref<!tpu.dma_semaphore, #tpu.memory_space<semaphore_mem>>
    tpu.enqueue_indirect_dma source(%dma_start3A_165 : memref<10240x64xf32, #tpu.memory_space<hbm>>) target(%dma_start3A_159 : memref<128x64xf32, #tpu.memory_space<vmem>>) offsets(%dma_start3A_162 : memref<128xi32, #tpu.memory_space<vmem>>) semaphore(%dma_start3A_167 : memref<!tpu.dma_semaphore, #tpu.memory_space<semaphore_mem>>)
    %scan3A_168 = arith.constant 0 : i32
    %scan3A_169 = arith.constant 0 : i32
    %scan3A_170 = arith.constant 20 : i32
    %scan3A_171 = arith.addi %scan3A_169, %scan3A_170 : i32
    %scan3A_172 = arith.constant 1 : i32
    scf.for %scan3A_229 = %scan3A_169 to %scan3A_171 step %scan3A_172  : i32 {
      %mul3A_230 = arith.constant 4 : i32
      %mul3A_231 = arith.muli %scan3A_229, %mul3A_230 : i32
      %dma_wait3A_232 = arith.constant 0 : i32
      %dma_wait3A_233 = arith.constant 0 : i32
      %dma_wait3A_234 = arith.constant 0 : i32
      %dma_wait3A_235 = arith.constant 0 : i32
      %dma_wait3A_236 = tpu.memref_slice %arg10[%dma_wait3A_234, %dma_wait3A_235] : memref<512x64xf32, #tpu.memory_space<vmem>> -> memref<128x64xf32, #tpu.memory_space<vmem>>
      %dma_wait3A_237 = arith.constant 0 : i32
      %dma_wait3A_238 = tpu.memref_slice %arg8[%dma_wait3A_232, %dma_wait3A_237] : memref<80x128xi32, #tpu.memory_space<vmem>> -> memref<1x128xi32, #tpu.memory_space<vmem>>
      %dma_wait3A_239 = tpu.memref_squeeze %dma_wait3A_238 : memref<1x128xi32, #tpu.memory_space<vmem>> -> memref<128xi32, #tpu.memory_space<vmem>>
      %dma_wait3A_240 = arith.constant 0 : i32
      %dma_wait3A_241 = arith.constant 0 : i32
      %dma_wait3A_242 = tpu.memref_slice %arg3[%dma_wait3A_240, %dma_wait3A_241] : memref<10240x64xf32, #tpu.memory_space<hbm>> -> memref<10240x64xf32, #tpu.memory_space<hbm>>
      %dma_wait3A_243 = tpu.memref_slice %arg12[%dma_wait3A_233] : memref<4x!tpu.dma_semaphore, #tpu.memory_space<semaphore_mem>> -> memref<1x!tpu.dma_semaphore, #tpu.memory_space<semaphore_mem>>
      %dma_wait3A_244 = tpu.memref_squeeze %dma_wait3A_243 : memref<1x!tpu.dma_semaphore, #tpu.memory_space<semaphore_mem>> -> memref<!tpu.dma_semaphore, #tpu.memory_space<semaphore_mem>>
      tpu.wait_indirect_dma semaphore(%dma_wait3A_244 : memref<!tpu.dma_semaphore, #tpu.memory_space<semaphore_mem>>) src(%dma_wait3A_242 : memref<10240x64xf32, #tpu.memory_space<hbm>>) dst(%dma_wait3A_236 : memref<128x64xf32, #tpu.memory_space<vmem>>)
      %add3A_245 = arith.constant 0 : i32
      %add3A_246 = arith.addi %mul3A_231, %add3A_245 : i32
      "tpu.region"() ({
        %run_scoped3A = tpu.sem_alloc : memref<!tpu.dma_semaphore, #tpu.memory_space<semaphore_mem>>
        %dma_start3A_363 = arith.constant 0 : i32
        %dma_start3A_364 = arith.constant 0 : i32
        %dma_start3A_365 = tpu.memref_slice %arg10[%dma_start3A_363, %dma_start3A_364] : memref<512x64xf32, #tpu.memory_space<vmem>> -> memref<128x64xf32, #tpu.memory_space<vmem>>
        %dma_start3A_366 = arith.constant 0 : i32
        %dma_start3A_367 = tpu.memref_slice %arg9[%add3A_246, %dma_start3A_366] : memref<80x128xi32, #tpu.memory_space<vmem>> -> memref<1x128xi32, #tpu.memory_space<vmem>>
        %dma_start3A_368 = tpu.memref_squeeze %dma_start3A_367 : memref<1x128xi32, #tpu.memory_space<vmem>> -> memref<128xi32, #tpu.memory_space<vmem>>
        %dma_start3A_369 = arith.constant 0 : i32
        %dma_start3A_370 = arith.constant 0 : i32
        %dma_start3A_371 = tpu.memref_slice %arg11[%dma_start3A_369, %dma_start3A_370] : memref<10240x64xf32, #tpu.memory_space<vmem_shared>> -> memref<10240x64xf32, #tpu.memory_space<vmem_shared>>
        tpu.enqueue_indirect_dma source(%dma_start3A_365 : memref<128x64xf32, #tpu.memory_space<vmem>>) target(%dma_start3A_371 : memref<10240x64xf32, #tpu.memory_space<vmem_shared>>) offsets(%dma_start3A_368 : memref<128xi32, #tpu.memory_space<vmem>>) semaphore(%run_scoped3A : memref<!tpu.dma_semaphore, #tpu.memory_space<semaphore_mem>>) {add = true}
        %dma_wait3A_372 = arith.constant 0 : i32
        %dma_wait3A_373 = arith.constant 0 : i32
        %dma_wait3A_374 = tpu.memref_slice %arg10[%dma_wait3A_372, %dma_wait3A_373] : memref<512x64xf32, #tpu.memory_space<vmem>> -> memref<128x64xf32, #tpu.memory_space<vmem>>
        %dma_wait3A_375 = arith.constant 0 : i32
        %dma_wait3A_376 = tpu.memref_slice %arg9[%add3A_246, %dma_wait3A_375] : memref<80x128xi32, #tpu.memory_space<vmem>> -> memref<1x128xi32, #tpu.memory_space<vmem>>
        %dma_wait3A_377 = tpu.memref_squeeze %dma_wait3A_376 : memref<1x128xi32, #tpu.memory_space<vmem>> -> memref<128xi32, #tpu.memory_space<vmem>>
        %dma_wait3A_378 = arith.constant 0 : i32
        %dma_wait3A_379 = arith.constant 0 : i32
        %dma_wait3A_380 = tpu.memref_slice %arg11[%dma_wait3A_378, %dma_wait3A_379] : memref<10240x64xf32, #tpu.memory_space<vmem_shared>> -> memref<10240x64xf32, #tpu.memory_space<vmem_shared>>
        tpu.wait_indirect_dma semaphore(%run_scoped3A : memref<!tpu.dma_semaphore, #tpu.memory_space<semaphore_mem>>) src(%dma_wait3A_374 : memref<128x64xf32, #tpu.memory_space<vmem>>) dst(%dma_wait3A_380 : memref<10240x64xf32, #tpu.memory_space<vmem_shared>>)
        tpu.yield
      }) : () -> ()
      %add3A_247 = arith.constant 4 : i32
      %add3A_248 = arith.addi %mul3A_231, %add3A_247 : i32
      %add3A_249 = arith.constant 0 : i32
      %add3A_250 = arith.addi %add3A_248, %add3A_249 : i32
      %min3A = arith.constant 79 : i32
      %min3A_251 = arith.minsi %add3A_250, %min3A : i32
      %dma_start3A_252 = arith.constant 0 : i32
      %dma_start3A_253 = arith.constant 0 : i32
      %dma_start3A_254 = arith.constant 0 : i32
      %dma_start3A_255 = tpu.memref_slice %arg10[%dma_start3A_253, %dma_start3A_254] : memref<512x64xf32, #tpu.memory_space<vmem>> -> memref<128x64xf32, #tpu.memory_space<vmem>>
      %dma_start3A_256 = arith.constant 0 : i32
      %dma_start3A_257 = tpu.memref_slice %arg8[%min3A_251, %dma_start3A_256] : memref<80x128xi32, #tpu.memory_space<vmem>> -> memref<1x128xi32, #tpu.memory_space<vmem>>
      %dma_start3A_258 = tpu.memref_squeeze %dma_start3A_257 : memref<1x128xi32, #tpu.memory_space<vmem>> -> memref<128xi32, #tpu.memory_space<vmem>>
      %dma_start3A_259 = arith.constant 0 : i32
      %dma_start3A_260 = arith.constant 0 : i32
      %dma_start3A_261 = tpu.memref_slice %arg3[%dma_start3A_259, %dma_start3A_260] : memref<10240x64xf32, #tpu.memory_space<hbm>> -> memref<10240x64xf32, #tpu.memory_space<hbm>>
      %dma_start3A_262 = tpu.memref_slice %arg12[%dma_start3A_252] : memref<4x!tpu.dma_semaphore, #tpu.memory_space<semaphore_mem>> -> memref<1x!tpu.dma_semaphore, #tpu.memory_space<semaphore_mem>>
      %dma_start3A_263 = tpu.memref_squeeze %dma_start3A_262 : memref<1x!tpu.dma_semaphore, #tpu.memory_space<semaphore_mem>> -> memref<!tpu.dma_semaphore, #tpu.memory_space<semaphore_mem>>
      tpu.enqueue_indirect_dma source(%dma_start3A_261 : memref<10240x64xf32, #tpu.memory_space<hbm>>) target(%dma_start3A_255 : memref<128x64xf32, #tpu.memory_space<vmem>>) offsets(%dma_start3A_258 : memref<128xi32, #tpu.memory_space<vmem>>) semaphore(%dma_start3A_263 : memref<!tpu.dma_semaphore, #tpu.memory_space<semaphore_mem>>)
      %dma_wait3A_264 = arith.constant 0 : i32
      %dma_wait3A_265 = arith.constant 1 : i32
      %dma_wait3A_266 = arith.constant 128 : i32
      %dma_wait3A_267 = arith.constant 0 : i32
      %dma_wait3A_268 = tpu.memref_slice %arg10[%dma_wait3A_266, %dma_wait3A_267] : memref<512x64xf32, #tpu.memory_space<vmem>> -> memref<128x64xf32, #tpu.memory_space<vmem>>
      %dma_wait3A_269 = arith.constant 0 : i32
      %dma_wait3A_270 = tpu.memref_slice %arg8[%dma_wait3A_264, %dma_wait3A_269] : memref<80x128xi32, #tpu.memory_space<vmem>> -> memref<1x128xi32, #tpu.memory_space<vmem>>
      %dma_wait3A_271 = tpu.memref_squeeze %dma_wait3A_270 : memref<1x128xi32, #tpu.memory_space<vmem>> -> memref<128xi32, #tpu.memory_space<vmem>>
      %dma_wait3A_272 = arith.constant 0 : i32
      %dma_wait3A_273 = arith.constant 0 : i32
      %dma_wait3A_274 = tpu.memref_slice %arg3[%dma_wait3A_272, %dma_wait3A_273] : memref<10240x64xf32, #tpu.memory_space<hbm>> -> memref<10240x64xf32, #tpu.memory_space<hbm>>
      %dma_wait3A_275 = tpu.memref_slice %arg12[%dma_wait3A_265] : memref<4x!tpu.dma_semaphore, #tpu.memory_space<semaphore_mem>> -> memref<1x!tpu.dma_semaphore, #tpu.memory_space<semaphore_mem>>
      %dma_wait3A_276 = tpu.memref_squeeze %dma_wait3A_275 : memref<1x!tpu.dma_semaphore, #tpu.memory_space<semaphore_mem>> -> memref<!tpu.dma_semaphore, #tpu.memory_space<semaphore_mem>>
      tpu.wait_indirect_dma semaphore(%dma_wait3A_276 : memref<!tpu.dma_semaphore, #tpu.memory_space<semaphore_mem>>) src(%dma_wait3A_274 : memref<10240x64xf32, #tpu.memory_space<hbm>>) dst(%dma_wait3A_268 : memref<128x64xf32, #tpu.memory_space<vmem>>)
      %add3A_277 = arith.constant 1 : i32
      %add3A_278 = arith.addi %mul3A_231, %add3A_277 : i32
      "tpu.region"() ({
        %run_scoped3A = tpu.sem_alloc : memref<!tpu.dma_semaphore, #tpu.memory_space<semaphore_mem>>
        %dma_start3A_363 = arith.constant 128 : i32
        %dma_start3A_364 = arith.constant 0 : i32
        %dma_start3A_365 = tpu.memref_slice %arg10[%dma_start3A_363, %dma_start3A_364] : memref<512x64xf32, #tpu.memory_space<vmem>> -> memref<128x64xf32, #tpu.memory_space<vmem>>
        %dma_start3A_366 = arith.constant 0 : i32
        %dma_start3A_367 = tpu.memref_slice %arg9[%add3A_278, %dma_start3A_366] : memref<80x128xi32, #tpu.memory_space<vmem>> -> memref<1x128xi32, #tpu.memory_space<vmem>>
        %dma_start3A_368 = tpu.memref_squeeze %dma_start3A_367 : memref<1x128xi32, #tpu.memory_space<vmem>> -> memref<128xi32, #tpu.memory_space<vmem>>
        %dma_start3A_369 = arith.constant 0 : i32
        %dma_start3A_370 = arith.constant 0 : i32
        %dma_start3A_371 = tpu.memref_slice %arg11[%dma_start3A_369, %dma_start3A_370] : memref<10240x64xf32, #tpu.memory_space<vmem_shared>> -> memref<10240x64xf32, #tpu.memory_space<vmem_shared>>
        tpu.enqueue_indirect_dma source(%dma_start3A_365 : memref<128x64xf32, #tpu.memory_space<vmem>>) target(%dma_start3A_371 : memref<10240x64xf32, #tpu.memory_space<vmem_shared>>) offsets(%dma_start3A_368 : memref<128xi32, #tpu.memory_space<vmem>>) semaphore(%run_scoped3A : memref<!tpu.dma_semaphore, #tpu.memory_space<semaphore_mem>>) {add = true}
        %dma_wait3A_372 = arith.constant 128 : i32
        %dma_wait3A_373 = arith.constant 0 : i32
        %dma_wait3A_374 = tpu.memref_slice %arg10[%dma_wait3A_372, %dma_wait3A_373] : memref<512x64xf32, #tpu.memory_space<vmem>> -> memref<128x64xf32, #tpu.memory_space<vmem>>
        %dma_wait3A_375 = arith.constant 0 : i32
        %dma_wait3A_376 = tpu.memref_slice %arg9[%add3A_278, %dma_wait3A_375] : memref<80x128xi32, #tpu.memory_space<vmem>> -> memref<1x128xi32, #tpu.memory_space<vmem>>
        %dma_wait3A_377 = tpu.memref_squeeze %dma_wait3A_376 : memref<1x128xi32, #tpu.memory_space<vmem>> -> memref<128xi32, #tpu.memory_space<vmem>>
        %dma_wait3A_378 = arith.constant 0 : i32
        %dma_wait3A_379 = arith.constant 0 : i32
        %dma_wait3A_380 = tpu.memref_slice %arg11[%dma_wait3A_378, %dma_wait3A_379] : memref<10240x64xf32, #tpu.memory_space<vmem_shared>> -> memref<10240x64xf32, #tpu.memory_space<vmem_shared>>
        tpu.wait_indirect_dma semaphore(%run_scoped3A : memref<!tpu.dma_semaphore, #tpu.memory_space<semaphore_mem>>) src(%dma_wait3A_374 : memref<128x64xf32, #tpu.memory_space<vmem>>) dst(%dma_wait3A_380 : memref<10240x64xf32, #tpu.memory_space<vmem_shared>>)
        tpu.yield
      }) : () -> ()
      %add3A_279 = arith.constant 4 : i32
      %add3A_280 = arith.addi %mul3A_231, %add3A_279 : i32
      %add3A_281 = arith.constant 1 : i32
      %add3A_282 = arith.addi %add3A_280, %add3A_281 : i32
      %min3A_283 = arith.constant 79 : i32
      %min3A_284 = arith.minsi %add3A_282, %min3A_283 : i32
      %dma_start3A_285 = arith.constant 1 : i32
      %dma_start3A_286 = arith.constant 128 : i32
      %dma_start3A_287 = arith.constant 0 : i32
      %dma_start3A_288 = tpu.memref_slice %arg10[%dma_start3A_286, %dma_start3A_287] : memref<512x64xf32, #tpu.memory_space<vmem>> -> memref<128x64xf32, #tpu.memory_space<vmem>>
      %dma_start3A_289 = arith.constant 0 : i32
      %dma_start3A_290 = tpu.memref_slice %arg8[%min3A_284, %dma_start3A_289] : memref<80x128xi32, #tpu.memory_space<vmem>> -> memref<1x128xi32, #tpu.memory_space<vmem>>
      %dma_start3A_291 = tpu.memref_squeeze %dma_start3A_290 : memref<1x128xi32, #tpu.memory_space<vmem>> -> memref<128xi32, #tpu.memory_space<vmem>>
      %dma_start3A_292 = arith.constant 0 : i32
      %dma_start3A_293 = arith.constant 0 : i32
      %dma_start3A_294 = tpu.memref_slice %arg3[%dma_start3A_292, %dma_start3A_293] : memref<10240x64xf32, #tpu.memory_space<hbm>> -> memref<10240x64xf32, #tpu.memory_space<hbm>>
      %dma_start3A_295 = tpu.memref_slice %arg12[%dma_start3A_285] : memref<4x!tpu.dma_semaphore, #tpu.memory_space<semaphore_mem>> -> memref<1x!tpu.dma_semaphore, #tpu.memory_space<semaphore_mem>>
      %dma_start3A_296 = tpu.memref_squeeze %dma_start3A_295 : memref<1x!tpu.dma_semaphore, #tpu.memory_space<semaphore_mem>> -> memref<!tpu.dma_semaphore, #tpu.memory_space<semaphore_mem>>
      tpu.enqueue_indirect_dma source(%dma_start3A_294 : memref<10240x64xf32, #tpu.memory_space<hbm>>) target(%dma_start3A_288 : memref<128x64xf32, #tpu.memory_space<vmem>>) offsets(%dma_start3A_291 : memref<128xi32, #tpu.memory_space<vmem>>) semaphore(%dma_start3A_296 : memref<!tpu.dma_semaphore, #tpu.memory_space<semaphore_mem>>)
      %dma_wait3A_297 = arith.constant 0 : i32
      %dma_wait3A_298 = arith.constant 2 : i32
      %dma_wait3A_299 = arith.constant 256 : i32
      %dma_wait3A_300 = arith.constant 0 : i32
      %dma_wait3A_301 = tpu.memref_slice %arg10[%dma_wait3A_299, %dma_wait3A_300] : memref<512x64xf32, #tpu.memory_space<vmem>> -> memref<128x64xf32, #tpu.memory_space<vmem>>
      %dma_wait3A_302 = arith.constant 0 : i32
      %dma_wait3A_303 = tpu.memref_slice %arg8[%dma_wait3A_297, %dma_wait3A_302] : memref<80x128xi32, #tpu.memory_space<vmem>> -> memref<1x128xi32, #tpu.memory_space<vmem>>
      %dma_wait3A_304 = tpu.memref_squeeze %dma_wait3A_303 : memref<1x128xi32, #tpu.memory_space<vmem>> -> memref<128xi32, #tpu.memory_space<vmem>>
      %dma_wait3A_305 = arith.constant 0 : i32
      %dma_wait3A_306 = arith.constant 0 : i32
      %dma_wait3A_307 = tpu.memref_slice %arg3[%dma_wait3A_305, %dma_wait3A_306] : memref<10240x64xf32, #tpu.memory_space<hbm>> -> memref<10240x64xf32, #tpu.memory_space<hbm>>
      %dma_wait3A_308 = tpu.memref_slice %arg12[%dma_wait3A_298] : memref<4x!tpu.dma_semaphore, #tpu.memory_space<semaphore_mem>> -> memref<1x!tpu.dma_semaphore, #tpu.memory_space<semaphore_mem>>
      %dma_wait3A_309 = tpu.memref_squeeze %dma_wait3A_308 : memref<1x!tpu.dma_semaphore, #tpu.memory_space<semaphore_mem>> -> memref<!tpu.dma_semaphore, #tpu.memory_space<semaphore_mem>>
      tpu.wait_indirect_dma semaphore(%dma_wait3A_309 : memref<!tpu.dma_semaphore, #tpu.memory_space<semaphore_mem>>) src(%dma_wait3A_307 : memref<10240x64xf32, #tpu.memory_space<hbm>>) dst(%dma_wait3A_301 : memref<128x64xf32, #tpu.memory_space<vmem>>)
      %add3A_310 = arith.constant 2 : i32
      %add3A_311 = arith.addi %mul3A_231, %add3A_310 : i32
      "tpu.region"() ({
        %run_scoped3A = tpu.sem_alloc : memref<!tpu.dma_semaphore, #tpu.memory_space<semaphore_mem>>
        %dma_start3A_363 = arith.constant 256 : i32
        %dma_start3A_364 = arith.constant 0 : i32
        %dma_start3A_365 = tpu.memref_slice %arg10[%dma_start3A_363, %dma_start3A_364] : memref<512x64xf32, #tpu.memory_space<vmem>> -> memref<128x64xf32, #tpu.memory_space<vmem>>
        %dma_start3A_366 = arith.constant 0 : i32
        %dma_start3A_367 = tpu.memref_slice %arg9[%add3A_311, %dma_start3A_366] : memref<80x128xi32, #tpu.memory_space<vmem>> -> memref<1x128xi32, #tpu.memory_space<vmem>>
        %dma_start3A_368 = tpu.memref_squeeze %dma_start3A_367 : memref<1x128xi32, #tpu.memory_space<vmem>> -> memref<128xi32, #tpu.memory_space<vmem>>
        %dma_start3A_369 = arith.constant 0 : i32
        %dma_start3A_370 = arith.constant 0 : i32
        %dma_start3A_371 = tpu.memref_slice %arg11[%dma_start3A_369, %dma_start3A_370] : memref<10240x64xf32, #tpu.memory_space<vmem_shared>> -> memref<10240x64xf32, #tpu.memory_space<vmem_shared>>
        tpu.enqueue_indirect_dma source(%dma_start3A_365 : memref<128x64xf32, #tpu.memory_space<vmem>>) target(%dma_start3A_371 : memref<10240x64xf32, #tpu.memory_space<vmem_shared>>) offsets(%dma_start3A_368 : memref<128xi32, #tpu.memory_space<vmem>>) semaphore(%run_scoped3A : memref<!tpu.dma_semaphore, #tpu.memory_space<semaphore_mem>>) {add = true}
        %dma_wait3A_372 = arith.constant 256 : i32
        %dma_wait3A_373 = arith.constant 0 : i32
        %dma_wait3A_374 = tpu.memref_slice %arg10[%dma_wait3A_372, %dma_wait3A_373] : memref<512x64xf32, #tpu.memory_space<vmem>> -> memref<128x64xf32, #tpu.memory_space<vmem>>
        %dma_wait3A_375 = arith.constant 0 : i32
        %dma_wait3A_376 = tpu.memref_slice %arg9[%add3A_311, %dma_wait3A_375] : memref<80x128xi32, #tpu.memory_space<vmem>> -> memref<1x128xi32, #tpu.memory_space<vmem>>
        %dma_wait3A_377 = tpu.memref_squeeze %dma_wait3A_376 : memref<1x128xi32, #tpu.memory_space<vmem>> -> memref<128xi32, #tpu.memory_space<vmem>>
        %dma_wait3A_378 = arith.constant 0 : i32
        %dma_wait3A_379 = arith.constant 0 : i32
        %dma_wait3A_380 = tpu.memref_slice %arg11[%dma_wait3A_378, %dma_wait3A_379] : memref<10240x64xf32, #tpu.memory_space<vmem_shared>> -> memref<10240x64xf32, #tpu.memory_space<vmem_shared>>
        tpu.wait_indirect_dma semaphore(%run_scoped3A : memref<!tpu.dma_semaphore, #tpu.memory_space<semaphore_mem>>) src(%dma_wait3A_374 : memref<128x64xf32, #tpu.memory_space<vmem>>) dst(%dma_wait3A_380 : memref<10240x64xf32, #tpu.memory_space<vmem_shared>>)
        tpu.yield
      }) : () -> ()
      %add3A_312 = arith.constant 4 : i32
      %add3A_313 = arith.addi %mul3A_231, %add3A_312 : i32
      %add3A_314 = arith.constant 2 : i32
      %add3A_315 = arith.addi %add3A_313, %add3A_314 : i32
      %min3A_316 = arith.constant 79 : i32
      %min3A_317 = arith.minsi %add3A_315, %min3A_316 : i32
      %dma_start3A_318 = arith.constant 2 : i32
      %dma_start3A_319 = arith.constant 256 : i32
      %dma_start3A_320 = arith.constant 0 : i32
      %dma_start3A_321 = tpu.memref_slice %arg10[%dma_start3A_319, %dma_start3A_320] : memref<512x64xf32, #tpu.memory_space<vmem>> -> memref<128x64xf32, #tpu.memory_space<vmem>>
      %dma_start3A_322 = arith.constant 0 : i32
      %dma_start3A_323 = tpu.memref_slice %arg8[%min3A_317, %dma_start3A_322] : memref<80x128xi32, #tpu.memory_space<vmem>> -> memref<1x128xi32, #tpu.memory_space<vmem>>
      %dma_start3A_324 = tpu.memref_squeeze %dma_start3A_323 : memref<1x128xi32, #tpu.memory_space<vmem>> -> memref<128xi32, #tpu.memory_space<vmem>>
      %dma_start3A_325 = arith.constant 0 : i32
      %dma_start3A_326 = arith.constant 0 : i32
      %dma_start3A_327 = tpu.memref_slice %arg3[%dma_start3A_325, %dma_start3A_326] : memref<10240x64xf32, #tpu.memory_space<hbm>> -> memref<10240x64xf32, #tpu.memory_space<hbm>>
      %dma_start3A_328 = tpu.memref_slice %arg12[%dma_start3A_318] : memref<4x!tpu.dma_semaphore, #tpu.memory_space<semaphore_mem>> -> memref<1x!tpu.dma_semaphore, #tpu.memory_space<semaphore_mem>>
      %dma_start3A_329 = tpu.memref_squeeze %dma_start3A_328 : memref<1x!tpu.dma_semaphore, #tpu.memory_space<semaphore_mem>> -> memref<!tpu.dma_semaphore, #tpu.memory_space<semaphore_mem>>
      tpu.enqueue_indirect_dma source(%dma_start3A_327 : memref<10240x64xf32, #tpu.memory_space<hbm>>) target(%dma_start3A_321 : memref<128x64xf32, #tpu.memory_space<vmem>>) offsets(%dma_start3A_324 : memref<128xi32, #tpu.memory_space<vmem>>) semaphore(%dma_start3A_329 : memref<!tpu.dma_semaphore, #tpu.memory_space<semaphore_mem>>)
      %dma_wait3A_330 = arith.constant 0 : i32
      %dma_wait3A_331 = arith.constant 3 : i32
      %dma_wait3A_332 = arith.constant 384 : i32
      %dma_wait3A_333 = arith.constant 0 : i32
      %dma_wait3A_334 = tpu.memref_slice %arg10[%dma_wait3A_332, %dma_wait3A_333] : memref<512x64xf32, #tpu.memory_space<vmem>> -> memref<128x64xf32, #tpu.memory_space<vmem>>
      %dma_wait3A_335 = arith.constant 0 : i32
      %dma_wait3A_336 = tpu.memref_slice %arg8[%dma_wait3A_330, %dma_wait3A_335] : memref<80x128xi32, #tpu.memory_space<vmem>> -> memref<1x128xi32, #tpu.memory_space<vmem>>
      %dma_wait3A_337 = tpu.memref_squeeze %dma_wait3A_336 : memref<1x128xi32, #tpu.memory_space<vmem>> -> memref<128xi32, #tpu.memory_space<vmem>>
      %dma_wait3A_338 = arith.constant 0 : i32
      %dma_wait3A_339 = arith.constant 0 : i32
      %dma_wait3A_340 = tpu.memref_slice %arg3[%dma_wait3A_338, %dma_wait3A_339] : memref<10240x64xf32, #tpu.memory_space<hbm>> -> memref<10240x64xf32, #tpu.memory_space<hbm>>
      %dma_wait3A_341 = tpu.memref_slice %arg12[%dma_wait3A_331] : memref<4x!tpu.dma_semaphore, #tpu.memory_space<semaphore_mem>> -> memref<1x!tpu.dma_semaphore, #tpu.memory_space<semaphore_mem>>
      %dma_wait3A_342 = tpu.memref_squeeze %dma_wait3A_341 : memref<1x!tpu.dma_semaphore, #tpu.memory_space<semaphore_mem>> -> memref<!tpu.dma_semaphore, #tpu.memory_space<semaphore_mem>>
      tpu.wait_indirect_dma semaphore(%dma_wait3A_342 : memref<!tpu.dma_semaphore, #tpu.memory_space<semaphore_mem>>) src(%dma_wait3A_340 : memref<10240x64xf32, #tpu.memory_space<hbm>>) dst(%dma_wait3A_334 : memref<128x64xf32, #tpu.memory_space<vmem>>)
      %add3A_343 = arith.constant 3 : i32
      %add3A_344 = arith.addi %mul3A_231, %add3A_343 : i32
      "tpu.region"() ({
        %run_scoped3A = tpu.sem_alloc : memref<!tpu.dma_semaphore, #tpu.memory_space<semaphore_mem>>
        %dma_start3A_363 = arith.constant 384 : i32
        %dma_start3A_364 = arith.constant 0 : i32
        %dma_start3A_365 = tpu.memref_slice %arg10[%dma_start3A_363, %dma_start3A_364] : memref<512x64xf32, #tpu.memory_space<vmem>> -> memref<128x64xf32, #tpu.memory_space<vmem>>
        %dma_start3A_366 = arith.constant 0 : i32
        %dma_start3A_367 = tpu.memref_slice %arg9[%add3A_344, %dma_start3A_366] : memref<80x128xi32, #tpu.memory_space<vmem>> -> memref<1x128xi32, #tpu.memory_space<vmem>>
        %dma_start3A_368 = tpu.memref_squeeze %dma_start3A_367 : memref<1x128xi32, #tpu.memory_space<vmem>> -> memref<128xi32, #tpu.memory_space<vmem>>
        %dma_start3A_369 = arith.constant 0 : i32
        %dma_start3A_370 = arith.constant 0 : i32
        %dma_start3A_371 = tpu.memref_slice %arg11[%dma_start3A_369, %dma_start3A_370] : memref<10240x64xf32, #tpu.memory_space<vmem_shared>> -> memref<10240x64xf32, #tpu.memory_space<vmem_shared>>
        tpu.enqueue_indirect_dma source(%dma_start3A_365 : memref<128x64xf32, #tpu.memory_space<vmem>>) target(%dma_start3A_371 : memref<10240x64xf32, #tpu.memory_space<vmem_shared>>) offsets(%dma_start3A_368 : memref<128xi32, #tpu.memory_space<vmem>>) semaphore(%run_scoped3A : memref<!tpu.dma_semaphore, #tpu.memory_space<semaphore_mem>>) {add = true}
        %dma_wait3A_372 = arith.constant 384 : i32
        %dma_wait3A_373 = arith.constant 0 : i32
        %dma_wait3A_374 = tpu.memref_slice %arg10[%dma_wait3A_372, %dma_wait3A_373] : memref<512x64xf32, #tpu.memory_space<vmem>> -> memref<128x64xf32, #tpu.memory_space<vmem>>
        %dma_wait3A_375 = arith.constant 0 : i32
        %dma_wait3A_376 = tpu.memref_slice %arg9[%add3A_344, %dma_wait3A_375] : memref<80x128xi32, #tpu.memory_space<vmem>> -> memref<1x128xi32, #tpu.memory_space<vmem>>
        %dma_wait3A_377 = tpu.memref_squeeze %dma_wait3A_376 : memref<1x128xi32, #tpu.memory_space<vmem>> -> memref<128xi32, #tpu.memory_space<vmem>>
        %dma_wait3A_378 = arith.constant 0 : i32
        %dma_wait3A_379 = arith.constant 0 : i32
        %dma_wait3A_380 = tpu.memref_slice %arg11[%dma_wait3A_378, %dma_wait3A_379] : memref<10240x64xf32, #tpu.memory_space<vmem_shared>> -> memref<10240x64xf32, #tpu.memory_space<vmem_shared>>
        tpu.wait_indirect_dma semaphore(%run_scoped3A : memref<!tpu.dma_semaphore, #tpu.memory_space<semaphore_mem>>) src(%dma_wait3A_374 : memref<128x64xf32, #tpu.memory_space<vmem>>) dst(%dma_wait3A_380 : memref<10240x64xf32, #tpu.memory_space<vmem_shared>>)
        tpu.yield
      }) : () -> ()
      %add3A_345 = arith.constant 4 : i32
      %add3A_346 = arith.addi %mul3A_231, %add3A_345 : i32
      %add3A_347 = arith.constant 3 : i32
      %add3A_348 = arith.addi %add3A_346, %add3A_347 : i32
      %min3A_349 = arith.constant 79 : i32
      %min3A_350 = arith.minsi %add3A_348, %min3A_349 : i32
      %dma_start3A_351 = arith.constant 3 : i32
      %dma_start3A_352 = arith.constant 384 : i32
      %dma_start3A_353 = arith.constant 0 : i32
      %dma_start3A_354 = tpu.memref_slice %arg10[%dma_start3A_352, %dma_start3A_353] : memref<512x64xf32, #tpu.memory_space<vmem>> -> memref<128x64xf32, #tpu.memory_space<vmem>>
      %dma_start3A_355 = arith.constant 0 : i32
      %dma_start3A_356 = tpu.memref_slice %arg8[%min3A_350, %dma_start3A_355] : memref<80x128xi32, #tpu.memory_space<vmem>> -> memref<1x128xi32, #tpu.memory_space<vmem>>
      %dma_start3A_357 = tpu.memref_squeeze %dma_start3A_356 : memref<1x128xi32, #tpu.memory_space<vmem>> -> memref<128xi32, #tpu.memory_space<vmem>>
      %dma_start3A_358 = arith.constant 0 : i32
      %dma_start3A_359 = arith.constant 0 : i32
      %dma_start3A_360 = tpu.memref_slice %arg3[%dma_start3A_358, %dma_start3A_359] : memref<10240x64xf32, #tpu.memory_space<hbm>> -> memref<10240x64xf32, #tpu.memory_space<hbm>>
      %dma_start3A_361 = tpu.memref_slice %arg12[%dma_start3A_351] : memref<4x!tpu.dma_semaphore, #tpu.memory_space<semaphore_mem>> -> memref<1x!tpu.dma_semaphore, #tpu.memory_space<semaphore_mem>>
      %dma_start3A_362 = tpu.memref_squeeze %dma_start3A_361 : memref<1x!tpu.dma_semaphore, #tpu.memory_space<semaphore_mem>> -> memref<!tpu.dma_semaphore, #tpu.memory_space<semaphore_mem>>
      tpu.enqueue_indirect_dma source(%dma_start3A_360 : memref<10240x64xf32, #tpu.memory_space<hbm>>) target(%dma_start3A_354 : memref<128x64xf32, #tpu.memory_space<vmem>>) offsets(%dma_start3A_357 : memref<128xi32, #tpu.memory_space<vmem>>) semaphore(%dma_start3A_362 : memref<!tpu.dma_semaphore, #tpu.memory_space<semaphore_mem>>)
    }
    %scan3A_173 = arith.constant 20 : i32
    %dma_wait3A_174 = arith.constant 0 : i32
    %dma_wait3A_175 = arith.constant 0 : i32
    %dma_wait3A_176 = arith.constant 0 : i32
    %dma_wait3A_177 = arith.constant 0 : i32
    %dma_wait3A_178 = tpu.memref_slice %arg10[%dma_wait3A_176, %dma_wait3A_177] : memref<512x64xf32, #tpu.memory_space<vmem>> -> memref<128x64xf32, #tpu.memory_space<vmem>>
    %dma_wait3A_179 = arith.constant 0 : i32
    %dma_wait3A_180 = tpu.memref_slice %arg8[%dma_wait3A_174, %dma_wait3A_179] : memref<80x128xi32, #tpu.memory_space<vmem>> -> memref<1x128xi32, #tpu.memory_space<vmem>>
    %dma_wait3A_181 = tpu.memref_squeeze %dma_wait3A_180 : memref<1x128xi32, #tpu.memory_space<vmem>> -> memref<128xi32, #tpu.memory_space<vmem>>
    %dma_wait3A_182 = arith.constant 0 : i32
    %dma_wait3A_183 = arith.constant 0 : i32
    %dma_wait3A_184 = tpu.memref_slice %arg3[%dma_wait3A_182, %dma_wait3A_183] : memref<10240x64xf32, #tpu.memory_space<hbm>> -> memref<10240x64xf32, #tpu.memory_space<hbm>>
    %dma_wait3A_185 = tpu.memref_slice %arg12[%dma_wait3A_175] : memref<4x!tpu.dma_semaphore, #tpu.memory_space<semaphore_mem>> -> memref<1x!tpu.dma_semaphore, #tpu.memory_space<semaphore_mem>>
    %dma_wait3A_186 = tpu.memref_squeeze %dma_wait3A_185 : memref<1x!tpu.dma_semaphore, #tpu.memory_space<semaphore_mem>> -> memref<!tpu.dma_semaphore, #tpu.memory_space<semaphore_mem>>
    tpu.wait_indirect_dma semaphore(%dma_wait3A_186 : memref<!tpu.dma_semaphore, #tpu.memory_space<semaphore_mem>>) src(%dma_wait3A_184 : memref<10240x64xf32, #tpu.memory_space<hbm>>) dst(%dma_wait3A_178 : memref<128x64xf32, #tpu.memory_space<vmem>>)
    %dma_wait3A_187 = arith.constant 0 : i32
    %dma_wait3A_188 = arith.constant 1 : i32
    %dma_wait3A_189 = arith.constant 128 : i32
    %dma_wait3A_190 = arith.constant 0 : i32
    %dma_wait3A_191 = tpu.memref_slice %arg10[%dma_wait3A_189, %dma_wait3A_190] : memref<512x64xf32, #tpu.memory_space<vmem>> -> memref<128x64xf32, #tpu.memory_space<vmem>>
    %dma_wait3A_192 = arith.constant 0 : i32
    %dma_wait3A_193 = tpu.memref_slice %arg8[%dma_wait3A_187, %dma_wait3A_192] : memref<80x128xi32, #tpu.memory_space<vmem>> -> memref<1x128xi32, #tpu.memory_space<vmem>>
    %dma_wait3A_194 = tpu.memref_squeeze %dma_wait3A_193 : memref<1x128xi32, #tpu.memory_space<vmem>> -> memref<128xi32, #tpu.memory_space<vmem>>
    %dma_wait3A_195 = arith.constant 0 : i32
    %dma_wait3A_196 = arith.constant 0 : i32
    %dma_wait3A_197 = tpu.memref_slice %arg3[%dma_wait3A_195, %dma_wait3A_196] : memref<10240x64xf32, #tpu.memory_space<hbm>> -> memref<10240x64xf32, #tpu.memory_space<hbm>>
    %dma_wait3A_198 = tpu.memref_slice %arg12[%dma_wait3A_188] : memref<4x!tpu.dma_semaphore, #tpu.memory_space<semaphore_mem>> -> memref<1x!tpu.dma_semaphore, #tpu.memory_space<semaphore_mem>>
    %dma_wait3A_199 = tpu.memref_squeeze %dma_wait3A_198 : memref<1x!tpu.dma_semaphore, #tpu.memory_space<semaphore_mem>> -> memref<!tpu.dma_semaphore, #tpu.memory_space<semaphore_mem>>
    tpu.wait_indirect_dma semaphore(%dma_wait3A_199 : memref<!tpu.dma_semaphore, #tpu.memory_space<semaphore_mem>>) src(%dma_wait3A_197 : memref<10240x64xf32, #tpu.memory_space<hbm>>) dst(%dma_wait3A_191 : memref<128x64xf32, #tpu.memory_space<vmem>>)
    %dma_wait3A_200 = arith.constant 0 : i32
    %dma_wait3A_201 = arith.constant 2 : i32
    %dma_wait3A_202 = arith.constant 256 : i32
    %dma_wait3A_203 = arith.constant 0 : i32
    %dma_wait3A_204 = tpu.memref_slice %arg10[%dma_wait3A_202, %dma_wait3A_203] : memref<512x64xf32, #tpu.memory_space<vmem>> -> memref<128x64xf32, #tpu.memory_space<vmem>>
    %dma_wait3A_205 = arith.constant 0 : i32
    %dma_wait3A_206 = tpu.memref_slice %arg8[%dma_wait3A_200, %dma_wait3A_205] : memref<80x128xi32, #tpu.memory_space<vmem>> -> memref<1x128xi32, #tpu.memory_space<vmem>>
    %dma_wait3A_207 = tpu.memref_squeeze %dma_wait3A_206 : memref<1x128xi32, #tpu.memory_space<vmem>> -> memref<128xi32, #tpu.memory_space<vmem>>
    %dma_wait3A_208 = arith.constant 0 : i32
    %dma_wait3A_209 = arith.constant 0 : i32
    %dma_wait3A_210 = tpu.memref_slice %arg3[%dma_wait3A_208, %dma_wait3A_209] : memref<10240x64xf32, #tpu.memory_space<hbm>> -> memref<10240x64xf32, #tpu.memory_space<hbm>>
    %dma_wait3A_211 = tpu.memref_slice %arg12[%dma_wait3A_201] : memref<4x!tpu.dma_semaphore, #tpu.memory_space<semaphore_mem>> -> memref<1x!tpu.dma_semaphore, #tpu.memory_space<semaphore_mem>>
    %dma_wait3A_212 = tpu.memref_squeeze %dma_wait3A_211 : memref<1x!tpu.dma_semaphore, #tpu.memory_space<semaphore_mem>> -> memref<!tpu.dma_semaphore, #tpu.memory_space<semaphore_mem>>
    tpu.wait_indirect_dma semaphore(%dma_wait3A_212 : memref<!tpu.dma_semaphore, #tpu.memory_space<semaphore_mem>>) src(%dma_wait3A_210 : memref<10240x64xf32, #tpu.memory_space<hbm>>) dst(%dma_wait3A_204 : memref<128x64xf32, #tpu.memory_space<vmem>>)
    %dma_wait3A_213 = arith.constant 0 : i32
    %dma_wait3A_214 = arith.constant 3 : i32
    %dma_wait3A_215 = arith.constant 384 : i32
    %dma_wait3A_216 = arith.constant 0 : i32
    %dma_wait3A_217 = tpu.memref_slice %arg10[%dma_wait3A_215, %dma_wait3A_216] : memref<512x64xf32, #tpu.memory_space<vmem>> -> memref<128x64xf32, #tpu.memory_space<vmem>>
    %dma_wait3A_218 = arith.constant 0 : i32
    %dma_wait3A_219 = tpu.memref_slice %arg8[%dma_wait3A_213, %dma_wait3A_218] : memref<80x128xi32, #tpu.memory_space<vmem>> -> memref<1x128xi32, #tpu.memory_space<vmem>>
    %dma_wait3A_220 = tpu.memref_squeeze %dma_wait3A_219 : memref<1x128xi32, #tpu.memory_space<vmem>> -> memref<128xi32, #tpu.memory_space<vmem>>
    %dma_wait3A_221 = arith.constant 0 : i32
    %dma_wait3A_222 = arith.constant 0 : i32
    %dma_wait3A_223 = tpu.memref_slice %arg3[%dma_wait3A_221, %dma_wait3A_222] : memref<10240x64xf32, #tpu.memory_space<hbm>> -> memref<10240x64xf32, #tpu.memory_space<hbm>>
    %dma_wait3A_224 = tpu.memref_slice %arg12[%dma_wait3A_214] : memref<4x!tpu.dma_semaphore, #tpu.memory_space<semaphore_mem>> -> memref<1x!tpu.dma_semaphore, #tpu.memory_space<semaphore_mem>>
    %dma_wait3A_225 = tpu.memref_squeeze %dma_wait3A_224 : memref<1x!tpu.dma_semaphore, #tpu.memory_space<semaphore_mem>> -> memref<!tpu.dma_semaphore, #tpu.memory_space<semaphore_mem>>
    tpu.wait_indirect_dma semaphore(%dma_wait3A_225 : memref<!tpu.dma_semaphore, #tpu.memory_space<semaphore_mem>>) src(%dma_wait3A_223 : memref<10240x64xf32, #tpu.memory_space<hbm>>) dst(%dma_wait3A_217 : memref<128x64xf32, #tpu.memory_space<vmem>>)
    %barrier3A_226 = arith.constant 0 : index
    tpu.barrier barrier_id(%barrier3A_226)
    %mul3A_227 = arith.constant 640 : i32
    %mul3A_228 = arith.muli %arg1, %mul3A_227 : i32
    "tpu.region"() ({
      %run_scoped3A = tpu.sem_alloc : memref<!tpu.dma_semaphore, #tpu.memory_space<semaphore_mem>>
      %dma_start3A_229 = arith.constant 0 : i32
      %dma_start3A_230 = tpu.memref_slice %arg7[%arg0, %mul3A_228, %dma_start3A_229] : memref<2x10240x64xf32, #tpu.memory_space<hbm>> -> memref<1x640x64xf32, #tpu.memory_space<hbm>>
      %dma_start3A_231 = tpu.memref_squeeze %dma_start3A_230 : memref<1x640x64xf32, #tpu.memory_space<hbm>> -> memref<640x64xf32, #tpu.memory_space<hbm>>
      %dma_start3A_232 = arith.constant 0 : i32
      %dma_start3A_233 = tpu.memref_slice %arg11[%mul3A_228, %dma_start3A_232] : memref<10240x64xf32, #tpu.memory_space<vmem_shared>> -> memref<640x64xf32, #tpu.memory_space<vmem_shared>>
      tpu.enqueue_dma source(%dma_start3A_233 : memref<640x64xf32, #tpu.memory_space<vmem_shared>>) target(%dma_start3A_231 : memref<640x64xf32, #tpu.memory_space<hbm>>) target_semaphore(%run_scoped3A : memref<!tpu.dma_semaphore, #tpu.memory_space<semaphore_mem>>)
      %dma_wait3A_234 = arith.constant 0 : i32
      %dma_wait3A_235 = tpu.memref_slice %arg7[%arg0, %mul3A_228, %dma_wait3A_234] : memref<2x10240x64xf32, #tpu.memory_space<hbm>> -> memref<1x640x64xf32, #tpu.memory_space<hbm>>
      %dma_wait3A_236 = tpu.memref_squeeze %dma_wait3A_235 : memref<1x640x64xf32, #tpu.memory_space<hbm>> -> memref<640x64xf32, #tpu.memory_space<hbm>>
      %dma_wait3A_237 = arith.constant 0 : i32
      %dma_wait3A_238 = tpu.memref_slice %arg11[%mul3A_228, %dma_wait3A_237] : memref<10240x64xf32, #tpu.memory_space<vmem_shared>> -> memref<640x64xf32, #tpu.memory_space<vmem_shared>>
      tpu.wait_dma2 semaphore(%run_scoped3A : memref<!tpu.dma_semaphore, #tpu.memory_space<semaphore_mem>>) src(%dma_wait3A_238 : memref<640x64xf32, #tpu.memory_space<vmem_shared>>) dst(%dma_wait3A_236 : memref<640x64xf32, #tpu.memory_space<hbm>>)
      tpu.yield
    }) : () -> ()
    return
  }
}

#map = affine_map<(d0, d1) -> (0, 0)>
#map1 = affine_map<(d0, d1) -> (0, 0, 0)>
module attributes {stable_mosaic.version = 14 : i64} {
  func.func @_sc_count(%arg0: i32, %arg1: i32, %arg2: memref<10240x16xf32, #tpu.memory_space<hbm>>, %arg3: memref<128x16xf32, #tpu.memory_space<hbm>>, %arg4: memref<32x80x128xi32, #tpu.memory_space<hbm>>, %arg5: memref<2x10240x16xf32, #tpu.memory_space<hbm>>, %arg6: memref<80x128xi32, #tpu.memory_space<vmem>>, %arg7: memref<128x16xf32, #tpu.memory_space<vmem>>, %arg8: memref<10240x16xf32, #tpu.memory_space<vmem_shared>>, %arg9: memref<!tpu.dma_semaphore, #tpu.memory_space<semaphore_mem>>) attributes {dimension_semantics = [#tpu.dimension_semantics<core_parallel>, #tpu.dimension_semantics<subcore_parallel>], iteration_bounds = array<i64: 2, 16>, scalar_prefetch = 0 : i64, scratch_operands = 4 : i64, tpu.core_type = #tpu.core_type<sc_vector_subcore>, window_params = [{transform_indices = #map}, {transform_indices = #map}, {transform_indices = #map1}, {transform_indices = #map1}]} {
    %mul3A = arith.constant 16 : i32
    %mul3A_0 = arith.muli %arg0, %mul3A : i32
    %add3A = arith.addi %mul3A_0, %arg1 : i32
    %mul3A_1 = arith.constant 640 : i32
    %mul3A_2 = arith.muli %arg1, %mul3A_1 : i32
    "tpu.region"() ({
      %run_scoped3A = tpu.sem_alloc : memref<!tpu.dma_semaphore, #tpu.memory_space<semaphore_mem>>
      %dma_start3A = arith.constant 0 : i32
      %dma_start3A_9 = tpu.memref_slice %arg8[%mul3A_2, %dma_start3A] : memref<10240x16xf32, #tpu.memory_space<vmem_shared>> -> memref<640x16xf32, #tpu.memory_space<vmem_shared>>
      %dma_start3A_10 = arith.constant 0 : i32
      %dma_start3A_11 = tpu.memref_slice %arg2[%mul3A_2, %dma_start3A_10] : memref<10240x16xf32, #tpu.memory_space<hbm>> -> memref<640x16xf32, #tpu.memory_space<hbm>>
      tpu.enqueue_dma source(%dma_start3A_11 : memref<640x16xf32, #tpu.memory_space<hbm>>) target(%dma_start3A_9 : memref<640x16xf32, #tpu.memory_space<vmem_shared>>) target_semaphore(%run_scoped3A : memref<!tpu.dma_semaphore, #tpu.memory_space<semaphore_mem>>)
      %dma_wait3A = arith.constant 0 : i32
      %dma_wait3A_12 = tpu.memref_slice %arg8[%mul3A_2, %dma_wait3A] : memref<10240x16xf32, #tpu.memory_space<vmem_shared>> -> memref<640x16xf32, #tpu.memory_space<vmem_shared>>
      %dma_wait3A_13 = arith.constant 0 : i32
      %dma_wait3A_14 = tpu.memref_slice %arg2[%mul3A_2, %dma_wait3A_13] : memref<10240x16xf32, #tpu.memory_space<hbm>> -> memref<640x16xf32, #tpu.memory_space<hbm>>
      tpu.wait_dma2 semaphore(%run_scoped3A : memref<!tpu.dma_semaphore, #tpu.memory_space<semaphore_mem>>) src(%dma_wait3A_14 : memref<640x16xf32, #tpu.memory_space<hbm>>) dst(%dma_wait3A_12 : memref<640x16xf32, #tpu.memory_space<vmem_shared>>)
      tpu.yield
    }) : () -> ()
    "tpu.region"() ({
      %run_scoped3A = tpu.sem_alloc : memref<!tpu.dma_semaphore, #tpu.memory_space<semaphore_mem>>
      tpu.enqueue_dma source(%arg3 : memref<128x16xf32, #tpu.memory_space<hbm>>) target(%arg7 : memref<128x16xf32, #tpu.memory_space<vmem>>) target_semaphore(%run_scoped3A : memref<!tpu.dma_semaphore, #tpu.memory_space<semaphore_mem>>)
      tpu.wait_dma2 semaphore(%run_scoped3A : memref<!tpu.dma_semaphore, #tpu.memory_space<semaphore_mem>>) src(%arg3 : memref<128x16xf32, #tpu.memory_space<hbm>>) dst(%arg7 : memref<128x16xf32, #tpu.memory_space<vmem>>)
      tpu.yield
    }) : () -> ()
    "tpu.region"() ({
      %run_scoped3A = tpu.sem_alloc : memref<!tpu.dma_semaphore, #tpu.memory_space<semaphore_mem>>
      %dma_start3A = arith.constant 0 : i32
      %dma_start3A_9 = arith.constant 0 : i32
      %dma_start3A_10 = tpu.memref_slice %arg4[%add3A, %dma_start3A, %dma_start3A_9] : memref<32x80x128xi32, #tpu.memory_space<hbm>> -> memref<1x80x128xi32, #tpu.memory_space<hbm>>
      %dma_start3A_11 = tpu.memref_squeeze %dma_start3A_10 : memref<1x80x128xi32, #tpu.memory_space<hbm>> -> memref<80x128xi32, #tpu.memory_space<hbm>>
      %dma_start3A_12 = arith.constant 0 : i32
      %dma_start3A_13 = arith.constant 0 : i32
      %dma_start3A_14 = tpu.memref_slice %arg4[%add3A, %dma_start3A_12, %dma_start3A_13] : memref<32x80x128xi32, #tpu.memory_space<hbm>> -> memref<1x80x128xi32, #tpu.memory_space<hbm>>
      %dma_start3A_15 = tpu.memref_squeeze %dma_start3A_14 : memref<1x80x128xi32, #tpu.memory_space<hbm>> -> memref<80x128xi32, #tpu.memory_space<hbm>>
      tpu.enqueue_dma source(%dma_start3A_15 : memref<80x128xi32, #tpu.memory_space<hbm>>) target(%arg6 : memref<80x128xi32, #tpu.memory_space<vmem>>) target_semaphore(%run_scoped3A : memref<!tpu.dma_semaphore, #tpu.memory_space<semaphore_mem>>)
      %dma_wait3A = arith.constant 0 : i32
      %dma_wait3A_16 = arith.constant 0 : i32
      %dma_wait3A_17 = tpu.memref_slice %arg4[%add3A, %dma_wait3A, %dma_wait3A_16] : memref<32x80x128xi32, #tpu.memory_space<hbm>> -> memref<1x80x128xi32, #tpu.memory_space<hbm>>
      %dma_wait3A_18 = tpu.memref_squeeze %dma_wait3A_17 : memref<1x80x128xi32, #tpu.memory_space<hbm>> -> memref<80x128xi32, #tpu.memory_space<hbm>>
      %dma_wait3A_19 = arith.constant 0 : i32
      %dma_wait3A_20 = arith.constant 0 : i32
      %dma_wait3A_21 = tpu.memref_slice %arg4[%add3A, %dma_wait3A_19, %dma_wait3A_20] : memref<32x80x128xi32, #tpu.memory_space<hbm>> -> memref<1x80x128xi32, #tpu.memory_space<hbm>>
      %dma_wait3A_22 = tpu.memref_squeeze %dma_wait3A_21 : memref<1x80x128xi32, #tpu.memory_space<hbm>> -> memref<80x128xi32, #tpu.memory_space<hbm>>
      tpu.wait_dma2 semaphore(%run_scoped3A : memref<!tpu.dma_semaphore, #tpu.memory_space<semaphore_mem>>) src(%dma_wait3A_22 : memref<80x128xi32, #tpu.memory_space<hbm>>) dst(%arg6 : memref<80x128xi32, #tpu.memory_space<vmem>>)
      tpu.yield
    }) : () -> ()
    %barrier3A = arith.constant 0 : index
    tpu.barrier barrier_id(%barrier3A)
    %scan3A = arith.constant 0 : i32
    %scan3A_3 = arith.constant 0 : i32
    %scan3A_4 = arith.constant 80 : i32
    %scan3A_5 = arith.addi %scan3A_3, %scan3A_4 : i32
    %scan3A_6 = arith.constant 1 : i32
    scf.for %scan3A_9 = %scan3A_3 to %scan3A_5 step %scan3A_6  : i32 {
      "tpu.region"() ({
        %run_scoped3A = tpu.sem_alloc : memref<!tpu.dma_semaphore, #tpu.memory_space<semaphore_mem>>
        %dma_start3A = arith.constant 0 : i32
        %dma_start3A_10 = tpu.memref_slice %arg6[%scan3A_9, %dma_start3A] : memref<80x128xi32, #tpu.memory_space<vmem>> -> memref<1x128xi32, #tpu.memory_space<vmem>>
        %dma_start3A_11 = tpu.memref_squeeze %dma_start3A_10 : memref<1x128xi32, #tpu.memory_space<vmem>> -> memref<128xi32, #tpu.memory_space<vmem>>
        %dma_start3A_12 = arith.constant 0 : i32
        %dma_start3A_13 = arith.constant 0 : i32
        %dma_start3A_14 = tpu.memref_slice %arg8[%dma_start3A_12, %dma_start3A_13] : memref<10240x16xf32, #tpu.memory_space<vmem_shared>> -> memref<10240x16xf32, #tpu.memory_space<vmem_shared>>
        tpu.enqueue_indirect_dma source(%arg7 : memref<128x16xf32, #tpu.memory_space<vmem>>) target(%dma_start3A_14 : memref<10240x16xf32, #tpu.memory_space<vmem_shared>>) offsets(%dma_start3A_11 : memref<128xi32, #tpu.memory_space<vmem>>) semaphore(%run_scoped3A : memref<!tpu.dma_semaphore, #tpu.memory_space<semaphore_mem>>) {add = true}
        %dma_wait3A = arith.constant 0 : i32
        %dma_wait3A_15 = tpu.memref_slice %arg6[%scan3A_9, %dma_wait3A] : memref<80x128xi32, #tpu.memory_space<vmem>> -> memref<1x128xi32, #tpu.memory_space<vmem>>
        %dma_wait3A_16 = tpu.memref_squeeze %dma_wait3A_15 : memref<1x128xi32, #tpu.memory_space<vmem>> -> memref<128xi32, #tpu.memory_space<vmem>>
        %dma_wait3A_17 = arith.constant 0 : i32
        %dma_wait3A_18 = arith.constant 0 : i32
        %dma_wait3A_19 = tpu.memref_slice %arg8[%dma_wait3A_17, %dma_wait3A_18] : memref<10240x16xf32, #tpu.memory_space<vmem_shared>> -> memref<10240x16xf32, #tpu.memory_space<vmem_shared>>
        tpu.wait_indirect_dma semaphore(%run_scoped3A : memref<!tpu.dma_semaphore, #tpu.memory_space<semaphore_mem>>) src(%arg7 : memref<128x16xf32, #tpu.memory_space<vmem>>) dst(%dma_wait3A_19 : memref<10240x16xf32, #tpu.memory_space<vmem_shared>>)
        tpu.yield
      }) : () -> ()
    }
    %scan3A_7 = arith.constant 80 : i32
    %barrier3A_8 = arith.constant 0 : index
    tpu.barrier barrier_id(%barrier3A_8)
    "tpu.region"() ({
      %run_scoped3A = tpu.sem_alloc : memref<!tpu.dma_semaphore, #tpu.memory_space<semaphore_mem>>
      %dma_start3A = arith.constant 0 : i32
      %dma_start3A_9 = tpu.memref_slice %arg5[%arg0, %mul3A_2, %dma_start3A] : memref<2x10240x16xf32, #tpu.memory_space<hbm>> -> memref<1x640x16xf32, #tpu.memory_space<hbm>>
      %dma_start3A_10 = tpu.memref_squeeze %dma_start3A_9 : memref<1x640x16xf32, #tpu.memory_space<hbm>> -> memref<640x16xf32, #tpu.memory_space<hbm>>
      %dma_start3A_11 = arith.constant 0 : i32
      %dma_start3A_12 = tpu.memref_slice %arg8[%mul3A_2, %dma_start3A_11] : memref<10240x16xf32, #tpu.memory_space<vmem_shared>> -> memref<640x16xf32, #tpu.memory_space<vmem_shared>>
      tpu.enqueue_dma source(%dma_start3A_12 : memref<640x16xf32, #tpu.memory_space<vmem_shared>>) target(%dma_start3A_10 : memref<640x16xf32, #tpu.memory_space<hbm>>) target_semaphore(%run_scoped3A : memref<!tpu.dma_semaphore, #tpu.memory_space<semaphore_mem>>)
      %dma_wait3A = arith.constant 0 : i32
      %dma_wait3A_13 = tpu.memref_slice %arg5[%arg0, %mul3A_2, %dma_wait3A] : memref<2x10240x16xf32, #tpu.memory_space<hbm>> -> memref<1x640x16xf32, #tpu.memory_space<hbm>>
      %dma_wait3A_14 = tpu.memref_squeeze %dma_wait3A_13 : memref<1x640x16xf32, #tpu.memory_space<hbm>> -> memref<640x16xf32, #tpu.memory_space<hbm>>
      %dma_wait3A_15 = arith.constant 0 : i32
      %dma_wait3A_16 = tpu.memref_slice %arg8[%mul3A_2, %dma_wait3A_15] : memref<10240x16xf32, #tpu.memory_space<vmem_shared>> -> memref<640x16xf32, #tpu.memory_space<vmem_shared>>
      tpu.wait_dma2 semaphore(%run_scoped3A : memref<!tpu.dma_semaphore, #tpu.memory_space<semaphore_mem>>) src(%dma_wait3A_16 : memref<640x16xf32, #tpu.memory_space<vmem_shared>>) dst(%dma_wait3A_14 : memref<640x16xf32, #tpu.memory_space<hbm>>)
      tpu.yield
    }) : () -> ()
    return
  }
}

#map = affine_map<(d0, d1) -> (0, 0)>
#map1 = affine_map<(d0, d1) -> (0, 0, 0)>
module attributes {stable_mosaic.version = 14 : i64} {
  func.func @_sc_segsum(%arg0: i32, %arg1: i32, %arg2: memref<10240x64xf32, #tpu.memory_space<hbm>>, %arg3: memref<10240x64xf32, #tpu.memory_space<hbm>>, %arg4: memref<32x80x128xi32, #tpu.memory_space<hbm>>, %arg5: memref<32x80x128xi32, #tpu.memory_space<hbm>>, %arg6: memref<2x10240x64xf32, #tpu.memory_space<hbm>>, %arg7: memref<2x10240x64xf32, #tpu.memory_space<hbm>>, %arg8: memref<80x128xi32, #tpu.memory_space<vmem>>, %arg9: memref<80x128xi32, #tpu.memory_space<vmem>>, %arg10: memref<512x64xf32, #tpu.memory_space<vmem>>, %arg11: memref<10240x64xf32, #tpu.memory_space<vmem_shared>>, %arg12: memref<4x!tpu.dma_semaphore, #tpu.memory_space<semaphore_mem>>) attributes {dimension_semantics = [#tpu.dimension_semantics<core_parallel>, #tpu.dimension_semantics<subcore_parallel>], iteration_bounds = array<i64: 2, 16>, scalar_prefetch = 0 : i64, scratch_operands = 5 : i64, tpu.core_type = #tpu.core_type<sc_vector_subcore>, window_params = [{transform_indices = #map}, {transform_indices = #map}, {transform_indices = #map1}, {transform_indices = #map1}, {transform_indices = #map1}, {transform_indices = #map1}]} {
    %mul3A = arith.constant 16 : i32
    %mul3A_0 = arith.muli %arg0, %mul3A : i32
    %add3A = arith.addi %mul3A_0, %arg1 : i32
    "tpu.region"() ({
      %run_scoped3A = tpu.sem_alloc : memref<!tpu.dma_semaphore, #tpu.memory_space<semaphore_mem>>
      %dma_start3A_229 = arith.constant 0 : i32
      %dma_start3A_230 = arith.constant 0 : i32
      %dma_start3A_231 = tpu.memref_slice %arg4[%add3A, %dma_start3A_229, %dma_start3A_230] : memref<32x80x128xi32, #tpu.memory_space<hbm>> -> memref<1x80x128xi32, #tpu.memory_space<hbm>>
      %dma_start3A_232 = tpu.memref_squeeze %dma_start3A_231 : memref<1x80x128xi32, #tpu.memory_space<hbm>> -> memref<80x128xi32, #tpu.memory_space<hbm>>
      %dma_start3A_233 = arith.constant 0 : i32
      %dma_start3A_234 = arith.constant 0 : i32
      %dma_start3A_235 = tpu.memref_slice %arg4[%add3A, %dma_start3A_233, %dma_start3A_234] : memref<32x80x128xi32, #tpu.memory_space<hbm>> -> memref<1x80x128xi32, #tpu.memory_space<hbm>>
      %dma_start3A_236 = tpu.memref_squeeze %dma_start3A_235 : memref<1x80x128xi32, #tpu.memory_space<hbm>> -> memref<80x128xi32, #tpu.memory_space<hbm>>
      tpu.enqueue_dma source(%dma_start3A_236 : memref<80x128xi32, #tpu.memory_space<hbm>>) target(%arg8 : memref<80x128xi32, #tpu.memory_space<vmem>>) target_semaphore(%run_scoped3A : memref<!tpu.dma_semaphore, #tpu.memory_space<semaphore_mem>>)
      %dma_wait3A_237 = arith.constant 0 : i32
      %dma_wait3A_238 = arith.constant 0 : i32
      %dma_wait3A_239 = tpu.memref_slice %arg4[%add3A, %dma_wait3A_237, %dma_wait3A_238] : memref<32x80x128xi32, #tpu.memory_space<hbm>> -> memref<1x80x128xi32, #tpu.memory_space<hbm>>
      %dma_wait3A_240 = tpu.memref_squeeze %dma_wait3A_239 : memref<1x80x128xi32, #tpu.memory_space<hbm>> -> memref<80x128xi32, #tpu.memory_space<hbm>>
      %dma_wait3A_241 = arith.constant 0 : i32
      %dma_wait3A_242 = arith.constant 0 : i32
      %dma_wait3A_243 = tpu.memref_slice %arg4[%add3A, %dma_wait3A_241, %dma_wait3A_242] : memref<32x80x128xi32, #tpu.memory_space<hbm>> -> memref<1x80x128xi32, #tpu.memory_space<hbm>>
      %dma_wait3A_244 = tpu.memref_squeeze %dma_wait3A_243 : memref<1x80x128xi32, #tpu.memory_space<hbm>> -> memref<80x128xi32, #tpu.memory_space<hbm>>
      tpu.wait_dma2 semaphore(%run_scoped3A : memref<!tpu.dma_semaphore, #tpu.memory_space<semaphore_mem>>) src(%dma_wait3A_244 : memref<80x128xi32, #tpu.memory_space<hbm>>) dst(%arg8 : memref<80x128xi32, #tpu.memory_space<vmem>>)
      tpu.yield
    }) : () -> ()
    "tpu.region"() ({
      %run_scoped3A = tpu.sem_alloc : memref<!tpu.dma_semaphore, #tpu.memory_space<semaphore_mem>>
      %dma_start3A_229 = arith.constant 0 : i32
      %dma_start3A_230 = arith.constant 0 : i32
      %dma_start3A_231 = tpu.memref_slice %arg5[%add3A, %dma_start3A_229, %dma_start3A_230] : memref<32x80x128xi32, #tpu.memory_space<hbm>> -> memref<1x80x128xi32, #tpu.memory_space<hbm>>
      %dma_start3A_232 = tpu.memref_squeeze %dma_start3A_231 : memref<1x80x128xi32, #tpu.memory_space<hbm>> -> memref<80x128xi32, #tpu.memory_space<hbm>>
      %dma_start3A_233 = arith.constant 0 : i32
      %dma_start3A_234 = arith.constant 0 : i32
      %dma_start3A_235 = tpu.memref_slice %arg5[%add3A, %dma_start3A_233, %dma_start3A_234] : memref<32x80x128xi32, #tpu.memory_space<hbm>> -> memref<1x80x128xi32, #tpu.memory_space<hbm>>
      %dma_start3A_236 = tpu.memref_squeeze %dma_start3A_235 : memref<1x80x128xi32, #tpu.memory_space<hbm>> -> memref<80x128xi32, #tpu.memory_space<hbm>>
      tpu.enqueue_dma source(%dma_start3A_236 : memref<80x128xi32, #tpu.memory_space<hbm>>) target(%arg9 : memref<80x128xi32, #tpu.memory_space<vmem>>) target_semaphore(%run_scoped3A : memref<!tpu.dma_semaphore, #tpu.memory_space<semaphore_mem>>)
      %dma_wait3A_237 = arith.constant 0 : i32
      %dma_wait3A_238 = arith.constant 0 : i32
      %dma_wait3A_239 = tpu.memref_slice %arg5[%add3A, %dma_wait3A_237, %dma_wait3A_238] : memref<32x80x128xi32, #tpu.memory_space<hbm>> -> memref<1x80x128xi32, #tpu.memory_space<hbm>>
      %dma_wait3A_240 = tpu.memref_squeeze %dma_wait3A_239 : memref<1x80x128xi32, #tpu.memory_space<hbm>> -> memref<80x128xi32, #tpu.memory_space<hbm>>
      %dma_wait3A_241 = arith.constant 0 : i32
      %dma_wait3A_242 = arith.constant 0 : i32
      %dma_wait3A_243 = tpu.memref_slice %arg5[%add3A, %dma_wait3A_241, %dma_wait3A_242] : memref<32x80x128xi32, #tpu.memory_space<hbm>> -> memref<1x80x128xi32, #tpu.memory_space<hbm>>
      %dma_wait3A_244 = tpu.memref_squeeze %dma_wait3A_243 : memref<1x80x128xi32, #tpu.memory_space<hbm>> -> memref<80x128xi32, #tpu.memory_space<hbm>>
      tpu.wait_dma2 semaphore(%run_scoped3A : memref<!tpu.dma_semaphore, #tpu.memory_space<semaphore_mem>>) src(%dma_wait3A_244 : memref<80x128xi32, #tpu.memory_space<hbm>>) dst(%arg9 : memref<80x128xi32, #tpu.memory_space<vmem>>)
      tpu.yield
    }) : () -> ()
    %mul3A_1 = arith.constant 640 : i32
    %mul3A_2 = arith.muli %arg1, %mul3A_1 : i32
    "tpu.region"() ({
      %run_scoped3A = tpu.sem_alloc : memref<!tpu.dma_semaphore, #tpu.memory_space<semaphore_mem>>
      %dma_start3A_229 = arith.constant 0 : i32
      %dma_start3A_230 = tpu.memref_slice %arg11[%mul3A_2, %dma_start3A_229] : memref<10240x64xf32, #tpu.memory_space<vmem_shared>> -> memref<640x64xf32, #tpu.memory_space<vmem_shared>>
      %dma_start3A_231 = arith.constant 0 : i32
      %dma_start3A_232 = tpu.memref_slice %arg2[%mul3A_2, %dma_start3A_231] : memref<10240x64xf32, #tpu.memory_space<hbm>> -> memref<640x64xf32, #tpu.memory_space<hbm>>
      tpu.enqueue_dma source(%dma_start3A_232 : memref<640x64xf32, #tpu.memory_space<hbm>>) target(%dma_start3A_230 : memref<640x64xf32, #tpu.memory_space<vmem_shared>>) target_semaphore(%run_scoped3A : memref<!tpu.dma_semaphore, #tpu.memory_space<semaphore_mem>>)
      %dma_wait3A_233 = arith.constant 0 : i32
      %dma_wait3A_234 = tpu.memref_slice %arg11[%mul3A_2, %dma_wait3A_233] : memref<10240x64xf32, #tpu.memory_space<vmem_shared>> -> memref<640x64xf32, #tpu.memory_space<vmem_shared>>
      %dma_wait3A_235 = arith.constant 0 : i32
      %dma_wait3A_236 = tpu.memref_slice %arg2[%mul3A_2, %dma_wait3A_235] : memref<10240x64xf32, #tpu.memory_space<hbm>> -> memref<640x64xf32, #tpu.memory_space<hbm>>
      tpu.wait_dma2 semaphore(%run_scoped3A : memref<!tpu.dma_semaphore, #tpu.memory_space<semaphore_mem>>) src(%dma_wait3A_236 : memref<640x64xf32, #tpu.memory_space<hbm>>) dst(%dma_wait3A_234 : memref<640x64xf32, #tpu.memory_space<vmem_shared>>)
      tpu.yield
    }) : () -> ()
    %barrier3A = arith.constant 0 : index
    tpu.barrier barrier_id(%barrier3A)
    %dma_start3A = arith.constant 0 : i32
    %dma_start3A_3 = arith.constant 0 : i32
    %dma_start3A_4 = arith.constant 0 : i32
    %dma_start3A_5 = arith.constant 0 : i32
    %dma_start3A_6 = tpu.memref_slice %arg10[%dma_start3A_4, %dma_start3A_5] : memref<512x64xf32, #tpu.memory_space<vmem>> -> memref<128x64xf32, #tpu.memory_space<vmem>>
    %dma_start3A_7 = arith.constant 0 : i32
    %dma_start3A_8 = tpu.memref_slice %arg8[%dma_start3A, %dma_start3A_7] : memref<80x128xi32, #tpu.memory_space<vmem>> -> memref<1x128xi32, #tpu.memory_space<vmem>>
    %dma_start3A_9 = tpu.memref_squeeze %dma_start3A_8 : memref<1x128xi32, #tpu.memory_space<vmem>> -> memref<128xi32, #tpu.memory_space<vmem>>
    %dma_start3A_10 = arith.constant 0 : i32
    %dma_start3A_11 = arith.constant 0 : i32
    %dma_start3A_12 = tpu.memref_slice %arg2[%dma_start3A_10, %dma_start3A_11] : memref<10240x64xf32, #tpu.memory_space<hbm>> -> memref<10240x64xf32, #tpu.memory_space<hbm>>
    %dma_start3A_13 = tpu.memref_slice %arg12[%dma_start3A_3] : memref<4x!tpu.dma_semaphore, #tpu.memory_space<semaphore_mem>> -> memref<1x!tpu.dma_semaphore, #tpu.memory_space<semaphore_mem>>
    %dma_start3A_14 = tpu.memref_squeeze %dma_start3A_13 : memref<1x!tpu.dma_semaphore, #tpu.memory_space<semaphore_mem>> -> memref<!tpu.dma_semaphore, #tpu.memory_space<semaphore_mem>>
    tpu.enqueue_indirect_dma source(%dma_start3A_12 : memref<10240x64xf32, #tpu.memory_space<hbm>>) target(%dma_start3A_6 : memref<128x64xf32, #tpu.memory_space<vmem>>) offsets(%dma_start3A_9 : memref<128xi32, #tpu.memory_space<vmem>>) semaphore(%dma_start3A_14 : memref<!tpu.dma_semaphore, #tpu.memory_space<semaphore_mem>>)
    %dma_start3A_15 = arith.constant 1 : i32
    %dma_start3A_16 = arith.constant 1 : i32
    %dma_start3A_17 = arith.constant 128 : i32
    %dma_start3A_18 = arith.constant 0 : i32
    %dma_start3A_19 = tpu.memref_slice %arg10[%dma_start3A_17, %dma_start3A_18] : memref<512x64xf32, #tpu.memory_space<vmem>> -> memref<128x64xf32, #tpu.memory_space<vmem>>
    %dma_start3A_20 = arith.constant 0 : i32
    %dma_start3A_21 = tpu.memref_slice %arg8[%dma_start3A_15, %dma_start3A_20] : memref<80x128xi32, #tpu.memory_space<vmem>> -> memref<1x128xi32, #tpu.memory_space<vmem>>
    %dma_start3A_22 = tpu.memref_squeeze %dma_start3A_21 : memref<1x128xi32, #tpu.memory_space<vmem>> -> memref<128xi32, #tpu.memory_space<vmem>>
    %dma_start3A_23 = arith.constant 0 : i32
    %dma_start3A_24 = arith.constant 0 : i32
    %dma_start3A_25 = tpu.memref_slice %arg2[%dma_start3A_23, %dma_start3A_24] : memref<10240x64xf32, #tpu.memory_space<hbm>> -> memref<10240x64xf32, #tpu.memory_space<hbm>>
    %dma_start3A_26 = tpu.memref_slice %arg12[%dma_start3A_16] : memref<4x!tpu.dma_semaphore, #tpu.memory_space<semaphore_mem>> -> memref<1x!tpu.dma_semaphore, #tpu.memory_space<semaphore_mem>>
    %dma_start3A_27 = tpu.memref_squeeze %dma_start3A_26 : memref<1x!tpu.dma_semaphore, #tpu.memory_space<semaphore_mem>> -> memref<!tpu.dma_semaphore, #tpu.memory_space<semaphore_mem>>
    tpu.enqueue_indirect_dma source(%dma_start3A_25 : memref<10240x64xf32, #tpu.memory_space<hbm>>) target(%dma_start3A_19 : memref<128x64xf32, #tpu.memory_space<vmem>>) offsets(%dma_start3A_22 : memref<128xi32, #tpu.memory_space<vmem>>) semaphore(%dma_start3A_27 : memref<!tpu.dma_semaphore, #tpu.memory_space<semaphore_mem>>)
    %dma_start3A_28 = arith.constant 2 : i32
    %dma_start3A_29 = arith.constant 2 : i32
    %dma_start3A_30 = arith.constant 256 : i32
    %dma_start3A_31 = arith.constant 0 : i32
    %dma_start3A_32 = tpu.memref_slice %arg10[%dma_start3A_30, %dma_start3A_31] : memref<512x64xf32, #tpu.memory_space<vmem>> -> memref<128x64xf32, #tpu.memory_space<vmem>>
    %dma_start3A_33 = arith.constant 0 : i32
    %dma_start3A_34 = tpu.memref_slice %arg8[%dma_start3A_28, %dma_start3A_33] : memref<80x128xi32, #tpu.memory_space<vmem>> -> memref<1x128xi32, #tpu.memory_space<vmem>>
    %dma_start3A_35 = tpu.memref_squeeze %dma_start3A_34 : memref<1x128xi32, #tpu.memory_space<vmem>> -> memref<128xi32, #tpu.memory_space<vmem>>
    %dma_start3A_36 = arith.constant 0 : i32
    %dma_start3A_37 = arith.constant 0 : i32
    %dma_start3A_38 = tpu.memref_slice %arg2[%dma_start3A_36, %dma_start3A_37] : memref<10240x64xf32, #tpu.memory_space<hbm>> -> memref<10240x64xf32, #tpu.memory_space<hbm>>
    %dma_start3A_39 = tpu.memref_slice %arg12[%dma_start3A_29] : memref<4x!tpu.dma_semaphore, #tpu.memory_space<semaphore_mem>> -> memref<1x!tpu.dma_semaphore, #tpu.memory_space<semaphore_mem>>
    %dma_start3A_40 = tpu.memref_squeeze %dma_start3A_39 : memref<1x!tpu.dma_semaphore, #tpu.memory_space<semaphore_mem>> -> memref<!tpu.dma_semaphore, #tpu.memory_space<semaphore_mem>>
    tpu.enqueue_indirect_dma source(%dma_start3A_38 : memref<10240x64xf32, #tpu.memory_space<hbm>>) target(%dma_start3A_32 : memref<128x64xf32, #tpu.memory_space<vmem>>) offsets(%dma_start3A_35 : memref<128xi32, #tpu.memory_space<vmem>>) semaphore(%dma_start3A_40 : memref<!tpu.dma_semaphore, #tpu.memory_space<semaphore_mem>>)
    %dma_start3A_41 = arith.constant 3 : i32
    %dma_start3A_42 = arith.constant 3 : i32
    %dma_start3A_43 = arith.constant 384 : i32
    %dma_start3A_44 = arith.constant 0 : i32
    %dma_start3A_45 = tpu.memref_slice %arg10[%dma_start3A_43, %dma_start3A_44] : memref<512x64xf32, #tpu.memory_space<vmem>> -> memref<128x64xf32, #tpu.memory_space<vmem>>
    %dma_start3A_46 = arith.constant 0 : i32
    %dma_start3A_47 = tpu.memref_slice %arg8[%dma_start3A_41, %dma_start3A_46] : memref<80x128xi32, #tpu.memory_space<vmem>> -> memref<1x128xi32, #tpu.memory_space<vmem>>
    %dma_start3A_48 = tpu.memref_squeeze %dma_start3A_47 : memref<1x128xi32, #tpu.memory_space<vmem>> -> memref<128xi32, #tpu.memory_space<vmem>>
    %dma_start3A_49 = arith.constant 0 : i32
    %dma_start3A_50 = arith.constant 0 : i32
    %dma_start3A_51 = tpu.memref_slice %arg2[%dma_start3A_49, %dma_start3A_50] : memref<10240x64xf32, #tpu.memory_space<hbm>> -> memref<10240x64xf32, #tpu.memory_space<hbm>>
    %dma_start3A_52 = tpu.memref_slice %arg12[%dma_start3A_42] : memref<4x!tpu.dma_semaphore, #tpu.memory_space<semaphore_mem>> -> memref<1x!tpu.dma_semaphore, #tpu.memory_space<semaphore_mem>>
    %dma_start3A_53 = tpu.memref_squeeze %dma_start3A_52 : memref<1x!tpu.dma_semaphore, #tpu.memory_space<semaphore_mem>> -> memref<!tpu.dma_semaphore, #tpu.memory_space<semaphore_mem>>
    tpu.enqueue_indirect_dma source(%dma_start3A_51 : memref<10240x64xf32, #tpu.memory_space<hbm>>) target(%dma_start3A_45 : memref<128x64xf32, #tpu.memory_space<vmem>>) offsets(%dma_start3A_48 : memref<128xi32, #tpu.memory_space<vmem>>) semaphore(%dma_start3A_53 : memref<!tpu.dma_semaphore, #tpu.memory_space<semaphore_mem>>)
    %scan3A = arith.constant 0 : i32
    %scan3A_54 = arith.constant 0 : i32
    %scan3A_55 = arith.constant 20 : i32
    %scan3A_56 = arith.addi %scan3A_54, %scan3A_55 : i32
    %scan3A_57 = arith.constant 1 : i32
    scf.for %scan3A_229 = %scan3A_54 to %scan3A_56 step %scan3A_57  : i32 {
      %mul3A_230 = arith.constant 4 : i32
      %mul3A_231 = arith.muli %scan3A_229, %mul3A_230 : i32
      %dma_wait3A_232 = arith.constant 0 : i32
      %dma_wait3A_233 = arith.constant 0 : i32
      %dma_wait3A_234 = arith.constant 0 : i32
      %dma_wait3A_235 = arith.constant 0 : i32
      %dma_wait3A_236 = tpu.memref_slice %arg10[%dma_wait3A_234, %dma_wait3A_235] : memref<512x64xf32, #tpu.memory_space<vmem>> -> memref<128x64xf32, #tpu.memory_space<vmem>>
      %dma_wait3A_237 = arith.constant 0 : i32
      %dma_wait3A_238 = tpu.memref_slice %arg8[%dma_wait3A_232, %dma_wait3A_237] : memref<80x128xi32, #tpu.memory_space<vmem>> -> memref<1x128xi32, #tpu.memory_space<vmem>>
      %dma_wait3A_239 = tpu.memref_squeeze %dma_wait3A_238 : memref<1x128xi32, #tpu.memory_space<vmem>> -> memref<128xi32, #tpu.memory_space<vmem>>
      %dma_wait3A_240 = arith.constant 0 : i32
      %dma_wait3A_241 = arith.constant 0 : i32
      %dma_wait3A_242 = tpu.memref_slice %arg2[%dma_wait3A_240, %dma_wait3A_241] : memref<10240x64xf32, #tpu.memory_space<hbm>> -> memref<10240x64xf32, #tpu.memory_space<hbm>>
      %dma_wait3A_243 = tpu.memref_slice %arg12[%dma_wait3A_233] : memref<4x!tpu.dma_semaphore, #tpu.memory_space<semaphore_mem>> -> memref<1x!tpu.dma_semaphore, #tpu.memory_space<semaphore_mem>>
      %dma_wait3A_244 = tpu.memref_squeeze %dma_wait3A_243 : memref<1x!tpu.dma_semaphore, #tpu.memory_space<semaphore_mem>> -> memref<!tpu.dma_semaphore, #tpu.memory_space<semaphore_mem>>
      tpu.wait_indirect_dma semaphore(%dma_wait3A_244 : memref<!tpu.dma_semaphore, #tpu.memory_space<semaphore_mem>>) src(%dma_wait3A_242 : memref<10240x64xf32, #tpu.memory_space<hbm>>) dst(%dma_wait3A_236 : memref<128x64xf32, #tpu.memory_space<vmem>>)
      %add3A_245 = arith.constant 0 : i32
      %add3A_246 = arith.addi %mul3A_231, %add3A_245 : i32
      "tpu.region"() ({
        %run_scoped3A = tpu.sem_alloc : memref<!tpu.dma_semaphore, #tpu.memory_space<semaphore_mem>>
        %dma_start3A_363 = arith.constant 0 : i32
        %dma_start3A_364 = arith.constant 0 : i32
        %dma_start3A_365 = tpu.memref_slice %arg10[%dma_start3A_363, %dma_start3A_364] : memref<512x64xf32, #tpu.memory_space<vmem>> -> memref<128x64xf32, #tpu.memory_space<vmem>>
        %dma_start3A_366 = arith.constant 0 : i32
        %dma_start3A_367 = tpu.memref_slice %arg9[%add3A_246, %dma_start3A_366] : memref<80x128xi32, #tpu.memory_space<vmem>> -> memref<1x128xi32, #tpu.memory_space<vmem>>
        %dma_start3A_368 = tpu.memref_squeeze %dma_start3A_367 : memref<1x128xi32, #tpu.memory_space<vmem>> -> memref<128xi32, #tpu.memory_space<vmem>>
        %dma_start3A_369 = arith.constant 0 : i32
        %dma_start3A_370 = arith.constant 0 : i32
        %dma_start3A_371 = tpu.memref_slice %arg11[%dma_start3A_369, %dma_start3A_370] : memref<10240x64xf32, #tpu.memory_space<vmem_shared>> -> memref<10240x64xf32, #tpu.memory_space<vmem_shared>>
        tpu.enqueue_indirect_dma source(%dma_start3A_365 : memref<128x64xf32, #tpu.memory_space<vmem>>) target(%dma_start3A_371 : memref<10240x64xf32, #tpu.memory_space<vmem_shared>>) offsets(%dma_start3A_368 : memref<128xi32, #tpu.memory_space<vmem>>) semaphore(%run_scoped3A : memref<!tpu.dma_semaphore, #tpu.memory_space<semaphore_mem>>) {add = true}
        %dma_wait3A_372 = arith.constant 0 : i32
        %dma_wait3A_373 = arith.constant 0 : i32
        %dma_wait3A_374 = tpu.memref_slice %arg10[%dma_wait3A_372, %dma_wait3A_373] : memref<512x64xf32, #tpu.memory_space<vmem>> -> memref<128x64xf32, #tpu.memory_space<vmem>>
        %dma_wait3A_375 = arith.constant 0 : i32
        %dma_wait3A_376 = tpu.memref_slice %arg9[%add3A_246, %dma_wait3A_375] : memref<80x128xi32, #tpu.memory_space<vmem>> -> memref<1x128xi32, #tpu.memory_space<vmem>>
        %dma_wait3A_377 = tpu.memref_squeeze %dma_wait3A_376 : memref<1x128xi32, #tpu.memory_space<vmem>> -> memref<128xi32, #tpu.memory_space<vmem>>
        %dma_wait3A_378 = arith.constant 0 : i32
        %dma_wait3A_379 = arith.constant 0 : i32
        %dma_wait3A_380 = tpu.memref_slice %arg11[%dma_wait3A_378, %dma_wait3A_379] : memref<10240x64xf32, #tpu.memory_space<vmem_shared>> -> memref<10240x64xf32, #tpu.memory_space<vmem_shared>>
        tpu.wait_indirect_dma semaphore(%run_scoped3A : memref<!tpu.dma_semaphore, #tpu.memory_space<semaphore_mem>>) src(%dma_wait3A_374 : memref<128x64xf32, #tpu.memory_space<vmem>>) dst(%dma_wait3A_380 : memref<10240x64xf32, #tpu.memory_space<vmem_shared>>)
        tpu.yield
      }) : () -> ()
      %add3A_247 = arith.constant 4 : i32
      %add3A_248 = arith.addi %mul3A_231, %add3A_247 : i32
      %add3A_249 = arith.constant 0 : i32
      %add3A_250 = arith.addi %add3A_248, %add3A_249 : i32
      %min3A = arith.constant 79 : i32
      %min3A_251 = arith.minsi %add3A_250, %min3A : i32
      %dma_start3A_252 = arith.constant 0 : i32
      %dma_start3A_253 = arith.constant 0 : i32
      %dma_start3A_254 = arith.constant 0 : i32
      %dma_start3A_255 = tpu.memref_slice %arg10[%dma_start3A_253, %dma_start3A_254] : memref<512x64xf32, #tpu.memory_space<vmem>> -> memref<128x64xf32, #tpu.memory_space<vmem>>
      %dma_start3A_256 = arith.constant 0 : i32
      %dma_start3A_257 = tpu.memref_slice %arg8[%min3A_251, %dma_start3A_256] : memref<80x128xi32, #tpu.memory_space<vmem>> -> memref<1x128xi32, #tpu.memory_space<vmem>>
      %dma_start3A_258 = tpu.memref_squeeze %dma_start3A_257 : memref<1x128xi32, #tpu.memory_space<vmem>> -> memref<128xi32, #tpu.memory_space<vmem>>
      %dma_start3A_259 = arith.constant 0 : i32
      %dma_start3A_260 = arith.constant 0 : i32
      %dma_start3A_261 = tpu.memref_slice %arg2[%dma_start3A_259, %dma_start3A_260] : memref<10240x64xf32, #tpu.memory_space<hbm>> -> memref<10240x64xf32, #tpu.memory_space<hbm>>
      %dma_start3A_262 = tpu.memref_slice %arg12[%dma_start3A_252] : memref<4x!tpu.dma_semaphore, #tpu.memory_space<semaphore_mem>> -> memref<1x!tpu.dma_semaphore, #tpu.memory_space<semaphore_mem>>
      %dma_start3A_263 = tpu.memref_squeeze %dma_start3A_262 : memref<1x!tpu.dma_semaphore, #tpu.memory_space<semaphore_mem>> -> memref<!tpu.dma_semaphore, #tpu.memory_space<semaphore_mem>>
      tpu.enqueue_indirect_dma source(%dma_start3A_261 : memref<10240x64xf32, #tpu.memory_space<hbm>>) target(%dma_start3A_255 : memref<128x64xf32, #tpu.memory_space<vmem>>) offsets(%dma_start3A_258 : memref<128xi32, #tpu.memory_space<vmem>>) semaphore(%dma_start3A_263 : memref<!tpu.dma_semaphore, #tpu.memory_space<semaphore_mem>>)
      %dma_wait3A_264 = arith.constant 0 : i32
      %dma_wait3A_265 = arith.constant 1 : i32
      %dma_wait3A_266 = arith.constant 128 : i32
      %dma_wait3A_267 = arith.constant 0 : i32
      %dma_wait3A_268 = tpu.memref_slice %arg10[%dma_wait3A_266, %dma_wait3A_267] : memref<512x64xf32, #tpu.memory_space<vmem>> -> memref<128x64xf32, #tpu.memory_space<vmem>>
      %dma_wait3A_269 = arith.constant 0 : i32
      %dma_wait3A_270 = tpu.memref_slice %arg8[%dma_wait3A_264, %dma_wait3A_269] : memref<80x128xi32, #tpu.memory_space<vmem>> -> memref<1x128xi32, #tpu.memory_space<vmem>>
      %dma_wait3A_271 = tpu.memref_squeeze %dma_wait3A_270 : memref<1x128xi32, #tpu.memory_space<vmem>> -> memref<128xi32, #tpu.memory_space<vmem>>
      %dma_wait3A_272 = arith.constant 0 : i32
      %dma_wait3A_273 = arith.constant 0 : i32
      %dma_wait3A_274 = tpu.memref_slice %arg2[%dma_wait3A_272, %dma_wait3A_273] : memref<10240x64xf32, #tpu.memory_space<hbm>> -> memref<10240x64xf32, #tpu.memory_space<hbm>>
      %dma_wait3A_275 = tpu.memref_slice %arg12[%dma_wait3A_265] : memref<4x!tpu.dma_semaphore, #tpu.memory_space<semaphore_mem>> -> memref<1x!tpu.dma_semaphore, #tpu.memory_space<semaphore_mem>>
      %dma_wait3A_276 = tpu.memref_squeeze %dma_wait3A_275 : memref<1x!tpu.dma_semaphore, #tpu.memory_space<semaphore_mem>> -> memref<!tpu.dma_semaphore, #tpu.memory_space<semaphore_mem>>
      tpu.wait_indirect_dma semaphore(%dma_wait3A_276 : memref<!tpu.dma_semaphore, #tpu.memory_space<semaphore_mem>>) src(%dma_wait3A_274 : memref<10240x64xf32, #tpu.memory_space<hbm>>) dst(%dma_wait3A_268 : memref<128x64xf32, #tpu.memory_space<vmem>>)
      %add3A_277 = arith.constant 1 : i32
      %add3A_278 = arith.addi %mul3A_231, %add3A_277 : i32
      "tpu.region"() ({
        %run_scoped3A = tpu.sem_alloc : memref<!tpu.dma_semaphore, #tpu.memory_space<semaphore_mem>>
        %dma_start3A_363 = arith.constant 128 : i32
        %dma_start3A_364 = arith.constant 0 : i32
        %dma_start3A_365 = tpu.memref_slice %arg10[%dma_start3A_363, %dma_start3A_364] : memref<512x64xf32, #tpu.memory_space<vmem>> -> memref<128x64xf32, #tpu.memory_space<vmem>>
        %dma_start3A_366 = arith.constant 0 : i32
        %dma_start3A_367 = tpu.memref_slice %arg9[%add3A_278, %dma_start3A_366] : memref<80x128xi32, #tpu.memory_space<vmem>> -> memref<1x128xi32, #tpu.memory_space<vmem>>
        %dma_start3A_368 = tpu.memref_squeeze %dma_start3A_367 : memref<1x128xi32, #tpu.memory_space<vmem>> -> memref<128xi32, #tpu.memory_space<vmem>>
        %dma_start3A_369 = arith.constant 0 : i32
        %dma_start3A_370 = arith.constant 0 : i32
        %dma_start3A_371 = tpu.memref_slice %arg11[%dma_start3A_369, %dma_start3A_370] : memref<10240x64xf32, #tpu.memory_space<vmem_shared>> -> memref<10240x64xf32, #tpu.memory_space<vmem_shared>>
        tpu.enqueue_indirect_dma source(%dma_start3A_365 : memref<128x64xf32, #tpu.memory_space<vmem>>) target(%dma_start3A_371 : memref<10240x64xf32, #tpu.memory_space<vmem_shared>>) offsets(%dma_start3A_368 : memref<128xi32, #tpu.memory_space<vmem>>) semaphore(%run_scoped3A : memref<!tpu.dma_semaphore, #tpu.memory_space<semaphore_mem>>) {add = true}
        %dma_wait3A_372 = arith.constant 128 : i32
        %dma_wait3A_373 = arith.constant 0 : i32
        %dma_wait3A_374 = tpu.memref_slice %arg10[%dma_wait3A_372, %dma_wait3A_373] : memref<512x64xf32, #tpu.memory_space<vmem>> -> memref<128x64xf32, #tpu.memory_space<vmem>>
        %dma_wait3A_375 = arith.constant 0 : i32
        %dma_wait3A_376 = tpu.memref_slice %arg9[%add3A_278, %dma_wait3A_375] : memref<80x128xi32, #tpu.memory_space<vmem>> -> memref<1x128xi32, #tpu.memory_space<vmem>>
        %dma_wait3A_377 = tpu.memref_squeeze %dma_wait3A_376 : memref<1x128xi32, #tpu.memory_space<vmem>> -> memref<128xi32, #tpu.memory_space<vmem>>
        %dma_wait3A_378 = arith.constant 0 : i32
        %dma_wait3A_379 = arith.constant 0 : i32
        %dma_wait3A_380 = tpu.memref_slice %arg11[%dma_wait3A_378, %dma_wait3A_379] : memref<10240x64xf32, #tpu.memory_space<vmem_shared>> -> memref<10240x64xf32, #tpu.memory_space<vmem_shared>>
        tpu.wait_indirect_dma semaphore(%run_scoped3A : memref<!tpu.dma_semaphore, #tpu.memory_space<semaphore_mem>>) src(%dma_wait3A_374 : memref<128x64xf32, #tpu.memory_space<vmem>>) dst(%dma_wait3A_380 : memref<10240x64xf32, #tpu.memory_space<vmem_shared>>)
        tpu.yield
      }) : () -> ()
      %add3A_279 = arith.constant 4 : i32
      %add3A_280 = arith.addi %mul3A_231, %add3A_279 : i32
      %add3A_281 = arith.constant 1 : i32
      %add3A_282 = arith.addi %add3A_280, %add3A_281 : i32
      %min3A_283 = arith.constant 79 : i32
      %min3A_284 = arith.minsi %add3A_282, %min3A_283 : i32
      %dma_start3A_285 = arith.constant 1 : i32
      %dma_start3A_286 = arith.constant 128 : i32
      %dma_start3A_287 = arith.constant 0 : i32
      %dma_start3A_288 = tpu.memref_slice %arg10[%dma_start3A_286, %dma_start3A_287] : memref<512x64xf32, #tpu.memory_space<vmem>> -> memref<128x64xf32, #tpu.memory_space<vmem>>
      %dma_start3A_289 = arith.constant 0 : i32
      %dma_start3A_290 = tpu.memref_slice %arg8[%min3A_284, %dma_start3A_289] : memref<80x128xi32, #tpu.memory_space<vmem>> -> memref<1x128xi32, #tpu.memory_space<vmem>>
      %dma_start3A_291 = tpu.memref_squeeze %dma_start3A_290 : memref<1x128xi32, #tpu.memory_space<vmem>> -> memref<128xi32, #tpu.memory_space<vmem>>
      %dma_start3A_292 = arith.constant 0 : i32
      %dma_start3A_293 = arith.constant 0 : i32
      %dma_start3A_294 = tpu.memref_slice %arg2[%dma_start3A_292, %dma_start3A_293] : memref<10240x64xf32, #tpu.memory_space<hbm>> -> memref<10240x64xf32, #tpu.memory_space<hbm>>
      %dma_start3A_295 = tpu.memref_slice %arg12[%dma_start3A_285] : memref<4x!tpu.dma_semaphore, #tpu.memory_space<semaphore_mem>> -> memref<1x!tpu.dma_semaphore, #tpu.memory_space<semaphore_mem>>
      %dma_start3A_296 = tpu.memref_squeeze %dma_start3A_295 : memref<1x!tpu.dma_semaphore, #tpu.memory_space<semaphore_mem>> -> memref<!tpu.dma_semaphore, #tpu.memory_space<semaphore_mem>>
      tpu.enqueue_indirect_dma source(%dma_start3A_294 : memref<10240x64xf32, #tpu.memory_space<hbm>>) target(%dma_start3A_288 : memref<128x64xf32, #tpu.memory_space<vmem>>) offsets(%dma_start3A_291 : memref<128xi32, #tpu.memory_space<vmem>>) semaphore(%dma_start3A_296 : memref<!tpu.dma_semaphore, #tpu.memory_space<semaphore_mem>>)
      %dma_wait3A_297 = arith.constant 0 : i32
      %dma_wait3A_298 = arith.constant 2 : i32
      %dma_wait3A_299 = arith.constant 256 : i32
      %dma_wait3A_300 = arith.constant 0 : i32
      %dma_wait3A_301 = tpu.memref_slice %arg10[%dma_wait3A_299, %dma_wait3A_300] : memref<512x64xf32, #tpu.memory_space<vmem>> -> memref<128x64xf32, #tpu.memory_space<vmem>>
      %dma_wait3A_302 = arith.constant 0 : i32
      %dma_wait3A_303 = tpu.memref_slice %arg8[%dma_wait3A_297, %dma_wait3A_302] : memref<80x128xi32, #tpu.memory_space<vmem>> -> memref<1x128xi32, #tpu.memory_space<vmem>>
      %dma_wait3A_304 = tpu.memref_squeeze %dma_wait3A_303 : memref<1x128xi32, #tpu.memory_space<vmem>> -> memref<128xi32, #tpu.memory_space<vmem>>
      %dma_wait3A_305 = arith.constant 0 : i32
      %dma_wait3A_306 = arith.constant 0 : i32
      %dma_wait3A_307 = tpu.memref_slice %arg2[%dma_wait3A_305, %dma_wait3A_306] : memref<10240x64xf32, #tpu.memory_space<hbm>> -> memref<10240x64xf32, #tpu.memory_space<hbm>>
      %dma_wait3A_308 = tpu.memref_slice %arg12[%dma_wait3A_298] : memref<4x!tpu.dma_semaphore, #tpu.memory_space<semaphore_mem>> -> memref<1x!tpu.dma_semaphore, #tpu.memory_space<semaphore_mem>>
      %dma_wait3A_309 = tpu.memref_squeeze %dma_wait3A_308 : memref<1x!tpu.dma_semaphore, #tpu.memory_space<semaphore_mem>> -> memref<!tpu.dma_semaphore, #tpu.memory_space<semaphore_mem>>
      tpu.wait_indirect_dma semaphore(%dma_wait3A_309 : memref<!tpu.dma_semaphore, #tpu.memory_space<semaphore_mem>>) src(%dma_wait3A_307 : memref<10240x64xf32, #tpu.memory_space<hbm>>) dst(%dma_wait3A_301 : memref<128x64xf32, #tpu.memory_space<vmem>>)
      %add3A_310 = arith.constant 2 : i32
      %add3A_311 = arith.addi %mul3A_231, %add3A_310 : i32
      "tpu.region"() ({
        %run_scoped3A = tpu.sem_alloc : memref<!tpu.dma_semaphore, #tpu.memory_space<semaphore_mem>>
        %dma_start3A_363 = arith.constant 256 : i32
        %dma_start3A_364 = arith.constant 0 : i32
        %dma_start3A_365 = tpu.memref_slice %arg10[%dma_start3A_363, %dma_start3A_364] : memref<512x64xf32, #tpu.memory_space<vmem>> -> memref<128x64xf32, #tpu.memory_space<vmem>>
        %dma_start3A_366 = arith.constant 0 : i32
        %dma_start3A_367 = tpu.memref_slice %arg9[%add3A_311, %dma_start3A_366] : memref<80x128xi32, #tpu.memory_space<vmem>> -> memref<1x128xi32, #tpu.memory_space<vmem>>
        %dma_start3A_368 = tpu.memref_squeeze %dma_start3A_367 : memref<1x128xi32, #tpu.memory_space<vmem>> -> memref<128xi32, #tpu.memory_space<vmem>>
        %dma_start3A_369 = arith.constant 0 : i32
        %dma_start3A_370 = arith.constant 0 : i32
        %dma_start3A_371 = tpu.memref_slice %arg11[%dma_start3A_369, %dma_start3A_370] : memref<10240x64xf32, #tpu.memory_space<vmem_shared>> -> memref<10240x64xf32, #tpu.memory_space<vmem_shared>>
        tpu.enqueue_indirect_dma source(%dma_start3A_365 : memref<128x64xf32, #tpu.memory_space<vmem>>) target(%dma_start3A_371 : memref<10240x64xf32, #tpu.memory_space<vmem_shared>>) offsets(%dma_start3A_368 : memref<128xi32, #tpu.memory_space<vmem>>) semaphore(%run_scoped3A : memref<!tpu.dma_semaphore, #tpu.memory_space<semaphore_mem>>) {add = true}
        %dma_wait3A_372 = arith.constant 256 : i32
        %dma_wait3A_373 = arith.constant 0 : i32
        %dma_wait3A_374 = tpu.memref_slice %arg10[%dma_wait3A_372, %dma_wait3A_373] : memref<512x64xf32, #tpu.memory_space<vmem>> -> memref<128x64xf32, #tpu.memory_space<vmem>>
        %dma_wait3A_375 = arith.constant 0 : i32
        %dma_wait3A_376 = tpu.memref_slice %arg9[%add3A_311, %dma_wait3A_375] : memref<80x128xi32, #tpu.memory_space<vmem>> -> memref<1x128xi32, #tpu.memory_space<vmem>>
        %dma_wait3A_377 = tpu.memref_squeeze %dma_wait3A_376 : memref<1x128xi32, #tpu.memory_space<vmem>> -> memref<128xi32, #tpu.memory_space<vmem>>
        %dma_wait3A_378 = arith.constant 0 : i32
        %dma_wait3A_379 = arith.constant 0 : i32
        %dma_wait3A_380 = tpu.memref_slice %arg11[%dma_wait3A_378, %dma_wait3A_379] : memref<10240x64xf32, #tpu.memory_space<vmem_shared>> -> memref<10240x64xf32, #tpu.memory_space<vmem_shared>>
        tpu.wait_indirect_dma semaphore(%run_scoped3A : memref<!tpu.dma_semaphore, #tpu.memory_space<semaphore_mem>>) src(%dma_wait3A_374 : memref<128x64xf32, #tpu.memory_space<vmem>>) dst(%dma_wait3A_380 : memref<10240x64xf32, #tpu.memory_space<vmem_shared>>)
        tpu.yield
      }) : () -> ()
      %add3A_312 = arith.constant 4 : i32
      %add3A_313 = arith.addi %mul3A_231, %add3A_312 : i32
      %add3A_314 = arith.constant 2 : i32
      %add3A_315 = arith.addi %add3A_313, %add3A_314 : i32
      %min3A_316 = arith.constant 79 : i32
      %min3A_317 = arith.minsi %add3A_315, %min3A_316 : i32
      %dma_start3A_318 = arith.constant 2 : i32
      %dma_start3A_319 = arith.constant 256 : i32
      %dma_start3A_320 = arith.constant 0 : i32
      %dma_start3A_321 = tpu.memref_slice %arg10[%dma_start3A_319, %dma_start3A_320] : memref<512x64xf32, #tpu.memory_space<vmem>> -> memref<128x64xf32, #tpu.memory_space<vmem>>
      %dma_start3A_322 = arith.constant 0 : i32
      %dma_start3A_323 = tpu.memref_slice %arg8[%min3A_317, %dma_start3A_322] : memref<80x128xi32, #tpu.memory_space<vmem>> -> memref<1x128xi32, #tpu.memory_space<vmem>>
      %dma_start3A_324 = tpu.memref_squeeze %dma_start3A_323 : memref<1x128xi32, #tpu.memory_space<vmem>> -> memref<128xi32, #tpu.memory_space<vmem>>
      %dma_start3A_325 = arith.constant 0 : i32
      %dma_start3A_326 = arith.constant 0 : i32
      %dma_start3A_327 = tpu.memref_slice %arg2[%dma_start3A_325, %dma_start3A_326] : memref<10240x64xf32, #tpu.memory_space<hbm>> -> memref<10240x64xf32, #tpu.memory_space<hbm>>
      %dma_start3A_328 = tpu.memref_slice %arg12[%dma_start3A_318] : memref<4x!tpu.dma_semaphore, #tpu.memory_space<semaphore_mem>> -> memref<1x!tpu.dma_semaphore, #tpu.memory_space<semaphore_mem>>
      %dma_start3A_329 = tpu.memref_squeeze %dma_start3A_328 : memref<1x!tpu.dma_semaphore, #tpu.memory_space<semaphore_mem>> -> memref<!tpu.dma_semaphore, #tpu.memory_space<semaphore_mem>>
      tpu.enqueue_indirect_dma source(%dma_start3A_327 : memref<10240x64xf32, #tpu.memory_space<hbm>>) target(%dma_start3A_321 : memref<128x64xf32, #tpu.memory_space<vmem>>) offsets(%dma_start3A_324 : memref<128xi32, #tpu.memory_space<vmem>>) semaphore(%dma_start3A_329 : memref<!tpu.dma_semaphore, #tpu.memory_space<semaphore_mem>>)
      %dma_wait3A_330 = arith.constant 0 : i32
      %dma_wait3A_331 = arith.constant 3 : i32
      %dma_wait3A_332 = arith.constant 384 : i32
      %dma_wait3A_333 = arith.constant 0 : i32
      %dma_wait3A_334 = tpu.memref_slice %arg10[%dma_wait3A_332, %dma_wait3A_333] : memref<512x64xf32, #tpu.memory_space<vmem>> -> memref<128x64xf32, #tpu.memory_space<vmem>>
      %dma_wait3A_335 = arith.constant 0 : i32
      %dma_wait3A_336 = tpu.memref_slice %arg8[%dma_wait3A_330, %dma_wait3A_335] : memref<80x128xi32, #tpu.memory_space<vmem>> -> memref<1x128xi32, #tpu.memory_space<vmem>>
      %dma_wait3A_337 = tpu.memref_squeeze %dma_wait3A_336 : memref<1x128xi32, #tpu.memory_space<vmem>> -> memref<128xi32, #tpu.memory_space<vmem>>
      %dma_wait3A_338 = arith.constant 0 : i32
      %dma_wait3A_339 = arith.constant 0 : i32
      %dma_wait3A_340 = tpu.memref_slice %arg2[%dma_wait3A_338, %dma_wait3A_339] : memref<10240x64xf32, #tpu.memory_space<hbm>> -> memref<10240x64xf32, #tpu.memory_space<hbm>>
      %dma_wait3A_341 = tpu.memref_slice %arg12[%dma_wait3A_331] : memref<4x!tpu.dma_semaphore, #tpu.memory_space<semaphore_mem>> -> memref<1x!tpu.dma_semaphore, #tpu.memory_space<semaphore_mem>>
      %dma_wait3A_342 = tpu.memref_squeeze %dma_wait3A_341 : memref<1x!tpu.dma_semaphore, #tpu.memory_space<semaphore_mem>> -> memref<!tpu.dma_semaphore, #tpu.memory_space<semaphore_mem>>
      tpu.wait_indirect_dma semaphore(%dma_wait3A_342 : memref<!tpu.dma_semaphore, #tpu.memory_space<semaphore_mem>>) src(%dma_wait3A_340 : memref<10240x64xf32, #tpu.memory_space<hbm>>) dst(%dma_wait3A_334 : memref<128x64xf32, #tpu.memory_space<vmem>>)
      %add3A_343 = arith.constant 3 : i32
      %add3A_344 = arith.addi %mul3A_231, %add3A_343 : i32
      "tpu.region"() ({
        %run_scoped3A = tpu.sem_alloc : memref<!tpu.dma_semaphore, #tpu.memory_space<semaphore_mem>>
        %dma_start3A_363 = arith.constant 384 : i32
        %dma_start3A_364 = arith.constant 0 : i32
        %dma_start3A_365 = tpu.memref_slice %arg10[%dma_start3A_363, %dma_start3A_364] : memref<512x64xf32, #tpu.memory_space<vmem>> -> memref<128x64xf32, #tpu.memory_space<vmem>>
        %dma_start3A_366 = arith.constant 0 : i32
        %dma_start3A_367 = tpu.memref_slice %arg9[%add3A_344, %dma_start3A_366] : memref<80x128xi32, #tpu.memory_space<vmem>> -> memref<1x128xi32, #tpu.memory_space<vmem>>
        %dma_start3A_368 = tpu.memref_squeeze %dma_start3A_367 : memref<1x128xi32, #tpu.memory_space<vmem>> -> memref<128xi32, #tpu.memory_space<vmem>>
        %dma_start3A_369 = arith.constant 0 : i32
        %dma_start3A_370 = arith.constant 0 : i32
        %dma_start3A_371 = tpu.memref_slice %arg11[%dma_start3A_369, %dma_start3A_370] : memref<10240x64xf32, #tpu.memory_space<vmem_shared>> -> memref<10240x64xf32, #tpu.memory_space<vmem_shared>>
        tpu.enqueue_indirect_dma source(%dma_start3A_365 : memref<128x64xf32, #tpu.memory_space<vmem>>) target(%dma_start3A_371 : memref<10240x64xf32, #tpu.memory_space<vmem_shared>>) offsets(%dma_start3A_368 : memref<128xi32, #tpu.memory_space<vmem>>) semaphore(%run_scoped3A : memref<!tpu.dma_semaphore, #tpu.memory_space<semaphore_mem>>) {add = true}
        %dma_wait3A_372 = arith.constant 384 : i32
        %dma_wait3A_373 = arith.constant 0 : i32
        %dma_wait3A_374 = tpu.memref_slice %arg10[%dma_wait3A_372, %dma_wait3A_373] : memref<512x64xf32, #tpu.memory_space<vmem>> -> memref<128x64xf32, #tpu.memory_space<vmem>>
        %dma_wait3A_375 = arith.constant 0 : i32
        %dma_wait3A_376 = tpu.memref_slice %arg9[%add3A_344, %dma_wait3A_375] : memref<80x128xi32, #tpu.memory_space<vmem>> -> memref<1x128xi32, #tpu.memory_space<vmem>>
        %dma_wait3A_377 = tpu.memref_squeeze %dma_wait3A_376 : memref<1x128xi32, #tpu.memory_space<vmem>> -> memref<128xi32, #tpu.memory_space<vmem>>
        %dma_wait3A_378 = arith.constant 0 : i32
        %dma_wait3A_379 = arith.constant 0 : i32
        %dma_wait3A_380 = tpu.memref_slice %arg11[%dma_wait3A_378, %dma_wait3A_379] : memref<10240x64xf32, #tpu.memory_space<vmem_shared>> -> memref<10240x64xf32, #tpu.memory_space<vmem_shared>>
        tpu.wait_indirect_dma semaphore(%run_scoped3A : memref<!tpu.dma_semaphore, #tpu.memory_space<semaphore_mem>>) src(%dma_wait3A_374 : memref<128x64xf32, #tpu.memory_space<vmem>>) dst(%dma_wait3A_380 : memref<10240x64xf32, #tpu.memory_space<vmem_shared>>)
        tpu.yield
      }) : () -> ()
      %add3A_345 = arith.constant 4 : i32
      %add3A_346 = arith.addi %mul3A_231, %add3A_345 : i32
      %add3A_347 = arith.constant 3 : i32
      %add3A_348 = arith.addi %add3A_346, %add3A_347 : i32
      %min3A_349 = arith.constant 79 : i32
      %min3A_350 = arith.minsi %add3A_348, %min3A_349 : i32
      %dma_start3A_351 = arith.constant 3 : i32
      %dma_start3A_352 = arith.constant 384 : i32
      %dma_start3A_353 = arith.constant 0 : i32
      %dma_start3A_354 = tpu.memref_slice %arg10[%dma_start3A_352, %dma_start3A_353] : memref<512x64xf32, #tpu.memory_space<vmem>> -> memref<128x64xf32, #tpu.memory_space<vmem>>
      %dma_start3A_355 = arith.constant 0 : i32
      %dma_start3A_356 = tpu.memref_slice %arg8[%min3A_350, %dma_start3A_355] : memref<80x128xi32, #tpu.memory_space<vmem>> -> memref<1x128xi32, #tpu.memory_space<vmem>>
      %dma_start3A_357 = tpu.memref_squeeze %dma_start3A_356 : memref<1x128xi32, #tpu.memory_space<vmem>> -> memref<128xi32, #tpu.memory_space<vmem>>
      %dma_start3A_358 = arith.constant 0 : i32
      %dma_start3A_359 = arith.constant 0 : i32
      %dma_start3A_360 = tpu.memref_slice %arg2[%dma_start3A_358, %dma_start3A_359] : memref<10240x64xf32, #tpu.memory_space<hbm>> -> memref<10240x64xf32, #tpu.memory_space<hbm>>
      %dma_start3A_361 = tpu.memref_slice %arg12[%dma_start3A_351] : memref<4x!tpu.dma_semaphore, #tpu.memory_space<semaphore_mem>> -> memref<1x!tpu.dma_semaphore, #tpu.memory_space<semaphore_mem>>
      %dma_start3A_362 = tpu.memref_squeeze %dma_start3A_361 : memref<1x!tpu.dma_semaphore, #tpu.memory_space<semaphore_mem>> -> memref<!tpu.dma_semaphore, #tpu.memory_space<semaphore_mem>>
      tpu.enqueue_indirect_dma source(%dma_start3A_360 : memref<10240x64xf32, #tpu.memory_space<hbm>>) target(%dma_start3A_354 : memref<128x64xf32, #tpu.memory_space<vmem>>) offsets(%dma_start3A_357 : memref<128xi32, #tpu.memory_space<vmem>>) semaphore(%dma_start3A_362 : memref<!tpu.dma_semaphore, #tpu.memory_space<semaphore_mem>>)
    }
    %scan3A_58 = arith.constant 20 : i32
    %dma_wait3A = arith.constant 0 : i32
    %dma_wait3A_59 = arith.constant 0 : i32
    %dma_wait3A_60 = arith.constant 0 : i32
    %dma_wait3A_61 = arith.constant 0 : i32
    %dma_wait3A_62 = tpu.memref_slice %arg10[%dma_wait3A_60, %dma_wait3A_61] : memref<512x64xf32, #tpu.memory_space<vmem>> -> memref<128x64xf32, #tpu.memory_space<vmem>>
    %dma_wait3A_63 = arith.constant 0 : i32
    %dma_wait3A_64 = tpu.memref_slice %arg8[%dma_wait3A, %dma_wait3A_63] : memref<80x128xi32, #tpu.memory_space<vmem>> -> memref<1x128xi32, #tpu.memory_space<vmem>>
    %dma_wait3A_65 = tpu.memref_squeeze %dma_wait3A_64 : memref<1x128xi32, #tpu.memory_space<vmem>> -> memref<128xi32, #tpu.memory_space<vmem>>
    %dma_wait3A_66 = arith.constant 0 : i32
    %dma_wait3A_67 = arith.constant 0 : i32
    %dma_wait3A_68 = tpu.memref_slice %arg2[%dma_wait3A_66, %dma_wait3A_67] : memref<10240x64xf32, #tpu.memory_space<hbm>> -> memref<10240x64xf32, #tpu.memory_space<hbm>>
    %dma_wait3A_69 = tpu.memref_slice %arg12[%dma_wait3A_59] : memref<4x!tpu.dma_semaphore, #tpu.memory_space<semaphore_mem>> -> memref<1x!tpu.dma_semaphore, #tpu.memory_space<semaphore_mem>>
    %dma_wait3A_70 = tpu.memref_squeeze %dma_wait3A_69 : memref<1x!tpu.dma_semaphore, #tpu.memory_space<semaphore_mem>> -> memref<!tpu.dma_semaphore, #tpu.memory_space<semaphore_mem>>
    tpu.wait_indirect_dma semaphore(%dma_wait3A_70 : memref<!tpu.dma_semaphore, #tpu.memory_space<semaphore_mem>>) src(%dma_wait3A_68 : memref<10240x64xf32, #tpu.memory_space<hbm>>) dst(%dma_wait3A_62 : memref<128x64xf32, #tpu.memory_space<vmem>>)
    %dma_wait3A_71 = arith.constant 0 : i32
    %dma_wait3A_72 = arith.constant 1 : i32
    %dma_wait3A_73 = arith.constant 128 : i32
    %dma_wait3A_74 = arith.constant 0 : i32
    %dma_wait3A_75 = tpu.memref_slice %arg10[%dma_wait3A_73, %dma_wait3A_74] : memref<512x64xf32, #tpu.memory_space<vmem>> -> memref<128x64xf32, #tpu.memory_space<vmem>>
    %dma_wait3A_76 = arith.constant 0 : i32
    %dma_wait3A_77 = tpu.memref_slice %arg8[%dma_wait3A_71, %dma_wait3A_76] : memref<80x128xi32, #tpu.memory_space<vmem>> -> memref<1x128xi32, #tpu.memory_space<vmem>>
    %dma_wait3A_78 = tpu.memref_squeeze %dma_wait3A_77 : memref<1x128xi32, #tpu.memory_space<vmem>> -> memref<128xi32, #tpu.memory_space<vmem>>
    %dma_wait3A_79 = arith.constant 0 : i32
    %dma_wait3A_80 = arith.constant 0 : i32
    %dma_wait3A_81 = tpu.memref_slice %arg2[%dma_wait3A_79, %dma_wait3A_80] : memref<10240x64xf32, #tpu.memory_space<hbm>> -> memref<10240x64xf32, #tpu.memory_space<hbm>>
    %dma_wait3A_82 = tpu.memref_slice %arg12[%dma_wait3A_72] : memref<4x!tpu.dma_semaphore, #tpu.memory_space<semaphore_mem>> -> memref<1x!tpu.dma_semaphore, #tpu.memory_space<semaphore_mem>>
    %dma_wait3A_83 = tpu.memref_squeeze %dma_wait3A_82 : memref<1x!tpu.dma_semaphore, #tpu.memory_space<semaphore_mem>> -> memref<!tpu.dma_semaphore, #tpu.memory_space<semaphore_mem>>
    tpu.wait_indirect_dma semaphore(%dma_wait3A_83 : memref<!tpu.dma_semaphore, #tpu.memory_space<semaphore_mem>>) src(%dma_wait3A_81 : memref<10240x64xf32, #tpu.memory_space<hbm>>) dst(%dma_wait3A_75 : memref<128x64xf32, #tpu.memory_space<vmem>>)
    %dma_wait3A_84 = arith.constant 0 : i32
    %dma_wait3A_85 = arith.constant 2 : i32
    %dma_wait3A_86 = arith.constant 256 : i32
    %dma_wait3A_87 = arith.constant 0 : i32
    %dma_wait3A_88 = tpu.memref_slice %arg10[%dma_wait3A_86, %dma_wait3A_87] : memref<512x64xf32, #tpu.memory_space<vmem>> -> memref<128x64xf32, #tpu.memory_space<vmem>>
    %dma_wait3A_89 = arith.constant 0 : i32
    %dma_wait3A_90 = tpu.memref_slice %arg8[%dma_wait3A_84, %dma_wait3A_89] : memref<80x128xi32, #tpu.memory_space<vmem>> -> memref<1x128xi32, #tpu.memory_space<vmem>>
    %dma_wait3A_91 = tpu.memref_squeeze %dma_wait3A_90 : memref<1x128xi32, #tpu.memory_space<vmem>> -> memref<128xi32, #tpu.memory_space<vmem>>
    %dma_wait3A_92 = arith.constant 0 : i32
    %dma_wait3A_93 = arith.constant 0 : i32
    %dma_wait3A_94 = tpu.memref_slice %arg2[%dma_wait3A_92, %dma_wait3A_93] : memref<10240x64xf32, #tpu.memory_space<hbm>> -> memref<10240x64xf32, #tpu.memory_space<hbm>>
    %dma_wait3A_95 = tpu.memref_slice %arg12[%dma_wait3A_85] : memref<4x!tpu.dma_semaphore, #tpu.memory_space<semaphore_mem>> -> memref<1x!tpu.dma_semaphore, #tpu.memory_space<semaphore_mem>>
    %dma_wait3A_96 = tpu.memref_squeeze %dma_wait3A_95 : memref<1x!tpu.dma_semaphore, #tpu.memory_space<semaphore_mem>> -> memref<!tpu.dma_semaphore, #tpu.memory_space<semaphore_mem>>
    tpu.wait_indirect_dma semaphore(%dma_wait3A_96 : memref<!tpu.dma_semaphore, #tpu.memory_space<semaphore_mem>>) src(%dma_wait3A_94 : memref<10240x64xf32, #tpu.memory_space<hbm>>) dst(%dma_wait3A_88 : memref<128x64xf32, #tpu.memory_space<vmem>>)
    %dma_wait3A_97 = arith.constant 0 : i32
    %dma_wait3A_98 = arith.constant 3 : i32
    %dma_wait3A_99 = arith.constant 384 : i32
    %dma_wait3A_100 = arith.constant 0 : i32
    %dma_wait3A_101 = tpu.memref_slice %arg10[%dma_wait3A_99, %dma_wait3A_100] : memref<512x64xf32, #tpu.memory_space<vmem>> -> memref<128x64xf32, #tpu.memory_space<vmem>>
    %dma_wait3A_102 = arith.constant 0 : i32
    %dma_wait3A_103 = tpu.memref_slice %arg8[%dma_wait3A_97, %dma_wait3A_102] : memref<80x128xi32, #tpu.memory_space<vmem>> -> memref<1x128xi32, #tpu.memory_space<vmem>>
    %dma_wait3A_104 = tpu.memref_squeeze %dma_wait3A_103 : memref<1x128xi32, #tpu.memory_space<vmem>> -> memref<128xi32, #tpu.memory_space<vmem>>
    %dma_wait3A_105 = arith.constant 0 : i32
    %dma_wait3A_106 = arith.constant 0 : i32
    %dma_wait3A_107 = tpu.memref_slice %arg2[%dma_wait3A_105, %dma_wait3A_106] : memref<10240x64xf32, #tpu.memory_space<hbm>> -> memref<10240x64xf32, #tpu.memory_space<hbm>>
    %dma_wait3A_108 = tpu.memref_slice %arg12[%dma_wait3A_98] : memref<4x!tpu.dma_semaphore, #tpu.memory_space<semaphore_mem>> -> memref<1x!tpu.dma_semaphore, #tpu.memory_space<semaphore_mem>>
    %dma_wait3A_109 = tpu.memref_squeeze %dma_wait3A_108 : memref<1x!tpu.dma_semaphore, #tpu.memory_space<semaphore_mem>> -> memref<!tpu.dma_semaphore, #tpu.memory_space<semaphore_mem>>
    tpu.wait_indirect_dma semaphore(%dma_wait3A_109 : memref<!tpu.dma_semaphore, #tpu.memory_space<semaphore_mem>>) src(%dma_wait3A_107 : memref<10240x64xf32, #tpu.memory_space<hbm>>) dst(%dma_wait3A_101 : memref<128x64xf32, #tpu.memory_space<vmem>>)
    %barrier3A_110 = arith.constant 0 : index
    tpu.barrier barrier_id(%barrier3A_110)
    %mul3A_111 = arith.constant 640 : i32
    %mul3A_112 = arith.muli %arg1, %mul3A_111 : i32
    "tpu.region"() ({
      %run_scoped3A = tpu.sem_alloc : memref<!tpu.dma_semaphore, #tpu.memory_space<semaphore_mem>>
      %dma_start3A_229 = arith.constant 0 : i32
      %dma_start3A_230 = tpu.memref_slice %arg6[%arg0, %mul3A_112, %dma_start3A_229] : memref<2x10240x64xf32, #tpu.memory_space<hbm>> -> memref<1x640x64xf32, #tpu.memory_space<hbm>>
      %dma_start3A_231 = tpu.memref_squeeze %dma_start3A_230 : memref<1x640x64xf32, #tpu.memory_space<hbm>> -> memref<640x64xf32, #tpu.memory_space<hbm>>
      %dma_start3A_232 = arith.constant 0 : i32
      %dma_start3A_233 = tpu.memref_slice %arg11[%mul3A_112, %dma_start3A_232] : memref<10240x64xf32, #tpu.memory_space<vmem_shared>> -> memref<640x64xf32, #tpu.memory_space<vmem_shared>>
      tpu.enqueue_dma source(%dma_start3A_233 : memref<640x64xf32, #tpu.memory_space<vmem_shared>>) target(%dma_start3A_231 : memref<640x64xf32, #tpu.memory_space<hbm>>) target_semaphore(%run_scoped3A : memref<!tpu.dma_semaphore, #tpu.memory_space<semaphore_mem>>)
      %dma_wait3A_234 = arith.constant 0 : i32
      %dma_wait3A_235 = tpu.memref_slice %arg6[%arg0, %mul3A_112, %dma_wait3A_234] : memref<2x10240x64xf32, #tpu.memory_space<hbm>> -> memref<1x640x64xf32, #tpu.memory_space<hbm>>
      %dma_wait3A_236 = tpu.memref_squeeze %dma_wait3A_235 : memref<1x640x64xf32, #tpu.memory_space<hbm>> -> memref<640x64xf32, #tpu.memory_space<hbm>>
      %dma_wait3A_237 = arith.constant 0 : i32
      %dma_wait3A_238 = tpu.memref_slice %arg11[%mul3A_112, %dma_wait3A_237] : memref<10240x64xf32, #tpu.memory_space<vmem_shared>> -> memref<640x64xf32, #tpu.memory_space<vmem_shared>>
      tpu.wait_dma2 semaphore(%run_scoped3A : memref<!tpu.dma_semaphore, #tpu.memory_space<semaphore_mem>>) src(%dma_wait3A_238 : memref<640x64xf32, #tpu.memory_space<vmem_shared>>) dst(%dma_wait3A_236 : memref<640x64xf32, #tpu.memory_space<hbm>>)
      tpu.yield
    }) : () -> ()
    %mul3A_113 = arith.constant 640 : i32
    %mul3A_114 = arith.muli %arg1, %mul3A_113 : i32
    "tpu.region"() ({
      %run_scoped3A = tpu.sem_alloc : memref<!tpu.dma_semaphore, #tpu.memory_space<semaphore_mem>>
      %dma_start3A_229 = arith.constant 0 : i32
      %dma_start3A_230 = tpu.memref_slice %arg11[%mul3A_114, %dma_start3A_229] : memref<10240x64xf32, #tpu.memory_space<vmem_shared>> -> memref<640x64xf32, #tpu.memory_space<vmem_shared>>
      %dma_start3A_231 = arith.constant 0 : i32
      %dma_start3A_232 = tpu.memref_slice %arg3[%mul3A_114, %dma_start3A_231] : memref<10240x64xf32, #tpu.memory_space<hbm>> -> memref<640x64xf32, #tpu.memory_space<hbm>>
      tpu.enqueue_dma source(%dma_start3A_232 : memref<640x64xf32, #tpu.memory_space<hbm>>) target(%dma_start3A_230 : memref<640x64xf32, #tpu.memory_space<vmem_shared>>) target_semaphore(%run_scoped3A : memref<!tpu.dma_semaphore, #tpu.memory_space<semaphore_mem>>)
      %dma_wait3A_233 = arith.constant 0 : i32
      %dma_wait3A_234 = tpu.memref_slice %arg11[%mul3A_114, %dma_wait3A_233] : memref<10240x64xf32, #tpu.memory_space<vmem_shared>> -> memref<640x64xf32, #tpu.memory_space<vmem_shared>>
      %dma_wait3A_235 = arith.constant 0 : i32
      %dma_wait3A_236 = tpu.memref_slice %arg3[%mul3A_114, %dma_wait3A_235] : memref<10240x64xf32, #tpu.memory_space<hbm>> -> memref<640x64xf32, #tpu.memory_space<hbm>>
      tpu.wait_dma2 semaphore(%run_scoped3A : memref<!tpu.dma_semaphore, #tpu.memory_space<semaphore_mem>>) src(%dma_wait3A_236 : memref<640x64xf32, #tpu.memory_space<hbm>>) dst(%dma_wait3A_234 : memref<640x64xf32, #tpu.memory_space<vmem_shared>>)
      tpu.yield
    }) : () -> ()
    %barrier3A_115 = arith.constant 0 : index
    tpu.barrier barrier_id(%barrier3A_115)
    %dma_start3A_116 = arith.constant 0 : i32
    %dma_start3A_117 = arith.constant 0 : i32
    %dma_start3A_118 = arith.constant 0 : i32
    %dma_start3A_119 = arith.constant 0 : i32
    %dma_start3A_120 = tpu.memref_slice %arg10[%dma_start3A_118, %dma_start3A_119] : memref<512x64xf32, #tpu.memory_space<vmem>> -> memref<128x64xf32, #tpu.memory_space<vmem>>
    %dma_start3A_121 = arith.constant 0 : i32
    %dma_start3A_122 = tpu.memref_slice %arg8[%dma_start3A_116, %dma_start3A_121] : memref<80x128xi32, #tpu.memory_space<vmem>> -> memref<1x128xi32, #tpu.memory_space<vmem>>
    %dma_start3A_123 = tpu.memref_squeeze %dma_start3A_122 : memref<1x128xi32, #tpu.memory_space<vmem>> -> memref<128xi32, #tpu.memory_space<vmem>>
    %dma_start3A_124 = arith.constant 0 : i32
    %dma_start3A_125 = arith.constant 0 : i32
    %dma_start3A_126 = tpu.memref_slice %arg3[%dma_start3A_124, %dma_start3A_125] : memref<10240x64xf32, #tpu.memory_space<hbm>> -> memref<10240x64xf32, #tpu.memory_space<hbm>>
    %dma_start3A_127 = tpu.memref_slice %arg12[%dma_start3A_117] : memref<4x!tpu.dma_semaphore, #tpu.memory_space<semaphore_mem>> -> memref<1x!tpu.dma_semaphore, #tpu.memory_space<semaphore_mem>>
    %dma_start3A_128 = tpu.memref_squeeze %dma_start3A_127 : memref<1x!tpu.dma_semaphore, #tpu.memory_space<semaphore_mem>> -> memref<!tpu.dma_semaphore, #tpu.memory_space<semaphore_mem>>
    tpu.enqueue_indirect_dma source(%dma_start3A_126 : memref<10240x64xf32, #tpu.memory_space<hbm>>) target(%dma_start3A_120 : memref<128x64xf32, #tpu.memory_space<vmem>>) offsets(%dma_start3A_123 : memref<128xi32, #tpu.memory_space<vmem>>) semaphore(%dma_start3A_128 : memref<!tpu.dma_semaphore, #tpu.memory_space<semaphore_mem>>)
    %dma_start3A_129 = arith.constant 1 : i32
    %dma_start3A_130 = arith.constant 1 : i32
    %dma_start3A_131 = arith.constant 128 : i32
    %dma_start3A_132 = arith.constant 0 : i32
    %dma_start3A_133 = tpu.memref_slice %arg10[%dma_start3A_131, %dma_start3A_132] : memref<512x64xf32, #tpu.memory_space<vmem>> -> memref<128x64xf32, #tpu.memory_space<vmem>>
    %dma_start3A_134 = arith.constant 0 : i32
    %dma_start3A_135 = tpu.memref_slice %arg8[%dma_start3A_129, %dma_start3A_134] : memref<80x128xi32, #tpu.memory_space<vmem>> -> memref<1x128xi32, #tpu.memory_space<vmem>>
    %dma_start3A_136 = tpu.memref_squeeze %dma_start3A_135 : memref<1x128xi32, #tpu.memory_space<vmem>> -> memref<128xi32, #tpu.memory_space<vmem>>
    %dma_start3A_137 = arith.constant 0 : i32
    %dma_start3A_138 = arith.constant 0 : i32
    %dma_start3A_139 = tpu.memref_slice %arg3[%dma_start3A_137, %dma_start3A_138] : memref<10240x64xf32, #tpu.memory_space<hbm>> -> memref<10240x64xf32, #tpu.memory_space<hbm>>
    %dma_start3A_140 = tpu.memref_slice %arg12[%dma_start3A_130] : memref<4x!tpu.dma_semaphore, #tpu.memory_space<semaphore_mem>> -> memref<1x!tpu.dma_semaphore, #tpu.memory_space<semaphore_mem>>
    %dma_start3A_141 = tpu.memref_squeeze %dma_start3A_140 : memref<1x!tpu.dma_semaphore, #tpu.memory_space<semaphore_mem>> -> memref<!tpu.dma_semaphore, #tpu.memory_space<semaphore_mem>>
    tpu.enqueue_indirect_dma source(%dma_start3A_139 : memref<10240x64xf32, #tpu.memory_space<hbm>>) target(%dma_start3A_133 : memref<128x64xf32, #tpu.memory_space<vmem>>) offsets(%dma_start3A_136 : memref<128xi32, #tpu.memory_space<vmem>>) semaphore(%dma_start3A_141 : memref<!tpu.dma_semaphore, #tpu.memory_space<semaphore_mem>>)
    %dma_start3A_142 = arith.constant 2 : i32
    %dma_start3A_143 = arith.constant 2 : i32
    %dma_start3A_144 = arith.constant 256 : i32
    %dma_start3A_145 = arith.constant 0 : i32
    %dma_start3A_146 = tpu.memref_slice %arg10[%dma_start3A_144, %dma_start3A_145] : memref<512x64xf32, #tpu.memory_space<vmem>> -> memref<128x64xf32, #tpu.memory_space<vmem>>
    %dma_start3A_147 = arith.constant 0 : i32
    %dma_start3A_148 = tpu.memref_slice %arg8[%dma_start3A_142, %dma_start3A_147] : memref<80x128xi32, #tpu.memory_space<vmem>> -> memref<1x128xi32, #tpu.memory_space<vmem>>
    %dma_start3A_149 = tpu.memref_squeeze %dma_start3A_148 : memref<1x128xi32, #tpu.memory_space<vmem>> -> memref<128xi32, #tpu.memory_space<vmem>>
    %dma_start3A_150 = arith.constant 0 : i32
    %dma_start3A_151 = arith.constant 0 : i32
    %dma_start3A_152 = tpu.memref_slice %arg3[%dma_start3A_150, %dma_start3A_151] : memref<10240x64xf32, #tpu.memory_space<hbm>> -> memref<10240x64xf32, #tpu.memory_space<hbm>>
    %dma_start3A_153 = tpu.memref_slice %arg12[%dma_start3A_143] : memref<4x!tpu.dma_semaphore, #tpu.memory_space<semaphore_mem>> -> memref<1x!tpu.dma_semaphore, #tpu.memory_space<semaphore_mem>>
    %dma_start3A_154 = tpu.memref_squeeze %dma_start3A_153 : memref<1x!tpu.dma_semaphore, #tpu.memory_space<semaphore_mem>> -> memref<!tpu.dma_semaphore, #tpu.memory_space<semaphore_mem>>
    tpu.enqueue_indirect_dma source(%dma_start3A_152 : memref<10240x64xf32, #tpu.memory_space<hbm>>) target(%dma_start3A_146 : memref<128x64xf32, #tpu.memory_space<vmem>>) offsets(%dma_start3A_149 : memref<128xi32, #tpu.memory_space<vmem>>) semaphore(%dma_start3A_154 : memref<!tpu.dma_semaphore, #tpu.memory_space<semaphore_mem>>)
    %dma_start3A_155 = arith.constant 3 : i32
    %dma_start3A_156 = arith.constant 3 : i32
    %dma_start3A_157 = arith.constant 384 : i32
    %dma_start3A_158 = arith.constant 0 : i32
    %dma_start3A_159 = tpu.memref_slice %arg10[%dma_start3A_157, %dma_start3A_158] : memref<512x64xf32, #tpu.memory_space<vmem>> -> memref<128x64xf32, #tpu.memory_space<vmem>>
    %dma_start3A_160 = arith.constant 0 : i32
    %dma_start3A_161 = tpu.memref_slice %arg8[%dma_start3A_155, %dma_start3A_160] : memref<80x128xi32, #tpu.memory_space<vmem>> -> memref<1x128xi32, #tpu.memory_space<vmem>>
    %dma_start3A_162 = tpu.memref_squeeze %dma_start3A_161 : memref<1x128xi32, #tpu.memory_space<vmem>> -> memref<128xi32, #tpu.memory_space<vmem>>
    %dma_start3A_163 = arith.constant 0 : i32
    %dma_start3A_164 = arith.constant 0 : i32
    %dma_start3A_165 = tpu.memref_slice %arg3[%dma_start3A_163, %dma_start3A_164] : memref<10240x64xf32, #tpu.memory_space<hbm>> -> memref<10240x64xf32, #tpu.memory_space<hbm>>
    %dma_start3A_166 = tpu.memref_slice %arg12[%dma_start3A_156] : memref<4x!tpu.dma_semaphore, #tpu.memory_space<semaphore_mem>> -> memref<1x!tpu.dma_semaphore, #tpu.memory_space<semaphore_mem>>
    %dma_start3A_167 = tpu.memref_squeeze %dma_start3A_166 : memref<1x!tpu.dma_semaphore, #tpu.memory_space<semaphore_mem>> -> memref<!tpu.dma_semaphore, #tpu.memory_space<semaphore_mem>>
    tpu.enqueue_indirect_dma source(%dma_start3A_165 : memref<10240x64xf32, #tpu.memory_space<hbm>>) target(%dma_start3A_159 : memref<128x64xf32, #tpu.memory_space<vmem>>) offsets(%dma_start3A_162 : memref<128xi32, #tpu.memory_space<vmem>>) semaphore(%dma_start3A_167 : memref<!tpu.dma_semaphore, #tpu.memory_space<semaphore_mem>>)
    %scan3A_168 = arith.constant 0 : i32
    %scan3A_169 = arith.constant 0 : i32
    %scan3A_170 = arith.constant 20 : i32
    %scan3A_171 = arith.addi %scan3A_169, %scan3A_170 : i32
    %scan3A_172 = arith.constant 1 : i32
    scf.for %scan3A_229 = %scan3A_169 to %scan3A_171 step %scan3A_172  : i32 {
      %mul3A_230 = arith.constant 4 : i32
      %mul3A_231 = arith.muli %scan3A_229, %mul3A_230 : i32
      %dma_wait3A_232 = arith.constant 0 : i32
      %dma_wait3A_233 = arith.constant 0 : i32
      %dma_wait3A_234 = arith.constant 0 : i32
      %dma_wait3A_235 = arith.constant 0 : i32
      %dma_wait3A_236 = tpu.memref_slice %arg10[%dma_wait3A_234, %dma_wait3A_235] : memref<512x64xf32, #tpu.memory_space<vmem>> -> memref<128x64xf32, #tpu.memory_space<vmem>>
      %dma_wait3A_237 = arith.constant 0 : i32
      %dma_wait3A_238 = tpu.memref_slice %arg8[%dma_wait3A_232, %dma_wait3A_237] : memref<80x128xi32, #tpu.memory_space<vmem>> -> memref<1x128xi32, #tpu.memory_space<vmem>>
      %dma_wait3A_239 = tpu.memref_squeeze %dma_wait3A_238 : memref<1x128xi32, #tpu.memory_space<vmem>> -> memref<128xi32, #tpu.memory_space<vmem>>
      %dma_wait3A_240 = arith.constant 0 : i32
      %dma_wait3A_241 = arith.constant 0 : i32
      %dma_wait3A_242 = tpu.memref_slice %arg3[%dma_wait3A_240, %dma_wait3A_241] : memref<10240x64xf32, #tpu.memory_space<hbm>> -> memref<10240x64xf32, #tpu.memory_space<hbm>>
      %dma_wait3A_243 = tpu.memref_slice %arg12[%dma_wait3A_233] : memref<4x!tpu.dma_semaphore, #tpu.memory_space<semaphore_mem>> -> memref<1x!tpu.dma_semaphore, #tpu.memory_space<semaphore_mem>>
      %dma_wait3A_244 = tpu.memref_squeeze %dma_wait3A_243 : memref<1x!tpu.dma_semaphore, #tpu.memory_space<semaphore_mem>> -> memref<!tpu.dma_semaphore, #tpu.memory_space<semaphore_mem>>
      tpu.wait_indirect_dma semaphore(%dma_wait3A_244 : memref<!tpu.dma_semaphore, #tpu.memory_space<semaphore_mem>>) src(%dma_wait3A_242 : memref<10240x64xf32, #tpu.memory_space<hbm>>) dst(%dma_wait3A_236 : memref<128x64xf32, #tpu.memory_space<vmem>>)
      %add3A_245 = arith.constant 0 : i32
      %add3A_246 = arith.addi %mul3A_231, %add3A_245 : i32
      "tpu.region"() ({
        %run_scoped3A = tpu.sem_alloc : memref<!tpu.dma_semaphore, #tpu.memory_space<semaphore_mem>>
        %dma_start3A_363 = arith.constant 0 : i32
        %dma_start3A_364 = arith.constant 0 : i32
        %dma_start3A_365 = tpu.memref_slice %arg10[%dma_start3A_363, %dma_start3A_364] : memref<512x64xf32, #tpu.memory_space<vmem>> -> memref<128x64xf32, #tpu.memory_space<vmem>>
        %dma_start3A_366 = arith.constant 0 : i32
        %dma_start3A_367 = tpu.memref_slice %arg9[%add3A_246, %dma_start3A_366] : memref<80x128xi32, #tpu.memory_space<vmem>> -> memref<1x128xi32, #tpu.memory_space<vmem>>
        %dma_start3A_368 = tpu.memref_squeeze %dma_start3A_367 : memref<1x128xi32, #tpu.memory_space<vmem>> -> memref<128xi32, #tpu.memory_space<vmem>>
        %dma_start3A_369 = arith.constant 0 : i32
        %dma_start3A_370 = arith.constant 0 : i32
        %dma_start3A_371 = tpu.memref_slice %arg11[%dma_start3A_369, %dma_start3A_370] : memref<10240x64xf32, #tpu.memory_space<vmem_shared>> -> memref<10240x64xf32, #tpu.memory_space<vmem_shared>>
        tpu.enqueue_indirect_dma source(%dma_start3A_365 : memref<128x64xf32, #tpu.memory_space<vmem>>) target(%dma_start3A_371 : memref<10240x64xf32, #tpu.memory_space<vmem_shared>>) offsets(%dma_start3A_368 : memref<128xi32, #tpu.memory_space<vmem>>) semaphore(%run_scoped3A : memref<!tpu.dma_semaphore, #tpu.memory_space<semaphore_mem>>) {add = true}
        %dma_wait3A_372 = arith.constant 0 : i32
        %dma_wait3A_373 = arith.constant 0 : i32
        %dma_wait3A_374 = tpu.memref_slice %arg10[%dma_wait3A_372, %dma_wait3A_373] : memref<512x64xf32, #tpu.memory_space<vmem>> -> memref<128x64xf32, #tpu.memory_space<vmem>>
        %dma_wait3A_375 = arith.constant 0 : i32
        %dma_wait3A_376 = tpu.memref_slice %arg9[%add3A_246, %dma_wait3A_375] : memref<80x128xi32, #tpu.memory_space<vmem>> -> memref<1x128xi32, #tpu.memory_space<vmem>>
        %dma_wait3A_377 = tpu.memref_squeeze %dma_wait3A_376 : memref<1x128xi32, #tpu.memory_space<vmem>> -> memref<128xi32, #tpu.memory_space<vmem>>
        %dma_wait3A_378 = arith.constant 0 : i32
        %dma_wait3A_379 = arith.constant 0 : i32
        %dma_wait3A_380 = tpu.memref_slice %arg11[%dma_wait3A_378, %dma_wait3A_379] : memref<10240x64xf32, #tpu.memory_space<vmem_shared>> -> memref<10240x64xf32, #tpu.memory_space<vmem_shared>>
        tpu.wait_indirect_dma semaphore(%run_scoped3A : memref<!tpu.dma_semaphore, #tpu.memory_space<semaphore_mem>>) src(%dma_wait3A_374 : memref<128x64xf32, #tpu.memory_space<vmem>>) dst(%dma_wait3A_380 : memref<10240x64xf32, #tpu.memory_space<vmem_shared>>)
        tpu.yield
      }) : () -> ()
      %add3A_247 = arith.constant 4 : i32
      %add3A_248 = arith.addi %mul3A_231, %add3A_247 : i32
      %add3A_249 = arith.constant 0 : i32
      %add3A_250 = arith.addi %add3A_248, %add3A_249 : i32
      %min3A = arith.constant 79 : i32
      %min3A_251 = arith.minsi %add3A_250, %min3A : i32
      %dma_start3A_252 = arith.constant 0 : i32
      %dma_start3A_253 = arith.constant 0 : i32
      %dma_start3A_254 = arith.constant 0 : i32
      %dma_start3A_255 = tpu.memref_slice %arg10[%dma_start3A_253, %dma_start3A_254] : memref<512x64xf32, #tpu.memory_space<vmem>> -> memref<128x64xf32, #tpu.memory_space<vmem>>
      %dma_start3A_256 = arith.constant 0 : i32
      %dma_start3A_257 = tpu.memref_slice %arg8[%min3A_251, %dma_start3A_256] : memref<80x128xi32, #tpu.memory_space<vmem>> -> memref<1x128xi32, #tpu.memory_space<vmem>>
      %dma_start3A_258 = tpu.memref_squeeze %dma_start3A_257 : memref<1x128xi32, #tpu.memory_space<vmem>> -> memref<128xi32, #tpu.memory_space<vmem>>
      %dma_start3A_259 = arith.constant 0 : i32
      %dma_start3A_260 = arith.constant 0 : i32
      %dma_start3A_261 = tpu.memref_slice %arg3[%dma_start3A_259, %dma_start3A_260] : memref<10240x64xf32, #tpu.memory_space<hbm>> -> memref<10240x64xf32, #tpu.memory_space<hbm>>
      %dma_start3A_262 = tpu.memref_slice %arg12[%dma_start3A_252] : memref<4x!tpu.dma_semaphore, #tpu.memory_space<semaphore_mem>> -> memref<1x!tpu.dma_semaphore, #tpu.memory_space<semaphore_mem>>
      %dma_start3A_263 = tpu.memref_squeeze %dma_start3A_262 : memref<1x!tpu.dma_semaphore, #tpu.memory_space<semaphore_mem>> -> memref<!tpu.dma_semaphore, #tpu.memory_space<semaphore_mem>>
      tpu.enqueue_indirect_dma source(%dma_start3A_261 : memref<10240x64xf32, #tpu.memory_space<hbm>>) target(%dma_start3A_255 : memref<128x64xf32, #tpu.memory_space<vmem>>) offsets(%dma_start3A_258 : memref<128xi32, #tpu.memory_space<vmem>>) semaphore(%dma_start3A_263 : memref<!tpu.dma_semaphore, #tpu.memory_space<semaphore_mem>>)
      %dma_wait3A_264 = arith.constant 0 : i32
      %dma_wait3A_265 = arith.constant 1 : i32
      %dma_wait3A_266 = arith.constant 128 : i32
      %dma_wait3A_267 = arith.constant 0 : i32
      %dma_wait3A_268 = tpu.memref_slice %arg10[%dma_wait3A_266, %dma_wait3A_267] : memref<512x64xf32, #tpu.memory_space<vmem>> -> memref<128x64xf32, #tpu.memory_space<vmem>>
      %dma_wait3A_269 = arith.constant 0 : i32
      %dma_wait3A_270 = tpu.memref_slice %arg8[%dma_wait3A_264, %dma_wait3A_269] : memref<80x128xi32, #tpu.memory_space<vmem>> -> memref<1x128xi32, #tpu.memory_space<vmem>>
      %dma_wait3A_271 = tpu.memref_squeeze %dma_wait3A_270 : memref<1x128xi32, #tpu.memory_space<vmem>> -> memref<128xi32, #tpu.memory_space<vmem>>
      %dma_wait3A_272 = arith.constant 0 : i32
      %dma_wait3A_273 = arith.constant 0 : i32
      %dma_wait3A_274 = tpu.memref_slice %arg3[%dma_wait3A_272, %dma_wait3A_273] : memref<10240x64xf32, #tpu.memory_space<hbm>> -> memref<10240x64xf32, #tpu.memory_space<hbm>>
      %dma_wait3A_275 = tpu.memref_slice %arg12[%dma_wait3A_265] : memref<4x!tpu.dma_semaphore, #tpu.memory_space<semaphore_mem>> -> memref<1x!tpu.dma_semaphore, #tpu.memory_space<semaphore_mem>>
      %dma_wait3A_276 = tpu.memref_squeeze %dma_wait3A_275 : memref<1x!tpu.dma_semaphore, #tpu.memory_space<semaphore_mem>> -> memref<!tpu.dma_semaphore, #tpu.memory_space<semaphore_mem>>
      tpu.wait_indirect_dma semaphore(%dma_wait3A_276 : memref<!tpu.dma_semaphore, #tpu.memory_space<semaphore_mem>>) src(%dma_wait3A_274 : memref<10240x64xf32, #tpu.memory_space<hbm>>) dst(%dma_wait3A_268 : memref<128x64xf32, #tpu.memory_space<vmem>>)
      %add3A_277 = arith.constant 1 : i32
      %add3A_278 = arith.addi %mul3A_231, %add3A_277 : i32
      "tpu.region"() ({
        %run_scoped3A = tpu.sem_alloc : memref<!tpu.dma_semaphore, #tpu.memory_space<semaphore_mem>>
        %dma_start3A_363 = arith.constant 128 : i32
        %dma_start3A_364 = arith.constant 0 : i32
        %dma_start3A_365 = tpu.memref_slice %arg10[%dma_start3A_363, %dma_start3A_364] : memref<512x64xf32, #tpu.memory_space<vmem>> -> memref<128x64xf32, #tpu.memory_space<vmem>>
        %dma_start3A_366 = arith.constant 0 : i32
        %dma_start3A_367 = tpu.memref_slice %arg9[%add3A_278, %dma_start3A_366] : memref<80x128xi32, #tpu.memory_space<vmem>> -> memref<1x128xi32, #tpu.memory_space<vmem>>
        %dma_start3A_368 = tpu.memref_squeeze %dma_start3A_367 : memref<1x128xi32, #tpu.memory_space<vmem>> -> memref<128xi32, #tpu.memory_space<vmem>>
        %dma_start3A_369 = arith.constant 0 : i32
        %dma_start3A_370 = arith.constant 0 : i32
        %dma_start3A_371 = tpu.memref_slice %arg11[%dma_start3A_369, %dma_start3A_370] : memref<10240x64xf32, #tpu.memory_space<vmem_shared>> -> memref<10240x64xf32, #tpu.memory_space<vmem_shared>>
        tpu.enqueue_indirect_dma source(%dma_start3A_365 : memref<128x64xf32, #tpu.memory_space<vmem>>) target(%dma_start3A_371 : memref<10240x64xf32, #tpu.memory_space<vmem_shared>>) offsets(%dma_start3A_368 : memref<128xi32, #tpu.memory_space<vmem>>) semaphore(%run_scoped3A : memref<!tpu.dma_semaphore, #tpu.memory_space<semaphore_mem>>) {add = true}
        %dma_wait3A_372 = arith.constant 128 : i32
        %dma_wait3A_373 = arith.constant 0 : i32
        %dma_wait3A_374 = tpu.memref_slice %arg10[%dma_wait3A_372, %dma_wait3A_373] : memref<512x64xf32, #tpu.memory_space<vmem>> -> memref<128x64xf32, #tpu.memory_space<vmem>>
        %dma_wait3A_375 = arith.constant 0 : i32
        %dma_wait3A_376 = tpu.memref_slice %arg9[%add3A_278, %dma_wait3A_375] : memref<80x128xi32, #tpu.memory_space<vmem>> -> memref<1x128xi32, #tpu.memory_space<vmem>>
        %dma_wait3A_377 = tpu.memref_squeeze %dma_wait3A_376 : memref<1x128xi32, #tpu.memory_space<vmem>> -> memref<128xi32, #tpu.memory_space<vmem>>
        %dma_wait3A_378 = arith.constant 0 : i32
        %dma_wait3A_379 = arith.constant 0 : i32
        %dma_wait3A_380 = tpu.memref_slice %arg11[%dma_wait3A_378, %dma_wait3A_379] : memref<10240x64xf32, #tpu.memory_space<vmem_shared>> -> memref<10240x64xf32, #tpu.memory_space<vmem_shared>>
        tpu.wait_indirect_dma semaphore(%run_scoped3A : memref<!tpu.dma_semaphore, #tpu.memory_space<semaphore_mem>>) src(%dma_wait3A_374 : memref<128x64xf32, #tpu.memory_space<vmem>>) dst(%dma_wait3A_380 : memref<10240x64xf32, #tpu.memory_space<vmem_shared>>)
        tpu.yield
      }) : () -> ()
      %add3A_279 = arith.constant 4 : i32
      %add3A_280 = arith.addi %mul3A_231, %add3A_279 : i32
      %add3A_281 = arith.constant 1 : i32
      %add3A_282 = arith.addi %add3A_280, %add3A_281 : i32
      %min3A_283 = arith.constant 79 : i32
      %min3A_284 = arith.minsi %add3A_282, %min3A_283 : i32
      %dma_start3A_285 = arith.constant 1 : i32
      %dma_start3A_286 = arith.constant 128 : i32
      %dma_start3A_287 = arith.constant 0 : i32
      %dma_start3A_288 = tpu.memref_slice %arg10[%dma_start3A_286, %dma_start3A_287] : memref<512x64xf32, #tpu.memory_space<vmem>> -> memref<128x64xf32, #tpu.memory_space<vmem>>
      %dma_start3A_289 = arith.constant 0 : i32
      %dma_start3A_290 = tpu.memref_slice %arg8[%min3A_284, %dma_start3A_289] : memref<80x128xi32, #tpu.memory_space<vmem>> -> memref<1x128xi32, #tpu.memory_space<vmem>>
      %dma_start3A_291 = tpu.memref_squeeze %dma_start3A_290 : memref<1x128xi32, #tpu.memory_space<vmem>> -> memref<128xi32, #tpu.memory_space<vmem>>
      %dma_start3A_292 = arith.constant 0 : i32
      %dma_start3A_293 = arith.constant 0 : i32
      %dma_start3A_294 = tpu.memref_slice %arg3[%dma_start3A_292, %dma_start3A_293] : memref<10240x64xf32, #tpu.memory_space<hbm>> -> memref<10240x64xf32, #tpu.memory_space<hbm>>
      %dma_start3A_295 = tpu.memref_slice %arg12[%dma_start3A_285] : memref<4x!tpu.dma_semaphore, #tpu.memory_space<semaphore_mem>> -> memref<1x!tpu.dma_semaphore, #tpu.memory_space<semaphore_mem>>
      %dma_start3A_296 = tpu.memref_squeeze %dma_start3A_295 : memref<1x!tpu.dma_semaphore, #tpu.memory_space<semaphore_mem>> -> memref<!tpu.dma_semaphore, #tpu.memory_space<semaphore_mem>>
      tpu.enqueue_indirect_dma source(%dma_start3A_294 : memref<10240x64xf32, #tpu.memory_space<hbm>>) target(%dma_start3A_288 : memref<128x64xf32, #tpu.memory_space<vmem>>) offsets(%dma_start3A_291 : memref<128xi32, #tpu.memory_space<vmem>>) semaphore(%dma_start3A_296 : memref<!tpu.dma_semaphore, #tpu.memory_space<semaphore_mem>>)
      %dma_wait3A_297 = arith.constant 0 : i32
      %dma_wait3A_298 = arith.constant 2 : i32
      %dma_wait3A_299 = arith.constant 256 : i32
      %dma_wait3A_300 = arith.constant 0 : i32
      %dma_wait3A_301 = tpu.memref_slice %arg10[%dma_wait3A_299, %dma_wait3A_300] : memref<512x64xf32, #tpu.memory_space<vmem>> -> memref<128x64xf32, #tpu.memory_space<vmem>>
      %dma_wait3A_302 = arith.constant 0 : i32
      %dma_wait3A_303 = tpu.memref_slice %arg8[%dma_wait3A_297, %dma_wait3A_302] : memref<80x128xi32, #tpu.memory_space<vmem>> -> memref<1x128xi32, #tpu.memory_space<vmem>>
      %dma_wait3A_304 = tpu.memref_squeeze %dma_wait3A_303 : memref<1x128xi32, #tpu.memory_space<vmem>> -> memref<128xi32, #tpu.memory_space<vmem>>
      %dma_wait3A_305 = arith.constant 0 : i32
      %dma_wait3A_306 = arith.constant 0 : i32
      %dma_wait3A_307 = tpu.memref_slice %arg3[%dma_wait3A_305, %dma_wait3A_306] : memref<10240x64xf32, #tpu.memory_space<hbm>> -> memref<10240x64xf32, #tpu.memory_space<hbm>>
      %dma_wait3A_308 = tpu.memref_slice %arg12[%dma_wait3A_298] : memref<4x!tpu.dma_semaphore, #tpu.memory_space<semaphore_mem>> -> memref<1x!tpu.dma_semaphore, #tpu.memory_space<semaphore_mem>>
      %dma_wait3A_309 = tpu.memref_squeeze %dma_wait3A_308 : memref<1x!tpu.dma_semaphore, #tpu.memory_space<semaphore_mem>> -> memref<!tpu.dma_semaphore, #tpu.memory_space<semaphore_mem>>
      tpu.wait_indirect_dma semaphore(%dma_wait3A_309 : memref<!tpu.dma_semaphore, #tpu.memory_space<semaphore_mem>>) src(%dma_wait3A_307 : memref<10240x64xf32, #tpu.memory_space<hbm>>) dst(%dma_wait3A_301 : memref<128x64xf32, #tpu.memory_space<vmem>>)
      %add3A_310 = arith.constant 2 : i32
      %add3A_311 = arith.addi %mul3A_231, %add3A_310 : i32
      "tpu.region"() ({
        %run_scoped3A = tpu.sem_alloc : memref<!tpu.dma_semaphore, #tpu.memory_space<semaphore_mem>>
        %dma_start3A_363 = arith.constant 256 : i32
        %dma_start3A_364 = arith.constant 0 : i32
        %dma_start3A_365 = tpu.memref_slice %arg10[%dma_start3A_363, %dma_start3A_364] : memref<512x64xf32, #tpu.memory_space<vmem>> -> memref<128x64xf32, #tpu.memory_space<vmem>>
        %dma_start3A_366 = arith.constant 0 : i32
        %dma_start3A_367 = tpu.memref_slice %arg9[%add3A_311, %dma_start3A_366] : memref<80x128xi32, #tpu.memory_space<vmem>> -> memref<1x128xi32, #tpu.memory_space<vmem>>
        %dma_start3A_368 = tpu.memref_squeeze %dma_start3A_367 : memref<1x128xi32, #tpu.memory_space<vmem>> -> memref<128xi32, #tpu.memory_space<vmem>>
        %dma_start3A_369 = arith.constant 0 : i32
        %dma_start3A_370 = arith.constant 0 : i32
        %dma_start3A_371 = tpu.memref_slice %arg11[%dma_start3A_369, %dma_start3A_370] : memref<10240x64xf32, #tpu.memory_space<vmem_shared>> -> memref<10240x64xf32, #tpu.memory_space<vmem_shared>>
        tpu.enqueue_indirect_dma source(%dma_start3A_365 : memref<128x64xf32, #tpu.memory_space<vmem>>) target(%dma_start3A_371 : memref<10240x64xf32, #tpu.memory_space<vmem_shared>>) offsets(%dma_start3A_368 : memref<128xi32, #tpu.memory_space<vmem>>) semaphore(%run_scoped3A : memref<!tpu.dma_semaphore, #tpu.memory_space<semaphore_mem>>) {add = true}
        %dma_wait3A_372 = arith.constant 256 : i32
        %dma_wait3A_373 = arith.constant 0 : i32
        %dma_wait3A_374 = tpu.memref_slice %arg10[%dma_wait3A_372, %dma_wait3A_373] : memref<512x64xf32, #tpu.memory_space<vmem>> -> memref<128x64xf32, #tpu.memory_space<vmem>>
        %dma_wait3A_375 = arith.constant 0 : i32
        %dma_wait3A_376 = tpu.memref_slice %arg9[%add3A_311, %dma_wait3A_375] : memref<80x128xi32, #tpu.memory_space<vmem>> -> memref<1x128xi32, #tpu.memory_space<vmem>>
        %dma_wait3A_377 = tpu.memref_squeeze %dma_wait3A_376 : memref<1x128xi32, #tpu.memory_space<vmem>> -> memref<128xi32, #tpu.memory_space<vmem>>
        %dma_wait3A_378 = arith.constant 0 : i32
        %dma_wait3A_379 = arith.constant 0 : i32
        %dma_wait3A_380 = tpu.memref_slice %arg11[%dma_wait3A_378, %dma_wait3A_379] : memref<10240x64xf32, #tpu.memory_space<vmem_shared>> -> memref<10240x64xf32, #tpu.memory_space<vmem_shared>>
        tpu.wait_indirect_dma semaphore(%run_scoped3A : memref<!tpu.dma_semaphore, #tpu.memory_space<semaphore_mem>>) src(%dma_wait3A_374 : memref<128x64xf32, #tpu.memory_space<vmem>>) dst(%dma_wait3A_380 : memref<10240x64xf32, #tpu.memory_space<vmem_shared>>)
        tpu.yield
      }) : () -> ()
      %add3A_312 = arith.constant 4 : i32
      %add3A_313 = arith.addi %mul3A_231, %add3A_312 : i32
      %add3A_314 = arith.constant 2 : i32
      %add3A_315 = arith.addi %add3A_313, %add3A_314 : i32
      %min3A_316 = arith.constant 79 : i32
      %min3A_317 = arith.minsi %add3A_315, %min3A_316 : i32
      %dma_start3A_318 = arith.constant 2 : i32
      %dma_start3A_319 = arith.constant 256 : i32
      %dma_start3A_320 = arith.constant 0 : i32
      %dma_start3A_321 = tpu.memref_slice %arg10[%dma_start3A_319, %dma_start3A_320] : memref<512x64xf32, #tpu.memory_space<vmem>> -> memref<128x64xf32, #tpu.memory_space<vmem>>
      %dma_start3A_322 = arith.constant 0 : i32
      %dma_start3A_323 = tpu.memref_slice %arg8[%min3A_317, %dma_start3A_322] : memref<80x128xi32, #tpu.memory_space<vmem>> -> memref<1x128xi32, #tpu.memory_space<vmem>>
      %dma_start3A_324 = tpu.memref_squeeze %dma_start3A_323 : memref<1x128xi32, #tpu.memory_space<vmem>> -> memref<128xi32, #tpu.memory_space<vmem>>
      %dma_start3A_325 = arith.constant 0 : i32
      %dma_start3A_326 = arith.constant 0 : i32
      %dma_start3A_327 = tpu.memref_slice %arg3[%dma_start3A_325, %dma_start3A_326] : memref<10240x64xf32, #tpu.memory_space<hbm>> -> memref<10240x64xf32, #tpu.memory_space<hbm>>
      %dma_start3A_328 = tpu.memref_slice %arg12[%dma_start3A_318] : memref<4x!tpu.dma_semaphore, #tpu.memory_space<semaphore_mem>> -> memref<1x!tpu.dma_semaphore, #tpu.memory_space<semaphore_mem>>
      %dma_start3A_329 = tpu.memref_squeeze %dma_start3A_328 : memref<1x!tpu.dma_semaphore, #tpu.memory_space<semaphore_mem>> -> memref<!tpu.dma_semaphore, #tpu.memory_space<semaphore_mem>>
      tpu.enqueue_indirect_dma source(%dma_start3A_327 : memref<10240x64xf32, #tpu.memory_space<hbm>>) target(%dma_start3A_321 : memref<128x64xf32, #tpu.memory_space<vmem>>) offsets(%dma_start3A_324 : memref<128xi32, #tpu.memory_space<vmem>>) semaphore(%dma_start3A_329 : memref<!tpu.dma_semaphore, #tpu.memory_space<semaphore_mem>>)
      %dma_wait3A_330 = arith.constant 0 : i32
      %dma_wait3A_331 = arith.constant 3 : i32
      %dma_wait3A_332 = arith.constant 384 : i32
      %dma_wait3A_333 = arith.constant 0 : i32
      %dma_wait3A_334 = tpu.memref_slice %arg10[%dma_wait3A_332, %dma_wait3A_333] : memref<512x64xf32, #tpu.memory_space<vmem>> -> memref<128x64xf32, #tpu.memory_space<vmem>>
      %dma_wait3A_335 = arith.constant 0 : i32
      %dma_wait3A_336 = tpu.memref_slice %arg8[%dma_wait3A_330, %dma_wait3A_335] : memref<80x128xi32, #tpu.memory_space<vmem>> -> memref<1x128xi32, #tpu.memory_space<vmem>>
      %dma_wait3A_337 = tpu.memref_squeeze %dma_wait3A_336 : memref<1x128xi32, #tpu.memory_space<vmem>> -> memref<128xi32, #tpu.memory_space<vmem>>
      %dma_wait3A_338 = arith.constant 0 : i32
      %dma_wait3A_339 = arith.constant 0 : i32
      %dma_wait3A_340 = tpu.memref_slice %arg3[%dma_wait3A_338, %dma_wait3A_339] : memref<10240x64xf32, #tpu.memory_space<hbm>> -> memref<10240x64xf32, #tpu.memory_space<hbm>>
      %dma_wait3A_341 = tpu.memref_slice %arg12[%dma_wait3A_331] : memref<4x!tpu.dma_semaphore, #tpu.memory_space<semaphore_mem>> -> memref<1x!tpu.dma_semaphore, #tpu.memory_space<semaphore_mem>>
      %dma_wait3A_342 = tpu.memref_squeeze %dma_wait3A_341 : memref<1x!tpu.dma_semaphore, #tpu.memory_space<semaphore_mem>> -> memref<!tpu.dma_semaphore, #tpu.memory_space<semaphore_mem>>
      tpu.wait_indirect_dma semaphore(%dma_wait3A_342 : memref<!tpu.dma_semaphore, #tpu.memory_space<semaphore_mem>>) src(%dma_wait3A_340 : memref<10240x64xf32, #tpu.memory_space<hbm>>) dst(%dma_wait3A_334 : memref<128x64xf32, #tpu.memory_space<vmem>>)
      %add3A_343 = arith.constant 3 : i32
      %add3A_344 = arith.addi %mul3A_231, %add3A_343 : i32
      "tpu.region"() ({
        %run_scoped3A = tpu.sem_alloc : memref<!tpu.dma_semaphore, #tpu.memory_space<semaphore_mem>>
        %dma_start3A_363 = arith.constant 384 : i32
        %dma_start3A_364 = arith.constant 0 : i32
        %dma_start3A_365 = tpu.memref_slice %arg10[%dma_start3A_363, %dma_start3A_364] : memref<512x64xf32, #tpu.memory_space<vmem>> -> memref<128x64xf32, #tpu.memory_space<vmem>>
        %dma_start3A_366 = arith.constant 0 : i32
        %dma_start3A_367 = tpu.memref_slice %arg9[%add3A_344, %dma_start3A_366] : memref<80x128xi32, #tpu.memory_space<vmem>> -> memref<1x128xi32, #tpu.memory_space<vmem>>
        %dma_start3A_368 = tpu.memref_squeeze %dma_start3A_367 : memref<1x128xi32, #tpu.memory_space<vmem>> -> memref<128xi32, #tpu.memory_space<vmem>>
        %dma_start3A_369 = arith.constant 0 : i32
        %dma_start3A_370 = arith.constant 0 : i32
        %dma_start3A_371 = tpu.memref_slice %arg11[%dma_start3A_369, %dma_start3A_370] : memref<10240x64xf32, #tpu.memory_space<vmem_shared>> -> memref<10240x64xf32, #tpu.memory_space<vmem_shared>>
        tpu.enqueue_indirect_dma source(%dma_start3A_365 : memref<128x64xf32, #tpu.memory_space<vmem>>) target(%dma_start3A_371 : memref<10240x64xf32, #tpu.memory_space<vmem_shared>>) offsets(%dma_start3A_368 : memref<128xi32, #tpu.memory_space<vmem>>) semaphore(%run_scoped3A : memref<!tpu.dma_semaphore, #tpu.memory_space<semaphore_mem>>) {add = true}
        %dma_wait3A_372 = arith.constant 384 : i32
        %dma_wait3A_373 = arith.constant 0 : i32
        %dma_wait3A_374 = tpu.memref_slice %arg10[%dma_wait3A_372, %dma_wait3A_373] : memref<512x64xf32, #tpu.memory_space<vmem>> -> memref<128x64xf32, #tpu.memory_space<vmem>>
        %dma_wait3A_375 = arith.constant 0 : i32
        %dma_wait3A_376 = tpu.memref_slice %arg9[%add3A_344, %dma_wait3A_375] : memref<80x128xi32, #tpu.memory_space<vmem>> -> memref<1x128xi32, #tpu.memory_space<vmem>>
        %dma_wait3A_377 = tpu.memref_squeeze %dma_wait3A_376 : memref<1x128xi32, #tpu.memory_space<vmem>> -> memref<128xi32, #tpu.memory_space<vmem>>
        %dma_wait3A_378 = arith.constant 0 : i32
        %dma_wait3A_379 = arith.constant 0 : i32
        %dma_wait3A_380 = tpu.memref_slice %arg11[%dma_wait3A_378, %dma_wait3A_379] : memref<10240x64xf32, #tpu.memory_space<vmem_shared>> -> memref<10240x64xf32, #tpu.memory_space<vmem_shared>>
        tpu.wait_indirect_dma semaphore(%run_scoped3A : memref<!tpu.dma_semaphore, #tpu.memory_space<semaphore_mem>>) src(%dma_wait3A_374 : memref<128x64xf32, #tpu.memory_space<vmem>>) dst(%dma_wait3A_380 : memref<10240x64xf32, #tpu.memory_space<vmem_shared>>)
        tpu.yield
      }) : () -> ()
      %add3A_345 = arith.constant 4 : i32
      %add3A_346 = arith.addi %mul3A_231, %add3A_345 : i32
      %add3A_347 = arith.constant 3 : i32
      %add3A_348 = arith.addi %add3A_346, %add3A_347 : i32
      %min3A_349 = arith.constant 79 : i32
      %min3A_350 = arith.minsi %add3A_348, %min3A_349 : i32
      %dma_start3A_351 = arith.constant 3 : i32
      %dma_start3A_352 = arith.constant 384 : i32
      %dma_start3A_353 = arith.constant 0 : i32
      %dma_start3A_354 = tpu.memref_slice %arg10[%dma_start3A_352, %dma_start3A_353] : memref<512x64xf32, #tpu.memory_space<vmem>> -> memref<128x64xf32, #tpu.memory_space<vmem>>
      %dma_start3A_355 = arith.constant 0 : i32
      %dma_start3A_356 = tpu.memref_slice %arg8[%min3A_350, %dma_start3A_355] : memref<80x128xi32, #tpu.memory_space<vmem>> -> memref<1x128xi32, #tpu.memory_space<vmem>>
      %dma_start3A_357 = tpu.memref_squeeze %dma_start3A_356 : memref<1x128xi32, #tpu.memory_space<vmem>> -> memref<128xi32, #tpu.memory_space<vmem>>
      %dma_start3A_358 = arith.constant 0 : i32
      %dma_start3A_359 = arith.constant 0 : i32
      %dma_start3A_360 = tpu.memref_slice %arg3[%dma_start3A_358, %dma_start3A_359] : memref<10240x64xf32, #tpu.memory_space<hbm>> -> memref<10240x64xf32, #tpu.memory_space<hbm>>
      %dma_start3A_361 = tpu.memref_slice %arg12[%dma_start3A_351] : memref<4x!tpu.dma_semaphore, #tpu.memory_space<semaphore_mem>> -> memref<1x!tpu.dma_semaphore, #tpu.memory_space<semaphore_mem>>
      %dma_start3A_362 = tpu.memref_squeeze %dma_start3A_361 : memref<1x!tpu.dma_semaphore, #tpu.memory_space<semaphore_mem>> -> memref<!tpu.dma_semaphore, #tpu.memory_space<semaphore_mem>>
      tpu.enqueue_indirect_dma source(%dma_start3A_360 : memref<10240x64xf32, #tpu.memory_space<hbm>>) target(%dma_start3A_354 : memref<128x64xf32, #tpu.memory_space<vmem>>) offsets(%dma_start3A_357 : memref<128xi32, #tpu.memory_space<vmem>>) semaphore(%dma_start3A_362 : memref<!tpu.dma_semaphore, #tpu.memory_space<semaphore_mem>>)
    }
    %scan3A_173 = arith.constant 20 : i32
    %dma_wait3A_174 = arith.constant 0 : i32
    %dma_wait3A_175 = arith.constant 0 : i32
    %dma_wait3A_176 = arith.constant 0 : i32
    %dma_wait3A_177 = arith.constant 0 : i32
    %dma_wait3A_178 = tpu.memref_slice %arg10[%dma_wait3A_176, %dma_wait3A_177] : memref<512x64xf32, #tpu.memory_space<vmem>> -> memref<128x64xf32, #tpu.memory_space<vmem>>
    %dma_wait3A_179 = arith.constant 0 : i32
    %dma_wait3A_180 = tpu.memref_slice %arg8[%dma_wait3A_174, %dma_wait3A_179] : memref<80x128xi32, #tpu.memory_space<vmem>> -> memref<1x128xi32, #tpu.memory_space<vmem>>
    %dma_wait3A_181 = tpu.memref_squeeze %dma_wait3A_180 : memref<1x128xi32, #tpu.memory_space<vmem>> -> memref<128xi32, #tpu.memory_space<vmem>>
    %dma_wait3A_182 = arith.constant 0 : i32
    %dma_wait3A_183 = arith.constant 0 : i32
    %dma_wait3A_184 = tpu.memref_slice %arg3[%dma_wait3A_182, %dma_wait3A_183] : memref<10240x64xf32, #tpu.memory_space<hbm>> -> memref<10240x64xf32, #tpu.memory_space<hbm>>
    %dma_wait3A_185 = tpu.memref_slice %arg12[%dma_wait3A_175] : memref<4x!tpu.dma_semaphore, #tpu.memory_space<semaphore_mem>> -> memref<1x!tpu.dma_semaphore, #tpu.memory_space<semaphore_mem>>
    %dma_wait3A_186 = tpu.memref_squeeze %dma_wait3A_185 : memref<1x!tpu.dma_semaphore, #tpu.memory_space<semaphore_mem>> -> memref<!tpu.dma_semaphore, #tpu.memory_space<semaphore_mem>>
    tpu.wait_indirect_dma semaphore(%dma_wait3A_186 : memref<!tpu.dma_semaphore, #tpu.memory_space<semaphore_mem>>) src(%dma_wait3A_184 : memref<10240x64xf32, #tpu.memory_space<hbm>>) dst(%dma_wait3A_178 : memref<128x64xf32, #tpu.memory_space<vmem>>)
    %dma_wait3A_187 = arith.constant 0 : i32
    %dma_wait3A_188 = arith.constant 1 : i32
    %dma_wait3A_189 = arith.constant 128 : i32
    %dma_wait3A_190 = arith.constant 0 : i32
    %dma_wait3A_191 = tpu.memref_slice %arg10[%dma_wait3A_189, %dma_wait3A_190] : memref<512x64xf32, #tpu.memory_space<vmem>> -> memref<128x64xf32, #tpu.memory_space<vmem>>
    %dma_wait3A_192 = arith.constant 0 : i32
    %dma_wait3A_193 = tpu.memref_slice %arg8[%dma_wait3A_187, %dma_wait3A_192] : memref<80x128xi32, #tpu.memory_space<vmem>> -> memref<1x128xi32, #tpu.memory_space<vmem>>
    %dma_wait3A_194 = tpu.memref_squeeze %dma_wait3A_193 : memref<1x128xi32, #tpu.memory_space<vmem>> -> memref<128xi32, #tpu.memory_space<vmem>>
    %dma_wait3A_195 = arith.constant 0 : i32
    %dma_wait3A_196 = arith.constant 0 : i32
    %dma_wait3A_197 = tpu.memref_slice %arg3[%dma_wait3A_195, %dma_wait3A_196] : memref<10240x64xf32, #tpu.memory_space<hbm>> -> memref<10240x64xf32, #tpu.memory_space<hbm>>
    %dma_wait3A_198 = tpu.memref_slice %arg12[%dma_wait3A_188] : memref<4x!tpu.dma_semaphore, #tpu.memory_space<semaphore_mem>> -> memref<1x!tpu.dma_semaphore, #tpu.memory_space<semaphore_mem>>
    %dma_wait3A_199 = tpu.memref_squeeze %dma_wait3A_198 : memref<1x!tpu.dma_semaphore, #tpu.memory_space<semaphore_mem>> -> memref<!tpu.dma_semaphore, #tpu.memory_space<semaphore_mem>>
    tpu.wait_indirect_dma semaphore(%dma_wait3A_199 : memref<!tpu.dma_semaphore, #tpu.memory_space<semaphore_mem>>) src(%dma_wait3A_197 : memref<10240x64xf32, #tpu.memory_space<hbm>>) dst(%dma_wait3A_191 : memref<128x64xf32, #tpu.memory_space<vmem>>)
    %dma_wait3A_200 = arith.constant 0 : i32
    %dma_wait3A_201 = arith.constant 2 : i32
    %dma_wait3A_202 = arith.constant 256 : i32
    %dma_wait3A_203 = arith.constant 0 : i32
    %dma_wait3A_204 = tpu.memref_slice %arg10[%dma_wait3A_202, %dma_wait3A_203] : memref<512x64xf32, #tpu.memory_space<vmem>> -> memref<128x64xf32, #tpu.memory_space<vmem>>
    %dma_wait3A_205 = arith.constant 0 : i32
    %dma_wait3A_206 = tpu.memref_slice %arg8[%dma_wait3A_200, %dma_wait3A_205] : memref<80x128xi32, #tpu.memory_space<vmem>> -> memref<1x128xi32, #tpu.memory_space<vmem>>
    %dma_wait3A_207 = tpu.memref_squeeze %dma_wait3A_206 : memref<1x128xi32, #tpu.memory_space<vmem>> -> memref<128xi32, #tpu.memory_space<vmem>>
    %dma_wait3A_208 = arith.constant 0 : i32
    %dma_wait3A_209 = arith.constant 0 : i32
    %dma_wait3A_210 = tpu.memref_slice %arg3[%dma_wait3A_208, %dma_wait3A_209] : memref<10240x64xf32, #tpu.memory_space<hbm>> -> memref<10240x64xf32, #tpu.memory_space<hbm>>
    %dma_wait3A_211 = tpu.memref_slice %arg12[%dma_wait3A_201] : memref<4x!tpu.dma_semaphore, #tpu.memory_space<semaphore_mem>> -> memref<1x!tpu.dma_semaphore, #tpu.memory_space<semaphore_mem>>
    %dma_wait3A_212 = tpu.memref_squeeze %dma_wait3A_211 : memref<1x!tpu.dma_semaphore, #tpu.memory_space<semaphore_mem>> -> memref<!tpu.dma_semaphore, #tpu.memory_space<semaphore_mem>>
    tpu.wait_indirect_dma semaphore(%dma_wait3A_212 : memref<!tpu.dma_semaphore, #tpu.memory_space<semaphore_mem>>) src(%dma_wait3A_210 : memref<10240x64xf32, #tpu.memory_space<hbm>>) dst(%dma_wait3A_204 : memref<128x64xf32, #tpu.memory_space<vmem>>)
    %dma_wait3A_213 = arith.constant 0 : i32
    %dma_wait3A_214 = arith.constant 3 : i32
    %dma_wait3A_215 = arith.constant 384 : i32
    %dma_wait3A_216 = arith.constant 0 : i32
    %dma_wait3A_217 = tpu.memref_slice %arg10[%dma_wait3A_215, %dma_wait3A_216] : memref<512x64xf32, #tpu.memory_space<vmem>> -> memref<128x64xf32, #tpu.memory_space<vmem>>
    %dma_wait3A_218 = arith.constant 0 : i32
    %dma_wait3A_219 = tpu.memref_slice %arg8[%dma_wait3A_213, %dma_wait3A_218] : memref<80x128xi32, #tpu.memory_space<vmem>> -> memref<1x128xi32, #tpu.memory_space<vmem>>
    %dma_wait3A_220 = tpu.memref_squeeze %dma_wait3A_219 : memref<1x128xi32, #tpu.memory_space<vmem>> -> memref<128xi32, #tpu.memory_space<vmem>>
    %dma_wait3A_221 = arith.constant 0 : i32
    %dma_wait3A_222 = arith.constant 0 : i32
    %dma_wait3A_223 = tpu.memref_slice %arg3[%dma_wait3A_221, %dma_wait3A_222] : memref<10240x64xf32, #tpu.memory_space<hbm>> -> memref<10240x64xf32, #tpu.memory_space<hbm>>
    %dma_wait3A_224 = tpu.memref_slice %arg12[%dma_wait3A_214] : memref<4x!tpu.dma_semaphore, #tpu.memory_space<semaphore_mem>> -> memref<1x!tpu.dma_semaphore, #tpu.memory_space<semaphore_mem>>
    %dma_wait3A_225 = tpu.memref_squeeze %dma_wait3A_224 : memref<1x!tpu.dma_semaphore, #tpu.memory_space<semaphore_mem>> -> memref<!tpu.dma_semaphore, #tpu.memory_space<semaphore_mem>>
    tpu.wait_indirect_dma semaphore(%dma_wait3A_225 : memref<!tpu.dma_semaphore, #tpu.memory_space<semaphore_mem>>) src(%dma_wait3A_223 : memref<10240x64xf32, #tpu.memory_space<hbm>>) dst(%dma_wait3A_217 : memref<128x64xf32, #tpu.memory_space<vmem>>)
    %barrier3A_226 = arith.constant 0 : index
    tpu.barrier barrier_id(%barrier3A_226)
    %mul3A_227 = arith.constant 640 : i32
    %mul3A_228 = arith.muli %arg1, %mul3A_227 : i32
    "tpu.region"() ({
      %run_scoped3A = tpu.sem_alloc : memref<!tpu.dma_semaphore, #tpu.memory_space<semaphore_mem>>
      %dma_start3A_229 = arith.constant 0 : i32
      %dma_start3A_230 = tpu.memref_slice %arg7[%arg0, %mul3A_228, %dma_start3A_229] : memref<2x10240x64xf32, #tpu.memory_space<hbm>> -> memref<1x640x64xf32, #tpu.memory_space<hbm>>
      %dma_start3A_231 = tpu.memref_squeeze %dma_start3A_230 : memref<1x640x64xf32, #tpu.memory_space<hbm>> -> memref<640x64xf32, #tpu.memory_space<hbm>>
      %dma_start3A_232 = arith.constant 0 : i32
      %dma_start3A_233 = tpu.memref_slice %arg11[%mul3A_228, %dma_start3A_232] : memref<10240x64xf32, #tpu.memory_space<vmem_shared>> -> memref<640x64xf32, #tpu.memory_space<vmem_shared>>
      tpu.enqueue_dma source(%dma_start3A_233 : memref<640x64xf32, #tpu.memory_space<vmem_shared>>) target(%dma_start3A_231 : memref<640x64xf32, #tpu.memory_space<hbm>>) target_semaphore(%run_scoped3A : memref<!tpu.dma_semaphore, #tpu.memory_space<semaphore_mem>>)
      %dma_wait3A_234 = arith.constant 0 : i32
      %dma_wait3A_235 = tpu.memref_slice %arg7[%arg0, %mul3A_228, %dma_wait3A_234] : memref<2x10240x64xf32, #tpu.memory_space<hbm>> -> memref<1x640x64xf32, #tpu.memory_space<hbm>>
      %dma_wait3A_236 = tpu.memref_squeeze %dma_wait3A_235 : memref<1x640x64xf32, #tpu.memory_space<hbm>> -> memref<640x64xf32, #tpu.memory_space<hbm>>
      %dma_wait3A_237 = arith.constant 0 : i32
      %dma_wait3A_238 = tpu.memref_slice %arg11[%mul3A_228, %dma_wait3A_237] : memref<10240x64xf32, #tpu.memory_space<vmem_shared>> -> memref<640x64xf32, #tpu.memory_space<vmem_shared>>
      tpu.wait_dma2 semaphore(%run_scoped3A : memref<!tpu.dma_semaphore, #tpu.memory_space<semaphore_mem>>) src(%dma_wait3A_238 : memref<640x64xf32, #tpu.memory_space<vmem_shared>>) dst(%dma_wait3A_236 : memref<640x64xf32, #tpu.memory_space<hbm>>)
      tpu.yield
    }) : () -> ()
    return
  }
}

#map = affine_map<(d0, d1) -> (0, 0)>
#map1 = affine_map<(d0, d1) -> (0, 0, 0)>
module attributes {stable_mosaic.version = 14 : i64} {
  func.func @_sc_segsum(%arg0: i32, %arg1: i32, %arg2: memref<10240x64xf32, #tpu.memory_space<hbm>>, %arg3: memref<10240x64xf32, #tpu.memory_space<hbm>>, %arg4: memref<32x80x128xi32, #tpu.memory_space<hbm>>, %arg5: memref<32x80x128xi32, #tpu.memory_space<hbm>>, %arg6: memref<2x10240x64xf32, #tpu.memory_space<hbm>>, %arg7: memref<2x10240x64xf32, #tpu.memory_space<hbm>>, %arg8: memref<80x128xi32, #tpu.memory_space<vmem>>, %arg9: memref<80x128xi32, #tpu.memory_space<vmem>>, %arg10: memref<512x64xf32, #tpu.memory_space<vmem>>, %arg11: memref<10240x64xf32, #tpu.memory_space<vmem_shared>>, %arg12: memref<4x!tpu.dma_semaphore, #tpu.memory_space<semaphore_mem>>) attributes {dimension_semantics = [#tpu.dimension_semantics<core_parallel>, #tpu.dimension_semantics<subcore_parallel>], iteration_bounds = array<i64: 2, 16>, scalar_prefetch = 0 : i64, scratch_operands = 5 : i64, tpu.core_type = #tpu.core_type<sc_vector_subcore>, window_params = [{transform_indices = #map}, {transform_indices = #map}, {transform_indices = #map1}, {transform_indices = #map1}, {transform_indices = #map1}, {transform_indices = #map1}]} {
    %mul3A = arith.constant 16 : i32
    %mul3A_0 = arith.muli %arg0, %mul3A : i32
    %add3A = arith.addi %mul3A_0, %arg1 : i32
    "tpu.region"() ({
      %run_scoped3A = tpu.sem_alloc : memref<!tpu.dma_semaphore, #tpu.memory_space<semaphore_mem>>
      %dma_start3A_229 = arith.constant 0 : i32
      %dma_start3A_230 = arith.constant 0 : i32
      %dma_start3A_231 = tpu.memref_slice %arg4[%add3A, %dma_start3A_229, %dma_start3A_230] : memref<32x80x128xi32, #tpu.memory_space<hbm>> -> memref<1x80x128xi32, #tpu.memory_space<hbm>>
      %dma_start3A_232 = tpu.memref_squeeze %dma_start3A_231 : memref<1x80x128xi32, #tpu.memory_space<hbm>> -> memref<80x128xi32, #tpu.memory_space<hbm>>
      %dma_start3A_233 = arith.constant 0 : i32
      %dma_start3A_234 = arith.constant 0 : i32
      %dma_start3A_235 = tpu.memref_slice %arg4[%add3A, %dma_start3A_233, %dma_start3A_234] : memref<32x80x128xi32, #tpu.memory_space<hbm>> -> memref<1x80x128xi32, #tpu.memory_space<hbm>>
      %dma_start3A_236 = tpu.memref_squeeze %dma_start3A_235 : memref<1x80x128xi32, #tpu.memory_space<hbm>> -> memref<80x128xi32, #tpu.memory_space<hbm>>
      tpu.enqueue_dma source(%dma_start3A_236 : memref<80x128xi32, #tpu.memory_space<hbm>>) target(%arg8 : memref<80x128xi32, #tpu.memory_space<vmem>>) target_semaphore(%run_scoped3A : memref<!tpu.dma_semaphore, #tpu.memory_space<semaphore_mem>>)
      %dma_wait3A_237 = arith.constant 0 : i32
      %dma_wait3A_238 = arith.constant 0 : i32
      %dma_wait3A_239 = tpu.memref_slice %arg4[%add3A, %dma_wait3A_237, %dma_wait3A_238] : memref<32x80x128xi32, #tpu.memory_space<hbm>> -> memref<1x80x128xi32, #tpu.memory_space<hbm>>
      %dma_wait3A_240 = tpu.memref_squeeze %dma_wait3A_239 : memref<1x80x128xi32, #tpu.memory_space<hbm>> -> memref<80x128xi32, #tpu.memory_space<hbm>>
      %dma_wait3A_241 = arith.constant 0 : i32
      %dma_wait3A_242 = arith.constant 0 : i32
      %dma_wait3A_243 = tpu.memref_slice %arg4[%add3A, %dma_wait3A_241, %dma_wait3A_242] : memref<32x80x128xi32, #tpu.memory_space<hbm>> -> memref<1x80x128xi32, #tpu.memory_space<hbm>>
      %dma_wait3A_244 = tpu.memref_squeeze %dma_wait3A_243 : memref<1x80x128xi32, #tpu.memory_space<hbm>> -> memref<80x128xi32, #tpu.memory_space<hbm>>
      tpu.wait_dma2 semaphore(%run_scoped3A : memref<!tpu.dma_semaphore, #tpu.memory_space<semaphore_mem>>) src(%dma_wait3A_244 : memref<80x128xi32, #tpu.memory_space<hbm>>) dst(%arg8 : memref<80x128xi32, #tpu.memory_space<vmem>>)
      tpu.yield
    }) : () -> ()
    "tpu.region"() ({
      %run_scoped3A = tpu.sem_alloc : memref<!tpu.dma_semaphore, #tpu.memory_space<semaphore_mem>>
      %dma_start3A_229 = arith.constant 0 : i32
      %dma_start3A_230 = arith.constant 0 : i32
      %dma_start3A_231 = tpu.memref_slice %arg5[%add3A, %dma_start3A_229, %dma_start3A_230] : memref<32x80x128xi32, #tpu.memory_space<hbm>> -> memref<1x80x128xi32, #tpu.memory_space<hbm>>
      %dma_start3A_232 = tpu.memref_squeeze %dma_start3A_231 : memref<1x80x128xi32, #tpu.memory_space<hbm>> -> memref<80x128xi32, #tpu.memory_space<hbm>>
      %dma_start3A_233 = arith.constant 0 : i32
      %dma_start3A_234 = arith.constant 0 : i32
      %dma_start3A_235 = tpu.memref_slice %arg5[%add3A, %dma_start3A_233, %dma_start3A_234] : memref<32x80x128xi32, #tpu.memory_space<hbm>> -> memref<1x80x128xi32, #tpu.memory_space<hbm>>
      %dma_start3A_236 = tpu.memref_squeeze %dma_start3A_235 : memref<1x80x128xi32, #tpu.memory_space<hbm>> -> memref<80x128xi32, #tpu.memory_space<hbm>>
      tpu.enqueue_dma source(%dma_start3A_236 : memref<80x128xi32, #tpu.memory_space<hbm>>) target(%arg9 : memref<80x128xi32, #tpu.memory_space<vmem>>) target_semaphore(%run_scoped3A : memref<!tpu.dma_semaphore, #tpu.memory_space<semaphore_mem>>)
      %dma_wait3A_237 = arith.constant 0 : i32
      %dma_wait3A_238 = arith.constant 0 : i32
      %dma_wait3A_239 = tpu.memref_slice %arg5[%add3A, %dma_wait3A_237, %dma_wait3A_238] : memref<32x80x128xi32, #tpu.memory_space<hbm>> -> memref<1x80x128xi32, #tpu.memory_space<hbm>>
      %dma_wait3A_240 = tpu.memref_squeeze %dma_wait3A_239 : memref<1x80x128xi32, #tpu.memory_space<hbm>> -> memref<80x128xi32, #tpu.memory_space<hbm>>
      %dma_wait3A_241 = arith.constant 0 : i32
      %dma_wait3A_242 = arith.constant 0 : i32
      %dma_wait3A_243 = tpu.memref_slice %arg5[%add3A, %dma_wait3A_241, %dma_wait3A_242] : memref<32x80x128xi32, #tpu.memory_space<hbm>> -> memref<1x80x128xi32, #tpu.memory_space<hbm>>
      %dma_wait3A_244 = tpu.memref_squeeze %dma_wait3A_243 : memref<1x80x128xi32, #tpu.memory_space<hbm>> -> memref<80x128xi32, #tpu.memory_space<hbm>>
      tpu.wait_dma2 semaphore(%run_scoped3A : memref<!tpu.dma_semaphore, #tpu.memory_space<semaphore_mem>>) src(%dma_wait3A_244 : memref<80x128xi32, #tpu.memory_space<hbm>>) dst(%arg9 : memref<80x128xi32, #tpu.memory_space<vmem>>)
      tpu.yield
    }) : () -> ()
    %mul3A_1 = arith.constant 640 : i32
    %mul3A_2 = arith.muli %arg1, %mul3A_1 : i32
    "tpu.region"() ({
      %run_scoped3A = tpu.sem_alloc : memref<!tpu.dma_semaphore, #tpu.memory_space<semaphore_mem>>
      %dma_start3A_229 = arith.constant 0 : i32
      %dma_start3A_230 = tpu.memref_slice %arg11[%mul3A_2, %dma_start3A_229] : memref<10240x64xf32, #tpu.memory_space<vmem_shared>> -> memref<640x64xf32, #tpu.memory_space<vmem_shared>>
      %dma_start3A_231 = arith.constant 0 : i32
      %dma_start3A_232 = tpu.memref_slice %arg2[%mul3A_2, %dma_start3A_231] : memref<10240x64xf32, #tpu.memory_space<hbm>> -> memref<640x64xf32, #tpu.memory_space<hbm>>
      tpu.enqueue_dma source(%dma_start3A_232 : memref<640x64xf32, #tpu.memory_space<hbm>>) target(%dma_start3A_230 : memref<640x64xf32, #tpu.memory_space<vmem_shared>>) target_semaphore(%run_scoped3A : memref<!tpu.dma_semaphore, #tpu.memory_space<semaphore_mem>>)
      %dma_wait3A_233 = arith.constant 0 : i32
      %dma_wait3A_234 = tpu.memref_slice %arg11[%mul3A_2, %dma_wait3A_233] : memref<10240x64xf32, #tpu.memory_space<vmem_shared>> -> memref<640x64xf32, #tpu.memory_space<vmem_shared>>
      %dma_wait3A_235 = arith.constant 0 : i32
      %dma_wait3A_236 = tpu.memref_slice %arg2[%mul3A_2, %dma_wait3A_235] : memref<10240x64xf32, #tpu.memory_space<hbm>> -> memref<640x64xf32, #tpu.memory_space<hbm>>
      tpu.wait_dma2 semaphore(%run_scoped3A : memref<!tpu.dma_semaphore, #tpu.memory_space<semaphore_mem>>) src(%dma_wait3A_236 : memref<640x64xf32, #tpu.memory_space<hbm>>) dst(%dma_wait3A_234 : memref<640x64xf32, #tpu.memory_space<vmem_shared>>)
      tpu.yield
    }) : () -> ()
    %barrier3A = arith.constant 0 : index
    tpu.barrier barrier_id(%barrier3A)
    %dma_start3A = arith.constant 0 : i32
    %dma_start3A_3 = arith.constant 0 : i32
    %dma_start3A_4 = arith.constant 0 : i32
    %dma_start3A_5 = arith.constant 0 : i32
    %dma_start3A_6 = tpu.memref_slice %arg10[%dma_start3A_4, %dma_start3A_5] : memref<512x64xf32, #tpu.memory_space<vmem>> -> memref<128x64xf32, #tpu.memory_space<vmem>>
    %dma_start3A_7 = arith.constant 0 : i32
    %dma_start3A_8 = tpu.memref_slice %arg8[%dma_start3A, %dma_start3A_7] : memref<80x128xi32, #tpu.memory_space<vmem>> -> memref<1x128xi32, #tpu.memory_space<vmem>>
    %dma_start3A_9 = tpu.memref_squeeze %dma_start3A_8 : memref<1x128xi32, #tpu.memory_space<vmem>> -> memref<128xi32, #tpu.memory_space<vmem>>
    %dma_start3A_10 = arith.constant 0 : i32
    %dma_start3A_11 = arith.constant 0 : i32
    %dma_start3A_12 = tpu.memref_slice %arg2[%dma_start3A_10, %dma_start3A_11] : memref<10240x64xf32, #tpu.memory_space<hbm>> -> memref<10240x64xf32, #tpu.memory_space<hbm>>
    %dma_start3A_13 = tpu.memref_slice %arg12[%dma_start3A_3] : memref<4x!tpu.dma_semaphore, #tpu.memory_space<semaphore_mem>> -> memref<1x!tpu.dma_semaphore, #tpu.memory_space<semaphore_mem>>
    %dma_start3A_14 = tpu.memref_squeeze %dma_start3A_13 : memref<1x!tpu.dma_semaphore, #tpu.memory_space<semaphore_mem>> -> memref<!tpu.dma_semaphore, #tpu.memory_space<semaphore_mem>>
    tpu.enqueue_indirect_dma source(%dma_start3A_12 : memref<10240x64xf32, #tpu.memory_space<hbm>>) target(%dma_start3A_6 : memref<128x64xf32, #tpu.memory_space<vmem>>) offsets(%dma_start3A_9 : memref<128xi32, #tpu.memory_space<vmem>>) semaphore(%dma_start3A_14 : memref<!tpu.dma_semaphore, #tpu.memory_space<semaphore_mem>>)
    %dma_start3A_15 = arith.constant 1 : i32
    %dma_start3A_16 = arith.constant 1 : i32
    %dma_start3A_17 = arith.constant 128 : i32
    %dma_start3A_18 = arith.constant 0 : i32
    %dma_start3A_19 = tpu.memref_slice %arg10[%dma_start3A_17, %dma_start3A_18] : memref<512x64xf32, #tpu.memory_space<vmem>> -> memref<128x64xf32, #tpu.memory_space<vmem>>
    %dma_start3A_20 = arith.constant 0 : i32
    %dma_start3A_21 = tpu.memref_slice %arg8[%dma_start3A_15, %dma_start3A_20] : memref<80x128xi32, #tpu.memory_space<vmem>> -> memref<1x128xi32, #tpu.memory_space<vmem>>
    %dma_start3A_22 = tpu.memref_squeeze %dma_start3A_21 : memref<1x128xi32, #tpu.memory_space<vmem>> -> memref<128xi32, #tpu.memory_space<vmem>>
    %dma_start3A_23 = arith.constant 0 : i32
    %dma_start3A_24 = arith.constant 0 : i32
    %dma_start3A_25 = tpu.memref_slice %arg2[%dma_start3A_23, %dma_start3A_24] : memref<10240x64xf32, #tpu.memory_space<hbm>> -> memref<10240x64xf32, #tpu.memory_space<hbm>>
    %dma_start3A_26 = tpu.memref_slice %arg12[%dma_start3A_16] : memref<4x!tpu.dma_semaphore, #tpu.memory_space<semaphore_mem>> -> memref<1x!tpu.dma_semaphore, #tpu.memory_space<semaphore_mem>>
    %dma_start3A_27 = tpu.memref_squeeze %dma_start3A_26 : memref<1x!tpu.dma_semaphore, #tpu.memory_space<semaphore_mem>> -> memref<!tpu.dma_semaphore, #tpu.memory_space<semaphore_mem>>
    tpu.enqueue_indirect_dma source(%dma_start3A_25 : memref<10240x64xf32, #tpu.memory_space<hbm>>) target(%dma_start3A_19 : memref<128x64xf32, #tpu.memory_space<vmem>>) offsets(%dma_start3A_22 : memref<128xi32, #tpu.memory_space<vmem>>) semaphore(%dma_start3A_27 : memref<!tpu.dma_semaphore, #tpu.memory_space<semaphore_mem>>)
    %dma_start3A_28 = arith.constant 2 : i32
    %dma_start3A_29 = arith.constant 2 : i32
    %dma_start3A_30 = arith.constant 256 : i32
    %dma_start3A_31 = arith.constant 0 : i32
    %dma_start3A_32 = tpu.memref_slice %arg10[%dma_start3A_30, %dma_start3A_31] : memref<512x64xf32, #tpu.memory_space<vmem>> -> memref<128x64xf32, #tpu.memory_space<vmem>>
    %dma_start3A_33 = arith.constant 0 : i32
    %dma_start3A_34 = tpu.memref_slice %arg8[%dma_start3A_28, %dma_start3A_33] : memref<80x128xi32, #tpu.memory_space<vmem>> -> memref<1x128xi32, #tpu.memory_space<vmem>>
    %dma_start3A_35 = tpu.memref_squeeze %dma_start3A_34 : memref<1x128xi32, #tpu.memory_space<vmem>> -> memref<128xi32, #tpu.memory_space<vmem>>
    %dma_start3A_36 = arith.constant 0 : i32
    %dma_start3A_37 = arith.constant 0 : i32
    %dma_start3A_38 = tpu.memref_slice %arg2[%dma_start3A_36, %dma_start3A_37] : memref<10240x64xf32, #tpu.memory_space<hbm>> -> memref<10240x64xf32, #tpu.memory_space<hbm>>
    %dma_start3A_39 = tpu.memref_slice %arg12[%dma_start3A_29] : memref<4x!tpu.dma_semaphore, #tpu.memory_space<semaphore_mem>> -> memref<1x!tpu.dma_semaphore, #tpu.memory_space<semaphore_mem>>
    %dma_start3A_40 = tpu.memref_squeeze %dma_start3A_39 : memref<1x!tpu.dma_semaphore, #tpu.memory_space<semaphore_mem>> -> memref<!tpu.dma_semaphore, #tpu.memory_space<semaphore_mem>>
    tpu.enqueue_indirect_dma source(%dma_start3A_38 : memref<10240x64xf32, #tpu.memory_space<hbm>>) target(%dma_start3A_32 : memref<128x64xf32, #tpu.memory_space<vmem>>) offsets(%dma_start3A_35 : memref<128xi32, #tpu.memory_space<vmem>>) semaphore(%dma_start3A_40 : memref<!tpu.dma_semaphore, #tpu.memory_space<semaphore_mem>>)
    %dma_start3A_41 = arith.constant 3 : i32
    %dma_start3A_42 = arith.constant 3 : i32
    %dma_start3A_43 = arith.constant 384 : i32
    %dma_start3A_44 = arith.constant 0 : i32
    %dma_start3A_45 = tpu.memref_slice %arg10[%dma_start3A_43, %dma_start3A_44] : memref<512x64xf32, #tpu.memory_space<vmem>> -> memref<128x64xf32, #tpu.memory_space<vmem>>
    %dma_start3A_46 = arith.constant 0 : i32
    %dma_start3A_47 = tpu.memref_slice %arg8[%dma_start3A_41, %dma_start3A_46] : memref<80x128xi32, #tpu.memory_space<vmem>> -> memref<1x128xi32, #tpu.memory_space<vmem>>
    %dma_start3A_48 = tpu.memref_squeeze %dma_start3A_47 : memref<1x128xi32, #tpu.memory_space<vmem>> -> memref<128xi32, #tpu.memory_space<vmem>>
    %dma_start3A_49 = arith.constant 0 : i32
    %dma_start3A_50 = arith.constant 0 : i32
    %dma_start3A_51 = tpu.memref_slice %arg2[%dma_start3A_49, %dma_start3A_50] : memref<10240x64xf32, #tpu.memory_space<hbm>> -> memref<10240x64xf32, #tpu.memory_space<hbm>>
    %dma_start3A_52 = tpu.memref_slice %arg12[%dma_start3A_42] : memref<4x!tpu.dma_semaphore, #tpu.memory_space<semaphore_mem>> -> memref<1x!tpu.dma_semaphore, #tpu.memory_space<semaphore_mem>>
    %dma_start3A_53 = tpu.memref_squeeze %dma_start3A_52 : memref<1x!tpu.dma_semaphore, #tpu.memory_space<semaphore_mem>> -> memref<!tpu.dma_semaphore, #tpu.memory_space<semaphore_mem>>
    tpu.enqueue_indirect_dma source(%dma_start3A_51 : memref<10240x64xf32, #tpu.memory_space<hbm>>) target(%dma_start3A_45 : memref<128x64xf32, #tpu.memory_space<vmem>>) offsets(%dma_start3A_48 : memref<128xi32, #tpu.memory_space<vmem>>) semaphore(%dma_start3A_53 : memref<!tpu.dma_semaphore, #tpu.memory_space<semaphore_mem>>)
    %scan3A = arith.constant 0 : i32
    %scan3A_54 = arith.constant 0 : i32
    %scan3A_55 = arith.constant 20 : i32
    %scan3A_56 = arith.addi %scan3A_54, %scan3A_55 : i32
    %scan3A_57 = arith.constant 1 : i32
    scf.for %scan3A_229 = %scan3A_54 to %scan3A_56 step %scan3A_57  : i32 {
      %mul3A_230 = arith.constant 4 : i32
      %mul3A_231 = arith.muli %scan3A_229, %mul3A_230 : i32
      %dma_wait3A_232 = arith.constant 0 : i32
      %dma_wait3A_233 = arith.constant 0 : i32
      %dma_wait3A_234 = arith.constant 0 : i32
      %dma_wait3A_235 = arith.constant 0 : i32
      %dma_wait3A_236 = tpu.memref_slice %arg10[%dma_wait3A_234, %dma_wait3A_235] : memref<512x64xf32, #tpu.memory_space<vmem>> -> memref<128x64xf32, #tpu.memory_space<vmem>>
      %dma_wait3A_237 = arith.constant 0 : i32
      %dma_wait3A_238 = tpu.memref_slice %arg8[%dma_wait3A_232, %dma_wait3A_237] : memref<80x128xi32, #tpu.memory_space<vmem>> -> memref<1x128xi32, #tpu.memory_space<vmem>>
      %dma_wait3A_239 = tpu.memref_squeeze %dma_wait3A_238 : memref<1x128xi32, #tpu.memory_space<vmem>> -> memref<128xi32, #tpu.memory_space<vmem>>
      %dma_wait3A_240 = arith.constant 0 : i32
      %dma_wait3A_241 = arith.constant 0 : i32
      %dma_wait3A_242 = tpu.memref_slice %arg2[%dma_wait3A_240, %dma_wait3A_241] : memref<10240x64xf32, #tpu.memory_space<hbm>> -> memref<10240x64xf32, #tpu.memory_space<hbm>>
      %dma_wait3A_243 = tpu.memref_slice %arg12[%dma_wait3A_233] : memref<4x!tpu.dma_semaphore, #tpu.memory_space<semaphore_mem>> -> memref<1x!tpu.dma_semaphore, #tpu.memory_space<semaphore_mem>>
      %dma_wait3A_244 = tpu.memref_squeeze %dma_wait3A_243 : memref<1x!tpu.dma_semaphore, #tpu.memory_space<semaphore_mem>> -> memref<!tpu.dma_semaphore, #tpu.memory_space<semaphore_mem>>
      tpu.wait_indirect_dma semaphore(%dma_wait3A_244 : memref<!tpu.dma_semaphore, #tpu.memory_space<semaphore_mem>>) src(%dma_wait3A_242 : memref<10240x64xf32, #tpu.memory_space<hbm>>) dst(%dma_wait3A_236 : memref<128x64xf32, #tpu.memory_space<vmem>>)
      %add3A_245 = arith.constant 0 : i32
      %add3A_246 = arith.addi %mul3A_231, %add3A_245 : i32
      "tpu.region"() ({
        %run_scoped3A = tpu.sem_alloc : memref<!tpu.dma_semaphore, #tpu.memory_space<semaphore_mem>>
        %dma_start3A_363 = arith.constant 0 : i32
        %dma_start3A_364 = arith.constant 0 : i32
        %dma_start3A_365 = tpu.memref_slice %arg10[%dma_start3A_363, %dma_start3A_364] : memref<512x64xf32, #tpu.memory_space<vmem>> -> memref<128x64xf32, #tpu.memory_space<vmem>>
        %dma_start3A_366 = arith.constant 0 : i32
        %dma_start3A_367 = tpu.memref_slice %arg9[%add3A_246, %dma_start3A_366] : memref<80x128xi32, #tpu.memory_space<vmem>> -> memref<1x128xi32, #tpu.memory_space<vmem>>
        %dma_start3A_368 = tpu.memref_squeeze %dma_start3A_367 : memref<1x128xi32, #tpu.memory_space<vmem>> -> memref<128xi32, #tpu.memory_space<vmem>>
        %dma_start3A_369 = arith.constant 0 : i32
        %dma_start3A_370 = arith.constant 0 : i32
        %dma_start3A_371 = tpu.memref_slice %arg11[%dma_start3A_369, %dma_start3A_370] : memref<10240x64xf32, #tpu.memory_space<vmem_shared>> -> memref<10240x64xf32, #tpu.memory_space<vmem_shared>>
        tpu.enqueue_indirect_dma source(%dma_start3A_365 : memref<128x64xf32, #tpu.memory_space<vmem>>) target(%dma_start3A_371 : memref<10240x64xf32, #tpu.memory_space<vmem_shared>>) offsets(%dma_start3A_368 : memref<128xi32, #tpu.memory_space<vmem>>) semaphore(%run_scoped3A : memref<!tpu.dma_semaphore, #tpu.memory_space<semaphore_mem>>) {add = true}
        %dma_wait3A_372 = arith.constant 0 : i32
        %dma_wait3A_373 = arith.constant 0 : i32
        %dma_wait3A_374 = tpu.memref_slice %arg10[%dma_wait3A_372, %dma_wait3A_373] : memref<512x64xf32, #tpu.memory_space<vmem>> -> memref<128x64xf32, #tpu.memory_space<vmem>>
        %dma_wait3A_375 = arith.constant 0 : i32
        %dma_wait3A_376 = tpu.memref_slice %arg9[%add3A_246, %dma_wait3A_375] : memref<80x128xi32, #tpu.memory_space<vmem>> -> memref<1x128xi32, #tpu.memory_space<vmem>>
        %dma_wait3A_377 = tpu.memref_squeeze %dma_wait3A_376 : memref<1x128xi32, #tpu.memory_space<vmem>> -> memref<128xi32, #tpu.memory_space<vmem>>
        %dma_wait3A_378 = arith.constant 0 : i32
        %dma_wait3A_379 = arith.constant 0 : i32
        %dma_wait3A_380 = tpu.memref_slice %arg11[%dma_wait3A_378, %dma_wait3A_379] : memref<10240x64xf32, #tpu.memory_space<vmem_shared>> -> memref<10240x64xf32, #tpu.memory_space<vmem_shared>>
        tpu.wait_indirect_dma semaphore(%run_scoped3A : memref<!tpu.dma_semaphore, #tpu.memory_space<semaphore_mem>>) src(%dma_wait3A_374 : memref<128x64xf32, #tpu.memory_space<vmem>>) dst(%dma_wait3A_380 : memref<10240x64xf32, #tpu.memory_space<vmem_shared>>)
        tpu.yield
      }) : () -> ()
      %add3A_247 = arith.constant 4 : i32
      %add3A_248 = arith.addi %mul3A_231, %add3A_247 : i32
      %add3A_249 = arith.constant 0 : i32
      %add3A_250 = arith.addi %add3A_248, %add3A_249 : i32
      %min3A = arith.constant 79 : i32
      %min3A_251 = arith.minsi %add3A_250, %min3A : i32
      %dma_start3A_252 = arith.constant 0 : i32
      %dma_start3A_253 = arith.constant 0 : i32
      %dma_start3A_254 = arith.constant 0 : i32
      %dma_start3A_255 = tpu.memref_slice %arg10[%dma_start3A_253, %dma_start3A_254] : memref<512x64xf32, #tpu.memory_space<vmem>> -> memref<128x64xf32, #tpu.memory_space<vmem>>
      %dma_start3A_256 = arith.constant 0 : i32
      %dma_start3A_257 = tpu.memref_slice %arg8[%min3A_251, %dma_start3A_256] : memref<80x128xi32, #tpu.memory_space<vmem>> -> memref<1x128xi32, #tpu.memory_space<vmem>>
      %dma_start3A_258 = tpu.memref_squeeze %dma_start3A_257 : memref<1x128xi32, #tpu.memory_space<vmem>> -> memref<128xi32, #tpu.memory_space<vmem>>
      %dma_start3A_259 = arith.constant 0 : i32
      %dma_start3A_260 = arith.constant 0 : i32
      %dma_start3A_261 = tpu.memref_slice %arg2[%dma_start3A_259, %dma_start3A_260] : memref<10240x64xf32, #tpu.memory_space<hbm>> -> memref<10240x64xf32, #tpu.memory_space<hbm>>
      %dma_start3A_262 = tpu.memref_slice %arg12[%dma_start3A_252] : memref<4x!tpu.dma_semaphore, #tpu.memory_space<semaphore_mem>> -> memref<1x!tpu.dma_semaphore, #tpu.memory_space<semaphore_mem>>
      %dma_start3A_263 = tpu.memref_squeeze %dma_start3A_262 : memref<1x!tpu.dma_semaphore, #tpu.memory_space<semaphore_mem>> -> memref<!tpu.dma_semaphore, #tpu.memory_space<semaphore_mem>>
      tpu.enqueue_indirect_dma source(%dma_start3A_261 : memref<10240x64xf32, #tpu.memory_space<hbm>>) target(%dma_start3A_255 : memref<128x64xf32, #tpu.memory_space<vmem>>) offsets(%dma_start3A_258 : memref<128xi32, #tpu.memory_space<vmem>>) semaphore(%dma_start3A_263 : memref<!tpu.dma_semaphore, #tpu.memory_space<semaphore_mem>>)
      %dma_wait3A_264 = arith.constant 0 : i32
      %dma_wait3A_265 = arith.constant 1 : i32
      %dma_wait3A_266 = arith.constant 128 : i32
      %dma_wait3A_267 = arith.constant 0 : i32
      %dma_wait3A_268 = tpu.memref_slice %arg10[%dma_wait3A_266, %dma_wait3A_267] : memref<512x64xf32, #tpu.memory_space<vmem>> -> memref<128x64xf32, #tpu.memory_space<vmem>>
      %dma_wait3A_269 = arith.constant 0 : i32
      %dma_wait3A_270 = tpu.memref_slice %arg8[%dma_wait3A_264, %dma_wait3A_269] : memref<80x128xi32, #tpu.memory_space<vmem>> -> memref<1x128xi32, #tpu.memory_space<vmem>>
      %dma_wait3A_271 = tpu.memref_squeeze %dma_wait3A_270 : memref<1x128xi32, #tpu.memory_space<vmem>> -> memref<128xi32, #tpu.memory_space<vmem>>
      %dma_wait3A_272 = arith.constant 0 : i32
      %dma_wait3A_273 = arith.constant 0 : i32
      %dma_wait3A_274 = tpu.memref_slice %arg2[%dma_wait3A_272, %dma_wait3A_273] : memref<10240x64xf32, #tpu.memory_space<hbm>> -> memref<10240x64xf32, #tpu.memory_space<hbm>>
      %dma_wait3A_275 = tpu.memref_slice %arg12[%dma_wait3A_265] : memref<4x!tpu.dma_semaphore, #tpu.memory_space<semaphore_mem>> -> memref<1x!tpu.dma_semaphore, #tpu.memory_space<semaphore_mem>>
      %dma_wait3A_276 = tpu.memref_squeeze %dma_wait3A_275 : memref<1x!tpu.dma_semaphore, #tpu.memory_space<semaphore_mem>> -> memref<!tpu.dma_semaphore, #tpu.memory_space<semaphore_mem>>
      tpu.wait_indirect_dma semaphore(%dma_wait3A_276 : memref<!tpu.dma_semaphore, #tpu.memory_space<semaphore_mem>>) src(%dma_wait3A_274 : memref<10240x64xf32, #tpu.memory_space<hbm>>) dst(%dma_wait3A_268 : memref<128x64xf32, #tpu.memory_space<vmem>>)
      %add3A_277 = arith.constant 1 : i32
      %add3A_278 = arith.addi %mul3A_231, %add3A_277 : i32
      "tpu.region"() ({
        %run_scoped3A = tpu.sem_alloc : memref<!tpu.dma_semaphore, #tpu.memory_space<semaphore_mem>>
        %dma_start3A_363 = arith.constant 128 : i32
        %dma_start3A_364 = arith.constant 0 : i32
        %dma_start3A_365 = tpu.memref_slice %arg10[%dma_start3A_363, %dma_start3A_364] : memref<512x64xf32, #tpu.memory_space<vmem>> -> memref<128x64xf32, #tpu.memory_space<vmem>>
        %dma_start3A_366 = arith.constant 0 : i32
        %dma_start3A_367 = tpu.memref_slice %arg9[%add3A_278, %dma_start3A_366] : memref<80x128xi32, #tpu.memory_space<vmem>> -> memref<1x128xi32, #tpu.memory_space<vmem>>
        %dma_start3A_368 = tpu.memref_squeeze %dma_start3A_367 : memref<1x128xi32, #tpu.memory_space<vmem>> -> memref<128xi32, #tpu.memory_space<vmem>>
        %dma_start3A_369 = arith.constant 0 : i32
        %dma_start3A_370 = arith.constant 0 : i32
        %dma_start3A_371 = tpu.memref_slice %arg11[%dma_start3A_369, %dma_start3A_370] : memref<10240x64xf32, #tpu.memory_space<vmem_shared>> -> memref<10240x64xf32, #tpu.memory_space<vmem_shared>>
        tpu.enqueue_indirect_dma source(%dma_start3A_365 : memref<128x64xf32, #tpu.memory_space<vmem>>) target(%dma_start3A_371 : memref<10240x64xf32, #tpu.memory_space<vmem_shared>>) offsets(%dma_start3A_368 : memref<128xi32, #tpu.memory_space<vmem>>) semaphore(%run_scoped3A : memref<!tpu.dma_semaphore, #tpu.memory_space<semaphore_mem>>) {add = true}
        %dma_wait3A_372 = arith.constant 128 : i32
        %dma_wait3A_373 = arith.constant 0 : i32
        %dma_wait3A_374 = tpu.memref_slice %arg10[%dma_wait3A_372, %dma_wait3A_373] : memref<512x64xf32, #tpu.memory_space<vmem>> -> memref<128x64xf32, #tpu.memory_space<vmem>>
        %dma_wait3A_375 = arith.constant 0 : i32
        %dma_wait3A_376 = tpu.memref_slice %arg9[%add3A_278, %dma_wait3A_375] : memref<80x128xi32, #tpu.memory_space<vmem>> -> memref<1x128xi32, #tpu.memory_space<vmem>>
        %dma_wait3A_377 = tpu.memref_squeeze %dma_wait3A_376 : memref<1x128xi32, #tpu.memory_space<vmem>> -> memref<128xi32, #tpu.memory_space<vmem>>
        %dma_wait3A_378 = arith.constant 0 : i32
        %dma_wait3A_379 = arith.constant 0 : i32
        %dma_wait3A_380 = tpu.memref_slice %arg11[%dma_wait3A_378, %dma_wait3A_379] : memref<10240x64xf32, #tpu.memory_space<vmem_shared>> -> memref<10240x64xf32, #tpu.memory_space<vmem_shared>>
        tpu.wait_indirect_dma semaphore(%run_scoped3A : memref<!tpu.dma_semaphore, #tpu.memory_space<semaphore_mem>>) src(%dma_wait3A_374 : memref<128x64xf32, #tpu.memory_space<vmem>>) dst(%dma_wait3A_380 : memref<10240x64xf32, #tpu.memory_space<vmem_shared>>)
        tpu.yield
      }) : () -> ()
      %add3A_279 = arith.constant 4 : i32
      %add3A_280 = arith.addi %mul3A_231, %add3A_279 : i32
      %add3A_281 = arith.constant 1 : i32
      %add3A_282 = arith.addi %add3A_280, %add3A_281 : i32
      %min3A_283 = arith.constant 79 : i32
      %min3A_284 = arith.minsi %add3A_282, %min3A_283 : i32
      %dma_start3A_285 = arith.constant 1 : i32
      %dma_start3A_286 = arith.constant 128 : i32
      %dma_start3A_287 = arith.constant 0 : i32
      %dma_start3A_288 = tpu.memref_slice %arg10[%dma_start3A_286, %dma_start3A_287] : memref<512x64xf32, #tpu.memory_space<vmem>> -> memref<128x64xf32, #tpu.memory_space<vmem>>
      %dma_start3A_289 = arith.constant 0 : i32
      %dma_start3A_290 = tpu.memref_slice %arg8[%min3A_284, %dma_start3A_289] : memref<80x128xi32, #tpu.memory_space<vmem>> -> memref<1x128xi32, #tpu.memory_space<vmem>>
      %dma_start3A_291 = tpu.memref_squeeze %dma_start3A_290 : memref<1x128xi32, #tpu.memory_space<vmem>> -> memref<128xi32, #tpu.memory_space<vmem>>
      %dma_start3A_292 = arith.constant 0 : i32
      %dma_start3A_293 = arith.constant 0 : i32
      %dma_start3A_294 = tpu.memref_slice %arg2[%dma_start3A_292, %dma_start3A_293] : memref<10240x64xf32, #tpu.memory_space<hbm>> -> memref<10240x64xf32, #tpu.memory_space<hbm>>
      %dma_start3A_295 = tpu.memref_slice %arg12[%dma_start3A_285] : memref<4x!tpu.dma_semaphore, #tpu.memory_space<semaphore_mem>> -> memref<1x!tpu.dma_semaphore, #tpu.memory_space<semaphore_mem>>
      %dma_start3A_296 = tpu.memref_squeeze %dma_start3A_295 : memref<1x!tpu.dma_semaphore, #tpu.memory_space<semaphore_mem>> -> memref<!tpu.dma_semaphore, #tpu.memory_space<semaphore_mem>>
      tpu.enqueue_indirect_dma source(%dma_start3A_294 : memref<10240x64xf32, #tpu.memory_space<hbm>>) target(%dma_start3A_288 : memref<128x64xf32, #tpu.memory_space<vmem>>) offsets(%dma_start3A_291 : memref<128xi32, #tpu.memory_space<vmem>>) semaphore(%dma_start3A_296 : memref<!tpu.dma_semaphore, #tpu.memory_space<semaphore_mem>>)
      %dma_wait3A_297 = arith.constant 0 : i32
      %dma_wait3A_298 = arith.constant 2 : i32
      %dma_wait3A_299 = arith.constant 256 : i32
      %dma_wait3A_300 = arith.constant 0 : i32
      %dma_wait3A_301 = tpu.memref_slice %arg10[%dma_wait3A_299, %dma_wait3A_300] : memref<512x64xf32, #tpu.memory_space<vmem>> -> memref<128x64xf32, #tpu.memory_space<vmem>>
      %dma_wait3A_302 = arith.constant 0 : i32
      %dma_wait3A_303 = tpu.memref_slice %arg8[%dma_wait3A_297, %dma_wait3A_302] : memref<80x128xi32, #tpu.memory_space<vmem>> -> memref<1x128xi32, #tpu.memory_space<vmem>>
      %dma_wait3A_304 = tpu.memref_squeeze %dma_wait3A_303 : memref<1x128xi32, #tpu.memory_space<vmem>> -> memref<128xi32, #tpu.memory_space<vmem>>
      %dma_wait3A_305 = arith.constant 0 : i32
      %dma_wait3A_306 = arith.constant 0 : i32
      %dma_wait3A_307 = tpu.memref_slice %arg2[%dma_wait3A_305, %dma_wait3A_306] : memref<10240x64xf32, #tpu.memory_space<hbm>> -> memref<10240x64xf32, #tpu.memory_space<hbm>>
      %dma_wait3A_308 = tpu.memref_slice %arg12[%dma_wait3A_298] : memref<4x!tpu.dma_semaphore, #tpu.memory_space<semaphore_mem>> -> memref<1x!tpu.dma_semaphore, #tpu.memory_space<semaphore_mem>>
      %dma_wait3A_309 = tpu.memref_squeeze %dma_wait3A_308 : memref<1x!tpu.dma_semaphore, #tpu.memory_space<semaphore_mem>> -> memref<!tpu.dma_semaphore, #tpu.memory_space<semaphore_mem>>
      tpu.wait_indirect_dma semaphore(%dma_wait3A_309 : memref<!tpu.dma_semaphore, #tpu.memory_space<semaphore_mem>>) src(%dma_wait3A_307 : memref<10240x64xf32, #tpu.memory_space<hbm>>) dst(%dma_wait3A_301 : memref<128x64xf32, #tpu.memory_space<vmem>>)
      %add3A_310 = arith.constant 2 : i32
      %add3A_311 = arith.addi %mul3A_231, %add3A_310 : i32
      "tpu.region"() ({
        %run_scoped3A = tpu.sem_alloc : memref<!tpu.dma_semaphore, #tpu.memory_space<semaphore_mem>>
        %dma_start3A_363 = arith.constant 256 : i32
        %dma_start3A_364 = arith.constant 0 : i32
        %dma_start3A_365 = tpu.memref_slice %arg10[%dma_start3A_363, %dma_start3A_364] : memref<512x64xf32, #tpu.memory_space<vmem>> -> memref<128x64xf32, #tpu.memory_space<vmem>>
        %dma_start3A_366 = arith.constant 0 : i32
        %dma_start3A_367 = tpu.memref_slice %arg9[%add3A_311, %dma_start3A_366] : memref<80x128xi32, #tpu.memory_space<vmem>> -> memref<1x128xi32, #tpu.memory_space<vmem>>
        %dma_start3A_368 = tpu.memref_squeeze %dma_start3A_367 : memref<1x128xi32, #tpu.memory_space<vmem>> -> memref<128xi32, #tpu.memory_space<vmem>>
        %dma_start3A_369 = arith.constant 0 : i32
        %dma_start3A_370 = arith.constant 0 : i32
        %dma_start3A_371 = tpu.memref_slice %arg11[%dma_start3A_369, %dma_start3A_370] : memref<10240x64xf32, #tpu.memory_space<vmem_shared>> -> memref<10240x64xf32, #tpu.memory_space<vmem_shared>>
        tpu.enqueue_indirect_dma source(%dma_start3A_365 : memref<128x64xf32, #tpu.memory_space<vmem>>) target(%dma_start3A_371 : memref<10240x64xf32, #tpu.memory_space<vmem_shared>>) offsets(%dma_start3A_368 : memref<128xi32, #tpu.memory_space<vmem>>) semaphore(%run_scoped3A : memref<!tpu.dma_semaphore, #tpu.memory_space<semaphore_mem>>) {add = true}
        %dma_wait3A_372 = arith.constant 256 : i32
        %dma_wait3A_373 = arith.constant 0 : i32
        %dma_wait3A_374 = tpu.memref_slice %arg10[%dma_wait3A_372, %dma_wait3A_373] : memref<512x64xf32, #tpu.memory_space<vmem>> -> memref<128x64xf32, #tpu.memory_space<vmem>>
        %dma_wait3A_375 = arith.constant 0 : i32
        %dma_wait3A_376 = tpu.memref_slice %arg9[%add3A_311, %dma_wait3A_375] : memref<80x128xi32, #tpu.memory_space<vmem>> -> memref<1x128xi32, #tpu.memory_space<vmem>>
        %dma_wait3A_377 = tpu.memref_squeeze %dma_wait3A_376 : memref<1x128xi32, #tpu.memory_space<vmem>> -> memref<128xi32, #tpu.memory_space<vmem>>
        %dma_wait3A_378 = arith.constant 0 : i32
        %dma_wait3A_379 = arith.constant 0 : i32
        %dma_wait3A_380 = tpu.memref_slice %arg11[%dma_wait3A_378, %dma_wait3A_379] : memref<10240x64xf32, #tpu.memory_space<vmem_shared>> -> memref<10240x64xf32, #tpu.memory_space<vmem_shared>>
        tpu.wait_indirect_dma semaphore(%run_scoped3A : memref<!tpu.dma_semaphore, #tpu.memory_space<semaphore_mem>>) src(%dma_wait3A_374 : memref<128x64xf32, #tpu.memory_space<vmem>>) dst(%dma_wait3A_380 : memref<10240x64xf32, #tpu.memory_space<vmem_shared>>)
        tpu.yield
      }) : () -> ()
      %add3A_312 = arith.constant 4 : i32
      %add3A_313 = arith.addi %mul3A_231, %add3A_312 : i32
      %add3A_314 = arith.constant 2 : i32
      %add3A_315 = arith.addi %add3A_313, %add3A_314 : i32
      %min3A_316 = arith.constant 79 : i32
      %min3A_317 = arith.minsi %add3A_315, %min3A_316 : i32
      %dma_start3A_318 = arith.constant 2 : i32
      %dma_start3A_319 = arith.constant 256 : i32
      %dma_start3A_320 = arith.constant 0 : i32
      %dma_start3A_321 = tpu.memref_slice %arg10[%dma_start3A_319, %dma_start3A_320] : memref<512x64xf32, #tpu.memory_space<vmem>> -> memref<128x64xf32, #tpu.memory_space<vmem>>
      %dma_start3A_322 = arith.constant 0 : i32
      %dma_start3A_323 = tpu.memref_slice %arg8[%min3A_317, %dma_start3A_322] : memref<80x128xi32, #tpu.memory_space<vmem>> -> memref<1x128xi32, #tpu.memory_space<vmem>>
      %dma_start3A_324 = tpu.memref_squeeze %dma_start3A_323 : memref<1x128xi32, #tpu.memory_space<vmem>> -> memref<128xi32, #tpu.memory_space<vmem>>
      %dma_start3A_325 = arith.constant 0 : i32
      %dma_start3A_326 = arith.constant 0 : i32
      %dma_start3A_327 = tpu.memref_slice %arg2[%dma_start3A_325, %dma_start3A_326] : memref<10240x64xf32, #tpu.memory_space<hbm>> -> memref<10240x64xf32, #tpu.memory_space<hbm>>
      %dma_start3A_328 = tpu.memref_slice %arg12[%dma_start3A_318] : memref<4x!tpu.dma_semaphore, #tpu.memory_space<semaphore_mem>> -> memref<1x!tpu.dma_semaphore, #tpu.memory_space<semaphore_mem>>
      %dma_start3A_329 = tpu.memref_squeeze %dma_start3A_328 : memref<1x!tpu.dma_semaphore, #tpu.memory_space<semaphore_mem>> -> memref<!tpu.dma_semaphore, #tpu.memory_space<semaphore_mem>>
      tpu.enqueue_indirect_dma source(%dma_start3A_327 : memref<10240x64xf32, #tpu.memory_space<hbm>>) target(%dma_start3A_321 : memref<128x64xf32, #tpu.memory_space<vmem>>) offsets(%dma_start3A_324 : memref<128xi32, #tpu.memory_space<vmem>>) semaphore(%dma_start3A_329 : memref<!tpu.dma_semaphore, #tpu.memory_space<semaphore_mem>>)
      %dma_wait3A_330 = arith.constant 0 : i32
      %dma_wait3A_331 = arith.constant 3 : i32
      %dma_wait3A_332 = arith.constant 384 : i32
      %dma_wait3A_333 = arith.constant 0 : i32
      %dma_wait3A_334 = tpu.memref_slice %arg10[%dma_wait3A_332, %dma_wait3A_333] : memref<512x64xf32, #tpu.memory_space<vmem>> -> memref<128x64xf32, #tpu.memory_space<vmem>>
      %dma_wait3A_335 = arith.constant 0 : i32
      %dma_wait3A_336 = tpu.memref_slice %arg8[%dma_wait3A_330, %dma_wait3A_335] : memref<80x128xi32, #tpu.memory_space<vmem>> -> memref<1x128xi32, #tpu.memory_space<vmem>>
      %dma_wait3A_337 = tpu.memref_squeeze %dma_wait3A_336 : memref<1x128xi32, #tpu.memory_space<vmem>> -> memref<128xi32, #tpu.memory_space<vmem>>
      %dma_wait3A_338 = arith.constant 0 : i32
      %dma_wait3A_339 = arith.constant 0 : i32
      %dma_wait3A_340 = tpu.memref_slice %arg2[%dma_wait3A_338, %dma_wait3A_339] : memref<10240x64xf32, #tpu.memory_space<hbm>> -> memref<10240x64xf32, #tpu.memory_space<hbm>>
      %dma_wait3A_341 = tpu.memref_slice %arg12[%dma_wait3A_331] : memref<4x!tpu.dma_semaphore, #tpu.memory_space<semaphore_mem>> -> memref<1x!tpu.dma_semaphore, #tpu.memory_space<semaphore_mem>>
      %dma_wait3A_342 = tpu.memref_squeeze %dma_wait3A_341 : memref<1x!tpu.dma_semaphore, #tpu.memory_space<semaphore_mem>> -> memref<!tpu.dma_semaphore, #tpu.memory_space<semaphore_mem>>
      tpu.wait_indirect_dma semaphore(%dma_wait3A_342 : memref<!tpu.dma_semaphore, #tpu.memory_space<semaphore_mem>>) src(%dma_wait3A_340 : memref<10240x64xf32, #tpu.memory_space<hbm>>) dst(%dma_wait3A_334 : memref<128x64xf32, #tpu.memory_space<vmem>>)
      %add3A_343 = arith.constant 3 : i32
      %add3A_344 = arith.addi %mul3A_231, %add3A_343 : i32
      "tpu.region"() ({
        %run_scoped3A = tpu.sem_alloc : memref<!tpu.dma_semaphore, #tpu.memory_space<semaphore_mem>>
        %dma_start3A_363 = arith.constant 384 : i32
        %dma_start3A_364 = arith.constant 0 : i32
        %dma_start3A_365 = tpu.memref_slice %arg10[%dma_start3A_363, %dma_start3A_364] : memref<512x64xf32, #tpu.memory_space<vmem>> -> memref<128x64xf32, #tpu.memory_space<vmem>>
        %dma_start3A_366 = arith.constant 0 : i32
        %dma_start3A_367 = tpu.memref_slice %arg9[%add3A_344, %dma_start3A_366] : memref<80x128xi32, #tpu.memory_space<vmem>> -> memref<1x128xi32, #tpu.memory_space<vmem>>
        %dma_start3A_368 = tpu.memref_squeeze %dma_start3A_367 : memref<1x128xi32, #tpu.memory_space<vmem>> -> memref<128xi32, #tpu.memory_space<vmem>>
        %dma_start3A_369 = arith.constant 0 : i32
        %dma_start3A_370 = arith.constant 0 : i32
        %dma_start3A_371 = tpu.memref_slice %arg11[%dma_start3A_369, %dma_start3A_370] : memref<10240x64xf32, #tpu.memory_space<vmem_shared>> -> memref<10240x64xf32, #tpu.memory_space<vmem_shared>>
        tpu.enqueue_indirect_dma source(%dma_start3A_365 : memref<128x64xf32, #tpu.memory_space<vmem>>) target(%dma_start3A_371 : memref<10240x64xf32, #tpu.memory_space<vmem_shared>>) offsets(%dma_start3A_368 : memref<128xi32, #tpu.memory_space<vmem>>) semaphore(%run_scoped3A : memref<!tpu.dma_semaphore, #tpu.memory_space<semaphore_mem>>) {add = true}
        %dma_wait3A_372 = arith.constant 384 : i32
        %dma_wait3A_373 = arith.constant 0 : i32
        %dma_wait3A_374 = tpu.memref_slice %arg10[%dma_wait3A_372, %dma_wait3A_373] : memref<512x64xf32, #tpu.memory_space<vmem>> -> memref<128x64xf32, #tpu.memory_space<vmem>>
        %dma_wait3A_375 = arith.constant 0 : i32
        %dma_wait3A_376 = tpu.memref_slice %arg9[%add3A_344, %dma_wait3A_375] : memref<80x128xi32, #tpu.memory_space<vmem>> -> memref<1x128xi32, #tpu.memory_space<vmem>>
        %dma_wait3A_377 = tpu.memref_squeeze %dma_wait3A_376 : memref<1x128xi32, #tpu.memory_space<vmem>> -> memref<128xi32, #tpu.memory_space<vmem>>
        %dma_wait3A_378 = arith.constant 0 : i32
        %dma_wait3A_379 = arith.constant 0 : i32
        %dma_wait3A_380 = tpu.memref_slice %arg11[%dma_wait3A_378, %dma_wait3A_379] : memref<10240x64xf32, #tpu.memory_space<vmem_shared>> -> memref<10240x64xf32, #tpu.memory_space<vmem_shared>>
        tpu.wait_indirect_dma semaphore(%run_scoped3A : memref<!tpu.dma_semaphore, #tpu.memory_space<semaphore_mem>>) src(%dma_wait3A_374 : memref<128x64xf32, #tpu.memory_space<vmem>>) dst(%dma_wait3A_380 : memref<10240x64xf32, #tpu.memory_space<vmem_shared>>)
        tpu.yield
      }) : () -> ()
      %add3A_345 = arith.constant 4 : i32
      %add3A_346 = arith.addi %mul3A_231, %add3A_345 : i32
      %add3A_347 = arith.constant 3 : i32
      %add3A_348 = arith.addi %add3A_346, %add3A_347 : i32
      %min3A_349 = arith.constant 79 : i32
      %min3A_350 = arith.minsi %add3A_348, %min3A_349 : i32
      %dma_start3A_351 = arith.constant 3 : i32
      %dma_start3A_352 = arith.constant 384 : i32
      %dma_start3A_353 = arith.constant 0 : i32
      %dma_start3A_354 = tpu.memref_slice %arg10[%dma_start3A_352, %dma_start3A_353] : memref<512x64xf32, #tpu.memory_space<vmem>> -> memref<128x64xf32, #tpu.memory_space<vmem>>
      %dma_start3A_355 = arith.constant 0 : i32
      %dma_start3A_356 = tpu.memref_slice %arg8[%min3A_350, %dma_start3A_355] : memref<80x128xi32, #tpu.memory_space<vmem>> -> memref<1x128xi32, #tpu.memory_space<vmem>>
      %dma_start3A_357 = tpu.memref_squeeze %dma_start3A_356 : memref<1x128xi32, #tpu.memory_space<vmem>> -> memref<128xi32, #tpu.memory_space<vmem>>
      %dma_start3A_358 = arith.constant 0 : i32
      %dma_start3A_359 = arith.constant 0 : i32
      %dma_start3A_360 = tpu.memref_slice %arg2[%dma_start3A_358, %dma_start3A_359] : memref<10240x64xf32, #tpu.memory_space<hbm>> -> memref<10240x64xf32, #tpu.memory_space<hbm>>
      %dma_start3A_361 = tpu.memref_slice %arg12[%dma_start3A_351] : memref<4x!tpu.dma_semaphore, #tpu.memory_space<semaphore_mem>> -> memref<1x!tpu.dma_semaphore, #tpu.memory_space<semaphore_mem>>
      %dma_start3A_362 = tpu.memref_squeeze %dma_start3A_361 : memref<1x!tpu.dma_semaphore, #tpu.memory_space<semaphore_mem>> -> memref<!tpu.dma_semaphore, #tpu.memory_space<semaphore_mem>>
      tpu.enqueue_indirect_dma source(%dma_start3A_360 : memref<10240x64xf32, #tpu.memory_space<hbm>>) target(%dma_start3A_354 : memref<128x64xf32, #tpu.memory_space<vmem>>) offsets(%dma_start3A_357 : memref<128xi32, #tpu.memory_space<vmem>>) semaphore(%dma_start3A_362 : memref<!tpu.dma_semaphore, #tpu.memory_space<semaphore_mem>>)
    }
    %scan3A_58 = arith.constant 20 : i32
    %dma_wait3A = arith.constant 0 : i32
    %dma_wait3A_59 = arith.constant 0 : i32
    %dma_wait3A_60 = arith.constant 0 : i32
    %dma_wait3A_61 = arith.constant 0 : i32
    %dma_wait3A_62 = tpu.memref_slice %arg10[%dma_wait3A_60, %dma_wait3A_61] : memref<512x64xf32, #tpu.memory_space<vmem>> -> memref<128x64xf32, #tpu.memory_space<vmem>>
    %dma_wait3A_63 = arith.constant 0 : i32
    %dma_wait3A_64 = tpu.memref_slice %arg8[%dma_wait3A, %dma_wait3A_63] : memref<80x128xi32, #tpu.memory_space<vmem>> -> memref<1x128xi32, #tpu.memory_space<vmem>>
    %dma_wait3A_65 = tpu.memref_squeeze %dma_wait3A_64 : memref<1x128xi32, #tpu.memory_space<vmem>> -> memref<128xi32, #tpu.memory_space<vmem>>
    %dma_wait3A_66 = arith.constant 0 : i32
    %dma_wait3A_67 = arith.constant 0 : i32
    %dma_wait3A_68 = tpu.memref_slice %arg2[%dma_wait3A_66, %dma_wait3A_67] : memref<10240x64xf32, #tpu.memory_space<hbm>> -> memref<10240x64xf32, #tpu.memory_space<hbm>>
    %dma_wait3A_69 = tpu.memref_slice %arg12[%dma_wait3A_59] : memref<4x!tpu.dma_semaphore, #tpu.memory_space<semaphore_mem>> -> memref<1x!tpu.dma_semaphore, #tpu.memory_space<semaphore_mem>>
    %dma_wait3A_70 = tpu.memref_squeeze %dma_wait3A_69 : memref<1x!tpu.dma_semaphore, #tpu.memory_space<semaphore_mem>> -> memref<!tpu.dma_semaphore, #tpu.memory_space<semaphore_mem>>
    tpu.wait_indirect_dma semaphore(%dma_wait3A_70 : memref<!tpu.dma_semaphore, #tpu.memory_space<semaphore_mem>>) src(%dma_wait3A_68 : memref<10240x64xf32, #tpu.memory_space<hbm>>) dst(%dma_wait3A_62 : memref<128x64xf32, #tpu.memory_space<vmem>>)
    %dma_wait3A_71 = arith.constant 0 : i32
    %dma_wait3A_72 = arith.constant 1 : i32
    %dma_wait3A_73 = arith.constant 128 : i32
    %dma_wait3A_74 = arith.constant 0 : i32
    %dma_wait3A_75 = tpu.memref_slice %arg10[%dma_wait3A_73, %dma_wait3A_74] : memref<512x64xf32, #tpu.memory_space<vmem>> -> memref<128x64xf32, #tpu.memory_space<vmem>>
    %dma_wait3A_76 = arith.constant 0 : i32
    %dma_wait3A_77 = tpu.memref_slice %arg8[%dma_wait3A_71, %dma_wait3A_76] : memref<80x128xi32, #tpu.memory_space<vmem>> -> memref<1x128xi32, #tpu.memory_space<vmem>>
    %dma_wait3A_78 = tpu.memref_squeeze %dma_wait3A_77 : memref<1x128xi32, #tpu.memory_space<vmem>> -> memref<128xi32, #tpu.memory_space<vmem>>
    %dma_wait3A_79 = arith.constant 0 : i32
    %dma_wait3A_80 = arith.constant 0 : i32
    %dma_wait3A_81 = tpu.memref_slice %arg2[%dma_wait3A_79, %dma_wait3A_80] : memref<10240x64xf32, #tpu.memory_space<hbm>> -> memref<10240x64xf32, #tpu.memory_space<hbm>>
    %dma_wait3A_82 = tpu.memref_slice %arg12[%dma_wait3A_72] : memref<4x!tpu.dma_semaphore, #tpu.memory_space<semaphore_mem>> -> memref<1x!tpu.dma_semaphore, #tpu.memory_space<semaphore_mem>>
    %dma_wait3A_83 = tpu.memref_squeeze %dma_wait3A_82 : memref<1x!tpu.dma_semaphore, #tpu.memory_space<semaphore_mem>> -> memref<!tpu.dma_semaphore, #tpu.memory_space<semaphore_mem>>
    tpu.wait_indirect_dma semaphore(%dma_wait3A_83 : memref<!tpu.dma_semaphore, #tpu.memory_space<semaphore_mem>>) src(%dma_wait3A_81 : memref<10240x64xf32, #tpu.memory_space<hbm>>) dst(%dma_wait3A_75 : memref<128x64xf32, #tpu.memory_space<vmem>>)
    %dma_wait3A_84 = arith.constant 0 : i32
    %dma_wait3A_85 = arith.constant 2 : i32
    %dma_wait3A_86 = arith.constant 256 : i32
    %dma_wait3A_87 = arith.constant 0 : i32
    %dma_wait3A_88 = tpu.memref_slice %arg10[%dma_wait3A_86, %dma_wait3A_87] : memref<512x64xf32, #tpu.memory_space<vmem>> -> memref<128x64xf32, #tpu.memory_space<vmem>>
    %dma_wait3A_89 = arith.constant 0 : i32
    %dma_wait3A_90 = tpu.memref_slice %arg8[%dma_wait3A_84, %dma_wait3A_89] : memref<80x128xi32, #tpu.memory_space<vmem>> -> memref<1x128xi32, #tpu.memory_space<vmem>>
    %dma_wait3A_91 = tpu.memref_squeeze %dma_wait3A_90 : memref<1x128xi32, #tpu.memory_space<vmem>> -> memref<128xi32, #tpu.memory_space<vmem>>
    %dma_wait3A_92 = arith.constant 0 : i32
    %dma_wait3A_93 = arith.constant 0 : i32
    %dma_wait3A_94 = tpu.memref_slice %arg2[%dma_wait3A_92, %dma_wait3A_93] : memref<10240x64xf32, #tpu.memory_space<hbm>> -> memref<10240x64xf32, #tpu.memory_space<hbm>>
    %dma_wait3A_95 = tpu.memref_slice %arg12[%dma_wait3A_85] : memref<4x!tpu.dma_semaphore, #tpu.memory_space<semaphore_mem>> -> memref<1x!tpu.dma_semaphore, #tpu.memory_space<semaphore_mem>>
    %dma_wait3A_96 = tpu.memref_squeeze %dma_wait3A_95 : memref<1x!tpu.dma_semaphore, #tpu.memory_space<semaphore_mem>> -> memref<!tpu.dma_semaphore, #tpu.memory_space<semaphore_mem>>
    tpu.wait_indirect_dma semaphore(%dma_wait3A_96 : memref<!tpu.dma_semaphore, #tpu.memory_space<semaphore_mem>>) src(%dma_wait3A_94 : memref<10240x64xf32, #tpu.memory_space<hbm>>) dst(%dma_wait3A_88 : memref<128x64xf32, #tpu.memory_space<vmem>>)
    %dma_wait3A_97 = arith.constant 0 : i32
    %dma_wait3A_98 = arith.constant 3 : i32
    %dma_wait3A_99 = arith.constant 384 : i32
    %dma_wait3A_100 = arith.constant 0 : i32
    %dma_wait3A_101 = tpu.memref_slice %arg10[%dma_wait3A_99, %dma_wait3A_100] : memref<512x64xf32, #tpu.memory_space<vmem>> -> memref<128x64xf32, #tpu.memory_space<vmem>>
    %dma_wait3A_102 = arith.constant 0 : i32
    %dma_wait3A_103 = tpu.memref_slice %arg8[%dma_wait3A_97, %dma_wait3A_102] : memref<80x128xi32, #tpu.memory_space<vmem>> -> memref<1x128xi32, #tpu.memory_space<vmem>>
    %dma_wait3A_104 = tpu.memref_squeeze %dma_wait3A_103 : memref<1x128xi32, #tpu.memory_space<vmem>> -> memref<128xi32, #tpu.memory_space<vmem>>
    %dma_wait3A_105 = arith.constant 0 : i32
    %dma_wait3A_106 = arith.constant 0 : i32
    %dma_wait3A_107 = tpu.memref_slice %arg2[%dma_wait3A_105, %dma_wait3A_106] : memref<10240x64xf32, #tpu.memory_space<hbm>> -> memref<10240x64xf32, #tpu.memory_space<hbm>>
    %dma_wait3A_108 = tpu.memref_slice %arg12[%dma_wait3A_98] : memref<4x!tpu.dma_semaphore, #tpu.memory_space<semaphore_mem>> -> memref<1x!tpu.dma_semaphore, #tpu.memory_space<semaphore_mem>>
    %dma_wait3A_109 = tpu.memref_squeeze %dma_wait3A_108 : memref<1x!tpu.dma_semaphore, #tpu.memory_space<semaphore_mem>> -> memref<!tpu.dma_semaphore, #tpu.memory_space<semaphore_mem>>
    tpu.wait_indirect_dma semaphore(%dma_wait3A_109 : memref<!tpu.dma_semaphore, #tpu.memory_space<semaphore_mem>>) src(%dma_wait3A_107 : memref<10240x64xf32, #tpu.memory_space<hbm>>) dst(%dma_wait3A_101 : memref<128x64xf32, #tpu.memory_space<vmem>>)
    %barrier3A_110 = arith.constant 0 : index
    tpu.barrier barrier_id(%barrier3A_110)
    %mul3A_111 = arith.constant 640 : i32
    %mul3A_112 = arith.muli %arg1, %mul3A_111 : i32
    "tpu.region"() ({
      %run_scoped3A = tpu.sem_alloc : memref<!tpu.dma_semaphore, #tpu.memory_space<semaphore_mem>>
      %dma_start3A_229 = arith.constant 0 : i32
      %dma_start3A_230 = tpu.memref_slice %arg6[%arg0, %mul3A_112, %dma_start3A_229] : memref<2x10240x64xf32, #tpu.memory_space<hbm>> -> memref<1x640x64xf32, #tpu.memory_space<hbm>>
      %dma_start3A_231 = tpu.memref_squeeze %dma_start3A_230 : memref<1x640x64xf32, #tpu.memory_space<hbm>> -> memref<640x64xf32, #tpu.memory_space<hbm>>
      %dma_start3A_232 = arith.constant 0 : i32
      %dma_start3A_233 = tpu.memref_slice %arg11[%mul3A_112, %dma_start3A_232] : memref<10240x64xf32, #tpu.memory_space<vmem_shared>> -> memref<640x64xf32, #tpu.memory_space<vmem_shared>>
      tpu.enqueue_dma source(%dma_start3A_233 : memref<640x64xf32, #tpu.memory_space<vmem_shared>>) target(%dma_start3A_231 : memref<640x64xf32, #tpu.memory_space<hbm>>) target_semaphore(%run_scoped3A : memref<!tpu.dma_semaphore, #tpu.memory_space<semaphore_mem>>)
      %dma_wait3A_234 = arith.constant 0 : i32
      %dma_wait3A_235 = tpu.memref_slice %arg6[%arg0, %mul3A_112, %dma_wait3A_234] : memref<2x10240x64xf32, #tpu.memory_space<hbm>> -> memref<1x640x64xf32, #tpu.memory_space<hbm>>
      %dma_wait3A_236 = tpu.memref_squeeze %dma_wait3A_235 : memref<1x640x64xf32, #tpu.memory_space<hbm>> -> memref<640x64xf32, #tpu.memory_space<hbm>>
      %dma_wait3A_237 = arith.constant 0 : i32
      %dma_wait3A_238 = tpu.memref_slice %arg11[%mul3A_112, %dma_wait3A_237] : memref<10240x64xf32, #tpu.memory_space<vmem_shared>> -> memref<640x64xf32, #tpu.memory_space<vmem_shared>>
      tpu.wait_dma2 semaphore(%run_scoped3A : memref<!tpu.dma_semaphore, #tpu.memory_space<semaphore_mem>>) src(%dma_wait3A_238 : memref<640x64xf32, #tpu.memory_space<vmem_shared>>) dst(%dma_wait3A_236 : memref<640x64xf32, #tpu.memory_space<hbm>>)
      tpu.yield
    }) : () -> ()
    %mul3A_113 = arith.constant 640 : i32
    %mul3A_114 = arith.muli %arg1, %mul3A_113 : i32
    "tpu.region"() ({
      %run_scoped3A = tpu.sem_alloc : memref<!tpu.dma_semaphore, #tpu.memory_space<semaphore_mem>>
      %dma_start3A_229 = arith.constant 0 : i32
      %dma_start3A_230 = tpu.memref_slice %arg11[%mul3A_114, %dma_start3A_229] : memref<10240x64xf32, #tpu.memory_space<vmem_shared>> -> memref<640x64xf32, #tpu.memory_space<vmem_shared>>
      %dma_start3A_231 = arith.constant 0 : i32
      %dma_start3A_232 = tpu.memref_slice %arg3[%mul3A_114, %dma_start3A_231] : memref<10240x64xf32, #tpu.memory_space<hbm>> -> memref<640x64xf32, #tpu.memory_space<hbm>>
      tpu.enqueue_dma source(%dma_start3A_232 : memref<640x64xf32, #tpu.memory_space<hbm>>) target(%dma_start3A_230 : memref<640x64xf32, #tpu.memory_space<vmem_shared>>) target_semaphore(%run_scoped3A : memref<!tpu.dma_semaphore, #tpu.memory_space<semaphore_mem>>)
      %dma_wait3A_233 = arith.constant 0 : i32
      %dma_wait3A_234 = tpu.memref_slice %arg11[%mul3A_114, %dma_wait3A_233] : memref<10240x64xf32, #tpu.memory_space<vmem_shared>> -> memref<640x64xf32, #tpu.memory_space<vmem_shared>>
      %dma_wait3A_235 = arith.constant 0 : i32
      %dma_wait3A_236 = tpu.memref_slice %arg3[%mul3A_114, %dma_wait3A_235] : memref<10240x64xf32, #tpu.memory_space<hbm>> -> memref<640x64xf32, #tpu.memory_space<hbm>>
      tpu.wait_dma2 semaphore(%run_scoped3A : memref<!tpu.dma_semaphore, #tpu.memory_space<semaphore_mem>>) src(%dma_wait3A_236 : memref<640x64xf32, #tpu.memory_space<hbm>>) dst(%dma_wait3A_234 : memref<640x64xf32, #tpu.memory_space<vmem_shared>>)
      tpu.yield
    }) : () -> ()
    %barrier3A_115 = arith.constant 0 : index
    tpu.barrier barrier_id(%barrier3A_115)
    %dma_start3A_116 = arith.constant 0 : i32
    %dma_start3A_117 = arith.constant 0 : i32
    %dma_start3A_118 = arith.constant 0 : i32
    %dma_start3A_119 = arith.constant 0 : i32
    %dma_start3A_120 = tpu.memref_slice %arg10[%dma_start3A_118, %dma_start3A_119] : memref<512x64xf32, #tpu.memory_space<vmem>> -> memref<128x64xf32, #tpu.memory_space<vmem>>
    %dma_start3A_121 = arith.constant 0 : i32
    %dma_start3A_122 = tpu.memref_slice %arg8[%dma_start3A_116, %dma_start3A_121] : memref<80x128xi32, #tpu.memory_space<vmem>> -> memref<1x128xi32, #tpu.memory_space<vmem>>
    %dma_start3A_123 = tpu.memref_squeeze %dma_start3A_122 : memref<1x128xi32, #tpu.memory_space<vmem>> -> memref<128xi32, #tpu.memory_space<vmem>>
    %dma_start3A_124 = arith.constant 0 : i32
    %dma_start3A_125 = arith.constant 0 : i32
    %dma_start3A_126 = tpu.memref_slice %arg3[%dma_start3A_124, %dma_start3A_125] : memref<10240x64xf32, #tpu.memory_space<hbm>> -> memref<10240x64xf32, #tpu.memory_space<hbm>>
    %dma_start3A_127 = tpu.memref_slice %arg12[%dma_start3A_117] : memref<4x!tpu.dma_semaphore, #tpu.memory_space<semaphore_mem>> -> memref<1x!tpu.dma_semaphore, #tpu.memory_space<semaphore_mem>>
    %dma_start3A_128 = tpu.memref_squeeze %dma_start3A_127 : memref<1x!tpu.dma_semaphore, #tpu.memory_space<semaphore_mem>> -> memref<!tpu.dma_semaphore, #tpu.memory_space<semaphore_mem>>
    tpu.enqueue_indirect_dma source(%dma_start3A_126 : memref<10240x64xf32, #tpu.memory_space<hbm>>) target(%dma_start3A_120 : memref<128x64xf32, #tpu.memory_space<vmem>>) offsets(%dma_start3A_123 : memref<128xi32, #tpu.memory_space<vmem>>) semaphore(%dma_start3A_128 : memref<!tpu.dma_semaphore, #tpu.memory_space<semaphore_mem>>)
    %dma_start3A_129 = arith.constant 1 : i32
    %dma_start3A_130 = arith.constant 1 : i32
    %dma_start3A_131 = arith.constant 128 : i32
    %dma_start3A_132 = arith.constant 0 : i32
    %dma_start3A_133 = tpu.memref_slice %arg10[%dma_start3A_131, %dma_start3A_132] : memref<512x64xf32, #tpu.memory_space<vmem>> -> memref<128x64xf32, #tpu.memory_space<vmem>>
    %dma_start3A_134 = arith.constant 0 : i32
    %dma_start3A_135 = tpu.memref_slice %arg8[%dma_start3A_129, %dma_start3A_134] : memref<80x128xi32, #tpu.memory_space<vmem>> -> memref<1x128xi32, #tpu.memory_space<vmem>>
    %dma_start3A_136 = tpu.memref_squeeze %dma_start3A_135 : memref<1x128xi32, #tpu.memory_space<vmem>> -> memref<128xi32, #tpu.memory_space<vmem>>
    %dma_start3A_137 = arith.constant 0 : i32
    %dma_start3A_138 = arith.constant 0 : i32
    %dma_start3A_139 = tpu.memref_slice %arg3[%dma_start3A_137, %dma_start3A_138] : memref<10240x64xf32, #tpu.memory_space<hbm>> -> memref<10240x64xf32, #tpu.memory_space<hbm>>
    %dma_start3A_140 = tpu.memref_slice %arg12[%dma_start3A_130] : memref<4x!tpu.dma_semaphore, #tpu.memory_space<semaphore_mem>> -> memref<1x!tpu.dma_semaphore, #tpu.memory_space<semaphore_mem>>
    %dma_start3A_141 = tpu.memref_squeeze %dma_start3A_140 : memref<1x!tpu.dma_semaphore, #tpu.memory_space<semaphore_mem>> -> memref<!tpu.dma_semaphore, #tpu.memory_space<semaphore_mem>>
    tpu.enqueue_indirect_dma source(%dma_start3A_139 : memref<10240x64xf32, #tpu.memory_space<hbm>>) target(%dma_start3A_133 : memref<128x64xf32, #tpu.memory_space<vmem>>) offsets(%dma_start3A_136 : memref<128xi32, #tpu.memory_space<vmem>>) semaphore(%dma_start3A_141 : memref<!tpu.dma_semaphore, #tpu.memory_space<semaphore_mem>>)
    %dma_start3A_142 = arith.constant 2 : i32
    %dma_start3A_143 = arith.constant 2 : i32
    %dma_start3A_144 = arith.constant 256 : i32
    %dma_start3A_145 = arith.constant 0 : i32
    %dma_start3A_146 = tpu.memref_slice %arg10[%dma_start3A_144, %dma_start3A_145] : memref<512x64xf32, #tpu.memory_space<vmem>> -> memref<128x64xf32, #tpu.memory_space<vmem>>
    %dma_start3A_147 = arith.constant 0 : i32
    %dma_start3A_148 = tpu.memref_slice %arg8[%dma_start3A_142, %dma_start3A_147] : memref<80x128xi32, #tpu.memory_space<vmem>> -> memref<1x128xi32, #tpu.memory_space<vmem>>
    %dma_start3A_149 = tpu.memref_squeeze %dma_start3A_148 : memref<1x128xi32, #tpu.memory_space<vmem>> -> memref<128xi32, #tpu.memory_space<vmem>>
    %dma_start3A_150 = arith.constant 0 : i32
    %dma_start3A_151 = arith.constant 0 : i32
    %dma_start3A_152 = tpu.memref_slice %arg3[%dma_start3A_150, %dma_start3A_151] : memref<10240x64xf32, #tpu.memory_space<hbm>> -> memref<10240x64xf32, #tpu.memory_space<hbm>>
    %dma_start3A_153 = tpu.memref_slice %arg12[%dma_start3A_143] : memref<4x!tpu.dma_semaphore, #tpu.memory_space<semaphore_mem>> -> memref<1x!tpu.dma_semaphore, #tpu.memory_space<semaphore_mem>>
    %dma_start3A_154 = tpu.memref_squeeze %dma_start3A_153 : memref<1x!tpu.dma_semaphore, #tpu.memory_space<semaphore_mem>> -> memref<!tpu.dma_semaphore, #tpu.memory_space<semaphore_mem>>
    tpu.enqueue_indirect_dma source(%dma_start3A_152 : memref<10240x64xf32, #tpu.memory_space<hbm>>) target(%dma_start3A_146 : memref<128x64xf32, #tpu.memory_space<vmem>>) offsets(%dma_start3A_149 : memref<128xi32, #tpu.memory_space<vmem>>) semaphore(%dma_start3A_154 : memref<!tpu.dma_semaphore, #tpu.memory_space<semaphore_mem>>)
    %dma_start3A_155 = arith.constant 3 : i32
    %dma_start3A_156 = arith.constant 3 : i32
    %dma_start3A_157 = arith.constant 384 : i32
    %dma_start3A_158 = arith.constant 0 : i32
    %dma_start3A_159 = tpu.memref_slice %arg10[%dma_start3A_157, %dma_start3A_158] : memref<512x64xf32, #tpu.memory_space<vmem>> -> memref<128x64xf32, #tpu.memory_space<vmem>>
    %dma_start3A_160 = arith.constant 0 : i32
    %dma_start3A_161 = tpu.memref_slice %arg8[%dma_start3A_155, %dma_start3A_160] : memref<80x128xi32, #tpu.memory_space<vmem>> -> memref<1x128xi32, #tpu.memory_space<vmem>>
    %dma_start3A_162 = tpu.memref_squeeze %dma_start3A_161 : memref<1x128xi32, #tpu.memory_space<vmem>> -> memref<128xi32, #tpu.memory_space<vmem>>
    %dma_start3A_163 = arith.constant 0 : i32
    %dma_start3A_164 = arith.constant 0 : i32
    %dma_start3A_165 = tpu.memref_slice %arg3[%dma_start3A_163, %dma_start3A_164] : memref<10240x64xf32, #tpu.memory_space<hbm>> -> memref<10240x64xf32, #tpu.memory_space<hbm>>
    %dma_start3A_166 = tpu.memref_slice %arg12[%dma_start3A_156] : memref<4x!tpu.dma_semaphore, #tpu.memory_space<semaphore_mem>> -> memref<1x!tpu.dma_semaphore, #tpu.memory_space<semaphore_mem>>
    %dma_start3A_167 = tpu.memref_squeeze %dma_start3A_166 : memref<1x!tpu.dma_semaphore, #tpu.memory_space<semaphore_mem>> -> memref<!tpu.dma_semaphore, #tpu.memory_space<semaphore_mem>>
    tpu.enqueue_indirect_dma source(%dma_start3A_165 : memref<10240x64xf32, #tpu.memory_space<hbm>>) target(%dma_start3A_159 : memref<128x64xf32, #tpu.memory_space<vmem>>) offsets(%dma_start3A_162 : memref<128xi32, #tpu.memory_space<vmem>>) semaphore(%dma_start3A_167 : memref<!tpu.dma_semaphore, #tpu.memory_space<semaphore_mem>>)
    %scan3A_168 = arith.constant 0 : i32
    %scan3A_169 = arith.constant 0 : i32
    %scan3A_170 = arith.constant 20 : i32
    %scan3A_171 = arith.addi %scan3A_169, %scan3A_170 : i32
    %scan3A_172 = arith.constant 1 : i32
    scf.for %scan3A_229 = %scan3A_169 to %scan3A_171 step %scan3A_172  : i32 {
      %mul3A_230 = arith.constant 4 : i32
      %mul3A_231 = arith.muli %scan3A_229, %mul3A_230 : i32
      %dma_wait3A_232 = arith.constant 0 : i32
      %dma_wait3A_233 = arith.constant 0 : i32
      %dma_wait3A_234 = arith.constant 0 : i32
      %dma_wait3A_235 = arith.constant 0 : i32
      %dma_wait3A_236 = tpu.memref_slice %arg10[%dma_wait3A_234, %dma_wait3A_235] : memref<512x64xf32, #tpu.memory_space<vmem>> -> memref<128x64xf32, #tpu.memory_space<vmem>>
      %dma_wait3A_237 = arith.constant 0 : i32
      %dma_wait3A_238 = tpu.memref_slice %arg8[%dma_wait3A_232, %dma_wait3A_237] : memref<80x128xi32, #tpu.memory_space<vmem>> -> memref<1x128xi32, #tpu.memory_space<vmem>>
      %dma_wait3A_239 = tpu.memref_squeeze %dma_wait3A_238 : memref<1x128xi32, #tpu.memory_space<vmem>> -> memref<128xi32, #tpu.memory_space<vmem>>
      %dma_wait3A_240 = arith.constant 0 : i32
      %dma_wait3A_241 = arith.constant 0 : i32
      %dma_wait3A_242 = tpu.memref_slice %arg3[%dma_wait3A_240, %dma_wait3A_241] : memref<10240x64xf32, #tpu.memory_space<hbm>> -> memref<10240x64xf32, #tpu.memory_space<hbm>>
      %dma_wait3A_243 = tpu.memref_slice %arg12[%dma_wait3A_233] : memref<4x!tpu.dma_semaphore, #tpu.memory_space<semaphore_mem>> -> memref<1x!tpu.dma_semaphore, #tpu.memory_space<semaphore_mem>>
      %dma_wait3A_244 = tpu.memref_squeeze %dma_wait3A_243 : memref<1x!tpu.dma_semaphore, #tpu.memory_space<semaphore_mem>> -> memref<!tpu.dma_semaphore, #tpu.memory_space<semaphore_mem>>
      tpu.wait_indirect_dma semaphore(%dma_wait3A_244 : memref<!tpu.dma_semaphore, #tpu.memory_space<semaphore_mem>>) src(%dma_wait3A_242 : memref<10240x64xf32, #tpu.memory_space<hbm>>) dst(%dma_wait3A_236 : memref<128x64xf32, #tpu.memory_space<vmem>>)
      %add3A_245 = arith.constant 0 : i32
      %add3A_246 = arith.addi %mul3A_231, %add3A_245 : i32
      "tpu.region"() ({
        %run_scoped3A = tpu.sem_alloc : memref<!tpu.dma_semaphore, #tpu.memory_space<semaphore_mem>>
        %dma_start3A_363 = arith.constant 0 : i32
        %dma_start3A_364 = arith.constant 0 : i32
        %dma_start3A_365 = tpu.memref_slice %arg10[%dma_start3A_363, %dma_start3A_364] : memref<512x64xf32, #tpu.memory_space<vmem>> -> memref<128x64xf32, #tpu.memory_space<vmem>>
        %dma_start3A_366 = arith.constant 0 : i32
        %dma_start3A_367 = tpu.memref_slice %arg9[%add3A_246, %dma_start3A_366] : memref<80x128xi32, #tpu.memory_space<vmem>> -> memref<1x128xi32, #tpu.memory_space<vmem>>
        %dma_start3A_368 = tpu.memref_squeeze %dma_start3A_367 : memref<1x128xi32, #tpu.memory_space<vmem>> -> memref<128xi32, #tpu.memory_space<vmem>>
        %dma_start3A_369 = arith.constant 0 : i32
        %dma_start3A_370 = arith.constant 0 : i32
        %dma_start3A_371 = tpu.memref_slice %arg11[%dma_start3A_369, %dma_start3A_370] : memref<10240x64xf32, #tpu.memory_space<vmem_shared>> -> memref<10240x64xf32, #tpu.memory_space<vmem_shared>>
        tpu.enqueue_indirect_dma source(%dma_start3A_365 : memref<128x64xf32, #tpu.memory_space<vmem>>) target(%dma_start3A_371 : memref<10240x64xf32, #tpu.memory_space<vmem_shared>>) offsets(%dma_start3A_368 : memref<128xi32, #tpu.memory_space<vmem>>) semaphore(%run_scoped3A : memref<!tpu.dma_semaphore, #tpu.memory_space<semaphore_mem>>) {add = true}
        %dma_wait3A_372 = arith.constant 0 : i32
        %dma_wait3A_373 = arith.constant 0 : i32
        %dma_wait3A_374 = tpu.memref_slice %arg10[%dma_wait3A_372, %dma_wait3A_373] : memref<512x64xf32, #tpu.memory_space<vmem>> -> memref<128x64xf32, #tpu.memory_space<vmem>>
        %dma_wait3A_375 = arith.constant 0 : i32
        %dma_wait3A_376 = tpu.memref_slice %arg9[%add3A_246, %dma_wait3A_375] : memref<80x128xi32, #tpu.memory_space<vmem>> -> memref<1x128xi32, #tpu.memory_space<vmem>>
        %dma_wait3A_377 = tpu.memref_squeeze %dma_wait3A_376 : memref<1x128xi32, #tpu.memory_space<vmem>> -> memref<128xi32, #tpu.memory_space<vmem>>
        %dma_wait3A_378 = arith.constant 0 : i32
        %dma_wait3A_379 = arith.constant 0 : i32
        %dma_wait3A_380 = tpu.memref_slice %arg11[%dma_wait3A_378, %dma_wait3A_379] : memref<10240x64xf32, #tpu.memory_space<vmem_shared>> -> memref<10240x64xf32, #tpu.memory_space<vmem_shared>>
        tpu.wait_indirect_dma semaphore(%run_scoped3A : memref<!tpu.dma_semaphore, #tpu.memory_space<semaphore_mem>>) src(%dma_wait3A_374 : memref<128x64xf32, #tpu.memory_space<vmem>>) dst(%dma_wait3A_380 : memref<10240x64xf32, #tpu.memory_space<vmem_shared>>)
        tpu.yield
      }) : () -> ()
      %add3A_247 = arith.constant 4 : i32
      %add3A_248 = arith.addi %mul3A_231, %add3A_247 : i32
      %add3A_249 = arith.constant 0 : i32
      %add3A_250 = arith.addi %add3A_248, %add3A_249 : i32
      %min3A = arith.constant 79 : i32
      %min3A_251 = arith.minsi %add3A_250, %min3A : i32
      %dma_start3A_252 = arith.constant 0 : i32
      %dma_start3A_253 = arith.constant 0 : i32
      %dma_start3A_254 = arith.constant 0 : i32
      %dma_start3A_255 = tpu.memref_slice %arg10[%dma_start3A_253, %dma_start3A_254] : memref<512x64xf32, #tpu.memory_space<vmem>> -> memref<128x64xf32, #tpu.memory_space<vmem>>
      %dma_start3A_256 = arith.constant 0 : i32
      %dma_start3A_257 = tpu.memref_slice %arg8[%min3A_251, %dma_start3A_256] : memref<80x128xi32, #tpu.memory_space<vmem>> -> memref<1x128xi32, #tpu.memory_space<vmem>>
      %dma_start3A_258 = tpu.memref_squeeze %dma_start3A_257 : memref<1x128xi32, #tpu.memory_space<vmem>> -> memref<128xi32, #tpu.memory_space<vmem>>
      %dma_start3A_259 = arith.constant 0 : i32
      %dma_start3A_260 = arith.constant 0 : i32
      %dma_start3A_261 = tpu.memref_slice %arg3[%dma_start3A_259, %dma_start3A_260] : memref<10240x64xf32, #tpu.memory_space<hbm>> -> memref<10240x64xf32, #tpu.memory_space<hbm>>
      %dma_start3A_262 = tpu.memref_slice %arg12[%dma_start3A_252] : memref<4x!tpu.dma_semaphore, #tpu.memory_space<semaphore_mem>> -> memref<1x!tpu.dma_semaphore, #tpu.memory_space<semaphore_mem>>
      %dma_start3A_263 = tpu.memref_squeeze %dma_start3A_262 : memref<1x!tpu.dma_semaphore, #tpu.memory_space<semaphore_mem>> -> memref<!tpu.dma_semaphore, #tpu.memory_space<semaphore_mem>>
      tpu.enqueue_indirect_dma source(%dma_start3A_261 : memref<10240x64xf32, #tpu.memory_space<hbm>>) target(%dma_start3A_255 : memref<128x64xf32, #tpu.memory_space<vmem>>) offsets(%dma_start3A_258 : memref<128xi32, #tpu.memory_space<vmem>>) semaphore(%dma_start3A_263 : memref<!tpu.dma_semaphore, #tpu.memory_space<semaphore_mem>>)
      %dma_wait3A_264 = arith.constant 0 : i32
      %dma_wait3A_265 = arith.constant 1 : i32
      %dma_wait3A_266 = arith.constant 128 : i32
      %dma_wait3A_267 = arith.constant 0 : i32
      %dma_wait3A_268 = tpu.memref_slice %arg10[%dma_wait3A_266, %dma_wait3A_267] : memref<512x64xf32, #tpu.memory_space<vmem>> -> memref<128x64xf32, #tpu.memory_space<vmem>>
      %dma_wait3A_269 = arith.constant 0 : i32
      %dma_wait3A_270 = tpu.memref_slice %arg8[%dma_wait3A_264, %dma_wait3A_269] : memref<80x128xi32, #tpu.memory_space<vmem>> -> memref<1x128xi32, #tpu.memory_space<vmem>>
      %dma_wait3A_271 = tpu.memref_squeeze %dma_wait3A_270 : memref<1x128xi32, #tpu.memory_space<vmem>> -> memref<128xi32, #tpu.memory_space<vmem>>
      %dma_wait3A_272 = arith.constant 0 : i32
      %dma_wait3A_273 = arith.constant 0 : i32
      %dma_wait3A_274 = tpu.memref_slice %arg3[%dma_wait3A_272, %dma_wait3A_273] : memref<10240x64xf32, #tpu.memory_space<hbm>> -> memref<10240x64xf32, #tpu.memory_space<hbm>>
      %dma_wait3A_275 = tpu.memref_slice %arg12[%dma_wait3A_265] : memref<4x!tpu.dma_semaphore, #tpu.memory_space<semaphore_mem>> -> memref<1x!tpu.dma_semaphore, #tpu.memory_space<semaphore_mem>>
      %dma_wait3A_276 = tpu.memref_squeeze %dma_wait3A_275 : memref<1x!tpu.dma_semaphore, #tpu.memory_space<semaphore_mem>> -> memref<!tpu.dma_semaphore, #tpu.memory_space<semaphore_mem>>
      tpu.wait_indirect_dma semaphore(%dma_wait3A_276 : memref<!tpu.dma_semaphore, #tpu.memory_space<semaphore_mem>>) src(%dma_wait3A_274 : memref<10240x64xf32, #tpu.memory_space<hbm>>) dst(%dma_wait3A_268 : memref<128x64xf32, #tpu.memory_space<vmem>>)
      %add3A_277 = arith.constant 1 : i32
      %add3A_278 = arith.addi %mul3A_231, %add3A_277 : i32
      "tpu.region"() ({
        %run_scoped3A = tpu.sem_alloc : memref<!tpu.dma_semaphore, #tpu.memory_space<semaphore_mem>>
        %dma_start3A_363 = arith.constant 128 : i32
        %dma_start3A_364 = arith.constant 0 : i32
        %dma_start3A_365 = tpu.memref_slice %arg10[%dma_start3A_363, %dma_start3A_364] : memref<512x64xf32, #tpu.memory_space<vmem>> -> memref<128x64xf32, #tpu.memory_space<vmem>>
        %dma_start3A_366 = arith.constant 0 : i32
        %dma_start3A_367 = tpu.memref_slice %arg9[%add3A_278, %dma_start3A_366] : memref<80x128xi32, #tpu.memory_space<vmem>> -> memref<1x128xi32, #tpu.memory_space<vmem>>
        %dma_start3A_368 = tpu.memref_squeeze %dma_start3A_367 : memref<1x128xi32, #tpu.memory_space<vmem>> -> memref<128xi32, #tpu.memory_space<vmem>>
        %dma_start3A_369 = arith.constant 0 : i32
        %dma_start3A_370 = arith.constant 0 : i32
        %dma_start3A_371 = tpu.memref_slice %arg11[%dma_start3A_369, %dma_start3A_370] : memref<10240x64xf32, #tpu.memory_space<vmem_shared>> -> memref<10240x64xf32, #tpu.memory_space<vmem_shared>>
        tpu.enqueue_indirect_dma source(%dma_start3A_365 : memref<128x64xf32, #tpu.memory_space<vmem>>) target(%dma_start3A_371 : memref<10240x64xf32, #tpu.memory_space<vmem_shared>>) offsets(%dma_start3A_368 : memref<128xi32, #tpu.memory_space<vmem>>) semaphore(%run_scoped3A : memref<!tpu.dma_semaphore, #tpu.memory_space<semaphore_mem>>) {add = true}
        %dma_wait3A_372 = arith.constant 128 : i32
        %dma_wait3A_373 = arith.constant 0 : i32
        %dma_wait3A_374 = tpu.memref_slice %arg10[%dma_wait3A_372, %dma_wait3A_373] : memref<512x64xf32, #tpu.memory_space<vmem>> -> memref<128x64xf32, #tpu.memory_space<vmem>>
        %dma_wait3A_375 = arith.constant 0 : i32
        %dma_wait3A_376 = tpu.memref_slice %arg9[%add3A_278, %dma_wait3A_375] : memref<80x128xi32, #tpu.memory_space<vmem>> -> memref<1x128xi32, #tpu.memory_space<vmem>>
        %dma_wait3A_377 = tpu.memref_squeeze %dma_wait3A_376 : memref<1x128xi32, #tpu.memory_space<vmem>> -> memref<128xi32, #tpu.memory_space<vmem>>
        %dma_wait3A_378 = arith.constant 0 : i32
        %dma_wait3A_379 = arith.constant 0 : i32
        %dma_wait3A_380 = tpu.memref_slice %arg11[%dma_wait3A_378, %dma_wait3A_379] : memref<10240x64xf32, #tpu.memory_space<vmem_shared>> -> memref<10240x64xf32, #tpu.memory_space<vmem_shared>>
        tpu.wait_indirect_dma semaphore(%run_scoped3A : memref<!tpu.dma_semaphore, #tpu.memory_space<semaphore_mem>>) src(%dma_wait3A_374 : memref<128x64xf32, #tpu.memory_space<vmem>>) dst(%dma_wait3A_380 : memref<10240x64xf32, #tpu.memory_space<vmem_shared>>)
        tpu.yield
      }) : () -> ()
      %add3A_279 = arith.constant 4 : i32
      %add3A_280 = arith.addi %mul3A_231, %add3A_279 : i32
      %add3A_281 = arith.constant 1 : i32
      %add3A_282 = arith.addi %add3A_280, %add3A_281 : i32
      %min3A_283 = arith.constant 79 : i32
      %min3A_284 = arith.minsi %add3A_282, %min3A_283 : i32
      %dma_start3A_285 = arith.constant 1 : i32
      %dma_start3A_286 = arith.constant 128 : i32
      %dma_start3A_287 = arith.constant 0 : i32
      %dma_start3A_288 = tpu.memref_slice %arg10[%dma_start3A_286, %dma_start3A_287] : memref<512x64xf32, #tpu.memory_space<vmem>> -> memref<128x64xf32, #tpu.memory_space<vmem>>
      %dma_start3A_289 = arith.constant 0 : i32
      %dma_start3A_290 = tpu.memref_slice %arg8[%min3A_284, %dma_start3A_289] : memref<80x128xi32, #tpu.memory_space<vmem>> -> memref<1x128xi32, #tpu.memory_space<vmem>>
      %dma_start3A_291 = tpu.memref_squeeze %dma_start3A_290 : memref<1x128xi32, #tpu.memory_space<vmem>> -> memref<128xi32, #tpu.memory_space<vmem>>
      %dma_start3A_292 = arith.constant 0 : i32
      %dma_start3A_293 = arith.constant 0 : i32
      %dma_start3A_294 = tpu.memref_slice %arg3[%dma_start3A_292, %dma_start3A_293] : memref<10240x64xf32, #tpu.memory_space<hbm>> -> memref<10240x64xf32, #tpu.memory_space<hbm>>
      %dma_start3A_295 = tpu.memref_slice %arg12[%dma_start3A_285] : memref<4x!tpu.dma_semaphore, #tpu.memory_space<semaphore_mem>> -> memref<1x!tpu.dma_semaphore, #tpu.memory_space<semaphore_mem>>
      %dma_start3A_296 = tpu.memref_squeeze %dma_start3A_295 : memref<1x!tpu.dma_semaphore, #tpu.memory_space<semaphore_mem>> -> memref<!tpu.dma_semaphore, #tpu.memory_space<semaphore_mem>>
      tpu.enqueue_indirect_dma source(%dma_start3A_294 : memref<10240x64xf32, #tpu.memory_space<hbm>>) target(%dma_start3A_288 : memref<128x64xf32, #tpu.memory_space<vmem>>) offsets(%dma_start3A_291 : memref<128xi32, #tpu.memory_space<vmem>>) semaphore(%dma_start3A_296 : memref<!tpu.dma_semaphore, #tpu.memory_space<semaphore_mem>>)
      %dma_wait3A_297 = arith.constant 0 : i32
      %dma_wait3A_298 = arith.constant 2 : i32
      %dma_wait3A_299 = arith.constant 256 : i32
      %dma_wait3A_300 = arith.constant 0 : i32
      %dma_wait3A_301 = tpu.memref_slice %arg10[%dma_wait3A_299, %dma_wait3A_300] : memref<512x64xf32, #tpu.memory_space<vmem>> -> memref<128x64xf32, #tpu.memory_space<vmem>>
      %dma_wait3A_302 = arith.constant 0 : i32
      %dma_wait3A_303 = tpu.memref_slice %arg8[%dma_wait3A_297, %dma_wait3A_302] : memref<80x128xi32, #tpu.memory_space<vmem>> -> memref<1x128xi32, #tpu.memory_space<vmem>>
      %dma_wait3A_304 = tpu.memref_squeeze %dma_wait3A_303 : memref<1x128xi32, #tpu.memory_space<vmem>> -> memref<128xi32, #tpu.memory_space<vmem>>
      %dma_wait3A_305 = arith.constant 0 : i32
      %dma_wait3A_306 = arith.constant 0 : i32
      %dma_wait3A_307 = tpu.memref_slice %arg3[%dma_wait3A_305, %dma_wait3A_306] : memref<10240x64xf32, #tpu.memory_space<hbm>> -> memref<10240x64xf32, #tpu.memory_space<hbm>>
      %dma_wait3A_308 = tpu.memref_slice %arg12[%dma_wait3A_298] : memref<4x!tpu.dma_semaphore, #tpu.memory_space<semaphore_mem>> -> memref<1x!tpu.dma_semaphore, #tpu.memory_space<semaphore_mem>>
      %dma_wait3A_309 = tpu.memref_squeeze %dma_wait3A_308 : memref<1x!tpu.dma_semaphore, #tpu.memory_space<semaphore_mem>> -> memref<!tpu.dma_semaphore, #tpu.memory_space<semaphore_mem>>
      tpu.wait_indirect_dma semaphore(%dma_wait3A_309 : memref<!tpu.dma_semaphore, #tpu.memory_space<semaphore_mem>>) src(%dma_wait3A_307 : memref<10240x64xf32, #tpu.memory_space<hbm>>) dst(%dma_wait3A_301 : memref<128x64xf32, #tpu.memory_space<vmem>>)
      %add3A_310 = arith.constant 2 : i32
      %add3A_311 = arith.addi %mul3A_231, %add3A_310 : i32
      "tpu.region"() ({
        %run_scoped3A = tpu.sem_alloc : memref<!tpu.dma_semaphore, #tpu.memory_space<semaphore_mem>>
        %dma_start3A_363 = arith.constant 256 : i32
        %dma_start3A_364 = arith.constant 0 : i32
        %dma_start3A_365 = tpu.memref_slice %arg10[%dma_start3A_363, %dma_start3A_364] : memref<512x64xf32, #tpu.memory_space<vmem>> -> memref<128x64xf32, #tpu.memory_space<vmem>>
        %dma_start3A_366 = arith.constant 0 : i32
        %dma_start3A_367 = tpu.memref_slice %arg9[%add3A_311, %dma_start3A_366] : memref<80x128xi32, #tpu.memory_space<vmem>> -> memref<1x128xi32, #tpu.memory_space<vmem>>
        %dma_start3A_368 = tpu.memref_squeeze %dma_start3A_367 : memref<1x128xi32, #tpu.memory_space<vmem>> -> memref<128xi32, #tpu.memory_space<vmem>>
        %dma_start3A_369 = arith.constant 0 : i32
        %dma_start3A_370 = arith.constant 0 : i32
        %dma_start3A_371 = tpu.memref_slice %arg11[%dma_start3A_369, %dma_start3A_370] : memref<10240x64xf32, #tpu.memory_space<vmem_shared>> -> memref<10240x64xf32, #tpu.memory_space<vmem_shared>>
        tpu.enqueue_indirect_dma source(%dma_start3A_365 : memref<128x64xf32, #tpu.memory_space<vmem>>) target(%dma_start3A_371 : memref<10240x64xf32, #tpu.memory_space<vmem_shared>>) offsets(%dma_start3A_368 : memref<128xi32, #tpu.memory_space<vmem>>) semaphore(%run_scoped3A : memref<!tpu.dma_semaphore, #tpu.memory_space<semaphore_mem>>) {add = true}
        %dma_wait3A_372 = arith.constant 256 : i32
        %dma_wait3A_373 = arith.constant 0 : i32
        %dma_wait3A_374 = tpu.memref_slice %arg10[%dma_wait3A_372, %dma_wait3A_373] : memref<512x64xf32, #tpu.memory_space<vmem>> -> memref<128x64xf32, #tpu.memory_space<vmem>>
        %dma_wait3A_375 = arith.constant 0 : i32
        %dma_wait3A_376 = tpu.memref_slice %arg9[%add3A_311, %dma_wait3A_375] : memref<80x128xi32, #tpu.memory_space<vmem>> -> memref<1x128xi32, #tpu.memory_space<vmem>>
        %dma_wait3A_377 = tpu.memref_squeeze %dma_wait3A_376 : memref<1x128xi32, #tpu.memory_space<vmem>> -> memref<128xi32, #tpu.memory_space<vmem>>
        %dma_wait3A_378 = arith.constant 0 : i32
        %dma_wait3A_379 = arith.constant 0 : i32
        %dma_wait3A_380 = tpu.memref_slice %arg11[%dma_wait3A_378, %dma_wait3A_379] : memref<10240x64xf32, #tpu.memory_space<vmem_shared>> -> memref<10240x64xf32, #tpu.memory_space<vmem_shared>>
        tpu.wait_indirect_dma semaphore(%run_scoped3A : memref<!tpu.dma_semaphore, #tpu.memory_space<semaphore_mem>>) src(%dma_wait3A_374 : memref<128x64xf32, #tpu.memory_space<vmem>>) dst(%dma_wait3A_380 : memref<10240x64xf32, #tpu.memory_space<vmem_shared>>)
        tpu.yield
      }) : () -> ()
      %add3A_312 = arith.constant 4 : i32
      %add3A_313 = arith.addi %mul3A_231, %add3A_312 : i32
      %add3A_314 = arith.constant 2 : i32
      %add3A_315 = arith.addi %add3A_313, %add3A_314 : i32
      %min3A_316 = arith.constant 79 : i32
      %min3A_317 = arith.minsi %add3A_315, %min3A_316 : i32
      %dma_start3A_318 = arith.constant 2 : i32
      %dma_start3A_319 = arith.constant 256 : i32
      %dma_start3A_320 = arith.constant 0 : i32
      %dma_start3A_321 = tpu.memref_slice %arg10[%dma_start3A_319, %dma_start3A_320] : memref<512x64xf32, #tpu.memory_space<vmem>> -> memref<128x64xf32, #tpu.memory_space<vmem>>
      %dma_start3A_322 = arith.constant 0 : i32
      %dma_start3A_323 = tpu.memref_slice %arg8[%min3A_317, %dma_start3A_322] : memref<80x128xi32, #tpu.memory_space<vmem>> -> memref<1x128xi32, #tpu.memory_space<vmem>>
      %dma_start3A_324 = tpu.memref_squeeze %dma_start3A_323 : memref<1x128xi32, #tpu.memory_space<vmem>> -> memref<128xi32, #tpu.memory_space<vmem>>
      %dma_start3A_325 = arith.constant 0 : i32
      %dma_start3A_326 = arith.constant 0 : i32
      %dma_start3A_327 = tpu.memref_slice %arg3[%dma_start3A_325, %dma_start3A_326] : memref<10240x64xf32, #tpu.memory_space<hbm>> -> memref<10240x64xf32, #tpu.memory_space<hbm>>
      %dma_start3A_328 = tpu.memref_slice %arg12[%dma_start3A_318] : memref<4x!tpu.dma_semaphore, #tpu.memory_space<semaphore_mem>> -> memref<1x!tpu.dma_semaphore, #tpu.memory_space<semaphore_mem>>
      %dma_start3A_329 = tpu.memref_squeeze %dma_start3A_328 : memref<1x!tpu.dma_semaphore, #tpu.memory_space<semaphore_mem>> -> memref<!tpu.dma_semaphore, #tpu.memory_space<semaphore_mem>>
      tpu.enqueue_indirect_dma source(%dma_start3A_327 : memref<10240x64xf32, #tpu.memory_space<hbm>>) target(%dma_start3A_321 : memref<128x64xf32, #tpu.memory_space<vmem>>) offsets(%dma_start3A_324 : memref<128xi32, #tpu.memory_space<vmem>>) semaphore(%dma_start3A_329 : memref<!tpu.dma_semaphore, #tpu.memory_space<semaphore_mem>>)
      %dma_wait3A_330 = arith.constant 0 : i32
      %dma_wait3A_331 = arith.constant 3 : i32
      %dma_wait3A_332 = arith.constant 384 : i32
      %dma_wait3A_333 = arith.constant 0 : i32
      %dma_wait3A_334 = tpu.memref_slice %arg10[%dma_wait3A_332, %dma_wait3A_333] : memref<512x64xf32, #tpu.memory_space<vmem>> -> memref<128x64xf32, #tpu.memory_space<vmem>>
      %dma_wait3A_335 = arith.constant 0 : i32
      %dma_wait3A_336 = tpu.memref_slice %arg8[%dma_wait3A_330, %dma_wait3A_335] : memref<80x128xi32, #tpu.memory_space<vmem>> -> memref<1x128xi32, #tpu.memory_space<vmem>>
      %dma_wait3A_337 = tpu.memref_squeeze %dma_wait3A_336 : memref<1x128xi32, #tpu.memory_space<vmem>> -> memref<128xi32, #tpu.memory_space<vmem>>
      %dma_wait3A_338 = arith.constant 0 : i32
      %dma_wait3A_339 = arith.constant 0 : i32
      %dma_wait3A_340 = tpu.memref_slice %arg3[%dma_wait3A_338, %dma_wait3A_339] : memref<10240x64xf32, #tpu.memory_space<hbm>> -> memref<10240x64xf32, #tpu.memory_space<hbm>>
      %dma_wait3A_341 = tpu.memref_slice %arg12[%dma_wait3A_331] : memref<4x!tpu.dma_semaphore, #tpu.memory_space<semaphore_mem>> -> memref<1x!tpu.dma_semaphore, #tpu.memory_space<semaphore_mem>>
      %dma_wait3A_342 = tpu.memref_squeeze %dma_wait3A_341 : memref<1x!tpu.dma_semaphore, #tpu.memory_space<semaphore_mem>> -> memref<!tpu.dma_semaphore, #tpu.memory_space<semaphore_mem>>
      tpu.wait_indirect_dma semaphore(%dma_wait3A_342 : memref<!tpu.dma_semaphore, #tpu.memory_space<semaphore_mem>>) src(%dma_wait3A_340 : memref<10240x64xf32, #tpu.memory_space<hbm>>) dst(%dma_wait3A_334 : memref<128x64xf32, #tpu.memory_space<vmem>>)
      %add3A_343 = arith.constant 3 : i32
      %add3A_344 = arith.addi %mul3A_231, %add3A_343 : i32
      "tpu.region"() ({
        %run_scoped3A = tpu.sem_alloc : memref<!tpu.dma_semaphore, #tpu.memory_space<semaphore_mem>>
        %dma_start3A_363 = arith.constant 384 : i32
        %dma_start3A_364 = arith.constant 0 : i32
        %dma_start3A_365 = tpu.memref_slice %arg10[%dma_start3A_363, %dma_start3A_364] : memref<512x64xf32, #tpu.memory_space<vmem>> -> memref<128x64xf32, #tpu.memory_space<vmem>>
        %dma_start3A_366 = arith.constant 0 : i32
        %dma_start3A_367 = tpu.memref_slice %arg9[%add3A_344, %dma_start3A_366] : memref<80x128xi32, #tpu.memory_space<vmem>> -> memref<1x128xi32, #tpu.memory_space<vmem>>
        %dma_start3A_368 = tpu.memref_squeeze %dma_start3A_367 : memref<1x128xi32, #tpu.memory_space<vmem>> -> memref<128xi32, #tpu.memory_space<vmem>>
        %dma_start3A_369 = arith.constant 0 : i32
        %dma_start3A_370 = arith.constant 0 : i32
        %dma_start3A_371 = tpu.memref_slice %arg11[%dma_start3A_369, %dma_start3A_370] : memref<10240x64xf32, #tpu.memory_space<vmem_shared>> -> memref<10240x64xf32, #tpu.memory_space<vmem_shared>>
        tpu.enqueue_indirect_dma source(%dma_start3A_365 : memref<128x64xf32, #tpu.memory_space<vmem>>) target(%dma_start3A_371 : memref<10240x64xf32, #tpu.memory_space<vmem_shared>>) offsets(%dma_start3A_368 : memref<128xi32, #tpu.memory_space<vmem>>) semaphore(%run_scoped3A : memref<!tpu.dma_semaphore, #tpu.memory_space<semaphore_mem>>) {add = true}
        %dma_wait3A_372 = arith.constant 384 : i32
        %dma_wait3A_373 = arith.constant 0 : i32
        %dma_wait3A_374 = tpu.memref_slice %arg10[%dma_wait3A_372, %dma_wait3A_373] : memref<512x64xf32, #tpu.memory_space<vmem>> -> memref<128x64xf32, #tpu.memory_space<vmem>>
        %dma_wait3A_375 = arith.constant 0 : i32
        %dma_wait3A_376 = tpu.memref_slice %arg9[%add3A_344, %dma_wait3A_375] : memref<80x128xi32, #tpu.memory_space<vmem>> -> memref<1x128xi32, #tpu.memory_space<vmem>>
        %dma_wait3A_377 = tpu.memref_squeeze %dma_wait3A_376 : memref<1x128xi32, #tpu.memory_space<vmem>> -> memref<128xi32, #tpu.memory_space<vmem>>
        %dma_wait3A_378 = arith.constant 0 : i32
        %dma_wait3A_379 = arith.constant 0 : i32
        %dma_wait3A_380 = tpu.memref_slice %arg11[%dma_wait3A_378, %dma_wait3A_379] : memref<10240x64xf32, #tpu.memory_space<vmem_shared>> -> memref<10240x64xf32, #tpu.memory_space<vmem_shared>>
        tpu.wait_indirect_dma semaphore(%run_scoped3A : memref<!tpu.dma_semaphore, #tpu.memory_space<semaphore_mem>>) src(%dma_wait3A_374 : memref<128x64xf32, #tpu.memory_space<vmem>>) dst(%dma_wait3A_380 : memref<10240x64xf32, #tpu.memory_space<vmem_shared>>)
        tpu.yield
      }) : () -> ()
      %add3A_345 = arith.constant 4 : i32
      %add3A_346 = arith.addi %mul3A_231, %add3A_345 : i32
      %add3A_347 = arith.constant 3 : i32
      %add3A_348 = arith.addi %add3A_346, %add3A_347 : i32
      %min3A_349 = arith.constant 79 : i32
      %min3A_350 = arith.minsi %add3A_348, %min3A_349 : i32
      %dma_start3A_351 = arith.constant 3 : i32
      %dma_start3A_352 = arith.constant 384 : i32
      %dma_start3A_353 = arith.constant 0 : i32
      %dma_start3A_354 = tpu.memref_slice %arg10[%dma_start3A_352, %dma_start3A_353] : memref<512x64xf32, #tpu.memory_space<vmem>> -> memref<128x64xf32, #tpu.memory_space<vmem>>
      %dma_start3A_355 = arith.constant 0 : i32
      %dma_start3A_356 = tpu.memref_slice %arg8[%min3A_350, %dma_start3A_355] : memref<80x128xi32, #tpu.memory_space<vmem>> -> memref<1x128xi32, #tpu.memory_space<vmem>>
      %dma_start3A_357 = tpu.memref_squeeze %dma_start3A_356 : memref<1x128xi32, #tpu.memory_space<vmem>> -> memref<128xi32, #tpu.memory_space<vmem>>
      %dma_start3A_358 = arith.constant 0 : i32
      %dma_start3A_359 = arith.constant 0 : i32
      %dma_start3A_360 = tpu.memref_slice %arg3[%dma_start3A_358, %dma_start3A_359] : memref<10240x64xf32, #tpu.memory_space<hbm>> -> memref<10240x64xf32, #tpu.memory_space<hbm>>
      %dma_start3A_361 = tpu.memref_slice %arg12[%dma_start3A_351] : memref<4x!tpu.dma_semaphore, #tpu.memory_space<semaphore_mem>> -> memref<1x!tpu.dma_semaphore, #tpu.memory_space<semaphore_mem>>
      %dma_start3A_362 = tpu.memref_squeeze %dma_start3A_361 : memref<1x!tpu.dma_semaphore, #tpu.memory_space<semaphore_mem>> -> memref<!tpu.dma_semaphore, #tpu.memory_space<semaphore_mem>>
      tpu.enqueue_indirect_dma source(%dma_start3A_360 : memref<10240x64xf32, #tpu.memory_space<hbm>>) target(%dma_start3A_354 : memref<128x64xf32, #tpu.memory_space<vmem>>) offsets(%dma_start3A_357 : memref<128xi32, #tpu.memory_space<vmem>>) semaphore(%dma_start3A_362 : memref<!tpu.dma_semaphore, #tpu.memory_space<semaphore_mem>>)
    }
    %scan3A_173 = arith.constant 20 : i32
    %dma_wait3A_174 = arith.constant 0 : i32
    %dma_wait3A_175 = arith.constant 0 : i32
    %dma_wait3A_176 = arith.constant 0 : i32
    %dma_wait3A_177 = arith.constant 0 : i32
    %dma_wait3A_178 = tpu.memref_slice %arg10[%dma_wait3A_176, %dma_wait3A_177] : memref<512x64xf32, #tpu.memory_space<vmem>> -> memref<128x64xf32, #tpu.memory_space<vmem>>
    %dma_wait3A_179 = arith.constant 0 : i32
    %dma_wait3A_180 = tpu.memref_slice %arg8[%dma_wait3A_174, %dma_wait3A_179] : memref<80x128xi32, #tpu.memory_space<vmem>> -> memref<1x128xi32, #tpu.memory_space<vmem>>
    %dma_wait3A_181 = tpu.memref_squeeze %dma_wait3A_180 : memref<1x128xi32, #tpu.memory_space<vmem>> -> memref<128xi32, #tpu.memory_space<vmem>>
    %dma_wait3A_182 = arith.constant 0 : i32
    %dma_wait3A_183 = arith.constant 0 : i32
    %dma_wait3A_184 = tpu.memref_slice %arg3[%dma_wait3A_182, %dma_wait3A_183] : memref<10240x64xf32, #tpu.memory_space<hbm>> -> memref<10240x64xf32, #tpu.memory_space<hbm>>
    %dma_wait3A_185 = tpu.memref_slice %arg12[%dma_wait3A_175] : memref<4x!tpu.dma_semaphore, #tpu.memory_space<semaphore_mem>> -> memref<1x!tpu.dma_semaphore, #tpu.memory_space<semaphore_mem>>
    %dma_wait3A_186 = tpu.memref_squeeze %dma_wait3A_185 : memref<1x!tpu.dma_semaphore, #tpu.memory_space<semaphore_mem>> -> memref<!tpu.dma_semaphore, #tpu.memory_space<semaphore_mem>>
    tpu.wait_indirect_dma semaphore(%dma_wait3A_186 : memref<!tpu.dma_semaphore, #tpu.memory_space<semaphore_mem>>) src(%dma_wait3A_184 : memref<10240x64xf32, #tpu.memory_space<hbm>>) dst(%dma_wait3A_178 : memref<128x64xf32, #tpu.memory_space<vmem>>)
    %dma_wait3A_187 = arith.constant 0 : i32
    %dma_wait3A_188 = arith.constant 1 : i32
    %dma_wait3A_189 = arith.constant 128 : i32
    %dma_wait3A_190 = arith.constant 0 : i32
    %dma_wait3A_191 = tpu.memref_slice %arg10[%dma_wait3A_189, %dma_wait3A_190] : memref<512x64xf32, #tpu.memory_space<vmem>> -> memref<128x64xf32, #tpu.memory_space<vmem>>
    %dma_wait3A_192 = arith.constant 0 : i32
    %dma_wait3A_193 = tpu.memref_slice %arg8[%dma_wait3A_187, %dma_wait3A_192] : memref<80x128xi32, #tpu.memory_space<vmem>> -> memref<1x128xi32, #tpu.memory_space<vmem>>
    %dma_wait3A_194 = tpu.memref_squeeze %dma_wait3A_193 : memref<1x128xi32, #tpu.memory_space<vmem>> -> memref<128xi32, #tpu.memory_space<vmem>>
    %dma_wait3A_195 = arith.constant 0 : i32
    %dma_wait3A_196 = arith.constant 0 : i32
    %dma_wait3A_197 = tpu.memref_slice %arg3[%dma_wait3A_195, %dma_wait3A_196] : memref<10240x64xf32, #tpu.memory_space<hbm>> -> memref<10240x64xf32, #tpu.memory_space<hbm>>
    %dma_wait3A_198 = tpu.memref_slice %arg12[%dma_wait3A_188] : memref<4x!tpu.dma_semaphore, #tpu.memory_space<semaphore_mem>> -> memref<1x!tpu.dma_semaphore, #tpu.memory_space<semaphore_mem>>
    %dma_wait3A_199 = tpu.memref_squeeze %dma_wait3A_198 : memref<1x!tpu.dma_semaphore, #tpu.memory_space<semaphore_mem>> -> memref<!tpu.dma_semaphore, #tpu.memory_space<semaphore_mem>>
    tpu.wait_indirect_dma semaphore(%dma_wait3A_199 : memref<!tpu.dma_semaphore, #tpu.memory_space<semaphore_mem>>) src(%dma_wait3A_197 : memref<10240x64xf32, #tpu.memory_space<hbm>>) dst(%dma_wait3A_191 : memref<128x64xf32, #tpu.memory_space<vmem>>)
    %dma_wait3A_200 = arith.constant 0 : i32
    %dma_wait3A_201 = arith.constant 2 : i32
    %dma_wait3A_202 = arith.constant 256 : i32
    %dma_wait3A_203 = arith.constant 0 : i32
    %dma_wait3A_204 = tpu.memref_slice %arg10[%dma_wait3A_202, %dma_wait3A_203] : memref<512x64xf32, #tpu.memory_space<vmem>> -> memref<128x64xf32, #tpu.memory_space<vmem>>
    %dma_wait3A_205 = arith.constant 0 : i32
    %dma_wait3A_206 = tpu.memref_slice %arg8[%dma_wait3A_200, %dma_wait3A_205] : memref<80x128xi32, #tpu.memory_space<vmem>> -> memref<1x128xi32, #tpu.memory_space<vmem>>
    %dma_wait3A_207 = tpu.memref_squeeze %dma_wait3A_206 : memref<1x128xi32, #tpu.memory_space<vmem>> -> memref<128xi32, #tpu.memory_space<vmem>>
    %dma_wait3A_208 = arith.constant 0 : i32
    %dma_wait3A_209 = arith.constant 0 : i32
    %dma_wait3A_210 = tpu.memref_slice %arg3[%dma_wait3A_208, %dma_wait3A_209] : memref<10240x64xf32, #tpu.memory_space<hbm>> -> memref<10240x64xf32, #tpu.memory_space<hbm>>
    %dma_wait3A_211 = tpu.memref_slice %arg12[%dma_wait3A_201] : memref<4x!tpu.dma_semaphore, #tpu.memory_space<semaphore_mem>> -> memref<1x!tpu.dma_semaphore, #tpu.memory_space<semaphore_mem>>
    %dma_wait3A_212 = tpu.memref_squeeze %dma_wait3A_211 : memref<1x!tpu.dma_semaphore, #tpu.memory_space<semaphore_mem>> -> memref<!tpu.dma_semaphore, #tpu.memory_space<semaphore_mem>>
    tpu.wait_indirect_dma semaphore(%dma_wait3A_212 : memref<!tpu.dma_semaphore, #tpu.memory_space<semaphore_mem>>) src(%dma_wait3A_210 : memref<10240x64xf32, #tpu.memory_space<hbm>>) dst(%dma_wait3A_204 : memref<128x64xf32, #tpu.memory_space<vmem>>)
    %dma_wait3A_213 = arith.constant 0 : i32
    %dma_wait3A_214 = arith.constant 3 : i32
    %dma_wait3A_215 = arith.constant 384 : i32
    %dma_wait3A_216 = arith.constant 0 : i32
    %dma_wait3A_217 = tpu.memref_slice %arg10[%dma_wait3A_215, %dma_wait3A_216] : memref<512x64xf32, #tpu.memory_space<vmem>> -> memref<128x64xf32, #tpu.memory_space<vmem>>
    %dma_wait3A_218 = arith.constant 0 : i32
    %dma_wait3A_219 = tpu.memref_slice %arg8[%dma_wait3A_213, %dma_wait3A_218] : memref<80x128xi32, #tpu.memory_space<vmem>> -> memref<1x128xi32, #tpu.memory_space<vmem>>
    %dma_wait3A_220 = tpu.memref_squeeze %dma_wait3A_219 : memref<1x128xi32, #tpu.memory_space<vmem>> -> memref<128xi32, #tpu.memory_space<vmem>>
    %dma_wait3A_221 = arith.constant 0 : i32
    %dma_wait3A_222 = arith.constant 0 : i32
    %dma_wait3A_223 = tpu.memref_slice %arg3[%dma_wait3A_221, %dma_wait3A_222] : memref<10240x64xf32, #tpu.memory_space<hbm>> -> memref<10240x64xf32, #tpu.memory_space<hbm>>
    %dma_wait3A_224 = tpu.memref_slice %arg12[%dma_wait3A_214] : memref<4x!tpu.dma_semaphore, #tpu.memory_space<semaphore_mem>> -> memref<1x!tpu.dma_semaphore, #tpu.memory_space<semaphore_mem>>
    %dma_wait3A_225 = tpu.memref_squeeze %dma_wait3A_224 : memref<1x!tpu.dma_semaphore, #tpu.memory_space<semaphore_mem>> -> memref<!tpu.dma_semaphore, #tpu.memory_space<semaphore_mem>>
    tpu.wait_indirect_dma semaphore(%dma_wait3A_225 : memref<!tpu.dma_semaphore, #tpu.memory_space<semaphore_mem>>) src(%dma_wait3A_223 : memref<10240x64xf32, #tpu.memory_space<hbm>>) dst(%dma_wait3A_217 : memref<128x64xf32, #tpu.memory_space<vmem>>)
    %barrier3A_226 = arith.constant 0 : index
    tpu.barrier barrier_id(%barrier3A_226)
    %mul3A_227 = arith.constant 640 : i32
    %mul3A_228 = arith.muli %arg1, %mul3A_227 : i32
    "tpu.region"() ({
      %run_scoped3A = tpu.sem_alloc : memref<!tpu.dma_semaphore, #tpu.memory_space<semaphore_mem>>
      %dma_start3A_229 = arith.constant 0 : i32
      %dma_start3A_230 = tpu.memref_slice %arg7[%arg0, %mul3A_228, %dma_start3A_229] : memref<2x10240x64xf32, #tpu.memory_space<hbm>> -> memref<1x640x64xf32, #tpu.memory_space<hbm>>
      %dma_start3A_231 = tpu.memref_squeeze %dma_start3A_230 : memref<1x640x64xf32, #tpu.memory_space<hbm>> -> memref<640x64xf32, #tpu.memory_space<hbm>>
      %dma_start3A_232 = arith.constant 0 : i32
      %dma_start3A_233 = tpu.memref_slice %arg11[%mul3A_228, %dma_start3A_232] : memref<10240x64xf32, #tpu.memory_space<vmem_shared>> -> memref<640x64xf32, #tpu.memory_space<vmem_shared>>
      tpu.enqueue_dma source(%dma_start3A_233 : memref<640x64xf32, #tpu.memory_space<vmem_shared>>) target(%dma_start3A_231 : memref<640x64xf32, #tpu.memory_space<hbm>>) target_semaphore(%run_scoped3A : memref<!tpu.dma_semaphore, #tpu.memory_space<semaphore_mem>>)
      %dma_wait3A_234 = arith.constant 0 : i32
      %dma_wait3A_235 = tpu.memref_slice %arg7[%arg0, %mul3A_228, %dma_wait3A_234] : memref<2x10240x64xf32, #tpu.memory_space<hbm>> -> memref<1x640x64xf32, #tpu.memory_space<hbm>>
      %dma_wait3A_236 = tpu.memref_squeeze %dma_wait3A_235 : memref<1x640x64xf32, #tpu.memory_space<hbm>> -> memref<640x64xf32, #tpu.memory_space<hbm>>
      %dma_wait3A_237 = arith.constant 0 : i32
      %dma_wait3A_238 = tpu.memref_slice %arg11[%mul3A_228, %dma_wait3A_237] : memref<10240x64xf32, #tpu.memory_space<vmem_shared>> -> memref<640x64xf32, #tpu.memory_space<vmem_shared>>
      tpu.wait_dma2 semaphore(%run_scoped3A : memref<!tpu.dma_semaphore, #tpu.memory_space<semaphore_mem>>) src(%dma_wait3A_238 : memref<640x64xf32, #tpu.memory_space<vmem_shared>>) dst(%dma_wait3A_236 : memref<640x64xf32, #tpu.memory_space<hbm>>)
      tpu.yield
    }) : () -> ()
    return
  }
}

module attributes {stable_mosaic.version = 14 : i64} {
  func.func @_tc_mm_body(%arg0: i32, %arg1: memref<1280x128xf32, #tpu.memory_space<vmem>>, %arg2: memref<128x128xf32, #tpu.memory_space<vmem>>, %arg3: memref<128x128xf32, #tpu.memory_space<vmem>>, %arg4: memref<1x128xf32, #tpu.memory_space<vmem>>, %arg5: memref<1280x128xf32, #tpu.memory_space<vmem>>, %arg6: memref<1280x128xf32, #tpu.memory_space<vmem>>) attributes {dimension_semantics = [#tpu.dimension_semantics<arbitrary>], iteration_bounds = array<i64: 8>, scalar_prefetch = 0 : i64, scratch_operands = 0 : i64, tpu.core_type = #tpu.core_type<tc>, window_params = [{transform_indices = @transform_0, window_bounds = array<i64: 1280, 128>}, {pipeline_mode = #tpu.pipeline_mode<synchronous>, transform_indices = @transform_1, window_bounds = array<i64: 128, 128>}, {pipeline_mode = #tpu.pipeline_mode<synchronous>, transform_indices = @transform_2, window_bounds = array<i64: 128, 128>}, {pipeline_mode = #tpu.pipeline_mode<synchronous>, transform_indices = @transform_3, window_bounds = array<i64: 1, 128>}, {transform_indices = @transform_4, window_bounds = array<i64: 1280, 128>}, {transform_indices = @transform_5, window_bounds = array<i64: 1280, 128>}]} {
    %get3A = arith.constant 0 : index
    %get3A_0 = arith.constant 0 : index
    %get3A_1 = vector.load %arg1[%get3A, %get3A_0] : memref<1280x128xf32, #tpu.memory_space<vmem>>, vector<1280x128xf32>
    %get3A_2 = arith.constant 0 : index
    %get3A_3 = arith.constant 0 : index
    %get3A_4 = vector.load %arg2[%get3A_2, %get3A_3] : memref<128x128xf32, #tpu.memory_space<vmem>>, vector<128x128xf32>
    %dot_general3A = arith.constant dense<0.000000e+00> : vector<1280x128xf32>
    %dot_general3A_5 = tpu.matmul %get3A_1, %get3A_4, %dot_general3A {dimension_numbers = #tpu.dot_dimension_numbers<[1], [0], [0], [1], [0, 0, 1, 1], [], []>, precision = #tpu.contract_precision<fp32>, transpose_lhs_hint = false} : vector<1280x128xf32>, vector<128x128xf32>, vector<1280x128xf32> -> vector<1280x128xf32>
    %swap3A = arith.constant 0 : index
    %swap3A_6 = arith.constant 0 : index
    %swap3A_7 = vector.load %arg5[%swap3A, %swap3A_6] : memref<1280x128xf32, #tpu.memory_space<vmem>>, vector<1280x128xf32>
    tpu.vector_store %arg5[%swap3A, %swap3A_6], %dot_general3A_5 {strides = array<i32>} : memref<1280x128xf32, #tpu.memory_space<vmem>>, vector<1280x128xf32>,
    %get3A_8 = arith.constant 0 : index
    %get3A_9 = arith.constant 0 : index
    %get3A_10 = vector.load %arg3[%get3A_8, %get3A_9] : memref<128x128xf32, #tpu.memory_space<vmem>>, vector<128x128xf32>
    %dot_general3A_11 = arith.constant dense<0.000000e+00> : vector<1280x128xf32>
    %dot_general3A_12 = tpu.matmul %get3A_1, %get3A_10, %dot_general3A_11 {dimension_numbers = #tpu.dot_dimension_numbers<[1], [0], [0], [1], [0, 0, 1, 1], [], []>, precision = #tpu.contract_precision<fp32>, transpose_lhs_hint = false} : vector<1280x128xf32>, vector<128x128xf32>, vector<1280x128xf32> -> vector<1280x128xf32>
    %get3A_13 = arith.constant 0 : index
    %get3A_14 = arith.constant 0 : index
    %get3A_15 = vector.load %arg4[%get3A_13, %get3A_14] : memref<1x128xf32, #tpu.memory_space<vmem>>, vector<1x128xf32>
    %add3A = vector.broadcast %get3A_15 : vector<1x128xf32> to vector<1280x128xf32>
    %add3A_16 = arith.addf %dot_general3A_12, %add3A : vector<1280x128xf32>
    %swap3A_17 = arith.constant 0 : index
    %swap3A_18 = arith.constant 0 : index
    %swap3A_19 = vector.load %arg6[%swap3A_17, %swap3A_18] : memref<1280x128xf32, #tpu.memory_space<vmem>>, vector<1280x128xf32>
    tpu.vector_store %arg6[%swap3A_17, %swap3A_18], %add3A_16 {strides = array<i32>} : memref<1280x128xf32, #tpu.memory_space<vmem>>, vector<1280x128xf32>,
    return
  }
  func.func @transform_0(%arg0: i32) -> (i32, i32) {
    %c0_i32 = arith.constant 0 : i32
    %c0_i32_0 = arith.constant 0 : i32
    return %arg0, %c0_i32 : i32, i32
  }
  func.func @transform_1(%arg0: i32) -> (i32, i32) {
    %c0_i32 = arith.constant 0 : i32
    %c0_i32_0 = arith.constant 0 : i32
    %c0_i32_1 = arith.constant 0 : i32
    return %c0_i32, %c0_i32_0 : i32, i32
  }
  func.func @transform_2(%arg0: i32) -> (i32, i32) {
    %c0_i32 = arith.constant 0 : i32
    %c0_i32_0 = arith.constant 0 : i32
    %c0_i32_1 = arith.constant 0 : i32
    return %c0_i32, %c0_i32_0 : i32, i32
  }
  func.func @transform_3(%arg0: i32) -> (i32, i32) {
    %c0_i32 = arith.constant 0 : i32
    %c0_i32_0 = arith.constant 0 : i32
    %c0_i32_1 = arith.constant 0 : i32
    return %c0_i32, %c0_i32_0 : i32, i32
  }
  func.func @transform_4(%arg0: i32) -> (i32, i32) {
    %c0_i32 = arith.constant 0 : i32
    %c0_i32_0 = arith.constant 0 : i32
    return %arg0, %c0_i32 : i32, i32
  }
  func.func @transform_5(%arg0: i32) -> (i32, i32) {
    %c0_i32 = arith.constant 0 : i32
    %c0_i32_0 = arith.constant 0 : i32
    return %arg0, %c0_i32 : i32, i32
  }
}

module attributes {stable_mosaic.version = 14 : i64} {
  func.func @_tc_scale_body(%arg0: i32, %arg1: memref<1280x128xf32, #tpu.memory_space<vmem>>, %arg2: memref<2x1280x16xf32, #tpu.memory_space<vmem>>, %arg3: memref<1280x64xf32, #tpu.memory_space<vmem>>, %arg4: memref<1280x64xf32, #tpu.memory_space<vmem>>, %arg5: memref<1280x16xf32, #tpu.memory_space<vmem>>) attributes {dimension_semantics = [#tpu.dimension_semantics<arbitrary>], iteration_bounds = array<i64: 8>, scalar_prefetch = 0 : i64, scratch_operands = 0 : i64, tpu.core_type = #tpu.core_type<tc>, window_params = [{transform_indices = @transform_0, window_bounds = array<i64: 1280, 128>}, {transform_indices = @transform_1, window_bounds = array<i64: 2, 1280, 16>}, {transform_indices = @transform_2, window_bounds = array<i64: 1280, 64>}, {transform_indices = @transform_3, window_bounds = array<i64: 1280, 64>}, {transform_indices = @transform_4, window_bounds = array<i64: 1280, 16>}]} {
    %get3A = arith.constant 0 : index
    %get3A_0 = arith.constant 0 : index
    %get3A_1 = arith.constant 0 : index
    %get3A_2 = vector.load %arg2[%get3A, %get3A_0, %get3A_1] : memref<2x1280x16xf32, #tpu.memory_space<vmem>>, vector<1x1280x1xf32>
    %get3A_3 = vector.shape_cast %get3A_2 : vector<1x1280x1xf32> to vector<1280x1xf32>
    %get3A_4 = arith.constant 1 : index
    %get3A_5 = arith.constant 0 : index
    %get3A_6 = arith.constant 0 : index
    %get3A_7 = vector.load %arg2[%get3A_4, %get3A_5, %get3A_6] : memref<2x1280x16xf32, #tpu.memory_space<vmem>>, vector<1x1280x1xf32>
    %get3A_8 = vector.shape_cast %get3A_7 : vector<1x1280x1xf32> to vector<1280x1xf32>
    %add3A = arith.addf %get3A_3, %get3A_8 : vector<1280x1xf32>
    %add3A_9 = arith.constant 1.000000e+00 : f32
    %add3A_10 = vector.broadcast %add3A_9 : f32 to vector<1280x1xf32>
    %add3A_11 = arith.addf %add3A, %add3A_10 : vector<1280x1xf32>
    %rsqrt3A = math.rsqrt %add3A_11 : vector<1280x1xf32>
    %get3A_12 = arith.constant 0 : index
    %get3A_13 = arith.constant 0 : index
    %get3A_14 = vector.load %arg1[%get3A_12, %get3A_13] : memref<1280x128xf32, #tpu.memory_space<vmem>>, vector<1280x128xf32>
    %mul3A = vector.broadcast %rsqrt3A : vector<1280x1xf32> to vector<1280x128xf32>
    %mul3A_15 = arith.mulf %get3A_14, %mul3A : vector<1280x128xf32>
    %slice3A = vector.extract_strided_slice %mul3A_15 {offsets = [0, 0], sizes = [1280, 64], strides = [1, 1]} : vector<1280x128xf32> to vector<1280x64xf32>
    %swap3A = arith.constant 0 : index
    %swap3A_16 = arith.constant 0 : index
    %swap3A_17 = vector.load %arg3[%swap3A, %swap3A_16] : memref<1280x64xf32, #tpu.memory_space<vmem>>, vector<1280x64xf32>
    tpu.vector_store %arg3[%swap3A, %swap3A_16], %slice3A {strides = array<i32>} : memref<1280x64xf32, #tpu.memory_space<vmem>>, vector<1280x64xf32>,
    %slice3A_18 = vector.extract_strided_slice %mul3A_15 {offsets = [0, 64], sizes = [1280, 64], strides = [1, 1]} : vector<1280x128xf32> to vector<1280x64xf32>
    %swap3A_19 = arith.constant 0 : index
    %swap3A_20 = arith.constant 0 : index
    %swap3A_21 = vector.load %arg4[%swap3A_19, %swap3A_20] : memref<1280x64xf32, #tpu.memory_space<vmem>>, vector<1280x64xf32>
    tpu.vector_store %arg4[%swap3A_19, %swap3A_20], %slice3A_18 {strides = array<i32>} : memref<1280x64xf32, #tpu.memory_space<vmem>>, vector<1280x64xf32>,
    %broadcast_in_dim3A = vector.shape_cast %rsqrt3A : vector<1280x1xf32> to vector<1280x1xf32>
    %broadcast_in_dim3A_22 = vector.broadcast %broadcast_in_dim3A : vector<1280x1xf32> to vector<1280x16xf32>
    %swap3A_23 = arith.constant 0 : index
    %swap3A_24 = arith.constant 0 : index
    %swap3A_25 = vector.load %arg5[%swap3A_23, %swap3A_24] : memref<1280x16xf32, #tpu.memory_space<vmem>>, vector<1280x16xf32>
    tpu.vector_store %arg5[%swap3A_23, %swap3A_24], %broadcast_in_dim3A_22 {strides = array<i32>} : memref<1280x16xf32, #tpu.memory_space<vmem>>, vector<1280x16xf32>,
    return
  }
  func.func @transform_0(%arg0: i32) -> (i32, i32) {
    %c0_i32 = arith.constant 0 : i32
    %c0_i32_0 = arith.constant 0 : i32
    return %arg0, %c0_i32 : i32, i32
  }
  func.func @transform_1(%arg0: i32) -> (i32, i32, i32) {
    %c0_i32 = arith.constant 0 : i32
    %c0_i32_0 = arith.constant 0 : i32
    %c0_i32_1 = arith.constant 0 : i32
    return %c0_i32, %arg0, %c0_i32_0 : i32, i32, i32
  }
  func.func @transform_2(%arg0: i32) -> (i32, i32) {
    %c0_i32 = arith.constant 0 : i32
    %c0_i32_0 = arith.constant 0 : i32
    return %arg0, %c0_i32 : i32, i32
  }
  func.func @transform_3(%arg0: i32) -> (i32, i32) {
    %c0_i32 = arith.constant 0 : i32
    %c0_i32_0 = arith.constant 0 : i32
    return %arg0, %c0_i32 : i32, i32
  }
  func.func @transform_4(%arg0: i32) -> (i32, i32) {
    %c0_i32 = arith.constant 0 : i32
    %c0_i32_0 = arith.constant 0 : i32
    return %arg0, %c0_i32 : i32, i32
  }
}

module attributes {stable_mosaic.version = 14 : i64} {
  func.func @_tc_mid_body(%arg0: i32, %arg1: memref<2x1280x64xf32, #tpu.memory_space<vmem>>, %arg2: memref<2x1280x64xf32, #tpu.memory_space<vmem>>, %arg3: memref<1280x64xf32, #tpu.memory_space<vmem>>, %arg4: memref<1280x64xf32, #tpu.memory_space<vmem>>, %arg5: memref<1280x16xf32, #tpu.memory_space<vmem>>, %arg6: memref<1280x128xf32, #tpu.memory_space<vmem>>, %arg7: memref<1x128xf32, #tpu.memory_space<vmem>>, %arg8: memref<128x128xf32, #tpu.memory_space<vmem>>, %arg9: memref<1280x64xf32, #tpu.memory_space<vmem>>, %arg10: memref<1280x64xf32, #tpu.memory_space<vmem>>) attributes {dimension_semantics = [#tpu.dimension_semantics<arbitrary>], iteration_bounds = array<i64: 8>, scalar_prefetch = 0 : i64, scratch_operands = 0 : i64, tpu.core_type = #tpu.core_type<tc>, window_params = [{transform_indices = @transform_0, window_bounds = array<i64: 2, 1280, 64>}, {transform_indices = @transform_1, window_bounds = array<i64: 2, 1280, 64>}, {transform_indices = @transform_2, window_bounds = array<i64: 1280, 64>}, {transform_indices = @transform_3, window_bounds = array<i64: 1280, 64>}, {transform_indices = @transform_4, window_bounds = array<i64: 1280, 16>}, {transform_indices = @transform_5, window_bounds = array<i64: 1280, 128>}, {pipeline_mode = #tpu.pipeline_mode<synchronous>, transform_indices = @transform_6, window_bounds = array<i64: 1, 128>}, {pipeline_mode = #tpu.pipeline_mode<synchronous>, transform_indices = @transform_7, window_bounds = array<i64: 128, 128>}, {transform_indices = @transform_8, window_bounds = array<i64: 1280, 64>}, {transform_indices = @transform_9, window_bounds = array<i64: 1280, 64>}]} {
    %get3A = arith.constant 0 : index
    %get3A_0 = arith.constant 0 : index
    %get3A_1 = vector.load %arg5[%get3A, %get3A_0] : memref<1280x16xf32, #tpu.memory_space<vmem>>, vector<1280x1xf32>
    %get3A_2 = arith.constant 0 : index
    %get3A_3 = arith.constant 0 : index
    %get3A_4 = arith.constant 0 : index
    %get3A_5 = vector.load %arg1[%get3A_2, %get3A_3, %get3A_4] : memref<2x1280x64xf32, #tpu.memory_space<vmem>>, vector<1x1280x64xf32>
    %get3A_6 = vector.shape_cast %get3A_5 : vector<1x1280x64xf32> to vector<1280x64xf32>
    %get3A_7 = arith.constant 1 : index
    %get3A_8 = arith.constant 0 : index
    %get3A_9 = arith.constant 0 : index
    %get3A_10 = vector.load %arg1[%get3A_7, %get3A_8, %get3A_9] : memref<2x1280x64xf32, #tpu.memory_space<vmem>>, vector<1x1280x64xf32>
    %get3A_11 = vector.shape_cast %get3A_10 : vector<1x1280x64xf32> to vector<1280x64xf32>
    %add3A = arith.addf %get3A_6, %get3A_11 : vector<1280x64xf32>
    %get3A_12 = arith.constant 0 : index
    %get3A_13 = arith.constant 0 : index
    %get3A_14 = vector.load %arg3[%get3A_12, %get3A_13] : memref<1280x64xf32, #tpu.memory_space<vmem>>, vector<1280x64xf32>
    %sub3A = arith.subf %add3A, %get3A_14 : vector<1280x64xf32>
    %get3A_15 = arith.constant 0 : index
    %get3A_16 = arith.constant 0 : index
    %get3A_17 = arith.constant 0 : index
    %get3A_18 = vector.load %arg2[%get3A_15, %get3A_16, %get3A_17] : memref<2x1280x64xf32, #tpu.memory_space<vmem>>, vector<1x1280x64xf32>
    %get3A_19 = vector.shape_cast %get3A_18 : vector<1x1280x64xf32> to vector<1280x64xf32>
    %get3A_20 = arith.constant 1 : index
    %get3A_21 = arith.constant 0 : index
    %get3A_22 = arith.constant 0 : index
    %get3A_23 = vector.load %arg2[%get3A_20, %get3A_21, %get3A_22] : memref<2x1280x64xf32, #tpu.memory_space<vmem>>, vector<1x1280x64xf32>
    %get3A_24 = vector.shape_cast %get3A_23 : vector<1x1280x64xf32> to vector<1280x64xf32>
    %add3A_25 = arith.addf %get3A_19, %get3A_24 : vector<1280x64xf32>
    %get3A_26 = arith.constant 0 : index
    %get3A_27 = arith.constant 0 : index
    %get3A_28 = vector.load %arg4[%get3A_26, %get3A_27] : memref<1280x64xf32, #tpu.memory_space<vmem>>, vector<1280x64xf32>
    %sub3A_29 = arith.subf %add3A_25, %get3A_28 : vector<1280x64xf32>
    %concatenate3A = tpu.concatenate %sub3A, %sub3A_29 in 1 : vector<1280x64xf32>, vector<1280x64xf32> -> vector<1280x128xf32>
    %mul3A = vector.broadcast %get3A_1 : vector<1280x1xf32> to vector<1280x128xf32>
    %mul3A_30 = arith.mulf %mul3A, %concatenate3A : vector<1280x128xf32>
    %get3A_31 = arith.constant 0 : index
    %get3A_32 = arith.constant 0 : index
    %get3A_33 = vector.load %arg7[%get3A_31, %get3A_32] : memref<1x128xf32, #tpu.memory_space<vmem>>, vector<1x128xf32>
    %add3A_34 = vector.broadcast %get3A_33 : vector<1x128xf32> to vector<1280x128xf32>
    %add3A_35 = arith.addf %mul3A_30, %add3A_34 : vector<1280x128xf32>
    %max3A = arith.constant 0.000000e+00 : f32
    %max3A_36 = vector.broadcast %max3A : f32 to vector<1280x128xf32>
    %max3A_37 = arith.maximumf %add3A_35, %max3A_36 : vector<1280x128xf32>
    %get3A_38 = arith.constant 0 : index
    %get3A_39 = arith.constant 0 : index
    %get3A_40 = vector.load %arg6[%get3A_38, %get3A_39] : memref<1280x128xf32, #tpu.memory_space<vmem>>, vector<1280x128xf32>
    %add3A_41 = arith.addf %max3A_37, %get3A_40 : vector<1280x128xf32>
    %get3A_42 = arith.constant 0 : index
    %get3A_43 = arith.constant 0 : index
    %get3A_44 = vector.load %arg8[%get3A_42, %get3A_43] : memref<128x128xf32, #tpu.memory_space<vmem>>, vector<128x128xf32>
    %dot_general3A = arith.constant dense<0.000000e+00> : vector<1280x128xf32>
    %dot_general3A_45 = tpu.matmul %add3A_41, %get3A_44, %dot_general3A {dimension_numbers = #tpu.dot_dimension_numbers<[1], [0], [0], [1], [0, 0, 1, 1], [], []>, precision = #tpu.contract_precision<fp32>, transpose_lhs_hint = false} : vector<1280x128xf32>, vector<128x128xf32>, vector<1280x128xf32> -> vector<1280x128xf32>
    %mul3A_46 = vector.broadcast %get3A_1 : vector<1280x1xf32> to vector<1280x128xf32>
    %mul3A_47 = arith.mulf %dot_general3A_45, %mul3A_46 : vector<1280x128xf32>
    %slice3A = vector.extract_strided_slice %mul3A_47 {offsets = [0, 0], sizes = [1280, 64], strides = [1, 1]} : vector<1280x128xf32> to vector<1280x64xf32>
    %swap3A = arith.constant 0 : index
    %swap3A_48 = arith.constant 0 : index
    %swap3A_49 = vector.load %arg9[%swap3A, %swap3A_48] : memref<1280x64xf32, #tpu.memory_space<vmem>>, vector<1280x64xf32>
    tpu.vector_store %arg9[%swap3A, %swap3A_48], %slice3A {strides = array<i32>} : memref<1280x64xf32, #tpu.memory_space<vmem>>, vector<1280x64xf32>,
    %slice3A_50 = vector.extract_strided_slice %mul3A_47 {offsets = [0, 64], sizes = [1280, 64], strides = [1, 1]} : vector<1280x128xf32> to vector<1280x64xf32>
    %swap3A_51 = arith.constant 0 : index
    %swap3A_52 = arith.constant 0 : index
    %swap3A_53 = vector.load %arg10[%swap3A_51, %swap3A_52] : memref<1280x64xf32, #tpu.memory_space<vmem>>, vector<1280x64xf32>
    tpu.vector_store %arg10[%swap3A_51, %swap3A_52], %slice3A_50 {strides = array<i32>} : memref<1280x64xf32, #tpu.memory_space<vmem>>, vector<1280x64xf32>,
    return
  }
  func.func @transform_0(%arg0: i32) -> (i32, i32, i32) {
    %c0_i32 = arith.constant 0 : i32
    %c0_i32_0 = arith.constant 0 : i32
    %c0_i32_1 = arith.constant 0 : i32
    return %c0_i32, %arg0, %c0_i32_0 : i32, i32, i32
  }
  func.func @transform_1(%arg0: i32) -> (i32, i32, i32) {
    %c0_i32 = arith.constant 0 : i32
    %c0_i32_0 = arith.constant 0 : i32
    %c0_i32_1 = arith.constant 0 : i32
    return %c0_i32, %arg0, %c0_i32_0 : i32, i32, i32
  }
  func.func @transform_2(%arg0: i32) -> (i32, i32) {
    %c0_i32 = arith.constant 0 : i32
    %c0_i32_0 = arith.constant 0 : i32
    return %arg0, %c0_i32 : i32, i32
  }
  func.func @transform_3(%arg0: i32) -> (i32, i32) {
    %c0_i32 = arith.constant 0 : i32
    %c0_i32_0 = arith.constant 0 : i32
    return %arg0, %c0_i32 : i32, i32
  }
  func.func @transform_4(%arg0: i32) -> (i32, i32) {
    %c0_i32 = arith.constant 0 : i32
    %c0_i32_0 = arith.constant 0 : i32
    return %arg0, %c0_i32 : i32, i32
  }
  func.func @transform_5(%arg0: i32) -> (i32, i32) {
    %c0_i32 = arith.constant 0 : i32
    %c0_i32_0 = arith.constant 0 : i32
    return %arg0, %c0_i32 : i32, i32
  }
  func.func @transform_6(%arg0: i32) -> (i32, i32) {
    %c0_i32 = arith.constant 0 : i32
    %c0_i32_0 = arith.constant 0 : i32
    %c0_i32_1 = arith.constant 0 : i32
    return %c0_i32, %c0_i32_0 : i32, i32
  }
  func.func @transform_7(%arg0: i32) -> (i32, i32) {
    %c0_i32 = arith.constant 0 : i32
    %c0_i32_0 = arith.constant 0 : i32
    %c0_i32_1 = arith.constant 0 : i32
    return %c0_i32, %c0_i32_0 : i32, i32
  }
  func.func @transform_8(%arg0: i32) -> (i32, i32) {
    %c0_i32 = arith.constant 0 : i32
    %c0_i32_0 = arith.constant 0 : i32
    return %arg0, %c0_i32 : i32, i32
  }
  func.func @transform_9(%arg0: i32) -> (i32, i32) {
    %c0_i32 = arith.constant 0 : i32
    %c0_i32_0 = arith.constant 0 : i32
    return %arg0, %c0_i32 : i32, i32
  }
}

module attributes {stable_mosaic.version = 14 : i64} {
  func.func @_tc_final_body(%arg0: i32, %arg1: memref<2x1280x64xf32, #tpu.memory_space<vmem>>, %arg2: memref<2x1280x64xf32, #tpu.memory_space<vmem>>, %arg3: memref<1280x64xf32, #tpu.memory_space<vmem>>, %arg4: memref<1280x64xf32, #tpu.memory_space<vmem>>, %arg5: memref<1280x16xf32, #tpu.memory_space<vmem>>, %arg6: memref<1x128xf32, #tpu.memory_space<vmem>>, %arg7: memref<1280x128xf32, #tpu.memory_space<vmem>>) attributes {dimension_semantics = [#tpu.dimension_semantics<arbitrary>], iteration_bounds = array<i64: 8>, scalar_prefetch = 0 : i64, scratch_operands = 0 : i64, tpu.core_type = #tpu.core_type<tc>, window_params = [{transform_indices = @transform_0, window_bounds = array<i64: 2, 1280, 64>}, {transform_indices = @transform_1, window_bounds = array<i64: 2, 1280, 64>}, {transform_indices = @transform_2, window_bounds = array<i64: 1280, 64>}, {transform_indices = @transform_3, window_bounds = array<i64: 1280, 64>}, {transform_indices = @transform_4, window_bounds = array<i64: 1280, 16>}, {pipeline_mode = #tpu.pipeline_mode<synchronous>, transform_indices = @transform_5, window_bounds = array<i64: 1, 128>}, {transform_indices = @transform_6, window_bounds = array<i64: 1280, 128>}]} {
    %get3A = arith.constant 0 : index
    %get3A_0 = arith.constant 0 : index
    %get3A_1 = vector.load %arg5[%get3A, %get3A_0] : memref<1280x16xf32, #tpu.memory_space<vmem>>, vector<1280x1xf32>
    %get3A_2 = arith.constant 0 : index
    %get3A_3 = arith.constant 0 : index
    %get3A_4 = arith.constant 0 : index
    %get3A_5 = vector.load %arg1[%get3A_2, %get3A_3, %get3A_4] : memref<2x1280x64xf32, #tpu.memory_space<vmem>>, vector<1x1280x64xf32>
    %get3A_6 = vector.shape_cast %get3A_5 : vector<1x1280x64xf32> to vector<1280x64xf32>
    %get3A_7 = arith.constant 1 : index
    %get3A_8 = arith.constant 0 : index
    %get3A_9 = arith.constant 0 : index
    %get3A_10 = vector.load %arg1[%get3A_7, %get3A_8, %get3A_9] : memref<2x1280x64xf32, #tpu.memory_space<vmem>>, vector<1x1280x64xf32>
    %get3A_11 = vector.shape_cast %get3A_10 : vector<1x1280x64xf32> to vector<1280x64xf32>
    %add3A = arith.addf %get3A_6, %get3A_11 : vector<1280x64xf32>
    %get3A_12 = arith.constant 0 : index
    %get3A_13 = arith.constant 0 : index
    %get3A_14 = vector.load %arg3[%get3A_12, %get3A_13] : memref<1280x64xf32, #tpu.memory_space<vmem>>, vector<1280x64xf32>
    %sub3A = arith.subf %add3A, %get3A_14 : vector<1280x64xf32>
    %get3A_15 = arith.constant 0 : index
    %get3A_16 = arith.constant 0 : index
    %get3A_17 = arith.constant 0 : index
    %get3A_18 = vector.load %arg2[%get3A_15, %get3A_16, %get3A_17] : memref<2x1280x64xf32, #tpu.memory_space<vmem>>, vector<1x1280x64xf32>
    %get3A_19 = vector.shape_cast %get3A_18 : vector<1x1280x64xf32> to vector<1280x64xf32>
    %get3A_20 = arith.constant 1 : index
    %get3A_21 = arith.constant 0 : index
    %get3A_22 = arith.constant 0 : index
    %get3A_23 = vector.load %arg2[%get3A_20, %get3A_21, %get3A_22] : memref<2x1280x64xf32, #tpu.memory_space<vmem>>, vector<1x1280x64xf32>
    %get3A_24 = vector.shape_cast %get3A_23 : vector<1x1280x64xf32> to vector<1280x64xf32>
    %add3A_25 = arith.addf %get3A_19, %get3A_24 : vector<1280x64xf32>
    %get3A_26 = arith.constant 0 : index
    %get3A_27 = arith.constant 0 : index
    %get3A_28 = vector.load %arg4[%get3A_26, %get3A_27] : memref<1280x64xf32, #tpu.memory_space<vmem>>, vector<1280x64xf32>
    %sub3A_29 = arith.subf %add3A_25, %get3A_28 : vector<1280x64xf32>
    %concatenate3A = tpu.concatenate %sub3A, %sub3A_29 in 1 : vector<1280x64xf32>, vector<1280x64xf32> -> vector<1280x128xf32>
    %mul3A = vector.broadcast %get3A_1 : vector<1280x1xf32> to vector<1280x128xf32>
    %mul3A_30 = arith.mulf %mul3A, %concatenate3A : vector<1280x128xf32>
    %get3A_31 = arith.constant 0 : index
    %get3A_32 = arith.constant 0 : index
    %get3A_33 = vector.load %arg6[%get3A_31, %get3A_32] : memref<1x128xf32, #tpu.memory_space<vmem>>, vector<1x128xf32>
    %add3A_34 = vector.broadcast %get3A_33 : vector<1x128xf32> to vector<1280x128xf32>
    %add3A_35 = arith.addf %mul3A_30, %add3A_34 : vector<1280x128xf32>
    %max3A = arith.constant 0.000000e+00 : f32
    %max3A_36 = vector.broadcast %max3A : f32 to vector<1280x128xf32>
    %max3A_37 = arith.maximumf %add3A_35, %max3A_36 : vector<1280x128xf32>
    %swap3A = arith.constant 0 : index
    %swap3A_38 = arith.constant 0 : index
    %swap3A_39 = vector.load %arg7[%swap3A, %swap3A_38] : memref<1280x128xf32, #tpu.memory_space<vmem>>, vector<1280x128xf32>
    tpu.vector_store %arg7[%swap3A, %swap3A_38], %max3A_37 {strides = array<i32>} : memref<1280x128xf32, #tpu.memory_space<vmem>>, vector<1280x128xf32>,
    return
  }
  func.func @transform_0(%arg0: i32) -> (i32, i32, i32) {
    %c0_i32 = arith.constant 0 : i32
    %c0_i32_0 = arith.constant 0 : i32
    %c0_i32_1 = arith.constant 0 : i32
    return %c0_i32, %arg0, %c0_i32_0 : i32, i32, i32
  }
  func.func @transform_1(%arg0: i32) -> (i32, i32, i32) {
    %c0_i32 = arith.constant 0 : i32
    %c0_i32_0 = arith.constant 0 : i32
    %c0_i32_1 = arith.constant 0 : i32
    return %c0_i32, %arg0, %c0_i32_0 : i32, i32, i32
  }
  func.func @transform_2(%arg0: i32) -> (i32, i32) {
    %c0_i32 = arith.constant 0 : i32
    %c0_i32_0 = arith.constant 0 : i32
    return %arg0, %c0_i32 : i32, i32
  }
  func.func @transform_3(%arg0: i32) -> (i32, i32) {
    %c0_i32 = arith.constant 0 : i32
    %c0_i32_0 = arith.constant 0 : i32
    return %arg0, %c0_i32 : i32, i32
  }
  func.func @transform_4(%arg0: i32) -> (i32, i32) {
    %c0_i32 = arith.constant 0 : i32
    %c0_i32_0 = arith.constant 0 : i32
    return %arg0, %c0_i32 : i32, i32
  }
  func.func @transform_5(%arg0: i32) -> (i32, i32) {
    %c0_i32 = arith.constant 0 : i32
    %c0_i32_0 = arith.constant 0 : i32
    %c0_i32_1 = arith.constant 0 : i32
    return %c0_i32, %c0_i32_0 : i32, i32
  }
  func.func @transform_6(%arg0: i32) -> (i32, i32) {
    %c0_i32 = arith.constant 0 : i32
    %c0_i32_0 = arith.constant 0 : i32
    return %arg0, %c0_i32 : i32, i32
  }
}

module attributes {stable_mosaic.version = 14 : i64} {
  func.func @_tc_mid_body(%arg0: i32, %arg1: memref<2x1280x64xf32, #tpu.memory_space<vmem>>, %arg2: memref<2x1280x64xf32, #tpu.memory_space<vmem>>, %arg3: memref<1280x64xf32, #tpu.memory_space<vmem>>, %arg4: memref<1280x64xf32, #tpu.memory_space<vmem>>, %arg5: memref<1280x16xf32, #tpu.memory_space<vmem>>, %arg6: memref<1280x128xf32, #tpu.memory_space<vmem>>, %arg7: memref<1x128xf32, #tpu.memory_space<vmem>>, %arg8: memref<128x128xf32, #tpu.memory_space<vmem>>, %arg9: memref<1280x64xf32, #tpu.memory_space<vmem>>, %arg10: memref<1280x64xf32, #tpu.memory_space<vmem>>) attributes {dimension_semantics = [#tpu.dimension_semantics<arbitrary>], iteration_bounds = array<i64: 8>, scalar_prefetch = 0 : i64, scratch_operands = 0 : i64, tpu.core_type = #tpu.core_type<tc>, window_params = [{transform_indices = @transform_0, window_bounds = array<i64: 2, 1280, 64>}, {transform_indices = @transform_1, window_bounds = array<i64: 2, 1280, 64>}, {transform_indices = @transform_2, window_bounds = array<i64: 1280, 64>}, {transform_indices = @transform_3, window_bounds = array<i64: 1280, 64>}, {transform_indices = @transform_4, window_bounds = array<i64: 1280, 16>}, {transform_indices = @transform_5, window_bounds = array<i64: 1280, 128>}, {pipeline_mode = #tpu.pipeline_mode<synchronous>, transform_indices = @transform_6, window_bounds = array<i64: 1, 128>}, {pipeline_mode = #tpu.pipeline_mode<synchronous>, transform_indices = @transform_7, window_bounds = array<i64: 128, 128>}, {transform_indices = @transform_8, window_bounds = array<i64: 1280, 64>}, {transform_indices = @transform_9, window_bounds = array<i64: 1280, 64>}]} {
    %get3A = arith.constant 0 : index
    %get3A_0 = arith.constant 0 : index
    %get3A_1 = vector.load %arg5[%get3A, %get3A_0] : memref<1280x16xf32, #tpu.memory_space<vmem>>, vector<1280x1xf32>
    %get3A_2 = arith.constant 0 : index
    %get3A_3 = arith.constant 0 : index
    %get3A_4 = arith.constant 0 : index
    %get3A_5 = vector.load %arg1[%get3A_2, %get3A_3, %get3A_4] : memref<2x1280x64xf32, #tpu.memory_space<vmem>>, vector<1x1280x64xf32>
    %get3A_6 = vector.shape_cast %get3A_5 : vector<1x1280x64xf32> to vector<1280x64xf32>
    %get3A_7 = arith.constant 1 : index
    %get3A_8 = arith.constant 0 : index
    %get3A_9 = arith.constant 0 : index
    %get3A_10 = vector.load %arg1[%get3A_7, %get3A_8, %get3A_9] : memref<2x1280x64xf32, #tpu.memory_space<vmem>>, vector<1x1280x64xf32>
    %get3A_11 = vector.shape_cast %get3A_10 : vector<1x1280x64xf32> to vector<1280x64xf32>
    %add3A = arith.addf %get3A_6, %get3A_11 : vector<1280x64xf32>
    %get3A_12 = arith.constant 0 : index
    %get3A_13 = arith.constant 0 : index
    %get3A_14 = vector.load %arg3[%get3A_12, %get3A_13] : memref<1280x64xf32, #tpu.memory_space<vmem>>, vector<1280x64xf32>
    %sub3A = arith.subf %add3A, %get3A_14 : vector<1280x64xf32>
    %get3A_15 = arith.constant 0 : index
    %get3A_16 = arith.constant 0 : index
    %get3A_17 = arith.constant 0 : index
    %get3A_18 = vector.load %arg2[%get3A_15, %get3A_16, %get3A_17] : memref<2x1280x64xf32, #tpu.memory_space<vmem>>, vector<1x1280x64xf32>
    %get3A_19 = vector.shape_cast %get3A_18 : vector<1x1280x64xf32> to vector<1280x64xf32>
    %get3A_20 = arith.constant 1 : index
    %get3A_21 = arith.constant 0 : index
    %get3A_22 = arith.constant 0 : index
    %get3A_23 = vector.load %arg2[%get3A_20, %get3A_21, %get3A_22] : memref<2x1280x64xf32, #tpu.memory_space<vmem>>, vector<1x1280x64xf32>
    %get3A_24 = vector.shape_cast %get3A_23 : vector<1x1280x64xf32> to vector<1280x64xf32>
    %add3A_25 = arith.addf %get3A_19, %get3A_24 : vector<1280x64xf32>
    %get3A_26 = arith.constant 0 : index
    %get3A_27 = arith.constant 0 : index
    %get3A_28 = vector.load %arg4[%get3A_26, %get3A_27] : memref<1280x64xf32, #tpu.memory_space<vmem>>, vector<1280x64xf32>
    %sub3A_29 = arith.subf %add3A_25, %get3A_28 : vector<1280x64xf32>
    %concatenate3A = tpu.concatenate %sub3A, %sub3A_29 in 1 : vector<1280x64xf32>, vector<1280x64xf32> -> vector<1280x128xf32>
    %mul3A = vector.broadcast %get3A_1 : vector<1280x1xf32> to vector<1280x128xf32>
    %mul3A_30 = arith.mulf %mul3A, %concatenate3A : vector<1280x128xf32>
    %get3A_31 = arith.constant 0 : index
    %get3A_32 = arith.constant 0 : index
    %get3A_33 = vector.load %arg7[%get3A_31, %get3A_32] : memref<1x128xf32, #tpu.memory_space<vmem>>, vector<1x128xf32>
    %add3A_34 = vector.broadcast %get3A_33 : vector<1x128xf32> to vector<1280x128xf32>
    %add3A_35 = arith.addf %mul3A_30, %add3A_34 : vector<1280x128xf32>
    %max3A = arith.constant 0.000000e+00 : f32
    %max3A_36 = vector.broadcast %max3A : f32 to vector<1280x128xf32>
    %max3A_37 = arith.maximumf %add3A_35, %max3A_36 : vector<1280x128xf32>
    %get3A_38 = arith.constant 0 : index
    %get3A_39 = arith.constant 0 : index
    %get3A_40 = vector.load %arg8[%get3A_38, %get3A_39] : memref<128x128xf32, #tpu.memory_space<vmem>>, vector<128x128xf32>
    %dot_general3A = arith.constant dense<0.000000e+00> : vector<1280x128xf32>
    %dot_general3A_41 = tpu.matmul %max3A_37, %get3A_40, %dot_general3A {dimension_numbers = #tpu.dot_dimension_numbers<[1], [0], [0], [1], [0, 0, 1, 1], [], []>, precision = #tpu.contract_precision<fp32>, transpose_lhs_hint = false} : vector<1280x128xf32>, vector<128x128xf32>, vector<1280x128xf32> -> vector<1280x128xf32>
    %mul3A_42 = vector.broadcast %get3A_1 : vector<1280x1xf32> to vector<1280x128xf32>
    %mul3A_43 = arith.mulf %dot_general3A_41, %mul3A_42 : vector<1280x128xf32>
    %slice3A = vector.extract_strided_slice %mul3A_43 {offsets = [0, 0], sizes = [1280, 64], strides = [1, 1]} : vector<1280x128xf32> to vector<1280x64xf32>
    %swap3A = arith.constant 0 : index
    %swap3A_44 = arith.constant 0 : index
    %swap3A_45 = vector.load %arg9[%swap3A, %swap3A_44] : memref<1280x64xf32, #tpu.memory_space<vmem>>, vector<1280x64xf32>
    tpu.vector_store %arg9[%swap3A, %swap3A_44], %slice3A {strides = array<i32>} : memref<1280x64xf32, #tpu.memory_space<vmem>>, vector<1280x64xf32>,
    %slice3A_46 = vector.extract_strided_slice %mul3A_43 {offsets = [0, 64], sizes = [1280, 64], strides = [1, 1]} : vector<1280x128xf32> to vector<1280x64xf32>
    %swap3A_47 = arith.constant 0 : index
    %swap3A_48 = arith.constant 0 : index
    %swap3A_49 = vector.load %arg10[%swap3A_47, %swap3A_48] : memref<1280x64xf32, #tpu.memory_space<vmem>>, vector<1280x64xf32>
    tpu.vector_store %arg10[%swap3A_47, %swap3A_48], %slice3A_46 {strides = array<i32>} : memref<1280x64xf32, #tpu.memory_space<vmem>>, vector<1280x64xf32>,
    return
  }
  func.func @transform_0(%arg0: i32) -> (i32, i32, i32) {
    %c0_i32 = arith.constant 0 : i32
    %c0_i32_0 = arith.constant 0 : i32
    %c0_i32_1 = arith.constant 0 : i32
    return %c0_i32, %arg0, %c0_i32_0 : i32, i32, i32
  }
  func.func @transform_1(%arg0: i32) -> (i32, i32, i32) {
    %c0_i32 = arith.constant 0 : i32
    %c0_i32_0 = arith.constant 0 : i32
    %c0_i32_1 = arith.constant 0 : i32
    return %c0_i32, %arg0, %c0_i32_0 : i32, i32, i32
  }
  func.func @transform_2(%arg0: i32) -> (i32, i32) {
    %c0_i32 = arith.constant 0 : i32
    %c0_i32_0 = arith.constant 0 : i32
    return %arg0, %c0_i32 : i32, i32
  }
  func.func @transform_3(%arg0: i32) -> (i32, i32) {
    %c0_i32 = arith.constant 0 : i32
    %c0_i32_0 = arith.constant 0 : i32
    return %arg0, %c0_i32 : i32, i32
  }
  func.func @transform_4(%arg0: i32) -> (i32, i32) {
    %c0_i32 = arith.constant 0 : i32
    %c0_i32_0 = arith.constant 0 : i32
    return %arg0, %c0_i32 : i32, i32
  }
  func.func @transform_5(%arg0: i32) -> (i32, i32) {
    %c0_i32 = arith.constant 0 : i32
    %c0_i32_0 = arith.constant 0 : i32
    return %arg0, %c0_i32 : i32, i32
  }
  func.func @transform_6(%arg0: i32) -> (i32, i32) {
    %c0_i32 = arith.constant 0 : i32
    %c0_i32_0 = arith.constant 0 : i32
    %c0_i32_1 = arith.constant 0 : i32
    return %c0_i32, %c0_i32_0 : i32, i32
  }
  func.func @transform_7(%arg0: i32) -> (i32, i32) {
    %c0_i32 = arith.constant 0 : i32
    %c0_i32_0 = arith.constant 0 : i32
    %c0_i32_1 = arith.constant 0 : i32
    return %c0_i32, %c0_i32_0 : i32, i32
  }
  func.func @transform_8(%arg0: i32) -> (i32, i32) {
    %c0_i32 = arith.constant 0 : i32
    %c0_i32_0 = arith.constant 0 : i32
    return %arg0, %c0_i32 : i32, i32
  }
  func.func @transform_9(%arg0: i32) -> (i32, i32) {
    %c0_i32 = arith.constant 0 : i32
    %c0_i32_0 = arith.constant 0 : i32
    return %arg0, %c0_i32 : i32, i32
  }
}

</mosaic_0001>

<sc_bundles>
// kernel: kernel.11.cloned.1.call-start
scs
__scs_entry_jumppad:
0x0: {  	(pc) =	sbr.rel $0x88, $3  }
0x1: {  	(tag) =	ssettag $0x0;
	lr =	simm.s32 $0x1  }
0x2: {  	[smem:$0x3F97] =	sst lr;
	_ =	strace $0xD0000000  }
0x3: {  	_ = 	snop  }
0x4: {  	_ = 	snop  }
0x5: {  	_ = 	snop  }
0x6: {  	_ = 	snop  }
0x7: {  	_ = 	snop  }
__scs_overlays_trampoline_lowered:
0x8: {  	[smem:$0x3FA6] =	sst s0  }
0x9: {  	[smem:$0x3FA7] =	sst s1  }
0xa: {  	[smem:$0x3FA8] =	sst s2  }
0xb: {  	[smem:$0x3FA9] =	sst s3  }
0xc: {  	[smem:$0x3FAA] =	sst s4  }
0xd: {  	[smem:$0x3FAB] =	sst s5  }
0xe: {  	[smem:$0x3FAC] =	sst s6  }
0xf: {  	[smem:$0x3FAD] =	sst s7  }
0x10: {  	[smem:$0x3FAE] =	sst s8  }
0x11: {  	[smem:$0x3FAF] =	sst s9;
	s0 =	simm.s32 @!p0 $0x0  }
0x12: {  	s1 =	sld [smem:$0x3F95];
	s0 =	simm.s32 @p0 $0x1  }
0x13: {  	[smem:$0x3FB0] =	sst s0;
	s0 =	simm.s32 @!p1 $0x0  }
0x14: {  	s2 =	sld [smem:$0x3F94];
	s0 =	simm.s32 @p1 $0x1  }
0x15: {  	[smem:$0x3FB1] =	sst s0;
	s0 =	simm.s32 @!p2 $0x0  }
0x16: {  	s3 =	sld [smem:$0x3FDB];
	s0 =	simm.s32 @p2 $0x1  }
0x17: {  	s4 =	simm.s32 $0x1BF5;
	[smem:$0x3FB3] =	sst s0  }
0x18: {  	s0 =	sld [smem:$0x3F96];
	_ =	swait.ge [sflag:s4], $0x0  }
0x19: {  	s7 =	sld [smem:$0x3F97]  }
0x1a: {  	s8 =	sadd.s32 $0xFFFFE003, lr  }
0x1b: {  	s9 =	sadd.s32 $0xFFFFFEF7, lr;
	s5 =	simm.s32 $0xFFFFFFFF;
	p2 =	slt.u32 s8, $0xFFFFF086  }
0x1c: {  	p1 =	slt.u32 s9, $0xF7A;
	s5 =	simm.s32 @!p2 $0x0  }
0x1d: {  	s5 =	simm.s32 @p1 $0x1;
	p0 =	seq.s32 s7, s2  }
0x1e: {  	s7 =	smul.u32 @!p0 $0xF7A, s2;
	p2 =	seq.s32 @!p0 s5, $0x0  }
0x1f: {  	s9 =	smul.u32 $0xF7A, s1;
	s8 =	simm.s32 @!p0 $0x1BF5;
	p2 =	por !p2, p0  }
0x20: {  	[sflag:s8] =	ssyncset.s32 @!p0 $0xFFFFF086;
	s6 =	sadd.s32 @!p0 s3, s7;
	s7 =	simm.s32 @!p0 $0x108  }
0x21: {  	s3 =	sadd.s32 s3, s9;
	s6 =	sadd.s32 @!p0 $0x88, s6;
	s7 =	simm.s32 @p2 $0x1082  }
0x22: {  	[simem:s7], [sflag:s8] =	dma.local @!p0 [hbm:s6], $0xF7A  }
0x23: {  	s9 =	sor.u32 $0xD0000000, s2;
	s6 =	simm.s32 $0x108;
	_ =	swait.ge @!p0 [sflag:s8], $0x0  }
0x24: {  	s3 =	sadd.s32 $0x88, s3;
	s6 =	simm.s32 @!p1 $0x1082;
	[sflag:s4] =	ssyncset.s32 $0xFFFFF086  }
0x25: {  	[simem:s6], [sflag:s4] =	dma.local [hbm:s3], $0xF7A  }
0x26: {  	[smem:$0x3F97] =	sst s1;
	(tag) =	ssettag s2;
	_ =	strace s9  }
0x27: {  	s1 =	sld [smem:$0x3FA7]  }
0x28: {  	s2 =	sld [smem:$0x3FA8]  }
0x29: {  	s4 =	sld [smem:$0x3FAA]  }
0x2a: {  	p0 =	seq.s32 s5, $0x0;
	s5 =	sld [smem:$0x3FAB]  }
0x2b: {  	s6 =	sld [smem:$0x3FAC]  }
0x2c: {  	s7 =	sld [smem:$0x3FAD]  }
0x2d: {  	s3 =	simm.s32 $0x108;
	s8 =	sld [smem:$0x3FAE]  }
0x2e: {  	s3 =	simm.s32 @!p0 $0x1082;
	s9 =	sld [smem:$0x3FAF]  }
0x2f: {  	lr =	sadd.s32 s0, s3;
	s0 =	sld [smem:$0x3FA6]  }
0x30: {  	s3 =	sld [smem:$0x3FA9]  }
0x31: {  	[smem:$0x3FB2] =	sst s10  }
0x32: {  	s10 =	sld [smem:$0x3FB0];
	_ =	sdelay $0x3  }
0x33: {  	p0 =	seq.s32 s10, $0x1;
	s10 =	sld [smem:$0x3FB2];
	_ =	sdelay $0x3  }
0x34: {  	[smem:$0x3FB2] =	sst s10  }
0x35: {  	s10 =	sld [smem:$0x3FB1];
	_ =	sdelay $0x3  }
0x36: {  	p1 =	seq.s32 s10, $0x1;
	s10 =	sld [smem:$0x3FB2];
	_ =	sdelay $0x3  }
0x37: {  	[smem:$0x3FB2] =	sst s10  }
0x38: {  	s10 =	sld [smem:$0x3FB3]  }
0x39: {  	_ = 	snop;
	(pc) =	sbr.ind lr, $3  }
0x3a: {  	_ = 	snop  }
0x3b: {  	_ = 	snop  }
0x3c: {  	p2 =	seq.s32 s10, $0x1;
	s10 =	sld [smem:$0x3FB2]  }
0x3d: {  	_ =	shalt  }
0x3e: {  	_ =	shalt  }
0x3f: {  	_ =	shalt  }
0x40: {  	_ =	shalt  }
0x41: {  	_ =	shalt  }
0x42: {  	_ =	shalt  }
0x43: {  	_ =	shalt  }
0x44: {  	_ =	shalt  }
0x45: {  	_ =	shalt  }
0x46: {  	_ =	shalt  }
0x47: {  	_ =	shalt  }
0x48: {  	_ =	shalt  }
0x49: {  	_ =	shalt  }
0x4a: {  	_ =	shalt  }
0x4b: {  	_ =	shalt  }
0x4c: {  	_ =	shalt  }
0x4d: {  	_ =	shalt  }
0x4e: {  	_ =	shalt  }
0x4f: {  	_ =	shalt  }
0x50: {  	_ =	shalt  }
0x51: {  	_ =	shalt  }
0x52: {  	_ =	shalt  }
0x53: {  	_ =	shalt  }
0x54: {  	_ =	shalt  }
0x55: {  	_ =	shalt  }
0x56: {  	_ =	shalt  }
0x57: {  	_ =	shalt  }
0x58: {  	_ =	shalt  }
0x59: {  	_ =	shalt  }
0x5a: {  	_ =	shalt  }
0x5b: {  	_ =	shalt  }
0x5c: {  	_ =	shalt  }
0x5d: {  	_ =	shalt  }
0x5e: {  	_ =	shalt  }
0x5f: {  	_ =	shalt  }
0x60: {  	_ =	shalt  }
0x61: {  	_ =	shalt  }
0x62: {  	_ =	shalt  }
0x63: {  	_ =	shalt  }
0x64: {  	_ =	shalt  }
0x65: {  	_ =	shalt  }
0x66: {  	_ =	shalt  }
0x67: {  	_ =	shalt  }
0x68: {  	_ =	shalt  }
0x69: {  	_ =	shalt  }
0x6a: {  	_ =	shalt  }
0x6b: {  	_ =	shalt  }
0x6c: {  	_ =	shalt  }
0x6d: {  	_ =	shalt  }
0x6e: {  	_ =	shalt  }
0x6f: {  	_ =	shalt  }
0x70: {  	_ =	shalt  }
0x71: {  	_ =	shalt  }
0x72: {  	_ =	shalt  }
0x73: {  	_ =	shalt  }
0x74: {  	_ =	shalt  }
0x75: {  	_ =	shalt  }
0x76: {  	_ =	shalt  }
0x77: {  	_ =	shalt  }
0x78: {  	_ =	shalt  }
0x79: {  	_ =	shalt  }
0x7a: {  	_ =	shalt  }
0x7b: {  	_ =	shalt  }
0x7c: {  	_ =	shalt  }
0x7d: {  	_ =	shalt  }
0x7e: {  	_ =	shalt  }
0x7f: {  	_ =	shalt  }
0x80: {  	_ =	shalt  }
0x81: {  	_ =	shalt  }
0x82: {  	_ =	shalt  }
0x83: {  	_ =	shalt  }
0x84: {  	_ =	shalt  }
0x85: {  	_ =	shalt  }
0x86: {  	_ =	shalt  }
0x87: {  	_ =	shalt  }
.Lfunc_end0:
.L_simem_size_0:
called_computation_lowered:
.L_overlay_start_0:
0x88: {  	s2 =	sld [smem:$0x3FD9]  }
0x89: {  	s3 =	sld [smem:$0x3FFE];
	_ =	sdelay $0x1  }
0x8a: {  	s1 =	srdreg.scid  }
0x8b: {  	s0 =	sand.u32 $0x1, s1  }
0x8c: {  	s17 =	sshll.u32 s0, $0xA;
	s2 =	sadd.s32 s3, s2  }
0x8d: {  	s2 =	sadd.s32 s2, s17  }
0x8e: {  	[smem:$0x3FBE] =	sst s2  }
0x8f: {  	_ = 	snop  }
0x90: {  	s2 =	sld [smem:$0x3FD0];
	(tm) =	ssettm $0x1  }
0x91: {  	s18 =	sld [smem:$0x3FFB];
	_ =	sdelay $0x3  }
0x92: {  	_ =	strace s18  }
0x93: {  	s3 =	sld [smem:$0x3FFC];
	_ =	sdelay $0x3  }
0x94: {  	_ =	strace s3  }
0x95: {  	s3 =	sld [smem:$0x3FFD];
	_ =	sdelay $0x3  }
0x96: {  	_ =	strace s3  }
0x97: {  	_ =	strace $0x8FFFFFFF  }
0x98: {  	s19 =	sld [smem:$0x3FDB];
	_ =	sdelay $0x1  }
0x99: {  	s4 =	simm.s32 $_scs_section_size  }
0x9a: {  	s5 =	simm.s32 $_size__tile_overlayer_lowered;
	s6 =	simm.s32 $_tile_overlayer_lowered  }
0x9b: {  	s22 =	simm.s32 $0x1BFF;
	s21 =	sshll.u32 s6, $0x1;
	s3 =	sadd.s32 s4, s19  }
0x9c: {  	s7 =	simm.s32 $0x0;
	s20 =	sshll.u32 s5, $0x1;
	s5 =	sadd.s32 s21, s3  }
0x9d: {  	[timem:s7], [sflag:s22] =	dma.local [hbm:s5], s20  }
0x9e: {  	_ =	swait.ge [sflag:s22], s20  }
0x9f: {  	s4 =	ssub.s32 $0x0, s20;
	[sflag:s22] =	ssyncset.done $0x0  }
0xa0: {  	[sflag:s22] =	ssyncadd.s32 s4;
	_ =	sdelay $0x1  }
0xa1: {  	s23 =	simm.s32 $0x1B8B  }
0xa2: {  	_ =	swait.ge [sflag:s23], $0x1  }
0xa3: {  	[sflag:s23] =	ssyncset.done $0x0  }
0xa4: {  	s25 =	simm.s32 $0x1B8E;
	s24 =	sld [smem:$0x3FFE];
	[sflag:s23] =	ssyncadd.s32 $0xFFFFFFFF  }
0xa5: {  	s26 =	simm.s32 $execute0_lowered;
	[smem:$0x3FD2] =	sst s25  }
0xa6: {  	s5 =	sshll.u32 s26, $0x1;
	_ =	strace $0x80000046;
	[dreg:$0x1] =	wrdreg $0xFFFFFFFF  }
0xa7: {  	s28 =	simm.s32 $_size_execute0_lowered;
	s3 =	sadd.s32 s3, s5;
	[dreg:$0x0] =	wrdreg $0x0  }
0xa8: {  	s5 =	sshll.u32 s28, $0x1;
	[dreg:$0x2] =	wrdreg s3  }
0xa9: {  	[dreg:$0x3] =	wrdreg s5  }
0xaa: {  	[dreg:$0x4] =	wrdreg $0xC0  }
0xab: {  	_ =	task [dreg:s7], $0x5FFFF  }
0xac: {  	[dreg:$0x1] =	wrdreg $0xFFFFFFFF  }
0xad: {  	[dreg:$0x0] =	wrdreg $0x60  }
0xae: {  	[dreg:$0x2] =	wrdreg s24  }
0xaf: {  	[dreg:$0x3] =	wrdreg s2  }
0xb0: {  	[dreg:$0x4] =	wrdreg $0x30000  }
0xb1: {  	[dreg:$0x5] =	wrdreg $0x9  }
0xb2: {  	_ =	task.clear_ibuf [dreg:s7], $0x6FFFF;
	_ =	strace $0x90000046  }
0xb3: {  	s29 =	simm.s32 $0x9;
	_ =	strace $0x80000048  }
0xb4: {  	_ =	swait.ge [sflag:s29], $0x1  }
0xb5: {  	[sflag:s29] =	ssyncadd.s32 $0xFFFFFFFF  }
0xb6: {  	_ =	strace $0x90000048  }
0xb7: {  	_ =	sfence  }
0xb8: {  	s30 =	sld [smem:$0x0];
	_ =	sdelay $0x2  }
0xb9: {  	s31 =	sshll.u32 s1, $0xD;
	s1 =	sshrl.u32 s1, $0x2  }
0xba: {  	s3 =	sand.u32 $0x4000, s31;
	s1 =	sadd.s32 s1, s30  }
0xbb: {  	s0 =	sor.u32 s3, s0;
	s1 =	sshll.u32 s1, $0x11  }
0xbc: {  	s0 =	sor.u32 s1, s0  }
0xbd: {  	s0 =	sadd.s32 $0x8F2B, s0  }
0xbe: {  	[sflag:s0] =	ssyncadd.remote.s32 $0x1  }
0xbf: {  	_ =	sfence.sel $0xFFFF  }
0xc0: {  	[dreg:$0x0] =	wrdreg $0xFFFFFFFF;
	(pc) =	sbr.abs _section_cstart, $3  }
0xc1: {  	[dreg:$0x1] =	wrdreg $0xFFFFFFFF  }
0xc2: {  	_ =	task.clear_ibuf [dreg:s7], $0x2FFFF;
	_ =	strace $0x9FFFFFFF  }
0xc3: {  	(tm) =	ssettm $0x7FFFFFFF  }
tec
execute0_lowered:
.L_overlay_start_1:
0x0: {  	(tag) =	ssettag $0x1  }
0x1: {  	s5 =	rddreg [dreg:$0x0]  }
0x2: {  	s8 =	rddreg [dreg:$0x1]  }
0x3: {  	s2 =	rddreg [dreg:$0x2];
	s3 =	srdreg.scid  }
0x4: {  	s0 =	rddreg [dreg:$0x3];
	s1 =	stileid.u32  }
0x5: {  	s13 =	simm.s32 $0x80;
	s14 =	simm.s32 $0x0;
	s4 =	sand.u32 $0x1, s3  }
0x6: {  	s3 =	simm.s32 $0x0;
	s6 =	smul.u32 $0x2800, s1;
	s31 =	sshll.u32 s1, $0x6  }
0x7: {  	s7 =	sshll.u32 s4, $0x4;
	[smem:$0x7FF] =	sst s3;
	s10 =	ssub.s32 $0x2, s4  }
0x8: {  	s11 =	smul.u32 $0x28000, s4;
	s4 =	sadd.s32 $0x19C00, s5;
	s7 =	sor.u32 s1, s7  }
0x9: {  	_ =	strace $0x80000047;
	s9 =	sshrl.u32 s6, $0x3;
	s30 =	sshrl.u32 s10, $0x1  }
0xa: {  	s12 =	sadd.s32 s6, s2;
	s7 =	smul.u32 $0x500, s7;
	s6 =	sadd.s32 s6, s11  }
0xb: {  	s9 =	sadd.s32 s9, s5;
	s10 =	ssub.s32 s10, s30;
	s11 =	sshrl.u32 s6, $0x3  }
0xc: {  	s6 =	sor.u32 $0x1C01, s31;
	s7 =	sadd.s32 s7, s5;
	s5 =	sadd.s32 $0x19E00, s9  }
0xd: {  	s8 =	sadd.s32 s8, s11;
	s9 =	smax.u32 s10, $0x1;
	s10 =	sshrl.u32 s12, $0x3  }
0xe: {  	s11 =	simm.s32 $0x1;
	s12 =	simm.s32 $0x2800;
	s7 =	sadd.s32 $0x5C00, s7  }
.LBB2_1:
0xf: {  	[spmem:s10], [sflag:s6] =	dma.local [hbm:s5], $0x500  }
0x10: {  	_ =	swait.ge [sflag:s11], $0x500  }
0x11: {  	[sflag:s11] =	ssyncset.done $0x0  }
0x12: {  	[sflag:s11] =	ssyncadd.s32 $0xFFFFFB00  }
0x13: {  	[tilespmem:s12], [sflag:$0x1] =	stream.linear.gather [hbm4b:s4+s3], $0x800, $0x38;
	[tilespmem:$0x5800] =	vst v63  }
0x14: {  	_ =	swait.ge [sflag:s11], $0x800  }
0x15: {  	[sflag:s11] =	ssyncset.done $0x0  }
0x16: {  	[sflag:s11] =	ssyncadd.s32 $0xFFFFF800  }
0x17: {  	[tilespmem:s3], [sflag:$0x1] =	stream.linear.gather [hbm4b:s7+s3], $0x2800, $0x38;
	[tilespmem:$0x5800] =	vst v63  }
0x18: {  	_ =	swait.ge [sflag:s11], $0x2800  }
0x19: {  	[sflag:s11] =	ssyncset.done $0x0  }
0x1a: {  	[sflag:s11] =	ssyncadd.s32 $0xFFFFD800  }
0x1b: {  	s15 =	simm.s32 $0x0;
	[bflag:$0x0] =	sbarrier.arrive $0xFFFF  }
0x1c: {  	[spmem:s2] =	stream.indirect.scatter.add.f32 [tilespmem:s12], [sflag:$0x1], $0x10, s15, s13, $0xb8;
	[tilespmem:$0x5800] =	vst v63  }
0x1d: {  	_ =	swait.ge [sflag:s11], $0x800  }
0x1e: {  	s15 =	simm.s32 $0x200;
	[sflag:s11] =	ssyncset.done $0x0  }
.LBB2_2:
0x1f: {  	s16 =	sshra.s32 s15, $0x2;
	[sflag:s11] =	ssyncadd.s32 $0xFFFFF800;
	p0 =	sne.s32 s15, $0x9E00  }
0x20: {  	[spmem:s2] =	stream.indirect.scatter.add.f32 [tilespmem:s12], [sflag:$0x1], $0x10, s16, s13, $0xb8;
	[tilespmem:$0x5800] =	vst v63  }
.Ltmp0:
0x21: {  	_ = 	snop;
	(pc) =	sbr.rel @p0 .LBB2_2-.Ltmp0, $4  }
0x22: {  	_ = 	snop  }
0x23: {  	s15 =	sadd.s32 $0x200, s15  }
0x24: {  	_ =	swait.ge [sflag:s11], $0x800  }
0x25: {  	[sflag:s11] =	ssyncset.done $0x0  }
0x26: {  	s14 =	sadd.s32 $0x1, s14  }
0x27: {  	[sflag:s11] =	ssyncadd.s32 $0xFFFFF800;
	p0 =	sne.s32 s14, s9  }
.Ltmp1:
0x28: {  	[bflag:$0x0] =	sbarrier.arrive $0xFFFF;
	(pc) =	sbr.rel @p0 .LBB2_1-.Ltmp1, $4  }
0x29: {  	[hbm:s8], [sflag:s6] =	dma.local [spmem:s10], $0x500  }
0x2a: {  	_ =	swait.ge [sflag:s11], $0x500  }
0x2b: {  	[sflag:s11] =	ssyncset.done $0x0  }
0x2c: {  	[sflag:s11] =	ssyncadd.s32 $0xFFFFFB00  }
0x2d: {  	_ =	sfence.sel $0x180000  }
0x2e: {  	[bflag:$0x0] =	sbarrier.arrive $0xFFFF  }
0x2f: {  	p0 =	sne.s32 s1, $0x0;
	_ =	strace $0x90000047  }
0x30: {  	s0 =	sadd.s32 @!p0 $0x100000, s0;
	[bflag:$0x2] =	sbarrier.arrive $0xFFFF  }
0x31: {  	[sflag:s0] =	ssyncadd.tile.s32 @!p0 $0x1;
	_ =	shalt  }
.Lfunc_end2:
_tile_overlayer_lowered:
.L_overlay_start_2:
0x32: {  	(tag) =	ssettag $0x2  }
0x33: {  	s0 =	rddreg [dreg:$0x0];
	s2 =	stileid.u32  }
0x34: {  	s1 =	rddreg [dreg:$0x1];
	p0 =	sne.s32 s2, $0x0  }
0x35: {  	s3 =	rddreg [dreg:$0x2];
	[bflag:$0x3] =	sbarrier.arrive $0xFFFF;
	s2 =	simm.s32 @!p0 $0x1C01  }
0x36: {  	[timem:s3], [sflag:s2] =	dma.local @!p0 [hbm:s0], s1  }
0x37: {  	s0 =	simm.s32 @!p0 $0x1  }
0x38: {  	_ =	swait.ge @!p0 [sflag:s0], s1  }
0x39: {  	s1 =	ssub.s32 @!p0 $0x0, s1;
	[sflag:s0] =	ssyncset.done @!p0 $0x0  }
0x3a: {  	[sflag:s0] =	ssyncadd.s32 @!p0 s1  }
0x3b: {  	[bflag:$0x3] =	sbarrier.arrive $0xFFFF  }
0x3c: {  	_ =	shalt  }

// kernel: kernel.14.cloned.1.call-start
scs
__scs_entry_jumppad:
0x0: {  	(pc) =	sbr.rel $0x88, $3  }
0x1: {  	(tag) =	ssettag $0x0;
	lr =	simm.s32 $0x1  }
0x2: {  	[smem:$0x3F97] =	sst lr;
	_ =	strace $0xD0000000  }
0x3: {  	_ = 	snop  }
0x4: {  	_ = 	snop  }
0x5: {  	_ = 	snop  }
0x6: {  	_ = 	snop  }
0x7: {  	_ = 	snop  }
__scs_overlays_trampoline_lowered:
0x8: {  	[smem:$0x3FA6] =	sst s0  }
0x9: {  	[smem:$0x3FA7] =	sst s1  }
0xa: {  	[smem:$0x3FA8] =	sst s2  }
0xb: {  	[smem:$0x3FA9] =	sst s3  }
0xc: {  	[smem:$0x3FAA] =	sst s4  }
0xd: {  	[smem:$0x3FAB] =	sst s5  }
0xe: {  	[smem:$0x3FAC] =	sst s6  }
0xf: {  	[smem:$0x3FAD] =	sst s7  }
0x10: {  	[smem:$0x3FAE] =	sst s8  }
0x11: {  	[smem:$0x3FAF] =	sst s9;
	s0 =	simm.s32 @!p0 $0x0  }
0x12: {  	s1 =	sld [smem:$0x3F95];
	s0 =	simm.s32 @p0 $0x1  }
0x13: {  	[smem:$0x3FB0] =	sst s0;
	s0 =	simm.s32 @!p1 $0x0  }
0x14: {  	s2 =	sld [smem:$0x3F94];
	s0 =	simm.s32 @p1 $0x1  }
0x15: {  	[smem:$0x3FB1] =	sst s0;
	s0 =	simm.s32 @!p2 $0x0  }
0x16: {  	s3 =	sld [smem:$0x3FDB];
	s0 =	simm.s32 @p2 $0x1  }
0x17: {  	s4 =	simm.s32 $0x1BF5;
	[smem:$0x3FB3] =	sst s0  }
0x18: {  	s0 =	sld [smem:$0x3F96];
	_ =	swait.ge [sflag:s4], $0x0  }
0x19: {  	s7 =	sld [smem:$0x3F97]  }
0x1a: {  	s8 =	sadd.s32 $0xFFFFE003, lr  }
0x1b: {  	s9 =	sadd.s32 $0xFFFFFEF7, lr;
	s5 =	simm.s32 $0xFFFFFFFF;
	p2 =	slt.u32 s8, $0xFFFFF086  }
0x1c: {  	p1 =	slt.u32 s9, $0xF7A;
	s5 =	simm.s32 @!p2 $0x0  }
0x1d: {  	s5 =	simm.s32 @p1 $0x1;
	p0 =	seq.s32 s7, s2  }
0x1e: {  	s7 =	smul.u32 @!p0 $0xF7A, s2;
	p2 =	seq.s32 @!p0 s5, $0x0  }
0x1f: {  	s9 =	smul.u32 $0xF7A, s1;
	s8 =	simm.s32 @!p0 $0x1BF5;
	p2 =	por !p2, p0  }
0x20: {  	[sflag:s8] =	ssyncset.s32 @!p0 $0xFFFFF086;
	s6 =	sadd.s32 @!p0 s3, s7;
	s7 =	simm.s32 @!p0 $0x108  }
0x21: {  	s3 =	sadd.s32 s3, s9;
	s6 =	sadd.s32 @!p0 $0x88, s6;
	s7 =	simm.s32 @p2 $0x1082  }
0x22: {  	[simem:s7], [sflag:s8] =	dma.local @!p0 [hbm:s6], $0xF7A  }
0x23: {  	s9 =	sor.u32 $0xD0000000, s2;
	s6 =	simm.s32 $0x108;
	_ =	swait.ge @!p0 [sflag:s8], $0x0  }
0x24: {  	s3 =	sadd.s32 $0x88, s3;
	s6 =	simm.s32 @!p1 $0x1082;
	[sflag:s4] =	ssyncset.s32 $0xFFFFF086  }
0x25: {  	[simem:s6], [sflag:s4] =	dma.local [hbm:s3], $0xF7A  }
0x26: {  	[smem:$0x3F97] =	sst s1;
	(tag) =	ssettag s2;
	_ =	strace s9  }
0x27: {  	s1 =	sld [smem:$0x3FA7]  }
0x28: {  	s2 =	sld [smem:$0x3FA8]  }
0x29: {  	s4 =	sld [smem:$0x3FAA]  }
0x2a: {  	p0 =	seq.s32 s5, $0x0;
	s5 =	sld [smem:$0x3FAB]  }
0x2b: {  	s6 =	sld [smem:$0x3FAC]  }
0x2c: {  	s7 =	sld [smem:$0x3FAD]  }
0x2d: {  	s3 =	simm.s32 $0x108;
	s8 =	sld [smem:$0x3FAE]  }
0x2e: {  	s3 =	simm.s32 @!p0 $0x1082;
	s9 =	sld [smem:$0x3FAF]  }
0x2f: {  	lr =	sadd.s32 s0, s3;
	s0 =	sld [smem:$0x3FA6]  }
0x30: {  	s3 =	sld [smem:$0x3FA9]  }
0x31: {  	[smem:$0x3FB2] =	sst s10  }
0x32: {  	s10 =	sld [smem:$0x3FB0];
	_ =	sdelay $0x3  }
0x33: {  	p0 =	seq.s32 s10, $0x1;
	s10 =	sld [smem:$0x3FB2];
	_ =	sdelay $0x3  }
0x34: {  	[smem:$0x3FB2] =	sst s10  }
0x35: {  	s10 =	sld [smem:$0x3FB1];
	_ =	sdelay $0x3  }
0x36: {  	p1 =	seq.s32 s10, $0x1;
	s10 =	sld [smem:$0x3FB2];
	_ =	sdelay $0x3  }
0x37: {  	[smem:$0x3FB2] =	sst s10  }
0x38: {  	s10 =	sld [smem:$0x3FB3]  }
0x39: {  	_ = 	snop;
	(pc) =	sbr.ind lr, $3  }
0x3a: {  	_ = 	snop  }
0x3b: {  	_ = 	snop  }
0x3c: {  	p2 =	seq.s32 s10, $0x1;
	s10 =	sld [smem:$0x3FB2]  }
0x3d: {  	_ =	shalt  }
0x3e: {  	_ =	shalt  }
0x3f: {  	_ =	shalt  }
0x40: {  	_ =	shalt  }
0x41: {  	_ =	shalt  }
0x42: {  	_ =	shalt  }
0x43: {  	_ =	shalt  }
0x44: {  	_ =	shalt  }
0x45: {  	_ =	shalt  }
0x46: {  	_ =	shalt  }
0x47: {  	_ =	shalt  }
0x48: {  	_ =	shalt  }
0x49: {  	_ =	shalt  }
0x4a: {  	_ =	shalt  }
0x4b: {  	_ =	shalt  }
0x4c: {  	_ =	shalt  }
0x4d: {  	_ =	shalt  }
0x4e: {  	_ =	shalt  }
0x4f: {  	_ =	shalt  }
0x50: {  	_ =	shalt  }
0x51: {  	_ =	shalt  }
0x52: {  	_ =	shalt  }
0x53: {  	_ =	shalt  }
0x54: {  	_ =	shalt  }
0x55: {  	_ =	shalt  }
0x56: {  	_ =	shalt  }
0x57: {  	_ =	shalt  }
0x58: {  	_ =	shalt  }
0x59: {  	_ =	shalt  }
0x5a: {  	_ =	shalt  }
0x5b: {  	_ =	shalt  }
0x5c: {  	_ =	shalt  }
0x5d: {  	_ =	shalt  }
0x5e: {  	_ =	shalt  }
0x5f: {  	_ =	shalt  }
0x60: {  	_ =	shalt  }
0x61: {  	_ =	shalt  }
0x62: {  	_ =	shalt  }
0x63: {  	_ =	shalt  }
0x64: {  	_ =	shalt  }
0x65: {  	_ =	shalt  }
0x66: {  	_ =	shalt  }
0x67: {  	_ =	shalt  }
0x68: {  	_ =	shalt  }
0x69: {  	_ =	shalt  }
0x6a: {  	_ =	shalt  }
0x6b: {  	_ =	shalt  }
0x6c: {  	_ =	shalt  }
0x6d: {  	_ =	shalt  }
0x6e: {  	_ =	shalt  }
0x6f: {  	_ =	shalt  }
0x70: {  	_ =	shalt  }
0x71: {  	_ =	shalt  }
0x72: {  	_ =	shalt  }
0x73: {  	_ =	shalt  }
0x74: {  	_ =	shalt  }
0x75: {  	_ =	shalt  }
0x76: {  	_ =	shalt  }
0x77: {  	_ =	shalt  }
0x78: {  	_ =	shalt  }
0x79: {  	_ =	shalt  }
0x7a: {  	_ =	shalt  }
0x7b: {  	_ =	shalt  }
0x7c: {  	_ =	shalt  }
0x7d: {  	_ =	shalt  }
0x7e: {  	_ =	shalt  }
0x7f: {  	_ =	shalt  }
0x80: {  	_ =	shalt  }
0x81: {  	_ =	shalt  }
0x82: {  	_ =	shalt  }
0x83: {  	_ =	shalt  }
0x84: {  	_ =	shalt  }
0x85: {  	_ =	shalt  }
0x86: {  	_ =	shalt  }
0x87: {  	_ =	shalt  }
.Lfunc_end0:
.L_simem_size_0:
called_computation.1_lowered:
.L_overlay_start_0:
0x88: {  	s2 =	sld [smem:$0x3FD9]  }
0x89: {  	s3 =	sld [smem:$0x3FFE];
	_ =	sdelay $0x1  }
0x8a: {  	s1 =	srdreg.scid  }
0x8b: {  	s0 =	sand.u32 $0x1, s1  }
0x8c: {  	s17 =	sshll.u32 s0, $0xA;
	s2 =	sadd.s32 s3, s2  }
0x8d: {  	s2 =	sadd.s32 s2, s17  }
0x8e: {  	[smem:$0x3FBE] =	sst s2  }
0x8f: {  	_ = 	snop  }
0x90: {  	s2 =	sld [smem:$0x3FD0];
	(tm) =	ssettm $0x1  }
0x91: {  	s18 =	sld [smem:$0x3FFB];
	_ =	sdelay $0x3  }
0x92: {  	_ =	strace s18  }
0x93: {  	s3 =	sld [smem:$0x3FFC];
	_ =	sdelay $0x3  }
0x94: {  	_ =	strace s3  }
0x95: {  	s3 =	sld [smem:$0x3FFD];
	_ =	sdelay $0x3  }
0x96: {  	_ =	strace s3  }
0x97: {  	_ =	strace $0x8FFFFFFF  }
0x98: {  	s19 =	sld [smem:$0x3FDB];
	_ =	sdelay $0x1  }
0x99: {  	s4 =	simm.s32 $_scs_section_size  }
0x9a: {  	s5 =	simm.s32 $_size__tile_overlayer_lowered;
	s6 =	simm.s32 $_tile_overlayer_lowered  }
0x9b: {  	s22 =	simm.s32 $0x1BFF;
	s21 =	sshll.u32 s6, $0x1;
	s3 =	sadd.s32 s4, s19  }
0x9c: {  	s7 =	simm.s32 $0x0;
	s20 =	sshll.u32 s5, $0x1;
	s5 =	sadd.s32 s21, s3  }
0x9d: {  	[timem:s7], [sflag:s22] =	dma.local [hbm:s5], s20  }
0x9e: {  	_ =	swait.ge [sflag:s22], s20  }
0x9f: {  	s4 =	ssub.s32 $0x0, s20;
	[sflag:s22] =	ssyncset.done $0x0  }
0xa0: {  	[sflag:s22] =	ssyncadd.s32 s4;
	_ =	sdelay $0x1  }
0xa1: {  	s23 =	simm.s32 $0x1B8B  }
0xa2: {  	_ =	swait.ge [sflag:s23], $0x1  }
0xa3: {  	[sflag:s23] =	ssyncset.done $0x0  }
0xa4: {  	s25 =	simm.s32 $0x1B8E;
	s24 =	sld [smem:$0x3FFE];
	[sflag:s23] =	ssyncadd.s32 $0xFFFFFFFF  }
0xa5: {  	s26 =	simm.s32 $execute0_lowered;
	[smem:$0x3FD2] =	sst s25  }
0xa6: {  	s5 =	sshll.u32 s26, $0x1;
	_ =	strace $0x80000049;
	[dreg:$0x1] =	wrdreg $0xFFFFFFFF  }
0xa7: {  	s28 =	simm.s32 $_size_execute0_lowered;
	s3 =	sadd.s32 s3, s5;
	[dreg:$0x0] =	wrdreg $0x0  }
0xa8: {  	s5 =	sshll.u32 s28, $0x1;
	[dreg:$0x2] =	wrdreg s3  }
0xa9: {  	[dreg:$0x3] =	wrdreg s5  }
0xaa: {  	[dreg:$0x4] =	wrdreg $0xC0  }
0xab: {  	_ =	task [dreg:s7], $0x5FFFF  }
0xac: {  	[dreg:$0x1] =	wrdreg $0xFFFFFFFF  }
0xad: {  	[dreg:$0x0] =	wrdreg $0x60  }
0xae: {  	[dreg:$0x2] =	wrdreg s2  }
0xaf: {  	[dreg:$0x3] =	wrdreg s24  }
0xb0: {  	[dreg:$0x4] =	wrdreg $0xD0000  }
0xb1: {  	[dreg:$0x5] =	wrdreg $0x9  }
0xb2: {  	_ =	task.clear_ibuf [dreg:s7], $0x6FFFF;
	_ =	strace $0x90000049  }
0xb3: {  	s29 =	simm.s32 $0x9;
	_ =	strace $0x8000004B  }
0xb4: {  	_ =	swait.ge [sflag:s29], $0x1  }
0xb5: {  	[sflag:s29] =	ssyncadd.s32 $0xFFFFFFFF  }
0xb6: {  	_ =	strace $0x9000004B  }
0xb7: {  	_ =	sfence  }
0xb8: {  	s30 =	sld [smem:$0x0];
	_ =	sdelay $0x2  }
0xb9: {  	s31 =	sshll.u32 s1, $0xD;
	s1 =	sshrl.u32 s1, $0x2  }
0xba: {  	s3 =	sand.u32 $0x4000, s31;
	s1 =	sadd.s32 s1, s30  }
0xbb: {  	s0 =	sor.u32 s3, s0;
	s1 =	sshll.u32 s1, $0x11  }
0xbc: {  	s0 =	sor.u32 s1, s0  }
0xbd: {  	s0 =	sadd.s32 $0x8F2B, s0  }
0xbe: {  	[sflag:s0] =	ssyncadd.remote.s32 $0x1  }
0xbf: {  	_ =	sfence.sel $0xFFFF  }
0xc0: {  	[dreg:$0x0] =	wrdreg $0xFFFFFFFF;
	(pc) =	sbr.abs _section_cstart, $3  }
0xc1: {  	[dreg:$0x1] =	wrdreg $0xFFFFFFFF  }
0xc2: {  	_ =	task.clear_ibuf [dreg:s7], $0x2FFFF;
	_ =	strace $0x9FFFFFFF  }
0xc3: {  	(tm) =	ssettm $0x7FFFFFFF  }
tec
execute0_lowered:
.L_overlay_start_1:
0x0: {  	(tag) =	ssettag $0x1  }
0x1: {  	s2 =	rddreg [dreg:$0x0]  }
0x2: {  	s0 =	rddreg [dreg:$0x1]  }
0x3: {  	s3 =	rddreg [dreg:$0x2]  }
0x4: {  	s1 =	srdreg.scid;
	s9 =	stileid.u32;
	s4 =	simm.s32 $0x0  }
0x5: {  	s13 =	simm.s32 $0x5;
	s17 =	simm.s32 $0x80;
	s18 =	simm.s32 $0x5000  }
0x6: {  	s19 =	simm.s32 $0x7000;
	s28 =	simm.s32 $0x4;
	s30 =	simm.s32 $0x2600  }
0x7: {  	s31 =	simm.s32 $0x4C80;
	s14 =	simm.s32 $0x2700;
	s10 =	simm.s32 $0x4F00  }
0x8: {  	s11 =	simm.s32 $0x4F80;
	s12 =	simm.s32 $0x0;
	s1 =	sand.u32 $0x1, s1  }
0x9: {  	s6 =	smul.u32 $0xA000, s9;
	[smem:$0x7FF] =	sst s4;
	s29 =	sshll.u32 s9, $0x6  }
0xa: {  	s5 =	sshll.u32 s1, $0x4;
	s7 =	smul.u32 $0xA0000, s1;
	_ =	strace $0x8000004A  }
0xb: {  	s1 =	ssub.s32 $0x2, s1;
	s15 =	sor.u32 $0x1C05, s29;
	s5 =	sor.u32 s9, s5  }
0xc: {  	s21 =	sshrl.u32 s1, $0x1;
	s23 =	sshrl.u32 s6, $0x3;
	s9 =	simm.s32 $0x4E80  }
0xd: {  	s8 =	smul.u32 $0x500, s5;
	s7 =	sadd.s32 s6, s7;
	s5 =	sadd.s32 $0x6EE00, s0  }
0xe: {  	s1 =	ssub.s32 s1, s21;
	s6 =	sadd.s32 s6, s3;
	s24 =	sadd.s32 s2, s23  }
0xf: {  	s21 =	simm.s32 $0x9000;
	s7 =	sshrl.u32 s7, $0x3;
	[dreg:$0x6] =	wrdreg s24  }
0x10: {  	s26 =	smax.u32 s1, $0x1;
	s16 =	sshrl.u32 s6, $0x3;
	s8 =	sadd.s32 s8, s0  }
0x11: {  	s0 =	sadd.s32 s7, s0;
	s7 =	sadd.s32 s5, s23;
	[dreg:$0xa] =	wrdreg s26  }
0x12: {  	s24 =	simm.s32 $0x1;
	s22 =	sadd.s32 $0xFC00, s8;
	[dreg:$0x8] =	wrdreg s7  }
0x13: {  	s1 =	simm.s32 $0x4D00;
	s8 =	sadd.s32 $0x5C00, s8;
	[dreg:$0x4] =	wrdreg s22  }
0x14: {  	s6 =	simm.s32 $0x4D80;
	s25 =	sadd.s32 $0xAAE00, s0;
	[dreg:$0x5] =	wrdreg s8  }
0x15: {  	s23 =	simm.s32 $0xB000;
	s0 =	sadd.s32 $0x82E00, s0;
	[dreg:$0x7] =	wrdreg s25  }
0x16: {  	s26 =	simm.s32 $0x3;
	s7 =	simm.s32 $0x2780;
	[dreg:$0x9] =	wrdreg s0  }
0x17: {  	s25 =	simm.s32 $0x2;
	s0 =	simm.s32 $0x2680;
	s8 =	simm.s32 $0x4E00  }
.LBB2_1:
0x18: {  	s20 =	rddreg [dreg:$0x4]  }
0x19: {  	[tilespmem:s4], [sflag:$0x5] =	stream.linear.gather [hbm4b:s20+s4], $0x2800, $0x38;
	[tilespmem:$0x17000] =	vst v63  }
0x1a: {  	_ =	swait.ge [sflag:s13], $0x2800  }
0x1b: {  	[sflag:s13] =	ssyncset.done $0x0  }
0x1c: {  	s22 =	simm.s32 $0x2800;
	s29 =	rddreg [dreg:$0x5];
	[sflag:s13] =	ssyncadd.s32 $0xFFFFD800  }
0x1d: {  	[tilespmem:s22], [sflag:$0x5] =	stream.linear.gather [hbm4b:s29+s4], $0x2800, $0x38;
	[tilespmem:$0x17000] =	vst v63  }
0x1e: {  	_ =	swait.ge [sflag:s13], $0x2800  }
0x1f: {  	[sflag:s13] =	ssyncset.done $0x0  }
0x20: {  	s22 =	rddreg [dreg:$0x6];
	[sflag:s13] =	ssyncadd.s32 $0xFFFFD800  }
0x21: {  	[spmem:s16], [sflag:s15] =	dma.local [hbm:s22], $0x1400  }
0x22: {  	_ =	swait.ge [sflag:s13], $0x1400  }
0x23: {  	[sflag:s13] =	ssyncset.done $0x0  }
0x24: {  	[sflag:s13] =	ssyncadd.s32 $0xFFFFEC00  }
0x25: {  	[bflag:$0x0] =	sbarrier.arrive $0xFFFF  }
0x26: {  	[tilespmem:s18], [sflag:$0x1] =	stream.indirect.gather [hbm4b:s2+s17], $0x40, s4, s17, $0xb8;
	[tilespmem:$0x17000] =	vst v63  }
0x27: {  	_ = 	snop  }
0x28: {  	[tilespmem:s19], [sflag:$0x2] =	stream.indirect.gather [hbm4b:s2+s17], $0x40, s17, s17, $0xb8;
	[tilespmem:$0x17000] =	vst v63  }
0x29: {  	s29 =	simm.s32 $0x100  }
0x2a: {  	[tilespmem:s21], [sflag:$0x3] =	stream.indirect.gather [hbm4b:s2+s17], $0x40, s29, s17, $0xb8;
	[tilespmem:$0x17000] =	vst v63  }
0x2b: {  	s22 =	simm.s32 $0x180  }
0x2c: {  	[tilespmem:s23], [sflag:$0x4] =	stream.indirect.gather [hbm4b:s2+s17], $0x40, s22, s17, $0xb8;
	[tilespmem:$0x17000] =	vst v63  }
0x2d: {  	_ =	swait.ge [sflag:s24], $0x2000  }
0x2e: {  	[sflag:s24] =	ssyncset.done $0x0  }
0x2f: {  	s29 =	simm.s32 $0x2800;
	[sflag:s24] =	ssyncadd.s32 $0xFFFFE000  }
0x30: {  	[spmem:s3] =	stream.indirect.scatter.add.f32 [tilespmem:s18], [sflag:$0x5], $0x40, s29, s17, $0xb8;
	[tilespmem:$0x17000] =	vst v63  }
0x31: {  	_ =	swait.ge [sflag:s13], $0x2000  }
0x32: {  	[sflag:s13] =	ssyncset.done $0x0  }
0x33: {  	s22 =	simm.s32 $0x200;
	[sflag:s13] =	ssyncadd.s32 $0xFFFFE000  }
0x34: {  	[tilespmem:s18], [sflag:$0x1] =	stream.indirect.gather [hbm4b:s2+s17], $0x40, s22, s17, $0xb8;
	[tilespmem:$0x17000] =	vst v63  }
0x35: {  	_ =	swait.ge [sflag:s25], $0x2000  }
0x36: {  	[sflag:s25] =	ssyncset.done $0x0  }
0x37: {  	s29 =	simm.s32 $0x2880;
	[sflag:s25] =	ssyncadd.s32 $0xFFFFE000  }
0x38: {  	[spmem:s3] =	stream.indirect.scatter.add.f32 [tilespmem:s19], [sflag:$0x5], $0x40, s29, s17, $0xb8;
	[tilespmem:$0x17000] =	vst v63  }
0x39: {  	_ =	swait.ge [sflag:s13], $0x2000  }
0x3a: {  	[sflag:s13] =	ssyncset.done $0x0  }
0x3b: {  	s22 =	simm.s32 $0x280;
	[sflag:s13] =	ssyncadd.s32 $0xFFFFE000  }
0x3c: {  	[tilespmem:s19], [sflag:$0x2] =	stream.indirect.gather [hbm4b:s2+s17], $0x40, s22, s17, $0xb8;
	[tilespmem:$0x17000] =	vst v63  }
0x3d: {  	_ =	swait.ge [sflag:s26], $0x2000  }
0x3e: {  	[sflag:s26] =	ssyncset.done $0x0  }
0x3f: {  	s29 =	simm.s32 $0x2900;
	[sflag:s26] =	ssyncadd.s32 $0xFFFFE000  }
0x40: {  	[spmem:s3] =	stream.indirect.scatter.add.f32 [tilespmem:s21], [sflag:$0x5], $0x40, s29, s17, $0xb8;
	[tilespmem:$0x17000] =	vst v63  }
0x41: {  	_ =	swait.ge [sflag:s13], $0x2000  }
0x42: {  	[sflag:s13] =	ssyncset.done $0x0  }
0x43: {  	s22 =	simm.s32 $0x300;
	[sflag:s13] =	ssyncadd.s32 $0xFFFFE000  }
0x44: {  	[tilespmem:s21], [sflag:$0x3] =	stream.indirect.gather [hbm4b:s2+s17], $0x40, s22, s17, $0xb8;
	[tilespmem:$0x17000] =	vst v63  }
0x45: {  	_ =	swait.ge [sflag:s28], $0x2000  }
0x46: {  	[sflag:s28] =	ssyncset.done $0x0  }
0x47: {  	s29 =	simm.s32 $0x2980;
	[sflag:s28] =	ssyncadd.s32 $0xFFFFE000  }
0x48: {  	[spmem:s3] =	stream.indirect.scatter.add.f32 [tilespmem:s23], [sflag:$0x5], $0x40, s29, s17, $0xb8;
	[tilespmem:$0x17000] =	vst v63  }
0x49: {  	_ =	swait.ge [sflag:s13], $0x2000  }
0x4a: {  	[sflag:s13] =	ssyncset.done $0x0  }
0x4b: {  	s20 =	simm.s32 $0x800;
	s22 =	simm.s32 $0x380;
	[sflag:s13] =	ssyncadd.s32 $0xFFFFE000  }
.LBB2_2:
0x4c: {  	[tilespmem:s23], [sflag:$0x4] =	stream.indirect.gather [hbm4b:s2+s17], $0x40, s22, s17, $0xb8;
	[tilespmem:$0x17000] =	vst v63  }
0x4d: {  	s22 =	smov.u32 s20  }
0x4e: {  	p0 =	sne.s32 s20, $0x8800;
	s20 =	sadd.s32 $0x800, s20;
	_ =	swait.ge [sflag:s24], $0x2000  }
0x4f: {  	s22 =	sshra.s32 s22, $0x2;
	[sflag:s24] =	ssyncset.done $0x0  }
0x50: {  	s29 =	sadd.s32 $0x2800, s22;
	[sflag:s24] =	ssyncadd.s32 $0xFFFFE000  }
0x51: {  	[spmem:s3] =	stream.indirect.scatter.add.f32 [tilespmem:s18], [sflag:$0x5], $0x40, s29, s17, $0xb8;
	[tilespmem:$0x17000] =	vst v63  }
0x52: {  	_ =	swait.ge [sflag:s13], $0x2000  }
0x53: {  	[sflag:s13] =	ssyncset.done $0x0  }
0x54: {  	s29 =	sadd.s32 $0x200, s22;
	[sflag:s13] =	ssyncadd.s32 $0xFFFFE000  }
0x55: {  	[tilespmem:s18], [sflag:$0x1] =	stream.indirect.gather [hbm4b:s2+s17], $0x40, s29, s17, $0xb8;
	[tilespmem:$0x17000] =	vst v63  }
0x56: {  	_ =	swait.ge [sflag:s25], $0x2000  }
0x57: {  	[sflag:s25] =	ssyncset.done $0x0  }
0x58: {  	s29 =	sadd.s32 $0x2880, s22;
	[sflag:s25] =	ssyncadd.s32 $0xFFFFE000  }
0x59: {  	[spmem:s3] =	stream.indirect.scatter.add.f32 [tilespmem:s19], [sflag:$0x5], $0x40, s29, s17, $0xb8;
	[tilespmem:$0x17000] =	vst v63  }
0x5a: {  	_ =	swait.ge [sflag:s13], $0x2000  }
0x5b: {  	[sflag:s13] =	ssyncset.done $0x0  }
0x5c: {  	s29 =	sadd.s32 $0x280, s22;
	[sflag:s13] =	ssyncadd.s32 $0xFFFFE000  }
0x5d: {  	[tilespmem:s19], [sflag:$0x2] =	stream.indirect.gather [hbm4b:s2+s17], $0x40, s29, s17, $0xb8;
	[tilespmem:$0x17000] =	vst v63  }
0x5e: {  	_ =	swait.ge [sflag:s26], $0x2000  }
0x5f: {  	[sflag:s26] =	ssyncset.done $0x0  }
0x60: {  	s29 =	sadd.s32 $0x2900, s22;
	[sflag:s26] =	ssyncadd.s32 $0xFFFFE000  }
0x61: {  	[spmem:s3] =	stream.indirect.scatter.add.f32 [tilespmem:s21], [sflag:$0x5], $0x40, s29, s17, $0xb8;
	[tilespmem:$0x17000] =	vst v63  }
0x62: {  	_ =	swait.ge [sflag:s13], $0x2000  }
0x63: {  	[sflag:s13] =	ssyncset.done $0x0  }
0x64: {  	s29 =	sadd.s32 $0x300, s22;
	[sflag:s13] =	ssyncadd.s32 $0xFFFFE000  }
0x65: {  	[tilespmem:s21], [sflag:$0x3] =	stream.indirect.gather [hbm4b:s2+s17], $0x40, s29, s17, $0xb8;
	[tilespmem:$0x17000] =	vst v63  }
0x66: {  	_ =	swait.ge [sflag:s28], $0x2000  }
0x67: {  	[sflag:s28] =	ssyncset.done $0x0  }
.Ltmp0:
0x68: {  	s29 =	sadd.s32 $0x2980, s22;
	[sflag:s28] =	ssyncadd.s32 $0xFFFFE000;
	(pc) =	sbr.rel @p0 .LBB2_2-.Ltmp0, $4  }
0x69: {  	[spmem:s3] =	stream.indirect.scatter.add.f32 [tilespmem:s23], [sflag:$0x5], $0x40, s29, s17, $0xb8;
	[tilespmem:$0x17000] =	vst v63  }
0x6a: {  	_ =	swait.ge [sflag:s13], $0x2000  }
0x6b: {  	[sflag:s13] =	ssyncset.done $0x0  }
0x6c: {  	s22 =	sadd.s32 $0x380, s22;
	[sflag:s13] =	ssyncadd.s32 $0xFFFFE000  }
0x6d: {  	[tilespmem:s23], [sflag:$0x4] =	stream.indirect.gather [hbm4b:s2+s17], $0x40, s22, s17, $0xb8;
	[tilespmem:$0x17000] =	vst v63  }
0x6e: {  	_ =	swait.ge [sflag:s24], $0x2000  }
0x6f: {  	[sflag:s24] =	ssyncset.done $0x0  }
0x70: {  	s20 =	simm.s32 $0x4C00;
	[sflag:s24] =	ssyncadd.s32 $0xFFFFE000  }
0x71: {  	[spmem:s3] =	stream.indirect.scatter.add.f32 [tilespmem:s18], [sflag:$0x5], $0x40, s20, s17, $0xb8;
	[tilespmem:$0x17000] =	vst v63  }
0x72: {  	_ =	swait.ge [sflag:s13], $0x2000  }
0x73: {  	[sflag:s13] =	ssyncset.done $0x0  }
0x74: {  	[sflag:s13] =	ssyncadd.s32 $0xFFFFE000  }
0x75: {  	[tilespmem:s18], [sflag:$0x1] =	stream.indirect.gather [hbm4b:s2+s17], $0x40, s30, s17, $0xb8;
	[tilespmem:$0x17000] =	vst v63  }
0x76: {  	_ =	swait.ge [sflag:s25], $0x2000  }
0x77: {  	[sflag:s25] =	ssyncset.done $0x0  }
0x78: {  	[sflag:s25] =	ssyncadd.s32 $0xFFFFE000  }
0x79: {  	[spmem:s3] =	stream.indirect.scatter.add.f32 [tilespmem:s19], [sflag:$0x5], $0x40, s31, s17, $0xb8;
	[tilespmem:$0x17000] =	vst v63  }
0x7a: {  	_ =	swait.ge [sflag:s13], $0x2000  }
0x7b: {  	[sflag:s13] =	ssyncset.done $0x0  }
0x7c: {  	[sflag:s13] =	ssyncadd.s32 $0xFFFFE000  }
0x7d: {  	[tilespmem:s19], [sflag:$0x2] =	stream.indirect.gather [hbm4b:s2+s17], $0x40, s0, s17, $0xb8;
	[tilespmem:$0x17000] =	vst v63  }
0x7e: {  	_ =	swait.ge [sflag:s26], $0x2000  }
0x7f: {  	[sflag:s26] =	ssyncset.done $0x0  }
0x80: {  	[sflag:s26] =	ssyncadd.s32 $0xFFFFE000  }
0x81: {  	[spmem:s3] =	stream.indirect.scatter.add.f32 [tilespmem:s21], [sflag:$0x5], $0x40, s1, s17, $0xb8;
	[tilespmem:$0x17000] =	vst v63  }
0x82: {  	_ =	swait.ge [sflag:s13], $0x2000  }
0x83: {  	[sflag:s13] =	ssyncset.done $0x0  }
0x84: {  	[sflag:s13] =	ssyncadd.s32 $0xFFFFE000  }
0x85: {  	[tilespmem:s21], [sflag:$0x3] =	stream.indirect.gather [hbm4b:s2+s17], $0x40, s14, s17, $0xb8;
	[tilespmem:$0x17000] =	vst v63  }
0x86: {  	_ =	swait.ge [sflag:s28], $0x2000  }
0x87: {  	[sflag:s28] =	ssyncset.done $0x0  }
0x88: {  	[sflag:s28] =	ssyncadd.s32 $0xFFFFE000  }
0x89: {  	[spmem:s3] =	stream.indirect.scatter.add.f32 [tilespmem:s23], [sflag:$0x5], $0x40, s6, s17, $0xb8;
	[tilespmem:$0x17000] =	vst v63  }
0x8a: {  	_ =	swait.ge [sflag:s13], $0x2000  }
0x8b: {  	[sflag:s13] =	ssyncset.done $0x0  }
0x8c: {  	[sflag:s13] =	ssyncadd.s32 $0xFFFFE000  }
0x8d: {  	[tilespmem:s23], [sflag:$0x4] =	stream.indirect.gather [hbm4b:s2+s17], $0x40, s7, s17, $0xb8;
	[tilespmem:$0x17000] =	vst v63  }
0x8e: {  	_ =	swait.ge [sflag:s24], $0x2000  }
0x8f: {  	[sflag:s24] =	ssyncset.done $0x0  }
0x90: {  	[sflag:s24] =	ssyncadd.s32 $0xFFFFE000  }
0x91: {  	[spmem:s3] =	stream.indirect.scatter.add.f32 [tilespmem:s18], [sflag:$0x5], $0x40, s8, s17, $0xb8;
	[tilespmem:$0x17000] =	vst v63  }
0x92: {  	_ =	swait.ge [sflag:s13], $0x2000  }
0x93: {  	[sflag:s13] =	ssyncset.done $0x0  }
0x94: {  	[sflag:s13] =	ssyncadd.s32 $0xFFFFE000  }
0x95: {  	[tilespmem:s18], [sflag:$0x1] =	stream.indirect.gather [hbm4b:s2+s17], $0x40, s7, s17, $0xb8;
	[tilespmem:$0x17000] =	vst v63  }
0x96: {  	_ =	swait.ge [sflag:s25], $0x2000  }
0x97: {  	[sflag:s25] =	ssyncset.done $0x0  }
0x98: {  	[sflag:s25] =	ssyncadd.s32 $0xFFFFE000  }
0x99: {  	[spmem:s3] =	stream.indirect.scatter.add.f32 [tilespmem:s19], [sflag:$0x5], $0x40, s9, s17, $0xb8;
	[tilespmem:$0x17000] =	vst v63  }
0x9a: {  	_ =	swait.ge [sflag:s13], $0x2000  }
0x9b: {  	[sflag:s13] =	ssyncset.done $0x0  }
0x9c: {  	[sflag:s13] =	ssyncadd.s32 $0xFFFFE000  }
0x9d: {  	[tilespmem:s19], [sflag:$0x2] =	stream.indirect.gather [hbm4b:s2+s17], $0x40, s7, s17, $0xb8;
	[tilespmem:$0x17000] =	vst v63  }
0x9e: {  	_ =	swait.ge [sflag:s26], $0x2000  }
0x9f: {  	[sflag:s26] =	ssyncset.done $0x0  }
0xa0: {  	[sflag:s26] =	ssyncadd.s32 $0xFFFFE000  }
0xa1: {  	[spmem:s3] =	stream.indirect.scatter.add.f32 [tilespmem:s21], [sflag:$0x5], $0x40, s10, s17, $0xb8;
	[tilespmem:$0x17000] =	vst v63  }
0xa2: {  	_ =	swait.ge [sflag:s13], $0x2000  }
0xa3: {  	[sflag:s13] =	ssyncset.done $0x0  }
0xa4: {  	[sflag:s13] =	ssyncadd.s32 $0xFFFFE000  }
0xa5: {  	[tilespmem:s21], [sflag:$0x3] =	stream.indirect.gather [hbm4b:s2+s17], $0x40, s7, s17, $0xb8;
	[tilespmem:$0x17000] =	vst v63  }
0xa6: {  	_ =	swait.ge [sflag:s28], $0x2000  }
0xa7: {  	[sflag:s28] =	ssyncset.done $0x0  }
0xa8: {  	[sflag:s28] =	ssyncadd.s32 $0xFFFFE000  }
0xa9: {  	[spmem:s3] =	stream.indirect.scatter.add.f32 [tilespmem:s23], [sflag:$0x5], $0x40, s11, s17, $0xb8;
	[tilespmem:$0x17000] =	vst v63  }
0xaa: {  	_ =	swait.ge [sflag:s13], $0x2000  }
0xab: {  	[sflag:s13] =	ssyncset.done $0x0  }
0xac: {  	[sflag:s13] =	ssyncadd.s32 $0xFFFFE000  }
0xad: {  	[tilespmem:s23], [sflag:$0x4] =	stream.indirect.gather [hbm4b:s2+s17], $0x40, s7, s17, $0xb8;
	[tilespmem:$0x17000] =	vst v63  }
0xae: {  	_ =	swait.ge [sflag:s24], $0x2000  }
0xaf: {  	[sflag:s24] =	ssyncset.done $0x0  }
0xb0: {  	[sflag:s24] =	ssyncadd.s32 $0xFFFFE000  }
0xb1: {  	_ =	swait.ge [sflag:s25], $0x2000  }
0xb2: {  	[sflag:s25] =	ssyncset.done $0x0  }
0xb3: {  	[sflag:s25] =	ssyncadd.s32 $0xFFFFE000  }
0xb4: {  	_ =	swait.ge [sflag:s26], $0x2000  }
0xb5: {  	[sflag:s26] =	ssyncset.done $0x0  }
0xb6: {  	[sflag:s26] =	ssyncadd.s32 $0xFFFFE000  }
0xb7: {  	_ =	swait.ge [sflag:s28], $0x2000  }
0xb8: {  	[sflag:s28] =	ssyncset.done $0x0  }
0xb9: {  	[sflag:s28] =	ssyncadd.s32 $0xFFFFE000  }
0xba: {  	[bflag:$0x0] =	sbarrier.arrive $0xFFFF  }
0xbb: {  	s22 =	rddreg [dreg:$0x7]  }
0xbc: {  	[hbm:s22], [sflag:s15] =	dma.local [spmem:s16], $0x1400  }
0xbd: {  	_ =	swait.ge [sflag:s13], $0x1400  }
0xbe: {  	[sflag:s13] =	ssyncset.done $0x0  }
0xbf: {  	s29 =	rddreg [dreg:$0x8];
	[sflag:s13] =	ssyncadd.s32 $0xFFFFEC00  }
0xc0: {  	[spmem:s16], [sflag:s15] =	dma.local [hbm:s29], $0x1400  }
0xc1: {  	_ =	swait.ge [sflag:s13], $0x1400  }
0xc2: {  	[sflag:s13] =	ssyncset.done $0x0  }
0xc3: {  	[sflag:s13] =	ssyncadd.s32 $0xFFFFEC00  }
0xc4: {  	s22 =	simm.s32 $0x0;
	[bflag:$0x0] =	sbarrier.arrive $0xFFFF  }
0xc5: {  	[tilespmem:s18], [sflag:$0x1] =	stream.indirect.gather [hbm4b:s5+s17], $0x40, s22, s17, $0xb8;
	[tilespmem:$0x17000] =	vst v63  }
0xc6: {  	_ = 	snop  }
0xc7: {  	[tilespmem:s19], [sflag:$0x2] =	stream.indirect.gather [hbm4b:s5+s17], $0x40, s17, s17, $0xb8;
	[tilespmem:$0x17000] =	vst v63  }
0xc8: {  	s29 =	simm.s32 $0x100  }
0xc9: {  	[tilespmem:s21], [sflag:$0x3] =	stream.indirect.gather [hbm4b:s5+s17], $0x40, s29, s17, $0xb8;
	[tilespmem:$0x17000] =	vst v63  }
0xca: {  	s22 =	simm.s32 $0x180  }
0xcb: {  	[tilespmem:s23], [sflag:$0x4] =	stream.indirect.gather [hbm4b:s5+s17], $0x40, s22, s17, $0xb8;
	[tilespmem:$0x17000] =	vst v63  }
0xcc: {  	_ =	swait.ge [sflag:s24], $0x2000  }
0xcd: {  	[sflag:s24] =	ssyncset.done $0x0  }
0xce: {  	s29 =	simm.s32 $0x2800;
	[sflag:s24] =	ssyncadd.s32 $0xFFFFE000  }
0xcf: {  	[spmem:s3] =	stream.indirect.scatter.add.f32 [tilespmem:s18], [sflag:$0x5], $0x40, s29, s17, $0xb8;
	[tilespmem:$0x17000] =	vst v63  }
0xd0: {  	_ =	swait.ge [sflag:s13], $0x2000  }
0xd1: {  	[sflag:s13] =	ssyncset.done $0x0  }
0xd2: {  	s22 =	simm.s32 $0x200;
	[sflag:s13] =	ssyncadd.s32 $0xFFFFE000  }
0xd3: {  	[tilespmem:s18], [sflag:$0x1] =	stream.indirect.gather [hbm4b:s5+s17], $0x40, s22, s17, $0xb8;
	[tilespmem:$0x17000] =	vst v63  }
0xd4: {  	_ =	swait.ge [sflag:s25], $0x2000  }
0xd5: {  	[sflag:s25] =	ssyncset.done $0x0  }
0xd6: {  	s29 =	simm.s32 $0x2880;
	[sflag:s25] =	ssyncadd.s32 $0xFFFFE000  }
0xd7: {  	[spmem:s3] =	stream.indirect.scatter.add.f32 [tilespmem:s19], [sflag:$0x5], $0x40, s29, s17, $0xb8;
	[tilespmem:$0x17000] =	vst v63  }
0xd8: {  	_ =	swait.ge [sflag:s13], $0x2000  }
0xd9: {  	[sflag:s13] =	ssyncset.done $0x0  }
0xda: {  	s22 =	simm.s32 $0x280;
	[sflag:s13] =	ssyncadd.s32 $0xFFFFE000  }
0xdb: {  	[tilespmem:s19], [sflag:$0x2] =	stream.indirect.gather [hbm4b:s5+s17], $0x40, s22, s17, $0xb8;
	[tilespmem:$0x17000] =	vst v63  }
0xdc: {  	_ =	swait.ge [sflag:s26], $0x2000  }
0xdd: {  	[sflag:s26] =	ssyncset.done $0x0  }
0xde: {  	s29 =	simm.s32 $0x2900;
	[sflag:s26] =	ssyncadd.s32 $0xFFFFE000  }
0xdf: {  	[spmem:s3] =	stream.indirect.scatter.add.f32 [tilespmem:s21], [sflag:$0x5], $0x40, s29, s17, $0xb8;
	[tilespmem:$0x17000] =	vst v63  }
0xe0: {  	_ =	swait.ge [sflag:s13], $0x2000  }
0xe1: {  	[sflag:s13] =	ssyncset.done $0x0  }
0xe2: {  	s22 =	simm.s32 $0x300;
	[sflag:s13] =	ssyncadd.s32 $0xFFFFE000  }
0xe3: {  	[tilespmem:s21], [sflag:$0x3] =	stream.indirect.gather [hbm4b:s5+s17], $0x40, s22, s17, $0xb8;
	[tilespmem:$0x17000] =	vst v63  }
0xe4: {  	_ =	swait.ge [sflag:s28], $0x2000  }
0xe5: {  	[sflag:s28] =	ssyncset.done $0x0  }
0xe6: {  	s29 =	simm.s32 $0x2980;
	[sflag:s28] =	ssyncadd.s32 $0xFFFFE000  }
0xe7: {  	[spmem:s3] =	stream.indirect.scatter.add.f32 [tilespmem:s23], [sflag:$0x5], $0x40, s29, s17, $0xb8;
	[tilespmem:$0x17000] =	vst v63  }
0xe8: {  	_ =	swait.ge [sflag:s13], $0x2000  }
0xe9: {  	[sflag:s13] =	ssyncset.done $0x0  }
0xea: {  	s20 =	simm.s32 $0x800;
	s22 =	simm.s32 $0x380;
	[sflag:s13] =	ssyncadd.s32 $0xFFFFE000  }
.LBB2_4:
0xeb: {  	[tilespmem:s23], [sflag:$0x4] =	stream.indirect.gather [hbm4b:s5+s17], $0x40, s22, s17, $0xb8;
	[tilespmem:$0x17000] =	vst v63  }
0xec: {  	s22 =	smov.u32 s20  }
0xed: {  	p0 =	sne.s32 s20, $0x8800;
	s20 =	sadd.s32 $0x800, s20;
	_ =	swait.ge [sflag:s24], $0x2000  }
0xee: {  	s22 =	sshra.s32 s22, $0x2;
	[sflag:s24] =	ssyncset.done $0x0  }
0xef: {  	s29 =	sadd.s32 $0x2800, s22;
	[sflag:s24] =	ssyncadd.s32 $0xFFFFE000  }
0xf0: {  	[spmem:s3] =	stream.indirect.scatter.add.f32 [tilespmem:s18], [sflag:$0x5], $0x40, s29, s17, $0xb8;
	[tilespmem:$0x17000] =	vst v63  }
0xf1: {  	_ =	swait.ge [sflag:s13], $0x2000  }
0xf2: {  	[sflag:s13] =	ssyncset.done $0x0  }
0xf3: {  	s29 =	sadd.s32 $0x200, s22;
	[sflag:s13] =	ssyncadd.s32 $0xFFFFE000  }
0xf4: {  	[tilespmem:s18], [sflag:$0x1] =	stream.indirect.gather [hbm4b:s5+s17], $0x40, s29, s17, $0xb8;
	[tilespmem:$0x17000] =	vst v63  }
0xf5: {  	_ =	swait.ge [sflag:s25], $0x2000  }
0xf6: {  	[sflag:s25] =	ssyncset.done $0x0  }
0xf7: {  	s29 =	sadd.s32 $0x2880, s22;
	[sflag:s25] =	ssyncadd.s32 $0xFFFFE000  }
0xf8: {  	[spmem:s3] =	stream.indirect.scatter.add.f32 [tilespmem:s19], [sflag:$0x5], $0x40, s29, s17, $0xb8;
	[tilespmem:$0x17000] =	vst v63  }
0xf9: {  	_ =	swait.ge [sflag:s13], $0x2000  }
0xfa: {  	[sflag:s13] =	ssyncset.done $0x0  }
0xfb: {  	s29 =	sadd.s32 $0x280, s22;
	[sflag:s13] =	ssyncadd.s32 $0xFFFFE000  }
0xfc: {  	[tilespmem:s19], [sflag:$0x2] =	stream.indirect.gather [hbm4b:s5+s17], $0x40, s29, s17, $0xb8;
	[tilespmem:$0x17000] =	vst v63  }
0xfd: {  	_ =	swait.ge [sflag:s26], $0x2000  }
0xfe: {  	[sflag:s26] =	ssyncset.done $0x0  }
0xff: {  	s29 =	sadd.s32 $0x2900, s22;
	[sflag:s26] =	ssyncadd.s32 $0xFFFFE000  }
0x100: {  	[spmem:s3] =	stream.indirect.scatter.add.f32 [tilespmem:s21], [sflag:$0x5], $0x40, s29, s17, $0xb8;
	[tilespmem:$0x17000] =	vst v63  }
0x101: {  	_ =	swait.ge [sflag:s13], $0x2000  }
0x102: {  	[sflag:s13] =	ssyncset.done $0x0  }
0x103: {  	s29 =	sadd.s32 $0x300, s22;
	[sflag:s13] =	ssyncadd.s32 $0xFFFFE000  }
0x104: {  	[tilespmem:s21], [sflag:$0x3] =	stream.indirect.gather [hbm4b:s5+s17], $0x40, s29, s17, $0xb8;
	[tilespmem:$0x17000] =	vst v63  }
0x105: {  	_ =	swait.ge [sflag:s28], $0x2000  }
0x106: {  	[sflag:s28] =	ssyncset.done $0x0  }
.Ltmp1:
0x107: {  	s29 =	sadd.s32 $0x2980, s22;
	[sflag:s28] =	ssyncadd.s32 $0xFFFFE000;
	(pc) =	sbr.rel @p0 .LBB2_4-.Ltmp1, $4  }
0x108: {  	[spmem:s3] =	stream.indirect.scatter.add.f32 [tilespmem:s23], [sflag:$0x5], $0x40, s29, s17, $0xb8;
	[tilespmem:$0x17000] =	vst v63  }
0x109: {  	_ =	swait.ge [sflag:s13], $0x2000  }
0x10a: {  	[sflag:s13] =	ssyncset.done $0x0  }
0x10b: {  	s22 =	sadd.s32 $0x380, s22;
	[sflag:s13] =	ssyncadd.s32 $0xFFFFE000  }
0x10c: {  	[tilespmem:s23], [sflag:$0x4] =	stream.indirect.gather [hbm4b:s5+s17], $0x40, s22, s17, $0xb8;
	[tilespmem:$0x17000] =	vst v63  }
0x10d: {  	_ =	swait.ge [sflag:s24], $0x2000  }
0x10e: {  	[sflag:s24] =	ssyncset.done $0x0  }
0x10f: {  	s20 =	simm.s32 $0x4C00;
	[sflag:s24] =	ssyncadd.s32 $0xFFFFE000  }
0x110: {  	[spmem:s3] =	stream.indirect.scatter.add.f32 [tilespmem:s18], [sflag:$0x5], $0x40, s20, s17, $0xb8;
	[tilespmem:$0x17000] =	vst v63  }
0x111: {  	_ =	swait.ge [sflag:s13], $0x2000  }
0x112: {  	[sflag:s13] =	ssyncset.done $0x0  }
0x113: {  	[sflag:s13] =	ssyncadd.s32 $0xFFFFE000  }
0x114: {  	[tilespmem:s18], [sflag:$0x1] =	stream.indirect.gather [hbm4b:s5+s17], $0x40, s30, s17, $0xb8;
	[tilespmem:$0x17000] =	vst v63  }
0x115: {  	_ =	swait.ge [sflag:s25], $0x2000  }
0x116: {  	[sflag:s25] =	ssyncset.done $0x0  }
0x117: {  	[sflag:s25] =	ssyncadd.s32 $0xFFFFE000  }
0x118: {  	[spmem:s3] =	stream.indirect.scatter.add.f32 [tilespmem:s19], [sflag:$0x5], $0x40, s31, s17, $0xb8;
	[tilespmem:$0x17000] =	vst v63  }
0x119: {  	_ =	swait.ge [sflag:s13], $0x2000  }
0x11a: {  	[sflag:s13] =	ssyncset.done $0x0  }
0x11b: {  	[sflag:s13] =	ssyncadd.s32 $0xFFFFE000  }
0x11c: {  	[tilespmem:s19], [sflag:$0x2] =	stream.indirect.gather [hbm4b:s5+s17], $0x40, s0, s17, $0xb8;
	[tilespmem:$0x17000] =	vst v63  }
0x11d: {  	_ =	swait.ge [sflag:s26], $0x2000  }
0x11e: {  	[sflag:s26] =	ssyncset.done $0x0  }
0x11f: {  	[sflag:s26] =	ssyncadd.s32 $0xFFFFE000  }
0x120: {  	[spmem:s3] =	stream.indirect.scatter.add.f32 [tilespmem:s21], [sflag:$0x5], $0x40, s1, s17, $0xb8;
	[tilespmem:$0x17000] =	vst v63  }
0x121: {  	_ =	swait.ge [sflag:s13], $0x2000  }
0x122: {  	[sflag:s13] =	ssyncset.done $0x0  }
0x123: {  	[sflag:s13] =	ssyncadd.s32 $0xFFFFE000  }
0x124: {  	[tilespmem:s21], [sflag:$0x3] =	stream.indirect.gather [hbm4b:s5+s17], $0x40, s14, s17, $0xb8;
	[tilespmem:$0x17000] =	vst v63  }
0x125: {  	_ =	swait.ge [sflag:s28], $0x2000  }
0x126: {  	[sflag:s28] =	ssyncset.done $0x0  }
0x127: {  	[sflag:s28] =	ssyncadd.s32 $0xFFFFE000  }
0x128: {  	[spmem:s3] =	stream.indirect.scatter.add.f32 [tilespmem:s23], [sflag:$0x5], $0x40, s6, s17, $0xb8;
	[tilespmem:$0x17000] =	vst v63  }
0x129: {  	_ =	swait.ge [sflag:s13], $0x2000  }
0x12a: {  	[sflag:s13] =	ssyncset.done $0x0  }
0x12b: {  	[sflag:s13] =	ssyncadd.s32 $0xFFFFE000  }
0x12c: {  	[tilespmem:s23], [sflag:$0x4] =	stream.indirect.gather [hbm4b:s5+s17], $0x40, s7, s17, $0xb8;
	[tilespmem:$0x17000] =	vst v63  }
0x12d: {  	_ =	swait.ge [sflag:s24], $0x2000  }
0x12e: {  	[sflag:s24] =	ssyncset.done $0x0  }
0x12f: {  	[sflag:s24] =	ssyncadd.s32 $0xFFFFE000  }
0x130: {  	[spmem:s3] =	stream.indirect.scatter.add.f32 [tilespmem:s18], [sflag:$0x5], $0x40, s8, s17, $0xb8;
	[tilespmem:$0x17000] =	vst v63  }
0x131: {  	_ =	swait.ge [sflag:s13], $0x2000  }
0x132: {  	[sflag:s13] =	ssyncset.done $0x0  }
0x133: {  	[sflag:s13] =	ssyncadd.s32 $0xFFFFE000  }
0x134: {  	[tilespmem:s18], [sflag:$0x1] =	stream.indirect.gather [hbm4b:s5+s17], $0x40, s7, s17, $0xb8;
	[tilespmem:$0x17000] =	vst v63  }
0x135: {  	_ =	swait.ge [sflag:s25], $0x2000  }
0x136: {  	[sflag:s25] =	ssyncset.done $0x0  }
0x137: {  	[sflag:s25] =	ssyncadd.s32 $0xFFFFE000  }
0x138: {  	[spmem:s3] =	stream.indirect.scatter.add.f32 [tilespmem:s19], [sflag:$0x5], $0x40, s9, s17, $0xb8;
	[tilespmem:$0x17000] =	vst v63  }
0x139: {  	_ =	swait.ge [sflag:s13], $0x2000  }
0x13a: {  	[sflag:s13] =	ssyncset.done $0x0  }
0x13b: {  	[sflag:s13] =	ssyncadd.s32 $0xFFFFE000  }
0x13c: {  	[tilespmem:s19], [sflag:$0x2] =	stream.indirect.gather [hbm4b:s5+s17], $0x40, s7, s17, $0xb8;
	[tilespmem:$0x17000] =	vst v63  }
0x13d: {  	_ =	swait.ge [sflag:s26], $0x2000  }
0x13e: {  	[sflag:s26] =	ssyncset.done $0x0  }
0x13f: {  	[sflag:s26] =	ssyncadd.s32 $0xFFFFE000  }
0x140: {  	[spmem:s3] =	stream.indirect.scatter.add.f32 [tilespmem:s21], [sflag:$0x5], $0x40, s10, s17, $0xb8;
	[tilespmem:$0x17000] =	vst v63  }
0x141: {  	_ =	swait.ge [sflag:s13], $0x2000  }
0x142: {  	[sflag:s13] =	ssyncset.done $0x0  }
0x143: {  	[sflag:s13] =	ssyncadd.s32 $0xFFFFE000  }
0x144: {  	[tilespmem:s21], [sflag:$0x3] =	stream.indirect.gather [hbm4b:s5+s17], $0x40, s7, s17, $0xb8;
	[tilespmem:$0x17000] =	vst v63  }
0x145: {  	_ =	swait.ge [sflag:s28], $0x2000  }
0x146: {  	[sflag:s28] =	ssyncset.done $0x0  }
0x147: {  	[sflag:s28] =	ssyncadd.s32 $0xFFFFE000  }
0x148: {  	[spmem:s3] =	stream.indirect.scatter.add.f32 [tilespmem:s23], [sflag:$0x5], $0x40, s11, s17, $0xb8;
	[tilespmem:$0x17000] =	vst v63  }
0x149: {  	_ =	swait.ge [sflag:s13], $0x2000  }
0x14a: {  	[sflag:s13] =	ssyncset.done $0x0  }
0x14b: {  	[sflag:s13] =	ssyncadd.s32 $0xFFFFE000  }
0x14c: {  	[tilespmem:s23], [sflag:$0x4] =	stream.indirect.gather [hbm4b:s5+s17], $0x40, s7, s17, $0xb8;
	[tilespmem:$0x17000] =	vst v63  }
0x14d: {  	_ =	swait.ge [sflag:s24], $0x2000  }
0x14e: {  	[sflag:s24] =	ssyncset.done $0x0  }
0x14f: {  	[sflag:s24] =	ssyncadd.s32 $0xFFFFE000  }
0x150: {  	_ =	swait.ge [sflag:s25], $0x2000  }
0x151: {  	[sflag:s25] =	ssyncset.done $0x0  }
0x152: {  	[sflag:s25] =	ssyncadd.s32 $0xFFFFE000  }
0x153: {  	_ =	swait.ge [sflag:s26], $0x2000  }
0x154: {  	[sflag:s26] =	ssyncset.done $0x0  }
0x155: {  	[sflag:s26] =	ssyncadd.s32 $0xFFFFE000  }
0x156: {  	_ =	swait.ge [sflag:s28], $0x2000  }
0x157: {  	[sflag:s28] =	ssyncset.done $0x0  }
0x158: {  	[sflag:s28] =	ssyncadd.s32 $0xFFFFE000  }
0x159: {  	[bflag:$0x0] =	sbarrier.arrive $0xFFFF  }
0x15a: {  	s22 =	rddreg [dreg:$0x9]  }
0x15b: {  	[hbm:s22], [sflag:s15] =	dma.local [spmem:s16], $0x1400  }
0x15c: {  	_ =	swait.ge [sflag:s13], $0x1400  }
0x15d: {  	s12 =	sadd.s32 $0x1, s12;
	s29 =	rddreg [dreg:$0xa]  }
0x15e: {  	p0 =	sne.s32 s12, s29  }
.Ltmp2:
0x15f: {  	_ = 	snop;
	(pc) =	sbr.rel @p0 .LBB2_1-.Ltmp2, $3  }
0x160: {  	_ =	sdelay $0x1  }
0x161: {  	[sflag:s13] =	ssyncset.done $0x0  }
0x162: {  	[sflag:s13] =	ssyncadd.s32 $0xFFFFEC00  }
0x163: {  	_ =	sfence.sel $0x180000  }
0x164: {  	[bflag:$0x0] =	sbarrier.arrive $0xFFFF  }
0x165: {  	_ =	strace $0x9000004A  }
0x166: {  	s0 =	stileid.u32;
	[bflag:$0x2] =	sbarrier.arrive $0xFFFF  }
0x167: {  	p0 =	sne.s32 s0, $0x0;
	s0 =	rddreg [dreg:$0x3]  }
0x168: {  	s0 =	sadd.s32 @!p0 $0x100000, s0  }
0x169: {  	[sflag:s0] =	ssyncadd.tile.s32 @!p0 $0x1;
	_ =	shalt  }
.Lfunc_end2:
_tile_overlayer_lowered:
.L_overlay_start_2:
0x16a: {  	(tag) =	ssettag $0x2  }
0x16b: {  	s0 =	rddreg [dreg:$0x0];
	s2 =	stileid.u32  }
0x16c: {  	s1 =	rddreg [dreg:$0x1];
	p0 =	sne.s32 s2, $0x0  }
0x16d: {  	s3 =	rddreg [dreg:$0x2];
	[bflag:$0x3] =	sbarrier.arrive $0xFFFF;
	s2 =	simm.s32 @!p0 $0x1C05  }
0x16e: {  	[timem:s3], [sflag:s2] =	dma.local @!p0 [hbm:s0], s1  }
0x16f: {  	s0 =	simm.s32 @!p0 $0x5  }
0x170: {  	_ =	swait.ge @!p0 [sflag:s0], s1  }
0x171: {  	s1 =	ssub.s32 @!p0 $0x0, s1;
	[sflag:s0] =	ssyncset.done @!p0 $0x0  }
0x172: {  	[sflag:s0] =	ssyncadd.s32 @!p0 s1  }
0x173: {  	[bflag:$0x3] =	sbarrier.arrive $0xFFFF  }
0x174: {  	_ =	shalt  }

// kernel: kernel.17.cloned.1.call-start
scs
__scs_entry_jumppad:
0x0: {  	(pc) =	sbr.rel $0x88, $3  }
0x1: {  	(tag) =	ssettag $0x0;
	lr =	simm.s32 $0x1  }
0x2: {  	[smem:$0x3F97] =	sst lr;
	_ =	strace $0xD0000000  }
0x3: {  	_ = 	snop  }
0x4: {  	_ = 	snop  }
0x5: {  	_ = 	snop  }
0x6: {  	_ = 	snop  }
0x7: {  	_ = 	snop  }
__scs_overlays_trampoline_lowered:
0x8: {  	[smem:$0x3FA6] =	sst s0  }
0x9: {  	[smem:$0x3FA7] =	sst s1  }
0xa: {  	[smem:$0x3FA8] =	sst s2  }
0xb: {  	[smem:$0x3FA9] =	sst s3  }
0xc: {  	[smem:$0x3FAA] =	sst s4  }
0xd: {  	[smem:$0x3FAB] =	sst s5  }
0xe: {  	[smem:$0x3FAC] =	sst s6  }
0xf: {  	[smem:$0x3FAD] =	sst s7  }
0x10: {  	[smem:$0x3FAE] =	sst s8  }
0x11: {  	[smem:$0x3FAF] =	sst s9;
	s0 =	simm.s32 @!p0 $0x0  }
0x12: {  	s1 =	sld [smem:$0x3F95];
	s0 =	simm.s32 @p0 $0x1  }
0x13: {  	[smem:$0x3FB0] =	sst s0;
	s0 =	simm.s32 @!p1 $0x0  }
0x14: {  	s2 =	sld [smem:$0x3F94];
	s0 =	simm.s32 @p1 $0x1  }
0x15: {  	[smem:$0x3FB1] =	sst s0;
	s0 =	simm.s32 @!p2 $0x0  }
0x16: {  	s3 =	sld [smem:$0x3FDB];
	s0 =	simm.s32 @p2 $0x1  }
0x17: {  	s4 =	simm.s32 $0x1BF5;
	[smem:$0x3FB3] =	sst s0  }
0x18: {  	s0 =	sld [smem:$0x3F96];
	_ =	swait.ge [sflag:s4], $0x0  }
0x19: {  	s7 =	sld [smem:$0x3F97]  }
0x1a: {  	s8 =	sadd.s32 $0xFFFFE003, lr  }
0x1b: {  	s9 =	sadd.s32 $0xFFFFFEF7, lr;
	s5 =	simm.s32 $0xFFFFFFFF;
	p2 =	slt.u32 s8, $0xFFFFF086  }
0x1c: {  	p1 =	slt.u32 s9, $0xF7A;
	s5 =	simm.s32 @!p2 $0x0  }
0x1d: {  	s5 =	simm.s32 @p1 $0x1;
	p0 =	seq.s32 s7, s2  }
0x1e: {  	s7 =	smul.u32 @!p0 $0xF7A, s2;
	p2 =	seq.s32 @!p0 s5, $0x0  }
0x1f: {  	s9 =	smul.u32 $0xF7A, s1;
	s8 =	simm.s32 @!p0 $0x1BF5;
	p2 =	por !p2, p0  }
0x20: {  	[sflag:s8] =	ssyncset.s32 @!p0 $0xFFFFF086;
	s6 =	sadd.s32 @!p0 s3, s7;
	s7 =	simm.s32 @!p0 $0x108  }
0x21: {  	s3 =	sadd.s32 s3, s9;
	s6 =	sadd.s32 @!p0 $0x88, s6;
	s7 =	simm.s32 @p2 $0x1082  }
0x22: {  	[simem:s7], [sflag:s8] =	dma.local @!p0 [hbm:s6], $0xF7A  }
0x23: {  	s9 =	sor.u32 $0xD0000000, s2;
	s6 =	simm.s32 $0x108;
	_ =	swait.ge @!p0 [sflag:s8], $0x0  }
0x24: {  	s3 =	sadd.s32 $0x88, s3;
	s6 =	simm.s32 @!p1 $0x1082;
	[sflag:s4] =	ssyncset.s32 $0xFFFFF086  }
0x25: {  	[simem:s6], [sflag:s4] =	dma.local [hbm:s3], $0xF7A  }
0x26: {  	[smem:$0x3F97] =	sst s1;
	(tag) =	ssettag s2;
	_ =	strace s9  }
0x27: {  	s1 =	sld [smem:$0x3FA7]  }
0x28: {  	s2 =	sld [smem:$0x3FA8]  }
0x29: {  	s4 =	sld [smem:$0x3FAA]  }
0x2a: {  	p0 =	seq.s32 s5, $0x0;
	s5 =	sld [smem:$0x3FAB]  }
0x2b: {  	s6 =	sld [smem:$0x3FAC]  }
0x2c: {  	s7 =	sld [smem:$0x3FAD]  }
0x2d: {  	s3 =	simm.s32 $0x108;
	s8 =	sld [smem:$0x3FAE]  }
0x2e: {  	s3 =	simm.s32 @!p0 $0x1082;
	s9 =	sld [smem:$0x3FAF]  }
0x2f: {  	lr =	sadd.s32 s0, s3;
	s0 =	sld [smem:$0x3FA6]  }
0x30: {  	s3 =	sld [smem:$0x3FA9]  }
0x31: {  	[smem:$0x3FB2] =	sst s10  }
0x32: {  	s10 =	sld [smem:$0x3FB0];
	_ =	sdelay $0x3  }
0x33: {  	p0 =	seq.s32 s10, $0x1;
	s10 =	sld [smem:$0x3FB2];
	_ =	sdelay $0x3  }
0x34: {  	[smem:$0x3FB2] =	sst s10  }
0x35: {  	s10 =	sld [smem:$0x3FB1];
	_ =	sdelay $0x3  }
0x36: {  	p1 =	seq.s32 s10, $0x1;
	s10 =	sld [smem:$0x3FB2];
	_ =	sdelay $0x3  }
0x37: {  	[smem:$0x3FB2] =	sst s10  }
0x38: {  	s10 =	sld [smem:$0x3FB3]  }
0x39: {  	_ = 	snop;
	(pc) =	sbr.ind lr, $3  }
0x3a: {  	_ = 	snop  }
0x3b: {  	_ = 	snop  }
0x3c: {  	p2 =	seq.s32 s10, $0x1;
	s10 =	sld [smem:$0x3FB2]  }
0x3d: {  	_ =	shalt  }
0x3e: {  	_ =	shalt  }
0x3f: {  	_ =	shalt  }
0x40: {  	_ =	shalt  }
0x41: {  	_ =	shalt  }
0x42: {  	_ =	shalt  }
0x43: {  	_ =	shalt  }
0x44: {  	_ =	shalt  }
0x45: {  	_ =	shalt  }
0x46: {  	_ =	shalt  }
0x47: {  	_ =	shalt  }
0x48: {  	_ =	shalt  }
0x49: {  	_ =	shalt  }
0x4a: {  	_ =	shalt  }
0x4b: {  	_ =	shalt  }
0x4c: {  	_ =	shalt  }
0x4d: {  	_ =	shalt  }
0x4e: {  	_ =	shalt  }
0x4f: {  	_ =	shalt  }
0x50: {  	_ =	shalt  }
0x51: {  	_ =	shalt  }
0x52: {  	_ =	shalt  }
0x53: {  	_ =	shalt  }
0x54: {  	_ =	shalt  }
0x55: {  	_ =	shalt  }
0x56: {  	_ =	shalt  }
0x57: {  	_ =	shalt  }
0x58: {  	_ =	shalt  }
0x59: {  	_ =	shalt  }
0x5a: {  	_ =	shalt  }
0x5b: {  	_ =	shalt  }
0x5c: {  	_ =	shalt  }
0x5d: {  	_ =	shalt  }
0x5e: {  	_ =	shalt  }
0x5f: {  	_ =	shalt  }
0x60: {  	_ =	shalt  }
0x61: {  	_ =	shalt  }
0x62: {  	_ =	shalt  }
0x63: {  	_ =	shalt  }
0x64: {  	_ =	shalt  }
0x65: {  	_ =	shalt  }
0x66: {  	_ =	shalt  }
0x67: {  	_ =	shalt  }
0x68: {  	_ =	shalt  }
0x69: {  	_ =	shalt  }
0x6a: {  	_ =	shalt  }
0x6b: {  	_ =	shalt  }
0x6c: {  	_ =	shalt  }
0x6d: {  	_ =	shalt  }
0x6e: {  	_ =	shalt  }
0x6f: {  	_ =	shalt  }
0x70: {  	_ =	shalt  }
0x71: {  	_ =	shalt  }
0x72: {  	_ =	shalt  }
0x73: {  	_ =	shalt  }
0x74: {  	_ =	shalt  }
0x75: {  	_ =	shalt  }
0x76: {  	_ =	shalt  }
0x77: {  	_ =	shalt  }
0x78: {  	_ =	shalt  }
0x79: {  	_ =	shalt  }
0x7a: {  	_ =	shalt  }
0x7b: {  	_ =	shalt  }
0x7c: {  	_ =	shalt  }
0x7d: {  	_ =	shalt  }
0x7e: {  	_ =	shalt  }
0x7f: {  	_ =	shalt  }
0x80: {  	_ =	shalt  }
0x81: {  	_ =	shalt  }
0x82: {  	_ =	shalt  }
0x83: {  	_ =	shalt  }
0x84: {  	_ =	shalt  }
0x85: {  	_ =	shalt  }
0x86: {  	_ =	shalt  }
0x87: {  	_ =	shalt  }
.Lfunc_end0:
.L_simem_size_0:
called_computation.2_lowered:
.L_overlay_start_0:
0x88: {  	s2 =	sld [smem:$0x3FD9]  }
0x89: {  	s3 =	sld [smem:$0x3FFE];
	_ =	sdelay $0x1  }
0x8a: {  	s1 =	srdreg.scid  }
0x8b: {  	s0 =	sand.u32 $0x1, s1  }
0x8c: {  	s17 =	sshll.u32 s0, $0xA;
	s2 =	sadd.s32 s3, s2  }
0x8d: {  	s2 =	sadd.s32 s2, s17  }
0x8e: {  	[smem:$0x3FBE] =	sst s2  }
0x8f: {  	_ = 	snop  }
0x90: {  	s2 =	sld [smem:$0x3FD0];
	(tm) =	ssettm $0x1  }
0x91: {  	s18 =	sld [smem:$0x3FFB];
	_ =	sdelay $0x3  }
0x92: {  	_ =	strace s18  }
0x93: {  	s3 =	sld [smem:$0x3FFC];
	_ =	sdelay $0x3  }
0x94: {  	_ =	strace s3  }
0x95: {  	s3 =	sld [smem:$0x3FFD];
	_ =	sdelay $0x3  }
0x96: {  	_ =	strace s3  }
0x97: {  	_ =	strace $0x8FFFFFFF  }
0x98: {  	s19 =	sld [smem:$0x3FDB];
	_ =	sdelay $0x1  }
0x99: {  	s4 =	simm.s32 $_scs_section_size  }
0x9a: {  	s5 =	simm.s32 $_size__tile_overlayer_lowered;
	s6 =	simm.s32 $_tile_overlayer_lowered  }
0x9b: {  	s22 =	simm.s32 $0x1BFF;
	s21 =	sshll.u32 s6, $0x1;
	s3 =	sadd.s32 s4, s19  }
0x9c: {  	s7 =	simm.s32 $0x0;
	s20 =	sshll.u32 s5, $0x1;
	s5 =	sadd.s32 s21, s3  }
0x9d: {  	[timem:s7], [sflag:s22] =	dma.local [hbm:s5], s20  }
0x9e: {  	_ =	swait.ge [sflag:s22], s20  }
0x9f: {  	s4 =	ssub.s32 $0x0, s20;
	[sflag:s22] =	ssyncset.done $0x0  }
0xa0: {  	[sflag:s22] =	ssyncadd.s32 s4;
	_ =	sdelay $0x1  }
0xa1: {  	s23 =	simm.s32 $0x1B8B  }
0xa2: {  	_ =	swait.ge [sflag:s23], $0x1  }
0xa3: {  	[sflag:s23] =	ssyncset.done $0x0  }
0xa4: {  	s25 =	simm.s32 $0x1B8E;
	s24 =	sld [smem:$0x3FFE];
	[sflag:s23] =	ssyncadd.s32 $0xFFFFFFFF  }
0xa5: {  	s26 =	simm.s32 $execute0_lowered;
	[smem:$0x3FD2] =	sst s25  }
0xa6: {  	s5 =	sshll.u32 s26, $0x1;
	_ =	strace $0x8000004C;
	[dreg:$0x1] =	wrdreg $0xFFFFFFFF  }
0xa7: {  	s28 =	simm.s32 $_size_execute0_lowered;
	s3 =	sadd.s32 s3, s5;
	[dreg:$0x0] =	wrdreg $0x0  }
0xa8: {  	s5 =	sshll.u32 s28, $0x1;
	[dreg:$0x2] =	wrdreg s3  }
0xa9: {  	[dreg:$0x3] =	wrdreg s5  }
0xaa: {  	[dreg:$0x4] =	wrdreg $0xC0  }
0xab: {  	_ =	task [dreg:s7], $0x5FFFF  }
0xac: {  	[dreg:$0x1] =	wrdreg $0xFFFFFFFF  }
0xad: {  	[dreg:$0x0] =	wrdreg $0x60  }
0xae: {  	[dreg:$0x2] =	wrdreg s2  }
0xaf: {  	[dreg:$0x3] =	wrdreg s24  }
0xb0: {  	[dreg:$0x4] =	wrdreg $0xD0000  }
0xb1: {  	[dreg:$0x5] =	wrdreg $0x9  }
0xb2: {  	_ =	task.clear_ibuf [dreg:s7], $0x6FFFF;
	_ =	strace $0x9000004C  }
0xb3: {  	s29 =	simm.s32 $0x9;
	_ =	strace $0x8000004E  }
0xb4: {  	_ =	swait.ge [sflag:s29], $0x1  }
0xb5: {  	[sflag:s29] =	ssyncadd.s32 $0xFFFFFFFF  }
0xb6: {  	_ =	strace $0x9000004E  }
0xb7: {  	_ =	sfence  }
0xb8: {  	s30 =	sld [smem:$0x0];
	_ =	sdelay $0x2  }
0xb9: {  	s31 =	sshll.u32 s1, $0xD;
	s1 =	sshrl.u32 s1, $0x2  }
0xba: {  	s3 =	sand.u32 $0x4000, s31;
	s1 =	sadd.s32 s1, s30  }
0xbb: {  	s0 =	sor.u32 s3, s0;
	s1 =	sshll.u32 s1, $0x11  }
0xbc: {  	s0 =	sor.u32 s1, s0  }
0xbd: {  	s0 =	sadd.s32 $0x8F2B, s0  }
0xbe: {  	[sflag:s0] =	ssyncadd.remote.s32 $0x1  }
0xbf: {  	_ =	sfence.sel $0xFFFF  }
0xc0: {  	[dreg:$0x0] =	wrdreg $0xFFFFFFFF;
	(pc) =	sbr.abs _section_cstart, $3  }
0xc1: {  	[dreg:$0x1] =	wrdreg $0xFFFFFFFF  }
0xc2: {  	_ =	task.clear_ibuf [dreg:s7], $0x2FFFF;
	_ =	strace $0x9FFFFFFF  }
0xc3: {  	(tm) =	ssettm $0x7FFFFFFF  }
tec
execute0_lowered:
.L_overlay_start_1:
0x0: {  	(tag) =	ssettag $0x1  }
0x1: {  	s2 =	rddreg [dreg:$0x0]  }
0x2: {  	s0 =	rddreg [dreg:$0x1]  }
0x3: {  	s3 =	rddreg [dreg:$0x2]  }
0x4: {  	s1 =	srdreg.scid;
	s9 =	stileid.u32;
	s4 =	simm.s32 $0x0  }
0x5: {  	s13 =	simm.s32 $0x5;
	s17 =	simm.s32 $0x80;
	s18 =	simm.s32 $0x5000  }
0x6: {  	s19 =	simm.s32 $0x7000;
	s28 =	simm.s32 $0x4;
	s30 =	simm.s32 $0x2600  }
0x7: {  	s31 =	simm.s32 $0x4C80;
	s14 =	simm.s32 $0x2700;
	s10 =	simm.s32 $0x4F00  }
0x8: {  	s11 =	simm.s32 $0x4F80;
	s12 =	simm.s32 $0x0;
	s1 =	sand.u32 $0x1, s1  }
0x9: {  	s6 =	smul.u32 $0xA000, s9;
	[smem:$0x7FF] =	sst s4;
	s29 =	sshll.u32 s9, $0x6  }
0xa: {  	s5 =	sshll.u32 s1, $0x4;
	s7 =	smul.u32 $0xA0000, s1;
	_ =	strace $0x8000004D  }
0xb: {  	s1 =	ssub.s32 $0x2, s1;
	s15 =	sor.u32 $0x1C05, s29;
	s5 =	sor.u32 s9, s5  }
0xc: {  	s21 =	sshrl.u32 s1, $0x1;
	s23 =	sshrl.u32 s6, $0x3;
	s9 =	simm.s32 $0x4E80  }
0xd: {  	s8 =	smul.u32 $0x500, s5;
	s7 =	sadd.s32 s6, s7;
	s5 =	sadd.s32 $0xBEE00, s0  }
0xe: {  	s1 =	ssub.s32 s1, s21;
	s6 =	sadd.s32 s6, s3;
	s24 =	sadd.s32 s2, s23  }
0xf: {  	s21 =	simm.s32 $0x9000;
	s7 =	sshrl.u32 s7, $0x3;
	[dreg:$0x6] =	wrdreg s24  }
0x10: {  	s26 =	smax.u32 s1, $0x1;
	s16 =	sshrl.u32 s6, $0x3;
	s8 =	sadd.s32 s8, s0  }
0x11: {  	s0 =	sadd.s32 s7, s0;
	s7 =	sadd.s32 s5, s23;
	[dreg:$0xa] =	wrdreg s26  }
0x12: {  	s24 =	simm.s32 $0x1;
	s22 =	sadd.s32 $0xFC00, s8;
	[dreg:$0x8] =	wrdreg s7  }
0x13: {  	s1 =	simm.s32 $0x4D00;
	s8 =	sadd.s32 $0x5C00, s8;
	[dreg:$0x4] =	wrdreg s22  }
0x14: {  	s6 =	simm.s32 $0x4D80;
	s25 =	sadd.s32 $0xFAE00, s0;
	[dreg:$0x5] =	wrdreg s8  }
0x15: {  	s23 =	simm.s32 $0xB000;
	s0 =	sadd.s32 $0xD2E00, s0;
	[dreg:$0x7] =	wrdreg s25  }
0x16: {  	s26 =	simm.s32 $0x3;
	s7 =	simm.s32 $0x2780;
	[dreg:$0x9] =	wrdreg s0  }
0x17: {  	s25 =	simm.s32 $0x2;
	s0 =	simm.s32 $0x2680;
	s8 =	simm.s32 $0x4E00  }
.LBB2_1:
0x18: {  	s20 =	rddreg [dreg:$0x4]  }
0x19: {  	[tilespmem:s4], [sflag:$0x5] =	stream.linear.gather [hbm4b:s20+s4], $0x2800, $0x38;
	[tilespmem:$0x17000] =	vst v63  }
0x1a: {  	_ =	swait.ge [sflag:s13], $0x2800  }
0x1b: {  	[sflag:s13] =	ssyncset.done $0x0  }
0x1c: {  	s22 =	simm.s32 $0x2800;
	s29 =	rddreg [dreg:$0x5];
	[sflag:s13] =	ssyncadd.s32 $0xFFFFD800  }
0x1d: {  	[tilespmem:s22], [sflag:$0x5] =	stream.linear.gather [hbm4b:s29+s4], $0x2800, $0x38;
	[tilespmem:$0x17000] =	vst v63  }
0x1e: {  	_ =	swait.ge [sflag:s13], $0x2800  }
0x1f: {  	[sflag:s13] =	ssyncset.done $0x0  }
0x20: {  	s22 =	rddreg [dreg:$0x6];
	[sflag:s13] =	ssyncadd.s32 $0xFFFFD800  }
0x21: {  	[spmem:s16], [sflag:s15] =	dma.local [hbm:s22], $0x1400  }
0x22: {  	_ =	swait.ge [sflag:s13], $0x1400  }
0x23: {  	[sflag:s13] =	ssyncset.done $0x0  }
0x24: {  	[sflag:s13] =	ssyncadd.s32 $0xFFFFEC00  }
0x25: {  	[bflag:$0x0] =	sbarrier.arrive $0xFFFF  }
0x26: {  	[tilespmem:s18], [sflag:$0x1] =	stream.indirect.gather [hbm4b:s2+s17], $0x40, s4, s17, $0xb8;
	[tilespmem:$0x17000] =	vst v63  }
0x27: {  	_ = 	snop  }
0x28: {  	[tilespmem:s19], [sflag:$0x2] =	stream.indirect.gather [hbm4b:s2+s17], $0x40, s17, s17, $0xb8;
	[tilespmem:$0x17000] =	vst v63  }
0x29: {  	s29 =	simm.s32 $0x100  }
0x2a: {  	[tilespmem:s21], [sflag:$0x3] =	stream.indirect.gather [hbm4b:s2+s17], $0x40, s29, s17, $0xb8;
	[tilespmem:$0x17000] =	vst v63  }
0x2b: {  	s22 =	simm.s32 $0x180  }
0x2c: {  	[tilespmem:s23], [sflag:$0x4] =	stream.indirect.gather [hbm4b:s2+s17], $0x40, s22, s17, $0xb8;
	[tilespmem:$0x17000] =	vst v63  }
0x2d: {  	_ =	swait.ge [sflag:s24], $0x2000  }
0x2e: {  	[sflag:s24] =	ssyncset.done $0x0  }
0x2f: {  	s29 =	simm.s32 $0x2800;
	[sflag:s24] =	ssyncadd.s32 $0xFFFFE000  }
0x30: {  	[spmem:s3] =	stream.indirect.scatter.add.f32 [tilespmem:s18], [sflag:$0x5], $0x40, s29, s17, $0xb8;
	[tilespmem:$0x17000] =	vst v63  }
0x31: {  	_ =	swait.ge [sflag:s13], $0x2000  }
0x32: {  	[sflag:s13] =	ssyncset.done $0x0  }
0x33: {  	s22 =	simm.s32 $0x200;
	[sflag:s13] =	ssyncadd.s32 $0xFFFFE000  }
0x34: {  	[tilespmem:s18], [sflag:$0x1] =	stream.indirect.gather [hbm4b:s2+s17], $0x40, s22, s17, $0xb8;
	[tilespmem:$0x17000] =	vst v63  }
0x35: {  	_ =	swait.ge [sflag:s25], $0x2000  }
0x36: {  	[sflag:s25] =	ssyncset.done $0x0  }
0x37: {  	s29 =	simm.s32 $0x2880;
	[sflag:s25] =	ssyncadd.s32 $0xFFFFE000  }
0x38: {  	[spmem:s3] =	stream.indirect.scatter.add.f32 [tilespmem:s19], [sflag:$0x5], $0x40, s29, s17, $0xb8;
	[tilespmem:$0x17000] =	vst v63  }
0x39: {  	_ =	swait.ge [sflag:s13], $0x2000  }
0x3a: {  	[sflag:s13] =	ssyncset.done $0x0  }
0x3b: {  	s22 =	simm.s32 $0x280;
	[sflag:s13] =	ssyncadd.s32 $0xFFFFE000  }
0x3c: {  	[tilespmem:s19], [sflag:$0x2] =	stream.indirect.gather [hbm4b:s2+s17], $0x40, s22, s17, $0xb8;
	[tilespmem:$0x17000] =	vst v63  }
0x3d: {  	_ =	swait.ge [sflag:s26], $0x2000  }
0x3e: {  	[sflag:s26] =	ssyncset.done $0x0  }
0x3f: {  	s29 =	simm.s32 $0x2900;
	[sflag:s26] =	ssyncadd.s32 $0xFFFFE000  }
0x40: {  	[spmem:s3] =	stream.indirect.scatter.add.f32 [tilespmem:s21], [sflag:$0x5], $0x40, s29, s17, $0xb8;
	[tilespmem:$0x17000] =	vst v63  }
0x41: {  	_ =	swait.ge [sflag:s13], $0x2000  }
0x42: {  	[sflag:s13] =	ssyncset.done $0x0  }
0x43: {  	s22 =	simm.s32 $0x300;
	[sflag:s13] =	ssyncadd.s32 $0xFFFFE000  }
0x44: {  	[tilespmem:s21], [sflag:$0x3] =	stream.indirect.gather [hbm4b:s2+s17], $0x40, s22, s17, $0xb8;
	[tilespmem:$0x17000] =	vst v63  }
0x45: {  	_ =	swait.ge [sflag:s28], $0x2000  }
0x46: {  	[sflag:s28] =	ssyncset.done $0x0  }
0x47: {  	s29 =	simm.s32 $0x2980;
	[sflag:s28] =	ssyncadd.s32 $0xFFFFE000  }
0x48: {  	[spmem:s3] =	stream.indirect.scatter.add.f32 [tilespmem:s23], [sflag:$0x5], $0x40, s29, s17, $0xb8;
	[tilespmem:$0x17000] =	vst v63  }
0x49: {  	_ =	swait.ge [sflag:s13], $0x2000  }
0x4a: {  	[sflag:s13] =	ssyncset.done $0x0  }
0x4b: {  	s20 =	simm.s32 $0x800;
	s22 =	simm.s32 $0x380;
	[sflag:s13] =	ssyncadd.s32 $0xFFFFE000  }
.LBB2_2:
0x4c: {  	[tilespmem:s23], [sflag:$0x4] =	stream.indirect.gather [hbm4b:s2+s17], $0x40, s22, s17, $0xb8;
	[tilespmem:$0x17000] =	vst v63  }
0x4d: {  	s22 =	smov.u32 s20  }
0x4e: {  	p0 =	sne.s32 s20, $0x8800;
	s20 =	sadd.s32 $0x800, s20;
	_ =	swait.ge [sflag:s24], $0x2000  }
0x4f: {  	s22 =	sshra.s32 s22, $0x2;
	[sflag:s24] =	ssyncset.done $0x0  }
0x50: {  	s29 =	sadd.s32 $0x2800, s22;
	[sflag:s24] =	ssyncadd.s32 $0xFFFFE000  }
0x51: {  	[spmem:s3] =	stream.indirect.scatter.add.f32 [tilespmem:s18], [sflag:$0x5], $0x40, s29, s17, $0xb8;
	[tilespmem:$0x17000] =	vst v63  }
0x52: {  	_ =	swait.ge [sflag:s13], $0x2000  }
0x53: {  	[sflag:s13] =	ssyncset.done $0x0  }
0x54: {  	s29 =	sadd.s32 $0x200, s22;
	[sflag:s13] =	ssyncadd.s32 $0xFFFFE000  }
0x55: {  	[tilespmem:s18], [sflag:$0x1] =	stream.indirect.gather [hbm4b:s2+s17], $0x40, s29, s17, $0xb8;
	[tilespmem:$0x17000] =	vst v63  }
0x56: {  	_ =	swait.ge [sflag:s25], $0x2000  }
0x57: {  	[sflag:s25] =	ssyncset.done $0x0  }
0x58: {  	s29 =	sadd.s32 $0x2880, s22;
	[sflag:s25] =	ssyncadd.s32 $0xFFFFE000  }
0x59: {  	[spmem:s3] =	stream.indirect.scatter.add.f32 [tilespmem:s19], [sflag:$0x5], $0x40, s29, s17, $0xb8;
	[tilespmem:$0x17000] =	vst v63  }
0x5a: {  	_ =	swait.ge [sflag:s13], $0x2000  }
0x5b: {  	[sflag:s13] =	ssyncset.done $0x0  }
0x5c: {  	s29 =	sadd.s32 $0x280, s22;
	[sflag:s13] =	ssyncadd.s32 $0xFFFFE000  }
0x5d: {  	[tilespmem:s19], [sflag:$0x2] =	stream.indirect.gather [hbm4b:s2+s17], $0x40, s29, s17, $0xb8;
	[tilespmem:$0x17000] =	vst v63  }
0x5e: {  	_ =	swait.ge [sflag:s26], $0x2000  }
0x5f: {  	[sflag:s26] =	ssyncset.done $0x0  }
0x60: {  	s29 =	sadd.s32 $0x2900, s22;
	[sflag:s26] =	ssyncadd.s32 $0xFFFFE000  }
0x61: {  	[spmem:s3] =	stream.indirect.scatter.add.f32 [tilespmem:s21], [sflag:$0x5], $0x40, s29, s17, $0xb8;
	[tilespmem:$0x17000] =	vst v63  }
0x62: {  	_ =	swait.ge [sflag:s13], $0x2000  }
0x63: {  	[sflag:s13] =	ssyncset.done $0x0  }
0x64: {  	s29 =	sadd.s32 $0x300, s22;
	[sflag:s13] =	ssyncadd.s32 $0xFFFFE000  }
0x65: {  	[tilespmem:s21], [sflag:$0x3] =	stream.indirect.gather [hbm4b:s2+s17], $0x40, s29, s17, $0xb8;
	[tilespmem:$0x17000] =	vst v63  }
0x66: {  	_ =	swait.ge [sflag:s28], $0x2000  }
0x67: {  	[sflag:s28] =	ssyncset.done $0x0  }
.Ltmp0:
0x68: {  	s29 =	sadd.s32 $0x2980, s22;
	[sflag:s28] =	ssyncadd.s32 $0xFFFFE000;
	(pc) =	sbr.rel @p0 .LBB2_2-.Ltmp0, $4  }
0x69: {  	[spmem:s3] =	stream.indirect.scatter.add.f32 [tilespmem:s23], [sflag:$0x5], $0x40, s29, s17, $0xb8;
	[tilespmem:$0x17000] =	vst v63  }
0x6a: {  	_ =	swait.ge [sflag:s13], $0x2000  }
0x6b: {  	[sflag:s13] =	ssyncset.done $0x0  }
0x6c: {  	s22 =	sadd.s32 $0x380, s22;
	[sflag:s13] =	ssyncadd.s32 $0xFFFFE000  }
0x6d: {  	[tilespmem:s23], [sflag:$0x4] =	stream.indirect.gather [hbm4b:s2+s17], $0x40, s22, s17, $0xb8;
	[tilespmem:$0x17000] =	vst v63  }
0x6e: {  	_ =	swait.ge [sflag:s24], $0x2000  }
0x6f: {  	[sflag:s24] =	ssyncset.done $0x0  }
0x70: {  	s20 =	simm.s32 $0x4C00;
	[sflag:s24] =	ssyncadd.s32 $0xFFFFE000  }
0x71: {  	[spmem:s3] =	stream.indirect.scatter.add.f32 [tilespmem:s18], [sflag:$0x5], $0x40, s20, s17, $0xb8;
	[tilespmem:$0x17000] =	vst v63  }
0x72: {  	_ =	swait.ge [sflag:s13], $0x2000  }
0x73: {  	[sflag:s13] =	ssyncset.done $0x0  }
0x74: {  	[sflag:s13] =	ssyncadd.s32 $0xFFFFE000  }
0x75: {  	[tilespmem:s18], [sflag:$0x1] =	stream.indirect.gather [hbm4b:s2+s17], $0x40, s30, s17, $0xb8;
	[tilespmem:$0x17000] =	vst v63  }
0x76: {  	_ =	swait.ge [sflag:s25], $0x2000  }
0x77: {  	[sflag:s25] =	ssyncset.done $0x0  }
0x78: {  	[sflag:s25] =	ssyncadd.s32 $0xFFFFE000  }
0x79: {  	[spmem:s3] =	stream.indirect.scatter.add.f32 [tilespmem:s19], [sflag:$0x5], $0x40, s31, s17, $0xb8;
	[tilespmem:$0x17000] =	vst v63  }
0x7a: {  	_ =	swait.ge [sflag:s13], $0x2000  }
0x7b: {  	[sflag:s13] =	ssyncset.done $0x0  }
0x7c: {  	[sflag:s13] =	ssyncadd.s32 $0xFFFFE000  }
0x7d: {  	[tilespmem:s19], [sflag:$0x2] =	stream.indirect.gather [hbm4b:s2+s17], $0x40, s0, s17, $0xb8;
	[tilespmem:$0x17000] =	vst v63  }
0x7e: {  	_ =	swait.ge [sflag:s26], $0x2000  }
0x7f: {  	[sflag:s26] =	ssyncset.done $0x0  }
0x80: {  	[sflag:s26] =	ssyncadd.s32 $0xFFFFE000  }
0x81: {  	[spmem:s3] =	stream.indirect.scatter.add.f32 [tilespmem:s21], [sflag:$0x5], $0x40, s1, s17, $0xb8;
	[tilespmem:$0x17000] =	vst v63  }
0x82: {  	_ =	swait.ge [sflag:s13], $0x2000  }
0x83: {  	[sflag:s13] =	ssyncset.done $0x0  }
0x84: {  	[sflag:s13] =	ssyncadd.s32 $0xFFFFE000  }
0x85: {  	[tilespmem:s21], [sflag:$0x3] =	stream.indirect.gather [hbm4b:s2+s17], $0x40, s14, s17, $0xb8;
	[tilespmem:$0x17000] =	vst v63  }
0x86: {  	_ =	swait.ge [sflag:s28], $0x2000  }
0x87: {  	[sflag:s28] =	ssyncset.done $0x0  }
0x88: {  	[sflag:s28] =	ssyncadd.s32 $0xFFFFE000  }
0x89: {  	[spmem:s3] =	stream.indirect.scatter.add.f32 [tilespmem:s23], [sflag:$0x5], $0x40, s6, s17, $0xb8;
	[tilespmem:$0x17000] =	vst v63  }
0x8a: {  	_ =	swait.ge [sflag:s13], $0x2000  }
0x8b: {  	[sflag:s13] =	ssyncset.done $0x0  }
0x8c: {  	[sflag:s13] =	ssyncadd.s32 $0xFFFFE000  }
0x8d: {  	[tilespmem:s23], [sflag:$0x4] =	stream.indirect.gather [hbm4b:s2+s17], $0x40, s7, s17, $0xb8;
	[tilespmem:$0x17000] =	vst v63  }
0x8e: {  	_ =	swait.ge [sflag:s24], $0x2000  }
0x8f: {  	[sflag:s24] =	ssyncset.done $0x0  }
0x90: {  	[sflag:s24] =	ssyncadd.s32 $0xFFFFE000  }
0x91: {  	[spmem:s3] =	stream.indirect.scatter.add.f32 [tilespmem:s18], [sflag:$0x5], $0x40, s8, s17, $0xb8;
	[tilespmem:$0x17000] =	vst v63  }
0x92: {  	_ =	swait.ge [sflag:s13], $0x2000  }
0x93: {  	[sflag:s13] =	ssyncset.done $0x0  }
0x94: {  	[sflag:s13] =	ssyncadd.s32 $0xFFFFE000  }
0x95: {  	[tilespmem:s18], [sflag:$0x1] =	stream.indirect.gather [hbm4b:s2+s17], $0x40, s7, s17, $0xb8;
	[tilespmem:$0x17000] =	vst v63  }
0x96: {  	_ =	swait.ge [sflag:s25], $0x2000  }
0x97: {  	[sflag:s25] =	ssyncset.done $0x0  }
0x98: {  	[sflag:s25] =	ssyncadd.s32 $0xFFFFE000  }
0x99: {  	[spmem:s3] =	stream.indirect.scatter.add.f32 [tilespmem:s19], [sflag:$0x5], $0x40, s9, s17, $0xb8;
	[tilespmem:$0x17000] =	vst v63  }
0x9a: {  	_ =	swait.ge [sflag:s13], $0x2000  }
0x9b: {  	[sflag:s13] =	ssyncset.done $0x0  }
0x9c: {  	[sflag:s13] =	ssyncadd.s32 $0xFFFFE000  }
0x9d: {  	[tilespmem:s19], [sflag:$0x2] =	stream.indirect.gather [hbm4b:s2+s17], $0x40, s7, s17, $0xb8;
	[tilespmem:$0x17000] =	vst v63  }
0x9e: {  	_ =	swait.ge [sflag:s26], $0x2000  }
0x9f: {  	[sflag:s26] =	ssyncset.done $0x0  }
0xa0: {  	[sflag:s26] =	ssyncadd.s32 $0xFFFFE000  }
0xa1: {  	[spmem:s3] =	stream.indirect.scatter.add.f32 [tilespmem:s21], [sflag:$0x5], $0x40, s10, s17, $0xb8;
	[tilespmem:$0x17000] =	vst v63  }
0xa2: {  	_ =	swait.ge [sflag:s13], $0x2000  }
0xa3: {  	[sflag:s13] =	ssyncset.done $0x0  }
0xa4: {  	[sflag:s13] =	ssyncadd.s32 $0xFFFFE000  }
0xa5: {  	[tilespmem:s21], [sflag:$0x3] =	stream.indirect.gather [hbm4b:s2+s17], $0x40, s7, s17, $0xb8;
	[tilespmem:$0x17000] =	vst v63  }
0xa6: {  	_ =	swait.ge [sflag:s28], $0x2000  }
0xa7: {  	[sflag:s28] =	ssyncset.done $0x0  }
0xa8: {  	[sflag:s28] =	ssyncadd.s32 $0xFFFFE000  }
0xa9: {  	[spmem:s3] =	stream.indirect.scatter.add.f32 [tilespmem:s23], [sflag:$0x5], $0x40, s11, s17, $0xb8;
	[tilespmem:$0x17000] =	vst v63  }
0xaa: {  	_ =	swait.ge [sflag:s13], $0x2000  }
0xab: {  	[sflag:s13] =	ssyncset.done $0x0  }
0xac: {  	[sflag:s13] =	ssyncadd.s32 $0xFFFFE000  }
0xad: {  	[tilespmem:s23], [sflag:$0x4] =	stream.indirect.gather [hbm4b:s2+s17], $0x40, s7, s17, $0xb8;
	[tilespmem:$0x17000] =	vst v63  }
0xae: {  	_ =	swait.ge [sflag:s24], $0x2000  }
0xaf: {  	[sflag:s24] =	ssyncset.done $0x0  }
0xb0: {  	[sflag:s24] =	ssyncadd.s32 $0xFFFFE000  }
0xb1: {  	_ =	swait.ge [sflag:s25], $0x2000  }
0xb2: {  	[sflag:s25] =	ssyncset.done $0x0  }
0xb3: {  	[sflag:s25] =	ssyncadd.s32 $0xFFFFE000  }
0xb4: {  	_ =	swait.ge [sflag:s26], $0x2000  }
0xb5: {  	[sflag:s26] =	ssyncset.done $0x0  }
0xb6: {  	[sflag:s26] =	ssyncadd.s32 $0xFFFFE000  }
0xb7: {  	_ =	swait.ge [sflag:s28], $0x2000  }
0xb8: {  	[sflag:s28] =	ssyncset.done $0x0  }
0xb9: {  	[sflag:s28] =	ssyncadd.s32 $0xFFFFE000  }
0xba: {  	[bflag:$0x0] =	sbarrier.arrive $0xFFFF  }
0xbb: {  	s22 =	rddreg [dreg:$0x7]  }
0xbc: {  	[hbm:s22], [sflag:s15] =	dma.local [spmem:s16], $0x1400  }
0xbd: {  	_ =	swait.ge [sflag:s13], $0x1400  }
0xbe: {  	[sflag:s13] =	ssyncset.done $0x0  }
0xbf: {  	s29 =	rddreg [dreg:$0x8];
	[sflag:s13] =	ssyncadd.s32 $0xFFFFEC00  }
0xc0: {  	[spmem:s16], [sflag:s15] =	dma.local [hbm:s29], $0x1400  }
0xc1: {  	_ =	swait.ge [sflag:s13], $0x1400  }
0xc2: {  	[sflag:s13] =	ssyncset.done $0x0  }
0xc3: {  	[sflag:s13] =	ssyncadd.s32 $0xFFFFEC00  }
0xc4: {  	s22 =	simm.s32 $0x0;
	[bflag:$0x0] =	sbarrier.arrive $0xFFFF  }
0xc5: {  	[tilespmem:s18], [sflag:$0x1] =	stream.indirect.gather [hbm4b:s5+s17], $0x40, s22, s17, $0xb8;
	[tilespmem:$0x17000] =	vst v63  }
0xc6: {  	_ = 	snop  }
0xc7: {  	[tilespmem:s19], [sflag:$0x2] =	stream.indirect.gather [hbm4b:s5+s17], $0x40, s17, s17, $0xb8;
	[tilespmem:$0x17000] =	vst v63  }
0xc8: {  	s29 =	simm.s32 $0x100  }
0xc9: {  	[tilespmem:s21], [sflag:$0x3] =	stream.indirect.gather [hbm4b:s5+s17], $0x40, s29, s17, $0xb8;
	[tilespmem:$0x17000] =	vst v63  }
0xca: {  	s22 =	simm.s32 $0x180  }
0xcb: {  	[tilespmem:s23], [sflag:$0x4] =	stream.indirect.gather [hbm4b:s5+s17], $0x40, s22, s17, $0xb8;
	[tilespmem:$0x17000] =	vst v63  }
0xcc: {  	_ =	swait.ge [sflag:s24], $0x2000  }
0xcd: {  	[sflag:s24] =	ssyncset.done $0x0  }
0xce: {  	s29 =	simm.s32 $0x2800;
	[sflag:s24] =	ssyncadd.s32 $0xFFFFE000  }
0xcf: {  	[spmem:s3] =	stream.indirect.scatter.add.f32 [tilespmem:s18], [sflag:$0x5], $0x40, s29, s17, $0xb8;
	[tilespmem:$0x17000] =	vst v63  }
0xd0: {  	_ =	swait.ge [sflag:s13], $0x2000  }
0xd1: {  	[sflag:s13] =	ssyncset.done $0x0  }
0xd2: {  	s22 =	simm.s32 $0x200;
	[sflag:s13] =	ssyncadd.s32 $0xFFFFE000  }
0xd3: {  	[tilespmem:s18], [sflag:$0x1] =	stream.indirect.gather [hbm4b:s5+s17], $0x40, s22, s17, $0xb8;
	[tilespmem:$0x17000] =	vst v63  }
0xd4: {  	_ =	swait.ge [sflag:s25], $0x2000  }
0xd5: {  	[sflag:s25] =	ssyncset.done $0x0  }
0xd6: {  	s29 =	simm.s32 $0x2880;
	[sflag:s25] =	ssyncadd.s32 $0xFFFFE000  }
0xd7: {  	[spmem:s3] =	stream.indirect.scatter.add.f32 [tilespmem:s19], [sflag:$0x5], $0x40, s29, s17, $0xb8;
	[tilespmem:$0x17000] =	vst v63  }
0xd8: {  	_ =	swait.ge [sflag:s13], $0x2000  }
0xd9: {  	[sflag:s13] =	ssyncset.done $0x0  }
0xda: {  	s22 =	simm.s32 $0x280;
	[sflag:s13] =	ssyncadd.s32 $0xFFFFE000  }
0xdb: {  	[tilespmem:s19], [sflag:$0x2] =	stream.indirect.gather [hbm4b:s5+s17], $0x40, s22, s17, $0xb8;
	[tilespmem:$0x17000] =	vst v63  }
0xdc: {  	_ =	swait.ge [sflag:s26], $0x2000  }
0xdd: {  	[sflag:s26] =	ssyncset.done $0x0  }
0xde: {  	s29 =	simm.s32 $0x2900;
	[sflag:s26] =	ssyncadd.s32 $0xFFFFE000  }
0xdf: {  	[spmem:s3] =	stream.indirect.scatter.add.f32 [tilespmem:s21], [sflag:$0x5], $0x40, s29, s17, $0xb8;
	[tilespmem:$0x17000] =	vst v63  }
0xe0: {  	_ =	swait.ge [sflag:s13], $0x2000  }
0xe1: {  	[sflag:s13] =	ssyncset.done $0x0  }
0xe2: {  	s22 =	simm.s32 $0x300;
	[sflag:s13] =	ssyncadd.s32 $0xFFFFE000  }
0xe3: {  	[tilespmem:s21], [sflag:$0x3] =	stream.indirect.gather [hbm4b:s5+s17], $0x40, s22, s17, $0xb8;
	[tilespmem:$0x17000] =	vst v63  }
0xe4: {  	_ =	swait.ge [sflag:s28], $0x2000  }
0xe5: {  	[sflag:s28] =	ssyncset.done $0x0  }
0xe6: {  	s29 =	simm.s32 $0x2980;
	[sflag:s28] =	ssyncadd.s32 $0xFFFFE000  }
0xe7: {  	[spmem:s3] =	stream.indirect.scatter.add.f32 [tilespmem:s23], [sflag:$0x5], $0x40, s29, s17, $0xb8;
	[tilespmem:$0x17000] =	vst v63  }
0xe8: {  	_ =	swait.ge [sflag:s13], $0x2000  }
0xe9: {  	[sflag:s13] =	ssyncset.done $0x0  }
0xea: {  	s20 =	simm.s32 $0x800;
	s22 =	simm.s32 $0x380;
	[sflag:s13] =	ssyncadd.s32 $0xFFFFE000  }
.LBB2_4:
0xeb: {  	[tilespmem:s23], [sflag:$0x4] =	stream.indirect.gather [hbm4b:s5+s17], $0x40, s22, s17, $0xb8;
	[tilespmem:$0x17000] =	vst v63  }
0xec: {  	s22 =	smov.u32 s20  }
0xed: {  	p0 =	sne.s32 s20, $0x8800;
	s20 =	sadd.s32 $0x800, s20;
	_ =	swait.ge [sflag:s24], $0x2000  }
0xee: {  	s22 =	sshra.s32 s22, $0x2;
	[sflag:s24] =	ssyncset.done $0x0  }
0xef: {  	s29 =	sadd.s32 $0x2800, s22;
	[sflag:s24] =	ssyncadd.s32 $0xFFFFE000  }
0xf0: {  	[spmem:s3] =	stream.indirect.scatter.add.f32 [tilespmem:s18], [sflag:$0x5], $0x40, s29, s17, $0xb8;
	[tilespmem:$0x17000] =	vst v63  }
0xf1: {  	_ =	swait.ge [sflag:s13], $0x2000  }
0xf2: {  	[sflag:s13] =	ssyncset.done $0x0  }
0xf3: {  	s29 =	sadd.s32 $0x200, s22;
	[sflag:s13] =	ssyncadd.s32 $0xFFFFE000  }
0xf4: {  	[tilespmem:s18], [sflag:$0x1] =	stream.indirect.gather [hbm4b:s5+s17], $0x40, s29, s17, $0xb8;
	[tilespmem:$0x17000] =	vst v63  }
0xf5: {  	_ =	swait.ge [sflag:s25], $0x2000  }
0xf6: {  	[sflag:s25] =	ssyncset.done $0x0  }
0xf7: {  	s29 =	sadd.s32 $0x2880, s22;
	[sflag:s25] =	ssyncadd.s32 $0xFFFFE000  }
0xf8: {  	[spmem:s3] =	stream.indirect.scatter.add.f32 [tilespmem:s19], [sflag:$0x5], $0x40, s29, s17, $0xb8;
	[tilespmem:$0x17000] =	vst v63  }
0xf9: {  	_ =	swait.ge [sflag:s13], $0x2000  }
0xfa: {  	[sflag:s13] =	ssyncset.done $0x0  }
0xfb: {  	s29 =	sadd.s32 $0x280, s22;
	[sflag:s13] =	ssyncadd.s32 $0xFFFFE000  }
0xfc: {  	[tilespmem:s19], [sflag:$0x2] =	stream.indirect.gather [hbm4b:s5+s17], $0x40, s29, s17, $0xb8;
	[tilespmem:$0x17000] =	vst v63  }
0xfd: {  	_ =	swait.ge [sflag:s26], $0x2000  }
0xfe: {  	[sflag:s26] =	ssyncset.done $0x0  }
0xff: {  	s29 =	sadd.s32 $0x2900, s22;
	[sflag:s26] =	ssyncadd.s32 $0xFFFFE000  }
0x100: {  	[spmem:s3] =	stream.indirect.scatter.add.f32 [tilespmem:s21], [sflag:$0x5], $0x40, s29, s17, $0xb8;
	[tilespmem:$0x17000] =	vst v63  }
0x101: {  	_ =	swait.ge [sflag:s13], $0x2000  }
0x102: {  	[sflag:s13] =	ssyncset.done $0x0  }
0x103: {  	s29 =	sadd.s32 $0x300, s22;
	[sflag:s13] =	ssyncadd.s32 $0xFFFFE000  }
0x104: {  	[tilespmem:s21], [sflag:$0x3] =	stream.indirect.gather [hbm4b:s5+s17], $0x40, s29, s17, $0xb8;
	[tilespmem:$0x17000] =	vst v63  }
0x105: {  	_ =	swait.ge [sflag:s28], $0x2000  }
0x106: {  	[sflag:s28] =	ssyncset.done $0x0  }
.Ltmp1:
0x107: {  	s29 =	sadd.s32 $0x2980, s22;
	[sflag:s28] =	ssyncadd.s32 $0xFFFFE000;
	(pc) =	sbr.rel @p0 .LBB2_4-.Ltmp1, $4  }
0x108: {  	[spmem:s3] =	stream.indirect.scatter.add.f32 [tilespmem:s23], [sflag:$0x5], $0x40, s29, s17, $0xb8;
	[tilespmem:$0x17000] =	vst v63  }
0x109: {  	_ =	swait.ge [sflag:s13], $0x2000  }
0x10a: {  	[sflag:s13] =	ssyncset.done $0x0  }
0x10b: {  	s22 =	sadd.s32 $0x380, s22;
	[sflag:s13] =	ssyncadd.s32 $0xFFFFE000  }
0x10c: {  	[tilespmem:s23], [sflag:$0x4] =	stream.indirect.gather [hbm4b:s5+s17], $0x40, s22, s17, $0xb8;
	[tilespmem:$0x17000] =	vst v63  }
0x10d: {  	_ =	swait.ge [sflag:s24], $0x2000  }
0x10e: {  	[sflag:s24] =	ssyncset.done $0x0  }
0x10f: {  	s20 =	simm.s32 $0x4C00;
	[sflag:s24] =	ssyncadd.s32 $0xFFFFE000  }
0x110: {  	[spmem:s3] =	stream.indirect.scatter.add.f32 [tilespmem:s18], [sflag:$0x5], $0x40, s20, s17, $0xb8;
	[tilespmem:$0x17000] =	vst v63  }
0x111: {  	_ =	swait.ge [sflag:s13], $0x2000  }
0x112: {  	[sflag:s13] =	ssyncset.done $0x0  }
0x113: {  	[sflag:s13] =	ssyncadd.s32 $0xFFFFE000  }
0x114: {  	[tilespmem:s18], [sflag:$0x1] =	stream.indirect.gather [hbm4b:s5+s17], $0x40, s30, s17, $0xb8;
	[tilespmem:$0x17000] =	vst v63  }
0x115: {  	_ =	swait.ge [sflag:s25], $0x2000  }
0x116: {  	[sflag:s25] =	ssyncset.done $0x0  }
0x117: {  	[sflag:s25] =	ssyncadd.s32 $0xFFFFE000  }
0x118: {  	[spmem:s3] =	stream.indirect.scatter.add.f32 [tilespmem:s19], [sflag:$0x5], $0x40, s31, s17, $0xb8;
	[tilespmem:$0x17000] =	vst v63  }
0x119: {  	_ =	swait.ge [sflag:s13], $0x2000  }
0x11a: {  	[sflag:s13] =	ssyncset.done $0x0  }
0x11b: {  	[sflag:s13] =	ssyncadd.s32 $0xFFFFE000  }
0x11c: {  	[tilespmem:s19], [sflag:$0x2] =	stream.indirect.gather [hbm4b:s5+s17], $0x40, s0, s17, $0xb8;
	[tilespmem:$0x17000] =	vst v63  }
0x11d: {  	_ =	swait.ge [sflag:s26], $0x2000  }
0x11e: {  	[sflag:s26] =	ssyncset.done $0x0  }
0x11f: {  	[sflag:s26] =	ssyncadd.s32 $0xFFFFE000  }
0x120: {  	[spmem:s3] =	stream.indirect.scatter.add.f32 [tilespmem:s21], [sflag:$0x5], $0x40, s1, s17, $0xb8;
	[tilespmem:$0x17000] =	vst v63  }
0x121: {  	_ =	swait.ge [sflag:s13], $0x2000  }
0x122: {  	[sflag:s13] =	ssyncset.done $0x0  }
0x123: {  	[sflag:s13] =	ssyncadd.s32 $0xFFFFE000  }
0x124: {  	[tilespmem:s21], [sflag:$0x3] =	stream.indirect.gather [hbm4b:s5+s17], $0x40, s14, s17, $0xb8;
	[tilespmem:$0x17000] =	vst v63  }
0x125: {  	_ =	swait.ge [sflag:s28], $0x2000  }
0x126: {  	[sflag:s28] =	ssyncset.done $0x0  }
0x127: {  	[sflag:s28] =	ssyncadd.s32 $0xFFFFE000  }
0x128: {  	[spmem:s3] =	stream.indirect.scatter.add.f32 [tilespmem:s23], [sflag:$0x5], $0x40, s6, s17, $0xb8;
	[tilespmem:$0x17000] =	vst v63  }
0x129: {  	_ =	swait.ge [sflag:s13], $0x2000  }
0x12a: {  	[sflag:s13] =	ssyncset.done $0x0  }
0x12b: {  	[sflag:s13] =	ssyncadd.s32 $0xFFFFE000  }
0x12c: {  	[tilespmem:s23], [sflag:$0x4] =	stream.indirect.gather [hbm4b:s5+s17], $0x40, s7, s17, $0xb8;
	[tilespmem:$0x17000] =	vst v63  }
0x12d: {  	_ =	swait.ge [sflag:s24], $0x2000  }
0x12e: {  	[sflag:s24] =	ssyncset.done $0x0  }
0x12f: {  	[sflag:s24] =	ssyncadd.s32 $0xFFFFE000  }
0x130: {  	[spmem:s3] =	stream.indirect.scatter.add.f32 [tilespmem:s18], [sflag:$0x5], $0x40, s8, s17, $0xb8;
	[tilespmem:$0x17000] =	vst v63  }
0x131: {  	_ =	swait.ge [sflag:s13], $0x2000  }
0x132: {  	[sflag:s13] =	ssyncset.done $0x0  }
0x133: {  	[sflag:s13] =	ssyncadd.s32 $0xFFFFE000  }
0x134: {  	[tilespmem:s18], [sflag:$0x1] =	stream.indirect.gather [hbm4b:s5+s17], $0x40, s7, s17, $0xb8;
	[tilespmem:$0x17000] =	vst v63  }
0x135: {  	_ =	swait.ge [sflag:s25], $0x2000  }
0x136: {  	[sflag:s25] =	ssyncset.done $0x0  }
0x137: {  	[sflag:s25] =	ssyncadd.s32 $0xFFFFE000  }
0x138: {  	[spmem:s3] =	stream.indirect.scatter.add.f32 [tilespmem:s19], [sflag:$0x5], $0x40, s9, s17, $0xb8;
	[tilespmem:$0x17000] =	vst v63  }
0x139: {  	_ =	swait.ge [sflag:s13], $0x2000  }
0x13a: {  	[sflag:s13] =	ssyncset.done $0x0  }
0x13b: {  	[sflag:s13] =	ssyncadd.s32 $0xFFFFE000  }
0x13c: {  	[tilespmem:s19], [sflag:$0x2] =	stream.indirect.gather [hbm4b:s5+s17], $0x40, s7, s17, $0xb8;
	[tilespmem:$0x17000] =	vst v63  }
0x13d: {  	_ =	swait.ge [sflag:s26], $0x2000  }
0x13e: {  	[sflag:s26] =	ssyncset.done $0x0  }
0x13f: {  	[sflag:s26] =	ssyncadd.s32 $0xFFFFE000  }
0x140: {  	[spmem:s3] =	stream.indirect.scatter.add.f32 [tilespmem:s21], [sflag:$0x5], $0x40, s10, s17, $0xb8;
	[tilespmem:$0x17000] =	vst v63  }
0x141: {  	_ =	swait.ge [sflag:s13], $0x2000  }
0x142: {  	[sflag:s13] =	ssyncset.done $0x0  }
0x143: {  	[sflag:s13] =	ssyncadd.s32 $0xFFFFE000  }
0x144: {  	[tilespmem:s21], [sflag:$0x3] =	stream.indirect.gather [hbm4b:s5+s17], $0x40, s7, s17, $0xb8;
	[tilespmem:$0x17000] =	vst v63  }
0x145: {  	_ =	swait.ge [sflag:s28], $0x2000  }
0x146: {  	[sflag:s28] =	ssyncset.done $0x0  }
0x147: {  	[sflag:s28] =	ssyncadd.s32 $0xFFFFE000  }
0x148: {  	[spmem:s3] =	stream.indirect.scatter.add.f32 [tilespmem:s23], [sflag:$0x5], $0x40, s11, s17, $0xb8;
	[tilespmem:$0x17000] =	vst v63  }
0x149: {  	_ =	swait.ge [sflag:s13], $0x2000  }
0x14a: {  	[sflag:s13] =	ssyncset.done $0x0  }
0x14b: {  	[sflag:s13] =	ssyncadd.s32 $0xFFFFE000  }
0x14c: {  	[tilespmem:s23], [sflag:$0x4] =	stream.indirect.gather [hbm4b:s5+s17], $0x40, s7, s17, $0xb8;
	[tilespmem:$0x17000] =	vst v63  }
0x14d: {  	_ =	swait.ge [sflag:s24], $0x2000  }
0x14e: {  	[sflag:s24] =	ssyncset.done $0x0  }
0x14f: {  	[sflag:s24] =	ssyncadd.s32 $0xFFFFE000  }
0x150: {  	_ =	swait.ge [sflag:s25], $0x2000  }
0x151: {  	[sflag:s25] =	ssyncset.done $0x0  }
0x152: {  	[sflag:s25] =	ssyncadd.s32 $0xFFFFE000  }
0x153: {  	_ =	swait.ge [sflag:s26], $0x2000  }
0x154: {  	[sflag:s26] =	ssyncset.done $0x0  }
0x155: {  	[sflag:s26] =	ssyncadd.s32 $0xFFFFE000  }
0x156: {  	_ =	swait.ge [sflag:s28], $0x2000  }
0x157: {  	[sflag:s28] =	ssyncset.done $0x0  }
0x158: {  	[sflag:s28] =	ssyncadd.s32 $0xFFFFE000  }
0x159: {  	[bflag:$0x0] =	sbarrier.arrive $0xFFFF  }
0x15a: {  	s22 =	rddreg [dreg:$0x9]  }
0x15b: {  	[hbm:s22], [sflag:s15] =	dma.local [spmem:s16], $0x1400  }
0x15c: {  	_ =	swait.ge [sflag:s13], $0x1400  }
0x15d: {  	s12 =	sadd.s32 $0x1, s12;
	s29 =	rddreg [dreg:$0xa]  }
0x15e: {  	p0 =	sne.s32 s12, s29  }
.Ltmp2:
0x15f: {  	_ = 	snop;
	(pc) =	sbr.rel @p0 .LBB2_1-.Ltmp2, $3  }
0x160: {  	_ =	sdelay $0x1  }
0x161: {  	[sflag:s13] =	ssyncset.done $0x0  }
0x162: {  	[sflag:s13] =	ssyncadd.s32 $0xFFFFEC00  }
0x163: {  	_ =	sfence.sel $0x180000  }
0x164: {  	[bflag:$0x0] =	sbarrier.arrive $0xFFFF  }
0x165: {  	_ =	strace $0x9000004D  }
0x166: {  	s0 =	stileid.u32;
	[bflag:$0x2] =	sbarrier.arrive $0xFFFF  }
0x167: {  	p0 =	sne.s32 s0, $0x0;
	s0 =	rddreg [dreg:$0x3]  }
0x168: {  	s0 =	sadd.s32 @!p0 $0x100000, s0  }
0x169: {  	[sflag:s0] =	ssyncadd.tile.s32 @!p0 $0x1;
	_ =	shalt  }
.Lfunc_end2:
_tile_overlayer_lowered:
.L_overlay_start_2:
0x16a: {  	(tag) =	ssettag $0x2  }
0x16b: {  	s0 =	rddreg [dreg:$0x0];
	s2 =	stileid.u32  }
0x16c: {  	s1 =	rddreg [dreg:$0x1];
	p0 =	sne.s32 s2, $0x0  }
0x16d: {  	s3 =	rddreg [dreg:$0x2];
	[bflag:$0x3] =	sbarrier.arrive $0xFFFF;
	s2 =	simm.s32 @!p0 $0x1C05  }
0x16e: {  	[timem:s3], [sflag:s2] =	dma.local @!p0 [hbm:s0], s1  }
0x16f: {  	s0 =	simm.s32 @!p0 $0x5  }
0x170: {  	_ =	swait.ge @!p0 [sflag:s0], s1  }
0x171: {  	s1 =	ssub.s32 @!p0 $0x0, s1;
	[sflag:s0] =	ssyncset.done @!p0 $0x0  }
0x172: {  	[sflag:s0] =	ssyncadd.s32 @!p0 s1  }
0x173: {  	[bflag:$0x3] =	sbarrier.arrive $0xFFFF  }
0x174: {  	_ =	shalt  }

// kernel: kernel.20.cloned.1.call-start
scs
__scs_entry_jumppad:
0x0: {  	(pc) =	sbr.rel $0x88, $3  }
0x1: {  	(tag) =	ssettag $0x0;
	lr =	simm.s32 $0x1  }
0x2: {  	[smem:$0x3F97] =	sst lr;
	_ =	strace $0xD0000000  }
0x3: {  	_ = 	snop  }
0x4: {  	_ = 	snop  }
0x5: {  	_ = 	snop  }
0x6: {  	_ = 	snop  }
0x7: {  	_ = 	snop  }
__scs_overlays_trampoline_lowered:
0x8: {  	[smem:$0x3FA6] =	sst s0  }
0x9: {  	[smem:$0x3FA7] =	sst s1  }
0xa: {  	[smem:$0x3FA8] =	sst s2  }
0xb: {  	[smem:$0x3FA9] =	sst s3  }
0xc: {  	[smem:$0x3FAA] =	sst s4  }
0xd: {  	[smem:$0x3FAB] =	sst s5  }
0xe: {  	[smem:$0x3FAC] =	sst s6  }
0xf: {  	[smem:$0x3FAD] =	sst s7  }
0x10: {  	[smem:$0x3FAE] =	sst s8  }
0x11: {  	[smem:$0x3FAF] =	sst s9;
	s0 =	simm.s32 @!p0 $0x0  }
0x12: {  	s1 =	sld [smem:$0x3F95];
	s0 =	simm.s32 @p0 $0x1  }
0x13: {  	[smem:$0x3FB0] =	sst s0;
	s0 =	simm.s32 @!p1 $0x0  }
0x14: {  	s2 =	sld [smem:$0x3F94];
	s0 =	simm.s32 @p1 $0x1  }
0x15: {  	[smem:$0x3FB1] =	sst s0;
	s0 =	simm.s32 @!p2 $0x0  }
0x16: {  	s3 =	sld [smem:$0x3FDB];
	s0 =	simm.s32 @p2 $0x1  }
0x17: {  	s4 =	simm.s32 $0x1BF5;
	[smem:$0x3FB3] =	sst s0  }
0x18: {  	s0 =	sld [smem:$0x3F96];
	_ =	swait.ge [sflag:s4], $0x0  }
0x19: {  	s7 =	sld [smem:$0x3F97]  }
0x1a: {  	s8 =	sadd.s32 $0xFFFFE003, lr  }
0x1b: {  	s9 =	sadd.s32 $0xFFFFFEF7, lr;
	s5 =	simm.s32 $0xFFFFFFFF;
	p2 =	slt.u32 s8, $0xFFFFF086  }
0x1c: {  	p1 =	slt.u32 s9, $0xF7A;
	s5 =	simm.s32 @!p2 $0x0  }
0x1d: {  	s5 =	simm.s32 @p1 $0x1;
	p0 =	seq.s32 s7, s2  }
0x1e: {  	s7 =	smul.u32 @!p0 $0xF7A, s2;
	p2 =	seq.s32 @!p0 s5, $0x0  }
0x1f: {  	s9 =	smul.u32 $0xF7A, s1;
	s8 =	simm.s32 @!p0 $0x1BF5;
	p2 =	por !p2, p0  }
0x20: {  	[sflag:s8] =	ssyncset.s32 @!p0 $0xFFFFF086;
	s6 =	sadd.s32 @!p0 s3, s7;
	s7 =	simm.s32 @!p0 $0x108  }
0x21: {  	s3 =	sadd.s32 s3, s9;
	s6 =	sadd.s32 @!p0 $0x88, s6;
	s7 =	simm.s32 @p2 $0x1082  }
0x22: {  	[simem:s7], [sflag:s8] =	dma.local @!p0 [hbm:s6], $0xF7A  }
0x23: {  	s9 =	sor.u32 $0xD0000000, s2;
	s6 =	simm.s32 $0x108;
	_ =	swait.ge @!p0 [sflag:s8], $0x0  }
0x24: {  	s3 =	sadd.s32 $0x88, s3;
	s6 =	simm.s32 @!p1 $0x1082;
	[sflag:s4] =	ssyncset.s32 $0xFFFFF086  }
0x25: {  	[simem:s6], [sflag:s4] =	dma.local [hbm:s3], $0xF7A  }
0x26: {  	[smem:$0x3F97] =	sst s1;
	(tag) =	ssettag s2;
	_ =	strace s9  }
0x27: {  	s1 =	sld [smem:$0x3FA7]  }
0x28: {  	s2 =	sld [smem:$0x3FA8]  }
0x29: {  	s4 =	sld [smem:$0x3FAA]  }
0x2a: {  	p0 =	seq.s32 s5, $0x0;
	s5 =	sld [smem:$0x3FAB]  }
0x2b: {  	s6 =	sld [smem:$0x3FAC]  }
0x2c: {  	s7 =	sld [smem:$0x3FAD]  }
0x2d: {  	s3 =	simm.s32 $0x108;
	s8 =	sld [smem:$0x3FAE]  }
0x2e: {  	s3 =	simm.s32 @!p0 $0x1082;
	s9 =	sld [smem:$0x3FAF]  }
0x2f: {  	lr =	sadd.s32 s0, s3;
	s0 =	sld [smem:$0x3FA6]  }
0x30: {  	s3 =	sld [smem:$0x3FA9]  }
0x31: {  	[smem:$0x3FB2] =	sst s10  }
0x32: {  	s10 =	sld [smem:$0x3FB0];
	_ =	sdelay $0x3  }
0x33: {  	p0 =	seq.s32 s10, $0x1;
	s10 =	sld [smem:$0x3FB2];
	_ =	sdelay $0x3  }
0x34: {  	[smem:$0x3FB2] =	sst s10  }
0x35: {  	s10 =	sld [smem:$0x3FB1];
	_ =	sdelay $0x3  }
0x36: {  	p1 =	seq.s32 s10, $0x1;
	s10 =	sld [smem:$0x3FB2];
	_ =	sdelay $0x3  }
0x37: {  	[smem:$0x3FB2] =	sst s10  }
0x38: {  	s10 =	sld [smem:$0x3FB3]  }
0x39: {  	_ = 	snop;
	(pc) =	sbr.ind lr, $3  }
0x3a: {  	_ = 	snop  }
0x3b: {  	_ = 	snop  }
0x3c: {  	p2 =	seq.s32 s10, $0x1;
	s10 =	sld [smem:$0x3FB2]  }
0x3d: {  	_ =	shalt  }
0x3e: {  	_ =	shalt  }
0x3f: {  	_ =	shalt  }
0x40: {  	_ =	shalt  }
0x41: {  	_ =	shalt  }
0x42: {  	_ =	shalt  }
0x43: {  	_ =	shalt  }
0x44: {  	_ =	shalt  }
0x45: {  	_ =	shalt  }
0x46: {  	_ =	shalt  }
0x47: {  	_ =	shalt  }
0x48: {  	_ =	shalt  }
0x49: {  	_ =	shalt  }
0x4a: {  	_ =	shalt  }
0x4b: {  	_ =	shalt  }
0x4c: {  	_ =	shalt  }
0x4d: {  	_ =	shalt  }
0x4e: {  	_ =	shalt  }
0x4f: {  	_ =	shalt  }
0x50: {  	_ =	shalt  }
0x51: {  	_ =	shalt  }
0x52: {  	_ =	shalt  }
0x53: {  	_ =	shalt  }
0x54: {  	_ =	shalt  }
0x55: {  	_ =	shalt  }
0x56: {  	_ =	shalt  }
0x57: {  	_ =	shalt  }
0x58: {  	_ =	shalt  }
0x59: {  	_ =	shalt  }
0x5a: {  	_ =	shalt  }
0x5b: {  	_ =	shalt  }
0x5c: {  	_ =	shalt  }
0x5d: {  	_ =	shalt  }
0x5e: {  	_ =	shalt  }
0x5f: {  	_ =	shalt  }
0x60: {  	_ =	shalt  }
0x61: {  	_ =	shalt  }
0x62: {  	_ =	shalt  }
0x63: {  	_ =	shalt  }
0x64: {  	_ =	shalt  }
0x65: {  	_ =	shalt  }
0x66: {  	_ =	shalt  }
0x67: {  	_ =	shalt  }
0x68: {  	_ =	shalt  }
0x69: {  	_ =	shalt  }
0x6a: {  	_ =	shalt  }
0x6b: {  	_ =	shalt  }
0x6c: {  	_ =	shalt  }
0x6d: {  	_ =	shalt  }
0x6e: {  	_ =	shalt  }
0x6f: {  	_ =	shalt  }
0x70: {  	_ =	shalt  }
0x71: {  	_ =	shalt  }
0x72: {  	_ =	shalt  }
0x73: {  	_ =	shalt  }
0x74: {  	_ =	shalt  }
0x75: {  	_ =	shalt  }
0x76: {  	_ =	shalt  }
0x77: {  	_ =	shalt  }
0x78: {  	_ =	shalt  }
0x79: {  	_ =	shalt  }
0x7a: {  	_ =	shalt  }
0x7b: {  	_ =	shalt  }
0x7c: {  	_ =	shalt  }
0x7d: {  	_ =	shalt  }
0x7e: {  	_ =	shalt  }
0x7f: {  	_ =	shalt  }
0x80: {  	_ =	shalt  }
0x81: {  	_ =	shalt  }
0x82: {  	_ =	shalt  }
0x83: {  	_ =	shalt  }
0x84: {  	_ =	shalt  }
0x85: {  	_ =	shalt  }
0x86: {  	_ =	shalt  }
0x87: {  	_ =	shalt  }
.Lfunc_end0:
.L_simem_size_0:
called_computation.3_lowered:
.L_overlay_start_0:
0x88: {  	s2 =	sld [smem:$0x3FD9]  }
0x89: {  	s3 =	sld [smem:$0x3FFE];
	_ =	sdelay $0x1  }
0x8a: {  	s1 =	srdreg.scid  }
0x8b: {  	s0 =	sand.u32 $0x1, s1  }
0x8c: {  	s17 =	sshll.u32 s0, $0xA;
	s2 =	sadd.s32 s3, s2  }
0x8d: {  	s2 =	sadd.s32 s2, s17  }
0x8e: {  	[smem:$0x3FBE] =	sst s2  }
0x8f: {  	_ = 	snop  }
0x90: {  	s2 =	sld [smem:$0x3FD0];
	(tm) =	ssettm $0x1  }
0x91: {  	s18 =	sld [smem:$0x3FFB];
	_ =	sdelay $0x3  }
0x92: {  	_ =	strace s18  }
0x93: {  	s3 =	sld [smem:$0x3FFC];
	_ =	sdelay $0x3  }
0x94: {  	_ =	strace s3  }
0x95: {  	s3 =	sld [smem:$0x3FFD];
	_ =	sdelay $0x3  }
0x96: {  	_ =	strace s3  }
0x97: {  	_ =	strace $0x8FFFFFFF  }
0x98: {  	s19 =	sld [smem:$0x3FDB];
	_ =	sdelay $0x1  }
0x99: {  	s4 =	simm.s32 $_scs_section_size  }
0x9a: {  	s5 =	simm.s32 $_size__tile_overlayer_lowered;
	s6 =	simm.s32 $_tile_overlayer_lowered  }
0x9b: {  	s22 =	simm.s32 $0x1BFF;
	s21 =	sshll.u32 s6, $0x1;
	s3 =	sadd.s32 s4, s19  }
0x9c: {  	s7 =	simm.s32 $0x0;
	s20 =	sshll.u32 s5, $0x1;
	s5 =	sadd.s32 s21, s3  }
0x9d: {  	[timem:s7], [sflag:s22] =	dma.local [hbm:s5], s20  }
0x9e: {  	_ =	swait.ge [sflag:s22], s20  }
0x9f: {  	s4 =	ssub.s32 $0x0, s20;
	[sflag:s22] =	ssyncset.done $0x0  }
0xa0: {  	[sflag:s22] =	ssyncadd.s32 s4;
	_ =	sdelay $0x1  }
0xa1: {  	s23 =	simm.s32 $0x1B8B  }
0xa2: {  	_ =	swait.ge [sflag:s23], $0x1  }
0xa3: {  	[sflag:s23] =	ssyncset.done $0x0  }
0xa4: {  	s25 =	simm.s32 $0x1B8E;
	s24 =	sld [smem:$0x3FFE];
	[sflag:s23] =	ssyncadd.s32 $0xFFFFFFFF  }
0xa5: {  	s26 =	simm.s32 $execute0_lowered;
	[smem:$0x3FD2] =	sst s25  }
0xa6: {  	s5 =	sshll.u32 s26, $0x1;
	_ =	strace $0x8000004F;
	[dreg:$0x1] =	wrdreg $0xFFFFFFFF  }
0xa7: {  	s28 =	simm.s32 $_size_execute0_lowered;
	s3 =	sadd.s32 s3, s5;
	[dreg:$0x0] =	wrdreg $0x0  }
0xa8: {  	s5 =	sshll.u32 s28, $0x1;
	[dreg:$0x2] =	wrdreg s3  }
0xa9: {  	[dreg:$0x3] =	wrdreg s5  }
0xaa: {  	[dreg:$0x4] =	wrdreg $0xC0  }
0xab: {  	_ =	task [dreg:s7], $0x5FFFF  }
0xac: {  	[dreg:$0x1] =	wrdreg $0xFFFFFFFF  }
0xad: {  	[dreg:$0x0] =	wrdreg $0x60  }
0xae: {  	[dreg:$0x2] =	wrdreg s2  }
0xaf: {  	[dreg:$0x3] =	wrdreg s24  }
0xb0: {  	[dreg:$0x4] =	wrdreg $0xD0000  }
0xb1: {  	[dreg:$0x5] =	wrdreg $0x9  }
0xb2: {  	_ =	task.clear_ibuf [dreg:s7], $0x6FFFF;
	_ =	strace $0x9000004F  }
0xb3: {  	s29 =	simm.s32 $0x9;
	_ =	strace $0x80000051  }
0xb4: {  	_ =	swait.ge [sflag:s29], $0x1  }
0xb5: {  	[sflag:s29] =	ssyncadd.s32 $0xFFFFFFFF  }
0xb6: {  	_ =	strace $0x90000051  }
0xb7: {  	_ =	sfence  }
0xb8: {  	s30 =	sld [smem:$0x0];
	_ =	sdelay $0x2  }
0xb9: {  	s31 =	sshll.u32 s1, $0xD;
	s1 =	sshrl.u32 s1, $0x2  }
0xba: {  	s3 =	sand.u32 $0x4000, s31;
	s1 =	sadd.s32 s1, s30  }
0xbb: {  	s0 =	sor.u32 s3, s0;
	s1 =	sshll.u32 s1, $0x11  }
0xbc: {  	s0 =	sor.u32 s1, s0  }
0xbd: {  	s0 =	sadd.s32 $0x8F2B, s0  }
0xbe: {  	[sflag:s0] =	ssyncadd.remote.s32 $0x1  }
0xbf: {  	_ =	sfence.sel $0xFFFF  }
0xc0: {  	[dreg:$0x0] =	wrdreg $0xFFFFFFFF;
	(pc) =	sbr.abs _section_cstart, $3  }
0xc1: {  	[dreg:$0x1] =	wrdreg $0xFFFFFFFF  }
0xc2: {  	_ =	task.clear_ibuf [dreg:s7], $0x2FFFF;
	_ =	strace $0x9FFFFFFF  }
0xc3: {  	(tm) =	ssettm $0x7FFFFFFF  }
tec
execute0_lowered:
.L_overlay_start_1:
0x0: {  	(tag) =	ssettag $0x1  }
0x1: {  	s2 =	rddreg [dreg:$0x0]  }
0x2: {  	s0 =	rddreg [dreg:$0x1]  }
0x3: {  	s3 =	rddreg [dreg:$0x2]  }
0x4: {  	s1 =	srdreg.scid;
	s9 =	stileid.u32;
	s4 =	simm.s32 $0x0  }
0x5: {  	s13 =	simm.s32 $0x5;
	s17 =	simm.s32 $0x80;
	s18 =	simm.s32 $0x5000  }
0x6: {  	s19 =	simm.s32 $0x7000;
	s28 =	simm.s32 $0x4;
	s30 =	simm.s32 $0x2600  }
0x7: {  	s31 =	simm.s32 $0x4C80;
	s14 =	simm.s32 $0x2700;
	s10 =	simm.s32 $0x4F00  }
0x8: {  	s11 =	simm.s32 $0x4F80;
	s12 =	simm.s32 $0x0;
	s1 =	sand.u32 $0x1, s1  }
0x9: {  	s6 =	smul.u32 $0xA000, s9;
	[smem:$0x7FF] =	sst s4;
	s29 =	sshll.u32 s9, $0x6  }
0xa: {  	s5 =	sshll.u32 s1, $0x4;
	s7 =	smul.u32 $0xA0000, s1;
	_ =	strace $0x80000050  }
0xb: {  	s1 =	ssub.s32 $0x2, s1;
	s15 =	sor.u32 $0x1C05, s29;
	s5 =	sor.u32 s9, s5  }
0xc: {  	s21 =	sshrl.u32 s1, $0x1;
	s23 =	sshrl.u32 s6, $0x3;
	s9 =	simm.s32 $0x4E80  }
0xd: {  	s8 =	smul.u32 $0x500, s5;
	s7 =	sadd.s32 s6, s7;
	s5 =	sadd.s32 $0x19C00, s0  }
0xe: {  	s1 =	ssub.s32 s1, s21;
	s6 =	sadd.s32 s6, s3;
	s24 =	sadd.s32 s2, s23  }
0xf: {  	s21 =	simm.s32 $0x9000;
	s7 =	sshrl.u32 s7, $0x3;
	[dreg:$0x6] =	wrdreg s24  }
0x10: {  	s26 =	smax.u32 s1, $0x1;
	s16 =	sshrl.u32 s6, $0x3;
	s8 =	sadd.s32 s8, s0  }
0x11: {  	s0 =	sadd.s32 s7, s0;
	s7 =	sadd.s32 s5, s23;
	[dreg:$0xa] =	wrdreg s26  }
0x12: {  	s24 =	simm.s32 $0x1;
	s22 =	sadd.s32 $0xFC00, s8;
	[dreg:$0x8] =	wrdreg s7  }
0x13: {  	s1 =	simm.s32 $0x4D00;
	s8 =	sadd.s32 $0x5C00, s8;
	[dreg:$0x4] =	wrdreg s22  }
0x14: {  	s6 =	simm.s32 $0x4D80;
	s25 =	sadd.s32 $0x96E00, s0;
	[dreg:$0x5] =	wrdreg s8  }
0x15: {  	s23 =	simm.s32 $0xB000;
	s0 =	sadd.s32 $0x6EE00, s0;
	[dreg:$0x7] =	wrdreg s25  }
0x16: {  	s26 =	simm.s32 $0x3;
	s7 =	simm.s32 $0x2780;
	[dreg:$0x9] =	wrdreg s0  }
0x17: {  	s25 =	simm.s32 $0x2;
	s0 =	simm.s32 $0x2680;
	s8 =	simm.s32 $0x4E00  }
.LBB2_1:
0x18: {  	s20 =	rddreg [dreg:$0x4]  }
0x19: {  	[tilespmem:s4], [sflag:$0x5] =	stream.linear.gather [hbm4b:s20+s4], $0x2800, $0x38;
	[tilespmem:$0x17000] =	vst v63  }
0x1a: {  	_ =	swait.ge [sflag:s13], $0x2800  }
0x1b: {  	[sflag:s13] =	ssyncset.done $0x0  }
0x1c: {  	s22 =	simm.s32 $0x2800;
	s29 =	rddreg [dreg:$0x5];
	[sflag:s13] =	ssyncadd.s32 $0xFFFFD800  }
0x1d: {  	[tilespmem:s22], [sflag:$0x5] =	stream.linear.gather [hbm4b:s29+s4], $0x2800, $0x38;
	[tilespmem:$0x17000] =	vst v63  }
0x1e: {  	_ =	swait.ge [sflag:s13], $0x2800  }
0x1f: {  	[sflag:s13] =	ssyncset.done $0x0  }
0x20: {  	s22 =	rddreg [dreg:$0x6];
	[sflag:s13] =	ssyncadd.s32 $0xFFFFD800  }
0x21: {  	[spmem:s16], [sflag:s15] =	dma.local [hbm:s22], $0x1400  }
0x22: {  	_ =	swait.ge [sflag:s13], $0x1400  }
0x23: {  	[sflag:s13] =	ssyncset.done $0x0  }
0x24: {  	[sflag:s13] =	ssyncadd.s32 $0xFFFFEC00  }
0x25: {  	[bflag:$0x0] =	sbarrier.arrive $0xFFFF  }
0x26: {  	[tilespmem:s18], [sflag:$0x1] =	stream.indirect.gather [hbm4b:s2+s17], $0x40, s4, s17, $0xb8;
	[tilespmem:$0x17000] =	vst v63  }
0x27: {  	_ = 	snop  }
0x28: {  	[tilespmem:s19], [sflag:$0x2] =	stream.indirect.gather [hbm4b:s2+s17], $0x40, s17, s17, $0xb8;
	[tilespmem:$0x17000] =	vst v63  }
0x29: {  	s29 =	simm.s32 $0x100  }
0x2a: {  	[tilespmem:s21], [sflag:$0x3] =	stream.indirect.gather [hbm4b:s2+s17], $0x40, s29, s17, $0xb8;
	[tilespmem:$0x17000] =	vst v63  }
0x2b: {  	s22 =	simm.s32 $0x180  }
0x2c: {  	[tilespmem:s23], [sflag:$0x4] =	stream.indirect.gather [hbm4b:s2+s17], $0x40, s22, s17, $0xb8;
	[tilespmem:$0x17000] =	vst v63  }
0x2d: {  	_ =	swait.ge [sflag:s24], $0x2000  }
0x2e: {  	[sflag:s24] =	ssyncset.done $0x0  }
0x2f: {  	s29 =	simm.s32 $0x2800;
	[sflag:s24] =	ssyncadd.s32 $0xFFFFE000  }
0x30: {  	[spmem:s3] =	stream.indirect.scatter.add.f32 [tilespmem:s18], [sflag:$0x5], $0x40, s29, s17, $0xb8;
	[tilespmem:$0x17000] =	vst v63  }
0x31: {  	_ =	swait.ge [sflag:s13], $0x2000  }
0x32: {  	[sflag:s13] =	ssyncset.done $0x0  }
0x33: {  	s22 =	simm.s32 $0x200;
	[sflag:s13] =	ssyncadd.s32 $0xFFFFE000  }
0x34: {  	[tilespmem:s18], [sflag:$0x1] =	stream.indirect.gather [hbm4b:s2+s17], $0x40, s22, s17, $0xb8;
	[tilespmem:$0x17000] =	vst v63  }
0x35: {  	_ =	swait.ge [sflag:s25], $0x2000  }
0x36: {  	[sflag:s25] =	ssyncset.done $0x0  }
0x37: {  	s29 =	simm.s32 $0x2880;
	[sflag:s25] =	ssyncadd.s32 $0xFFFFE000  }
0x38: {  	[spmem:s3] =	stream.indirect.scatter.add.f32 [tilespmem:s19], [sflag:$0x5], $0x40, s29, s17, $0xb8;
	[tilespmem:$0x17000] =	vst v63  }
0x39: {  	_ =	swait.ge [sflag:s13], $0x2000  }
0x3a: {  	[sflag:s13] =	ssyncset.done $0x0  }
0x3b: {  	s22 =	simm.s32 $0x280;
	[sflag:s13] =	ssyncadd.s32 $0xFFFFE000  }
0x3c: {  	[tilespmem:s19], [sflag:$0x2] =	stream.indirect.gather [hbm4b:s2+s17], $0x40, s22, s17, $0xb8;
	[tilespmem:$0x17000] =	vst v63  }
0x3d: {  	_ =	swait.ge [sflag:s26], $0x2000  }
0x3e: {  	[sflag:s26] =	ssyncset.done $0x0  }
0x3f: {  	s29 =	simm.s32 $0x2900;
	[sflag:s26] =	ssyncadd.s32 $0xFFFFE000  }
0x40: {  	[spmem:s3] =	stream.indirect.scatter.add.f32 [tilespmem:s21], [sflag:$0x5], $0x40, s29, s17, $0xb8;
	[tilespmem:$0x17000] =	vst v63  }
0x41: {  	_ =	swait.ge [sflag:s13], $0x2000  }
0x42: {  	[sflag:s13] =	ssyncset.done $0x0  }
0x43: {  	s22 =	simm.s32 $0x300;
	[sflag:s13] =	ssyncadd.s32 $0xFFFFE000  }
0x44: {  	[tilespmem:s21], [sflag:$0x3] =	stream.indirect.gather [hbm4b:s2+s17], $0x40, s22, s17, $0xb8;
	[tilespmem:$0x17000] =	vst v63  }
0x45: {  	_ =	swait.ge [sflag:s28], $0x2000  }
0x46: {  	[sflag:s28] =	ssyncset.done $0x0  }
0x47: {  	s29 =	simm.s32 $0x2980;
	[sflag:s28] =	ssyncadd.s32 $0xFFFFE000  }
0x48: {  	[spmem:s3] =	stream.indirect.scatter.add.f32 [tilespmem:s23], [sflag:$0x5], $0x40, s29, s17, $0xb8;
	[tilespmem:$0x17000] =	vst v63  }
0x49: {  	_ =	swait.ge [sflag:s13], $0x2000  }
0x4a: {  	[sflag:s13] =	ssyncset.done $0x0  }
0x4b: {  	s20 =	simm.s32 $0x800;
	s22 =	simm.s32 $0x380;
	[sflag:s13] =	ssyncadd.s32 $0xFFFFE000  }
.LBB2_2:
0x4c: {  	[tilespmem:s23], [sflag:$0x4] =	stream.indirect.gather [hbm4b:s2+s17], $0x40, s22, s17, $0xb8;
	[tilespmem:$0x17000] =	vst v63  }
0x4d: {  	s22 =	smov.u32 s20  }
0x4e: {  	p0 =	sne.s32 s20, $0x8800;
	s20 =	sadd.s32 $0x800, s20;
	_ =	swait.ge [sflag:s24], $0x2000  }
0x4f: {  	s22 =	sshra.s32 s22, $0x2;
	[sflag:s24] =	ssyncset.done $0x0  }
0x50: {  	s29 =	sadd.s32 $0x2800, s22;
	[sflag:s24] =	ssyncadd.s32 $0xFFFFE000  }
0x51: {  	[spmem:s3] =	stream.indirect.scatter.add.f32 [tilespmem:s18], [sflag:$0x5], $0x40, s29, s17, $0xb8;
	[tilespmem:$0x17000] =	vst v63  }
0x52: {  	_ =	swait.ge [sflag:s13], $0x2000  }
0x53: {  	[sflag:s13] =	ssyncset.done $0x0  }
0x54: {  	s29 =	sadd.s32 $0x200, s22;
	[sflag:s13] =	ssyncadd.s32 $0xFFFFE000  }
0x55: {  	[tilespmem:s18], [sflag:$0x1] =	stream.indirect.gather [hbm4b:s2+s17], $0x40, s29, s17, $0xb8;
	[tilespmem:$0x17000] =	vst v63  }
0x56: {  	_ =	swait.ge [sflag:s25], $0x2000  }
0x57: {  	[sflag:s25] =	ssyncset.done $0x0  }
0x58: {  	s29 =	sadd.s32 $0x2880, s22;
	[sflag:s25] =	ssyncadd.s32 $0xFFFFE000  }
0x59: {  	[spmem:s3] =	stream.indirect.scatter.add.f32 [tilespmem:s19], [sflag:$0x5], $0x40, s29, s17, $0xb8;
	[tilespmem:$0x17000] =	vst v63  }
0x5a: {  	_ =	swait.ge [sflag:s13], $0x2000  }
0x5b: {  	[sflag:s13] =	ssyncset.done $0x0  }
0x5c: {  	s29 =	sadd.s32 $0x280, s22;
	[sflag:s13] =	ssyncadd.s32 $0xFFFFE000  }
0x5d: {  	[tilespmem:s19], [sflag:$0x2] =	stream.indirect.gather [hbm4b:s2+s17], $0x40, s29, s17, $0xb8;
	[tilespmem:$0x17000] =	vst v63  }
0x5e: {  	_ =	swait.ge [sflag:s26], $0x2000  }
0x5f: {  	[sflag:s26] =	ssyncset.done $0x0  }
0x60: {  	s29 =	sadd.s32 $0x2900, s22;
	[sflag:s26] =	ssyncadd.s32 $0xFFFFE000  }
0x61: {  	[spmem:s3] =	stream.indirect.scatter.add.f32 [tilespmem:s21], [sflag:$0x5], $0x40, s29, s17, $0xb8;
	[tilespmem:$0x17000] =	vst v63  }
0x62: {  	_ =	swait.ge [sflag:s13], $0x2000  }
0x63: {  	[sflag:s13] =	ssyncset.done $0x0  }
0x64: {  	s29 =	sadd.s32 $0x300, s22;
	[sflag:s13] =	ssyncadd.s32 $0xFFFFE000  }
0x65: {  	[tilespmem:s21], [sflag:$0x3] =	stream.indirect.gather [hbm4b:s2+s17], $0x40, s29, s17, $0xb8;
	[tilespmem:$0x17000] =	vst v63  }
0x66: {  	_ =	swait.ge [sflag:s28], $0x2000  }
0x67: {  	[sflag:s28] =	ssyncset.done $0x0  }
.Ltmp0:
0x68: {  	s29 =	sadd.s32 $0x2980, s22;
	[sflag:s28] =	ssyncadd.s32 $0xFFFFE000;
	(pc) =	sbr.rel @p0 .LBB2_2-.Ltmp0, $4  }
0x69: {  	[spmem:s3] =	stream.indirect.scatter.add.f32 [tilespmem:s23], [sflag:$0x5], $0x40, s29, s17, $0xb8;
	[tilespmem:$0x17000] =	vst v63  }
0x6a: {  	_ =	swait.ge [sflag:s13], $0x2000  }
0x6b: {  	[sflag:s13] =	ssyncset.done $0x0  }
0x6c: {  	s22 =	sadd.s32 $0x380, s22;
	[sflag:s13] =	ssyncadd.s32 $0xFFFFE000  }
0x6d: {  	[tilespmem:s23], [sflag:$0x4] =	stream.indirect.gather [hbm4b:s2+s17], $0x40, s22, s17, $0xb8;
	[tilespmem:$0x17000] =	vst v63  }
0x6e: {  	_ =	swait.ge [sflag:s24], $0x2000  }
0x6f: {  	[sflag:s24] =	ssyncset.done $0x0  }
0x70: {  	s20 =	simm.s32 $0x4C00;
	[sflag:s24] =	ssyncadd.s32 $0xFFFFE000  }
0x71: {  	[spmem:s3] =	stream.indirect.scatter.add.f32 [tilespmem:s18], [sflag:$0x5], $0x40, s20, s17, $0xb8;
	[tilespmem:$0x17000] =	vst v63  }
0x72: {  	_ =	swait.ge [sflag:s13], $0x2000  }
0x73: {  	[sflag:s13] =	ssyncset.done $0x0  }
0x74: {  	[sflag:s13] =	ssyncadd.s32 $0xFFFFE000  }
0x75: {  	[tilespmem:s18], [sflag:$0x1] =	stream.indirect.gather [hbm4b:s2+s17], $0x40, s30, s17, $0xb8;
	[tilespmem:$0x17000] =	vst v63  }
0x76: {  	_ =	swait.ge [sflag:s25], $0x2000  }
0x77: {  	[sflag:s25] =	ssyncset.done $0x0  }
0x78: {  	[sflag:s25] =	ssyncadd.s32 $0xFFFFE000  }
0x79: {  	[spmem:s3] =	stream.indirect.scatter.add.f32 [tilespmem:s19], [sflag:$0x5], $0x40, s31, s17, $0xb8;
	[tilespmem:$0x17000] =	vst v63  }
0x7a: {  	_ =	swait.ge [sflag:s13], $0x2000  }
0x7b: {  	[sflag:s13] =	ssyncset.done $0x0  }
0x7c: {  	[sflag:s13] =	ssyncadd.s32 $0xFFFFE000  }
0x7d: {  	[tilespmem:s19], [sflag:$0x2] =	stream.indirect.gather [hbm4b:s2+s17], $0x40, s0, s17, $0xb8;
	[tilespmem:$0x17000] =	vst v63  }
0x7e: {  	_ =	swait.ge [sflag:s26], $0x2000  }
0x7f: {  	[sflag:s26] =	ssyncset.done $0x0  }
0x80: {  	[sflag:s26] =	ssyncadd.s32 $0xFFFFE000  }
0x81: {  	[spmem:s3] =	stream.indirect.scatter.add.f32 [tilespmem:s21], [sflag:$0x5], $0x40, s1, s17, $0xb8;
	[tilespmem:$0x17000] =	vst v63  }
0x82: {  	_ =	swait.ge [sflag:s13], $0x2000  }
0x83: {  	[sflag:s13] =	ssyncset.done $0x0  }
0x84: {  	[sflag:s13] =	ssyncadd.s32 $0xFFFFE000  }
0x85: {  	[tilespmem:s21], [sflag:$0x3] =	stream.indirect.gather [hbm4b:s2+s17], $0x40, s14, s17, $0xb8;
	[tilespmem:$0x17000] =	vst v63  }
0x86: {  	_ =	swait.ge [sflag:s28], $0x2000  }
0x87: {  	[sflag:s28] =	ssyncset.done $0x0  }
0x88: {  	[sflag:s28] =	ssyncadd.s32 $0xFFFFE000  }
0x89: {  	[spmem:s3] =	stream.indirect.scatter.add.f32 [tilespmem:s23], [sflag:$0x5], $0x40, s6, s17, $0xb8;
	[tilespmem:$0x17000] =	vst v63  }
0x8a: {  	_ =	swait.ge [sflag:s13], $0x2000  }
0x8b: {  	[sflag:s13] =	ssyncset.done $0x0  }
0x8c: {  	[sflag:s13] =	ssyncadd.s32 $0xFFFFE000  }
0x8d: {  	[tilespmem:s23], [sflag:$0x4] =	stream.indirect.gather [hbm4b:s2+s17], $0x40, s7, s17, $0xb8;
	[tilespmem:$0x17000] =	vst v63  }
0x8e: {  	_ =	swait.ge [sflag:s24], $0x2000  }
0x8f: {  	[sflag:s24] =	ssyncset.done $0x0  }
0x90: {  	[sflag:s24] =	ssyncadd.s32 $0xFFFFE000  }
0x91: {  	[spmem:s3] =	stream.indirect.scatter.add.f32 [tilespmem:s18], [sflag:$0x5], $0x40, s8, s17, $0xb8;
	[tilespmem:$0x17000] =	vst v63  }
0x92: {  	_ =	swait.ge [sflag:s13], $0x2000  }
0x93: {  	[sflag:s13] =	ssyncset.done $0x0  }
0x94: {  	[sflag:s13] =	ssyncadd.s32 $0xFFFFE000  }
0x95: {  	[tilespmem:s18], [sflag:$0x1] =	stream.indirect.gather [hbm4b:s2+s17], $0x40, s7, s17, $0xb8;
	[tilespmem:$0x17000] =	vst v63  }
0x96: {  	_ =	swait.ge [sflag:s25], $0x2000  }
0x97: {  	[sflag:s25] =	ssyncset.done $0x0  }
0x98: {  	[sflag:s25] =	ssyncadd.s32 $0xFFFFE000  }
0x99: {  	[spmem:s3] =	stream.indirect.scatter.add.f32 [tilespmem:s19], [sflag:$0x5], $0x40, s9, s17, $0xb8;
	[tilespmem:$0x17000] =	vst v63  }
0x9a: {  	_ =	swait.ge [sflag:s13], $0x2000  }
0x9b: {  	[sflag:s13] =	ssyncset.done $0x0  }
0x9c: {  	[sflag:s13] =	ssyncadd.s32 $0xFFFFE000  }
0x9d: {  	[tilespmem:s19], [sflag:$0x2] =	stream.indirect.gather [hbm4b:s2+s17], $0x40, s7, s17, $0xb8;
	[tilespmem:$0x17000] =	vst v63  }
0x9e: {  	_ =	swait.ge [sflag:s26], $0x2000  }
0x9f: {  	[sflag:s26] =	ssyncset.done $0x0  }
0xa0: {  	[sflag:s26] =	ssyncadd.s32 $0xFFFFE000  }
0xa1: {  	[spmem:s3] =	stream.indirect.scatter.add.f32 [tilespmem:s21], [sflag:$0x5], $0x40, s10, s17, $0xb8;
	[tilespmem:$0x17000] =	vst v63  }
0xa2: {  	_ =	swait.ge [sflag:s13], $0x2000  }
0xa3: {  	[sflag:s13] =	ssyncset.done $0x0  }
0xa4: {  	[sflag:s13] =	ssyncadd.s32 $0xFFFFE000  }
0xa5: {  	[tilespmem:s21], [sflag:$0x3] =	stream.indirect.gather [hbm4b:s2+s17], $0x40, s7, s17, $0xb8;
	[tilespmem:$0x17000] =	vst v63  }
0xa6: {  	_ =	swait.ge [sflag:s28], $0x2000  }
0xa7: {  	[sflag:s28] =	ssyncset.done $0x0  }
0xa8: {  	[sflag:s28] =	ssyncadd.s32 $0xFFFFE000  }
0xa9: {  	[spmem:s3] =	stream.indirect.scatter.add.f32 [tilespmem:s23], [sflag:$0x5], $0x40, s11, s17, $0xb8;
	[tilespmem:$0x17000] =	vst v63  }
0xaa: {  	_ =	swait.ge [sflag:s13], $0x2000  }
0xab: {  	[sflag:s13] =	ssyncset.done $0x0  }
0xac: {  	[sflag:s13] =	ssyncadd.s32 $0xFFFFE000  }
0xad: {  	[tilespmem:s23], [sflag:$0x4] =	stream.indirect.gather [hbm4b:s2+s17], $0x40, s7, s17, $0xb8;
	[tilespmem:$0x17000] =	vst v63  }
0xae: {  	_ =	swait.ge [sflag:s24], $0x2000  }
0xaf: {  	[sflag:s24] =	ssyncset.done $0x0  }
0xb0: {  	[sflag:s24] =	ssyncadd.s32 $0xFFFFE000  }
0xb1: {  	_ =	swait.ge [sflag:s25], $0x2000  }
0xb2: {  	[sflag:s25] =	ssyncset.done $0x0  }
0xb3: {  	[sflag:s25] =	ssyncadd.s32 $0xFFFFE000  }
0xb4: {  	_ =	swait.ge [sflag:s26], $0x2000  }
0xb5: {  	[sflag:s26] =	ssyncset.done $0x0  }
0xb6: {  	[sflag:s26] =	ssyncadd.s32 $0xFFFFE000  }
0xb7: {  	_ =	swait.ge [sflag:s28], $0x2000  }
0xb8: {  	[sflag:s28] =	ssyncset.done $0x0  }
0xb9: {  	[sflag:s28] =	ssyncadd.s32 $0xFFFFE000  }
0xba: {  	[bflag:$0x0] =	sbarrier.arrive $0xFFFF  }
0xbb: {  	s22 =	rddreg [dreg:$0x7]  }
0xbc: {  	[hbm:s22], [sflag:s15] =	dma.local [spmem:s16], $0x1400  }
0xbd: {  	_ =	swait.ge [sflag:s13], $0x1400  }
0xbe: {  	[sflag:s13] =	ssyncset.done $0x0  }
0xbf: {  	s29 =	rddreg [dreg:$0x8];
	[sflag:s13] =	ssyncadd.s32 $0xFFFFEC00  }
0xc0: {  	[spmem:s16], [sflag:s15] =	dma.local [hbm:s29], $0x1400  }
0xc1: {  	_ =	swait.ge [sflag:s13], $0x1400  }
0xc2: {  	[sflag:s13] =	ssyncset.done $0x0  }
0xc3: {  	[sflag:s13] =	ssyncadd.s32 $0xFFFFEC00  }
0xc4: {  	s22 =	simm.s32 $0x0;
	[bflag:$0x0] =	sbarrier.arrive $0xFFFF  }
0xc5: {  	[tilespmem:s18], [sflag:$0x1] =	stream.indirect.gather [hbm4b:s5+s17], $0x40, s22, s17, $0xb8;
	[tilespmem:$0x17000] =	vst v63  }
0xc6: {  	_ = 	snop  }
0xc7: {  	[tilespmem:s19], [sflag:$0x2] =	stream.indirect.gather [hbm4b:s5+s17], $0x40, s17, s17, $0xb8;
	[tilespmem:$0x17000] =	vst v63  }
0xc8: {  	s29 =	simm.s32 $0x100  }
0xc9: {  	[tilespmem:s21], [sflag:$0x3] =	stream.indirect.gather [hbm4b:s5+s17], $0x40, s29, s17, $0xb8;
	[tilespmem:$0x17000] =	vst v63  }
0xca: {  	s22 =	simm.s32 $0x180  }
0xcb: {  	[tilespmem:s23], [sflag:$0x4] =	stream.indirect.gather [hbm4b:s5+s17], $0x40, s22, s17, $0xb8;
	[tilespmem:$0x17000] =	vst v63  }
0xcc: {  	_ =	swait.ge [sflag:s24], $0x2000  }
0xcd: {  	[sflag:s24] =	ssyncset.done $0x0  }
0xce: {  	s29 =	simm.s32 $0x2800;
	[sflag:s24] =	ssyncadd.s32 $0xFFFFE000  }
0xcf: {  	[spmem:s3] =	stream.indirect.scatter.add.f32 [tilespmem:s18], [sflag:$0x5], $0x40, s29, s17, $0xb8;
	[tilespmem:$0x17000] =	vst v63  }
0xd0: {  	_ =	swait.ge [sflag:s13], $0x2000  }
0xd1: {  	[sflag:s13] =	ssyncset.done $0x0  }
0xd2: {  	s22 =	simm.s32 $0x200;
	[sflag:s13] =	ssyncadd.s32 $0xFFFFE000  }
0xd3: {  	[tilespmem:s18], [sflag:$0x1] =	stream.indirect.gather [hbm4b:s5+s17], $0x40, s22, s17, $0xb8;
	[tilespmem:$0x17000] =	vst v63  }
0xd4: {  	_ =	swait.ge [sflag:s25], $0x2000  }
0xd5: {  	[sflag:s25] =	ssyncset.done $0x0  }
0xd6: {  	s29 =	simm.s32 $0x2880;
	[sflag:s25] =	ssyncadd.s32 $0xFFFFE000  }
0xd7: {  	[spmem:s3] =	stream.indirect.scatter.add.f32 [tilespmem:s19], [sflag:$0x5], $0x40, s29, s17, $0xb8;
	[tilespmem:$0x17000] =	vst v63  }
0xd8: {  	_ =	swait.ge [sflag:s13], $0x2000  }
0xd9: {  	[sflag:s13] =	ssyncset.done $0x0  }
0xda: {  	s22 =	simm.s32 $0x280;
	[sflag:s13] =	ssyncadd.s32 $0xFFFFE000  }
0xdb: {  	[tilespmem:s19], [sflag:$0x2] =	stream.indirect.gather [hbm4b:s5+s17], $0x40, s22, s17, $0xb8;
	[tilespmem:$0x17000] =	vst v63  }
0xdc: {  	_ =	swait.ge [sflag:s26], $0x2000  }
0xdd: {  	[sflag:s26] =	ssyncset.done $0x0  }
0xde: {  	s29 =	simm.s32 $0x2900;
	[sflag:s26] =	ssyncadd.s32 $0xFFFFE000  }
0xdf: {  	[spmem:s3] =	stream.indirect.scatter.add.f32 [tilespmem:s21], [sflag:$0x5], $0x40, s29, s17, $0xb8;
	[tilespmem:$0x17000] =	vst v63  }
0xe0: {  	_ =	swait.ge [sflag:s13], $0x2000  }
0xe1: {  	[sflag:s13] =	ssyncset.done $0x0  }
0xe2: {  	s22 =	simm.s32 $0x300;
	[sflag:s13] =	ssyncadd.s32 $0xFFFFE000  }
0xe3: {  	[tilespmem:s21], [sflag:$0x3] =	stream.indirect.gather [hbm4b:s5+s17], $0x40, s22, s17, $0xb8;
	[tilespmem:$0x17000] =	vst v63  }
0xe4: {  	_ =	swait.ge [sflag:s28], $0x2000  }
0xe5: {  	[sflag:s28] =	ssyncset.done $0x0  }
0xe6: {  	s29 =	simm.s32 $0x2980;
	[sflag:s28] =	ssyncadd.s32 $0xFFFFE000  }
0xe7: {  	[spmem:s3] =	stream.indirect.scatter.add.f32 [tilespmem:s23], [sflag:$0x5], $0x40, s29, s17, $0xb8;
	[tilespmem:$0x17000] =	vst v63  }
0xe8: {  	_ =	swait.ge [sflag:s13], $0x2000  }
0xe9: {  	[sflag:s13] =	ssyncset.done $0x0  }
0xea: {  	s20 =	simm.s32 $0x800;
	s22 =	simm.s32 $0x380;
	[sflag:s13] =	ssyncadd.s32 $0xFFFFE000  }
.LBB2_4:
0xeb: {  	[tilespmem:s23], [sflag:$0x4] =	stream.indirect.gather [hbm4b:s5+s17], $0x40, s22, s17, $0xb8;
	[tilespmem:$0x17000] =	vst v63  }
0xec: {  	s22 =	smov.u32 s20  }
0xed: {  	p0 =	sne.s32 s20, $0x8800;
	s20 =	sadd.s32 $0x800, s20;
	_ =	swait.ge [sflag:s24], $0x2000  }
0xee: {  	s22 =	sshra.s32 s22, $0x2;
	[sflag:s24] =	ssyncset.done $0x0  }
0xef: {  	s29 =	sadd.s32 $0x2800, s22;
	[sflag:s24] =	ssyncadd.s32 $0xFFFFE000  }
0xf0: {  	[spmem:s3] =	stream.indirect.scatter.add.f32 [tilespmem:s18], [sflag:$0x5], $0x40, s29, s17, $0xb8;
	[tilespmem:$0x17000] =	vst v63  }
0xf1: {  	_ =	swait.ge [sflag:s13], $0x2000  }
0xf2: {  	[sflag:s13] =	ssyncset.done $0x0  }
0xf3: {  	s29 =	sadd.s32 $0x200, s22;
	[sflag:s13] =	ssyncadd.s32 $0xFFFFE000  }
0xf4: {  	[tilespmem:s18], [sflag:$0x1] =	stream.indirect.gather [hbm4b:s5+s17], $0x40, s29, s17, $0xb8;
	[tilespmem:$0x17000] =	vst v63  }
0xf5: {  	_ =	swait.ge [sflag:s25], $0x2000  }
0xf6: {  	[sflag:s25] =	ssyncset.done $0x0  }
0xf7: {  	s29 =	sadd.s32 $0x2880, s22;
	[sflag:s25] =	ssyncadd.s32 $0xFFFFE000  }
0xf8: {  	[spmem:s3] =	stream.indirect.scatter.add.f32 [tilespmem:s19], [sflag:$0x5], $0x40, s29, s17, $0xb8;
	[tilespmem:$0x17000] =	vst v63  }
0xf9: {  	_ =	swait.ge [sflag:s13], $0x2000  }
0xfa: {  	[sflag:s13] =	ssyncset.done $0x0  }
0xfb: {  	s29 =	sadd.s32 $0x280, s22;
	[sflag:s13] =	ssyncadd.s32 $0xFFFFE000  }
0xfc: {  	[tilespmem:s19], [sflag:$0x2] =	stream.indirect.gather [hbm4b:s5+s17], $0x40, s29, s17, $0xb8;
	[tilespmem:$0x17000] =	vst v63  }
0xfd: {  	_ =	swait.ge [sflag:s26], $0x2000  }
0xfe: {  	[sflag:s26] =	ssyncset.done $0x0  }
0xff: {  	s29 =	sadd.s32 $0x2900, s22;
	[sflag:s26] =	ssyncadd.s32 $0xFFFFE000  }
0x100: {  	[spmem:s3] =	stream.indirect.scatter.add.f32 [tilespmem:s21], [sflag:$0x5], $0x40, s29, s17, $0xb8;
	[tilespmem:$0x17000] =	vst v63  }
0x101: {  	_ =	swait.ge [sflag:s13], $0x2000  }
0x102: {  	[sflag:s13] =	ssyncset.done $0x0  }
0x103: {  	s29 =	sadd.s32 $0x300, s22;
	[sflag:s13] =	ssyncadd.s32 $0xFFFFE000  }
0x104: {  	[tilespmem:s21], [sflag:$0x3] =	stream.indirect.gather [hbm4b:s5+s17], $0x40, s29, s17, $0xb8;
	[tilespmem:$0x17000] =	vst v63  }
0x105: {  	_ =	swait.ge [sflag:s28], $0x2000  }
0x106: {  	[sflag:s28] =	ssyncset.done $0x0  }
.Ltmp1:
0x107: {  	s29 =	sadd.s32 $0x2980, s22;
	[sflag:s28] =	ssyncadd.s32 $0xFFFFE000;
	(pc) =	sbr.rel @p0 .LBB2_4-.Ltmp1, $4  }
0x108: {  	[spmem:s3] =	stream.indirect.scatter.add.f32 [tilespmem:s23], [sflag:$0x5], $0x40, s29, s17, $0xb8;
	[tilespmem:$0x17000] =	vst v63  }
0x109: {  	_ =	swait.ge [sflag:s13], $0x2000  }
0x10a: {  	[sflag:s13] =	ssyncset.done $0x0  }
0x10b: {  	s22 =	sadd.s32 $0x380, s22;
	[sflag:s13] =	ssyncadd.s32 $0xFFFFE000  }
0x10c: {  	[tilespmem:s23], [sflag:$0x4] =	stream.indirect.gather [hbm4b:s5+s17], $0x40, s22, s17, $0xb8;
	[tilespmem:$0x17000] =	vst v63  }
0x10d: {  	_ =	swait.ge [sflag:s24], $0x2000  }
0x10e: {  	[sflag:s24] =	ssyncset.done $0x0  }
0x10f: {  	s20 =	simm.s32 $0x4C00;
	[sflag:s24] =	ssyncadd.s32 $0xFFFFE000  }
0x110: {  	[spmem:s3] =	stream.indirect.scatter.add.f32 [tilespmem:s18], [sflag:$0x5], $0x40, s20, s17, $0xb8;
	[tilespmem:$0x17000] =	vst v63  }
0x111: {  	_ =	swait.ge [sflag:s13], $0x2000  }
0x112: {  	[sflag:s13] =	ssyncset.done $0x0  }
0x113: {  	[sflag:s13] =	ssyncadd.s32 $0xFFFFE000  }
0x114: {  	[tilespmem:s18], [sflag:$0x1] =	stream.indirect.gather [hbm4b:s5+s17], $0x40, s30, s17, $0xb8;
	[tilespmem:$0x17000] =	vst v63  }
0x115: {  	_ =	swait.ge [sflag:s25], $0x2000  }
0x116: {  	[sflag:s25] =	ssyncset.done $0x0  }
0x117: {  	[sflag:s25] =	ssyncadd.s32 $0xFFFFE000  }
0x118: {  	[spmem:s3] =	stream.indirect.scatter.add.f32 [tilespmem:s19], [sflag:$0x5], $0x40, s31, s17, $0xb8;
	[tilespmem:$0x17000] =	vst v63  }
0x119: {  	_ =	swait.ge [sflag:s13], $0x2000  }
0x11a: {  	[sflag:s13] =	ssyncset.done $0x0  }
0x11b: {  	[sflag:s13] =	ssyncadd.s32 $0xFFFFE000  }
0x11c: {  	[tilespmem:s19], [sflag:$0x2] =	stream.indirect.gather [hbm4b:s5+s17], $0x40, s0, s17, $0xb8;
	[tilespmem:$0x17000] =	vst v63  }
0x11d: {  	_ =	swait.ge [sflag:s26], $0x2000  }
0x11e: {  	[sflag:s26] =	ssyncset.done $0x0  }
0x11f: {  	[sflag:s26] =	ssyncadd.s32 $0xFFFFE000  }
0x120: {  	[spmem:s3] =	stream.indirect.scatter.add.f32 [tilespmem:s21], [sflag:$0x5], $0x40, s1, s17, $0xb8;
	[tilespmem:$0x17000] =	vst v63  }
0x121: {  	_ =	swait.ge [sflag:s13], $0x2000  }
0x122: {  	[sflag:s13] =	ssyncset.done $0x0  }
0x123: {  	[sflag:s13] =	ssyncadd.s32 $0xFFFFE000  }
0x124: {  	[tilespmem:s21], [sflag:$0x3] =	stream.indirect.gather [hbm4b:s5+s17], $0x40, s14, s17, $0xb8;
	[tilespmem:$0x17000] =	vst v63  }
0x125: {  	_ =	swait.ge [sflag:s28], $0x2000  }
0x126: {  	[sflag:s28] =	ssyncset.done $0x0  }
0x127: {  	[sflag:s28] =	ssyncadd.s32 $0xFFFFE000  }
0x128: {  	[spmem:s3] =	stream.indirect.scatter.add.f32 [tilespmem:s23], [sflag:$0x5], $0x40, s6, s17, $0xb8;
	[tilespmem:$0x17000] =	vst v63  }
0x129: {  	_ =	swait.ge [sflag:s13], $0x2000  }
0x12a: {  	[sflag:s13] =	ssyncset.done $0x0  }
0x12b: {  	[sflag:s13] =	ssyncadd.s32 $0xFFFFE000  }
0x12c: {  	[tilespmem:s23], [sflag:$0x4] =	stream.indirect.gather [hbm4b:s5+s17], $0x40, s7, s17, $0xb8;
	[tilespmem:$0x17000] =	vst v63  }
0x12d: {  	_ =	swait.ge [sflag:s24], $0x2000  }
0x12e: {  	[sflag:s24] =	ssyncset.done $0x0  }
0x12f: {  	[sflag:s24] =	ssyncadd.s32 $0xFFFFE000  }
0x130: {  	[spmem:s3] =	stream.indirect.scatter.add.f32 [tilespmem:s18], [sflag:$0x5], $0x40, s8, s17, $0xb8;
	[tilespmem:$0x17000] =	vst v63  }
0x131: {  	_ =	swait.ge [sflag:s13], $0x2000  }
0x132: {  	[sflag:s13] =	ssyncset.done $0x0  }
0x133: {  	[sflag:s13] =	ssyncadd.s32 $0xFFFFE000  }
0x134: {  	[tilespmem:s18], [sflag:$0x1] =	stream.indirect.gather [hbm4b:s5+s17], $0x40, s7, s17, $0xb8;
	[tilespmem:$0x17000] =	vst v63  }
0x135: {  	_ =	swait.ge [sflag:s25], $0x2000  }
0x136: {  	[sflag:s25] =	ssyncset.done $0x0  }
0x137: {  	[sflag:s25] =	ssyncadd.s32 $0xFFFFE000  }
0x138: {  	[spmem:s3] =	stream.indirect.scatter.add.f32 [tilespmem:s19], [sflag:$0x5], $0x40, s9, s17, $0xb8;
	[tilespmem:$0x17000] =	vst v63  }
0x139: {  	_ =	swait.ge [sflag:s13], $0x2000  }
0x13a: {  	[sflag:s13] =	ssyncset.done $0x0  }
0x13b: {  	[sflag:s13] =	ssyncadd.s32 $0xFFFFE000  }
0x13c: {  	[tilespmem:s19], [sflag:$0x2] =	stream.indirect.gather [hbm4b:s5+s17], $0x40, s7, s17, $0xb8;
	[tilespmem:$0x17000] =	vst v63  }
0x13d: {  	_ =	swait.ge [sflag:s26], $0x2000  }
0x13e: {  	[sflag:s26] =	ssyncset.done $0x0  }
0x13f: {  	[sflag:s26] =	ssyncadd.s32 $0xFFFFE000  }
0x140: {  	[spmem:s3] =	stream.indirect.scatter.add.f32 [tilespmem:s21], [sflag:$0x5], $0x40, s10, s17, $0xb8;
	[tilespmem:$0x17000] =	vst v63  }
0x141: {  	_ =	swait.ge [sflag:s13], $0x2000  }
0x142: {  	[sflag:s13] =	ssyncset.done $0x0  }
0x143: {  	[sflag:s13] =	ssyncadd.s32 $0xFFFFE000  }
0x144: {  	[tilespmem:s21], [sflag:$0x3] =	stream.indirect.gather [hbm4b:s5+s17], $0x40, s7, s17, $0xb8;
	[tilespmem:$0x17000] =	vst v63  }
0x145: {  	_ =	swait.ge [sflag:s28], $0x2000  }
0x146: {  	[sflag:s28] =	ssyncset.done $0x0  }
0x147: {  	[sflag:s28] =	ssyncadd.s32 $0xFFFFE000  }
0x148: {  	[spmem:s3] =	stream.indirect.scatter.add.f32 [tilespmem:s23], [sflag:$0x5], $0x40, s11, s17, $0xb8;
	[tilespmem:$0x17000] =	vst v63  }
0x149: {  	_ =	swait.ge [sflag:s13], $0x2000  }
0x14a: {  	[sflag:s13] =	ssyncset.done $0x0  }
0x14b: {  	[sflag:s13] =	ssyncadd.s32 $0xFFFFE000  }
0x14c: {  	[tilespmem:s23], [sflag:$0x4] =	stream.indirect.gather [hbm4b:s5+s17], $0x40, s7, s17, $0xb8;
	[tilespmem:$0x17000] =	vst v63  }
0x14d: {  	_ =	swait.ge [sflag:s24], $0x2000  }
0x14e: {  	[sflag:s24] =	ssyncset.done $0x0  }
0x14f: {  	[sflag:s24] =	ssyncadd.s32 $0xFFFFE000  }
0x150: {  	_ =	swait.ge [sflag:s25], $0x2000  }
0x151: {  	[sflag:s25] =	ssyncset.done $0x0  }
0x152: {  	[sflag:s25] =	ssyncadd.s32 $0xFFFFE000  }
0x153: {  	_ =	swait.ge [sflag:s26], $0x2000  }
0x154: {  	[sflag:s26] =	ssyncset.done $0x0  }
0x155: {  	[sflag:s26] =	ssyncadd.s32 $0xFFFFE000  }
0x156: {  	_ =	swait.ge [sflag:s28], $0x2000  }
0x157: {  	[sflag:s28] =	ssyncset.done $0x0  }
0x158: {  	[sflag:s28] =	ssyncadd.s32 $0xFFFFE000  }
0x159: {  	[bflag:$0x0] =	sbarrier.arrive $0xFFFF  }
0x15a: {  	s22 =	rddreg [dreg:$0x9]  }
0x15b: {  	[hbm:s22], [sflag:s15] =	dma.local [spmem:s16], $0x1400  }
0x15c: {  	_ =	swait.ge [sflag:s13], $0x1400  }
0x15d: {  	s12 =	sadd.s32 $0x1, s12;
	s29 =	rddreg [dreg:$0xa]  }
0x15e: {  	p0 =	sne.s32 s12, s29  }
.Ltmp2:
0x15f: {  	_ = 	snop;
	(pc) =	sbr.rel @p0 .LBB2_1-.Ltmp2, $3  }
0x160: {  	_ =	sdelay $0x1  }
0x161: {  	[sflag:s13] =	ssyncset.done $0x0  }
0x162: {  	[sflag:s13] =	ssyncadd.s32 $0xFFFFEC00  }
0x163: {  	_ =	sfence.sel $0x180000  }
0x164: {  	[bflag:$0x0] =	sbarrier.arrive $0xFFFF  }
0x165: {  	_ =	strace $0x90000050  }
0x166: {  	s0 =	stileid.u32;
	[bflag:$0x2] =	sbarrier.arrive $0xFFFF  }
0x167: {  	p0 =	sne.s32 s0, $0x0;
	s0 =	rddreg [dreg:$0x3]  }
0x168: {  	s0 =	sadd.s32 @!p0 $0x100000, s0  }
0x169: {  	[sflag:s0] =	ssyncadd.tile.s32 @!p0 $0x1;
	_ =	shalt  }
.Lfunc_end2:
_tile_overlayer_lowered:
.L_overlay_start_2:
0x16a: {  	(tag) =	ssettag $0x2  }
0x16b: {  	s0 =	rddreg [dreg:$0x0];
	s2 =	stileid.u32  }
0x16c: {  	s1 =	rddreg [dreg:$0x1];
	p0 =	sne.s32 s2, $0x0  }
0x16d: {  	s3 =	rddreg [dreg:$0x2];
	[bflag:$0x3] =	sbarrier.arrive $0xFFFF;
	s2 =	simm.s32 @!p0 $0x1C05  }
0x16e: {  	[timem:s3], [sflag:s2] =	dma.local @!p0 [hbm:s0], s1  }
0x16f: {  	s0 =	simm.s32 @!p0 $0x5  }
0x170: {  	_ =	swait.ge @!p0 [sflag:s0], s1  }
0x171: {  	s1 =	ssub.s32 @!p0 $0x0, s1;
	[sflag:s0] =	ssyncset.done @!p0 $0x0  }
0x172: {  	[sflag:s0] =	ssyncadd.s32 @!p0 s1  }
0x173: {  	[bflag:$0x3] =	sbarrier.arrive $0xFFFF  }
0x174: {  	_ =	shalt  }

</sc_bundles>
